<compile_context>
chip_gen: v7x
topology: tpu7x:2x2x1
jax: 0.10.2.dev20260603
libtpu: 0.0.44.dev20260713+nightly
codegen_flags: <defaults>
</compile_context>

<pallas_src>
import jax
import jax.numpy as jnp
from jax import lax
from jax.experimental import pallas as pl
from jax.experimental.pallas import tpu as pltpu
from jax.experimental.pallas import tpu_sc as plsc

N = 50000
E = 800000
D = 64
K = 10
ALPHA = 0.1

NC = 2
NS = 16
NW = NC * NS
B = 112
NBATCH = 7168
E_PAD = NBATCH * B
BPT = NBATCH // NS
BPT_DEG = NBATCH // NW
N_PAD = 50176
RPT = N_PAD // NS
UB = 448
NUB = RPT // UB
ZCH = 392
GRP = 8

_f32 = jnp.float32
_i32 = jnp.int32


def _prep_body(x_ref, w1_ref, b1_ref, w2_ref, b2_ref, degw_ref,
               u0_ref, init0_ref, c1e_ref, c2e_ref):
    x = x_ref[...]
    h = jnp.dot(x, w1_ref[...].T, preferred_element_type=_f32) + b1_ref[...]
    h = jnp.maximum(h, 0.0)
    h0 = jnp.dot(h, w2_ref[...].T, preferred_element_type=_f32) + b2_ref[...]
    degw = degw_ref[...]
    deg = degw[0, :, 0] + degw[1, :, 0]
    deg = jnp.maximum(deg, 1.0)
    norm = lax.rsqrt(deg)[:, None]
    u0 = h0 * norm
    init0 = (ALPHA / (1.0 - ALPHA)) * h0 / norm
    u0_ref[0, :, :] = u0[:, :32]
    u0_ref[1, :, :] = u0[:, 32:]
    init0_ref[0, :, :] = init0[:, :32]
    init0_ref[1, :, :] = init0[:, 32:]
    nb = x.shape[0]
    c1e_ref[...] = jnp.broadcast_to((1.0 - ALPHA) * norm * norm, (nb, 32))
    c2e_ref[...] = jnp.broadcast_to((1.0 - ALPHA) * norm, (nb, 32))


def _tc_prep(features, W1, b1, W2, b2, degw):
    nb = 3136
    grid = N_PAD // nb
    return pl.pallas_call(
        _prep_body,
        grid=(grid,),
        in_specs=[
            pl.BlockSpec((nb, D), lambda i: (i, 0)),
            pl.BlockSpec((D, D), lambda i: (0, 0)),
            pl.BlockSpec((1, D), lambda i: (0, 0)),
            pl.BlockSpec((D, D), lambda i: (0, 0)),
            pl.BlockSpec((1, D), lambda i: (0, 0)),
            pl.BlockSpec((NC, nb, 16), lambda i: (0, i, 0)),
        ],
        out_specs=[
            pl.BlockSpec((NC, nb, 32), lambda i: (0, i, 0)),
            pl.BlockSpec((NC, nb, 32), lambda i: (0, i, 0)),
            pl.BlockSpec((nb, 32), lambda i: (i, 0)),
            pl.BlockSpec((nb, 32), lambda i: (i, 0)),
        ],
        out_shape=[
            jax.ShapeDtypeStruct((NC, N_PAD, 32), _f32),
            jax.ShapeDtypeStruct((NC, N_PAD, 32), _f32),
            jax.ShapeDtypeStruct((N_PAD, 32), _f32),
            jax.ShapeDtypeStruct((N_PAD, 32), _f32),
        ],
    )(features, W1, b1.reshape(1, D), W2, b2.reshape(1, D), degw)


def _deg_body(dst_ref, out_ref, deg_sp, zv, ones, dstv, sem):
    c = lax.axis_index("c")
    s = lax.axis_index("s")

    def _fz(i, _):
        zv[i, :] = jnp.zeros((16,), _f32)
        return 0
    lax.fori_loop(0, ZCH, _fz, 0)

    def _fo(i, _):
        ones[i, :] = jnp.ones((16,), _f32)
        return 0
    lax.fori_loop(0, B, _fo, 0)

    for q in range(8):
        pltpu.sync_copy(zv, deg_sp.at[pl.ds(s * RPT + q * ZCH, ZCH)])
    plsc.subcore_barrier()

    def _outer(g, _):
        b0 = c * (NBATCH // 2) + s * BPT_DEG + g * 8
        pltpu.sync_copy(dst_ref.at[pl.ds(b0, 8)], dstv)
        ds_l = [pltpu.async_copy(ones, deg_sp.at[dstv.at[j]], sem, add=True)
                for j in range(8)]
        for d in ds_l:
            d.wait()
        return 0
    lax.fori_loop(0, BPT_DEG // 8, _outer, 0)
    plsc.subcore_barrier()

    for q in range(8):
        r0 = s * RPT + q * ZCH
        pltpu.sync_copy(deg_sp.at[pl.ds(r0, ZCH)], zv)
        pltpu.sync_copy(zv, out_ref.at[c, pl.ds(r0, ZCH)])


def _sc_deg(dstb):
    mesh = plsc.VectorSubcoreMesh(core_axis_name="c", subcore_axis_name="s")
    return pl.kernel(
        _deg_body,
        out_type=jax.ShapeDtypeStruct((NC, N_PAD, 16), _f32),
        mesh=mesh,
        scratch_types=[
            pltpu.VMEM_SHARED((N_PAD, 16), _f32),
            pltpu.VMEM((ZCH, 16), _f32),
            pltpu.VMEM((B, 16), _f32),
            pltpu.VMEM((8, B), _i32),
            pltpu.SemaphoreType.DMA,
        ],
        compiler_params=pltpu.CompilerParams(use_tc_tiling_on_sc=False),
    )(dstb)


def _main_body(u0_ref, init0_ref, c1e_ref, c2e_ref, sd_ref,
               h_ref, u_ref,
               agg_sp, sdv, rows, gsem, ssem):
    c = lax.axis_index("c")
    s = lax.axis_index("s")
    w = c * NS + s
    node0 = s * RPT
    u_view = u_ref.at[c]
    aggv = rows.at[pl.ds(0, UB)]
    cv = rows.at[pl.ds(UB, UB)]

    def _cp(k, _):
        r0 = node0 + k * UB
        pltpu.sync_copy(u0_ref.at[c, pl.ds(r0, UB)], aggv)
        pltpu.sync_copy(aggv, u_ref.at[c, pl.ds(r0, UB)])
        return 0
    lax.fori_loop(0, NUB, _cp, 0)

    def _initagg(b, _):
        pltpu.sync_copy(init0_ref.at[c, pl.ds(node0 + b * UB, UB)], cv)
        pltpu.sync_copy(cv, agg_sp.at[pl.ds(node0 + b * UB, UB)])
        return 0
    lax.fori_loop(0, NUB, _initagg, 0)
    plsc.subcore_barrier()

    def _scatter_phase():
        def _outer(g, _):
            b0 = s * BPT + g * GRP
            pltpu.sync_copy(sd_ref.at[pl.ds(b0, GRP)], sdv)
            gd = [pltpu.async_copy(u_view.at[sdv.at[j, 0]],
                                   rows.at[pl.ds(j * B, B)], gsem)
                  for j in range(GRP)]
            sds = []
            for j in range(GRP):
                gd[j].wait()
                sds.append(pltpu.async_copy(rows.at[pl.ds(j * B, B)],
                                            agg_sp.at[sdv.at[j, 1]],
                                            ssem, add=True))
            for d in sds:
                d.wait()
            return 0
        lax.fori_loop(0, BPT // GRP, _outer, 0)

    def _update_phase(last):
        cref = c2e_ref if last else c1e_ref
        oref = h_ref if last else u_ref

        def _ub(b, _):
            n0 = node0 + b * UB
            pltpu.sync_copy(agg_sp.at[pl.ds(n0, UB)], aggv)
            pltpu.sync_copy(cref.at[pl.ds(n0, UB)], cv)

            @plsc.parallel_loop(0, UB, step=1, unroll=8)
            def _row(r):
                rows[r, pl.ds(0, 16)] = rows[r, pl.ds(0, 16)] * rows[UB + r, pl.ds(0, 16)]
                rows[r, pl.ds(16, 16)] = rows[r, pl.ds(16, 16)] * rows[UB + r, pl.ds(16, 16)]

            pltpu.sync_copy(aggv, oref.at[c, pl.ds(n0, UB)])
            if not last:
                pltpu.sync_copy(init0_ref.at[c, pl.ds(n0, UB)], cv)
                pltpu.sync_copy(cv, agg_sp.at[pl.ds(n0, UB)])
            return 0
        lax.fori_loop(0, NUB, _ub, 0)

    def _step(k, _):
        with jax.named_scope("edge_scatter"):
            _scatter_phase()
        plsc.subcore_barrier()
        with jax.named_scope("node_update"):
            _update_phase(last=False)
        plsc.subcore_barrier()
        return 0
    lax.fori_loop(0, K - 1, _step, 0)

    with jax.named_scope("edge_scatter"):
        _scatter_phase()
    plsc.subcore_barrier()
    with jax.named_scope("node_update"):
        _update_phase(last=True)


def _sc_main(u0v, init0v, c1e, c2e, sdb):
    mesh = plsc.VectorSubcoreMesh(core_axis_name="c", subcore_axis_name="s")
    return pl.kernel(
        _main_body,
        out_type=(
            jax.ShapeDtypeStruct((NC, N_PAD, 32), _f32),
            jax.ShapeDtypeStruct((NC, N_PAD, 32), _f32),
        ),
        mesh=mesh,
        scratch_types=[
            pltpu.VMEM_SHARED((N_PAD, 32), _f32),
            pltpu.VMEM((GRP, 2, B), _i32),
            pltpu.VMEM((GRP * B, 32), _f32),
            pltpu.SemaphoreType.DMA,
            pltpu.SemaphoreType.DMA,
        ],
        compiler_params=pltpu.CompilerParams(use_tc_tiling_on_sc=False),
    )(u0v, init0v, c1e, c2e, sdb)


def kernel(features, edge_index, W1, b1, W2, b2):
    src = edge_index[0]
    dst = edge_index[1]
    pad = E_PAD - E
    pad_src = (jnp.arange(pad, dtype=_i32) * 37) % N
    pad_dst = N + (jnp.arange(pad, dtype=_i32) % (N_PAD - N))
    src_p = jnp.concatenate([src, pad_src])
    dst_p = jnp.concatenate([dst, pad_dst])
    dstb = dst_p.reshape(NBATCH, B)
    sdb = jnp.stack([src_p.reshape(NBATCH, B), dstb], axis=1)

    feats_p = jnp.pad(features, ((0, N_PAD - N), (0, 0)))
    degw = _sc_deg(dstb)
    u0, init0, c1e, c2e = _tc_prep(feats_p, W1, b1, W2, b2, degw)
    h_pair, _ = _sc_main(u0, init0, c1e, c2e, sdb)
    return jnp.concatenate([h_pair[0, :N], h_pair[1, :N]], axis=1)

# --- scband reference (transcript-rebuilt; emitter-appended) ---
"""Pipeline reference for scband-rappnpnet-56788057587873 (READ-ONLY COPY).

The authoritative reference and input builder live on the scoring server;
editing this copy changes nothing except your own understanding.
"""

import jax, jax.numpy as jnp
import numpy as np

N = 50000
E = 800000
D = 64
K = 10
ALPHA = 0.1


def setup_inputs(seed: int = 0) -> dict:
    key = jax.random.key(seed)
    k1, k2, k3, k4, k5, k6 = jax.random.split(key, 6)
    features = jax.random.normal(k1, (N, D), dtype=jnp.float32)
    edge_index = jax.random.randint(k2, (2, E), 0, N, dtype=jnp.int32)
    # Learned parameters: two Linear(64,64) layers (PyTorch convention: y = x @ W.T + b)
    bound = 1.0 / np.sqrt(D)
    W1 = jax.random.uniform(k3, (D, D), minval=-bound, maxval=bound, dtype=jnp.float32)
    b1 = jax.random.uniform(k4, (D,), minval=-bound, maxval=bound, dtype=jnp.float32)
    W2 = jax.random.uniform(k5, (D, D), minval=-bound, maxval=bound, dtype=jnp.float32)
    b2 = jax.random.uniform(k6, (D,), minval=-bound, maxval=bound, dtype=jnp.float32)
    return {"features": features, "edge_index": edge_index, "W1": W1, "b1": b1, "W2": W2, "b2": b2}


def reference(features, edge_index, W1, b1, W2, b2):
    # MLP part (dropout p=0 is a no-op)
    h = jax.nn.relu(features @ W1.T + b1)
    h = h @ W2.T + b2
    # APPNPConv: k steps of h <- (1-alpha) * D^{-1/2} A D^{-1/2} h + alpha * h0
    src = edge_index[0]
    dst = edge_index[1]
    deg = jnp.zeros((N,), dtype=jnp.float32).at[dst].add(1.0)
    norm = jnp.power(jnp.clip(deg, 1.0, None), -0.5)[:, None]
    h0 = h
    for _ in range(K):
        m = (h * norm)[src]
        agg = jnp.zeros((N, D), dtype=h.dtype).at[dst].add(m)
        h = agg * norm
        h = (1.0 - ALPHA) * h + ALPHA * h0
    return h

if __name__ == "__main__":
    import jax
    _d = setup_inputs()
    print(jax.jit(kernel)(*tuple(_d.values())))

</pallas_src>

<mosaic_0001>
#map = affine_map<(d0, d1) -> (0, 0)>
#map1 = affine_map<(d0, d1) -> (0, 0, 0)>
module attributes {stable_mosaic.version = 14 : i64} {
  func.func @_deg_body(%arg0: i32, %arg1: i32, %arg2: memref<7168x112xi32, #tpu.memory_space<hbm>>, %arg3: memref<2x50176x16xf32, #tpu.memory_space<hbm>>, %arg4: memref<50176x16xf32, #tpu.memory_space<vmem_shared>>, %arg5: memref<392x16xf32, #tpu.memory_space<vmem>>, %arg6: memref<112x16xf32, #tpu.memory_space<vmem>>, %arg7: memref<8x112xi32, #tpu.memory_space<vmem>>, %arg8: memref<!tpu.dma_semaphore, #tpu.memory_space<semaphore_mem>>) attributes {dimension_semantics = [#tpu.dimension_semantics<core_parallel>, #tpu.dimension_semantics<subcore_parallel>], iteration_bounds = array<i64: 2, 16>, scalar_prefetch = 0 : i64, scratch_operands = 5 : i64, tpu.core_type = #tpu.core_type<sc_vector_subcore>, window_params = [{transform_indices = #map}, {transform_indices = #map1}]} {
    %scan3A = arith.constant 0 : i32
    %scan3A_0 = arith.constant 0 : i32
    %scan3A_1 = arith.constant 392 : i32
    %scan3A_2 = arith.addi %scan3A_0, %scan3A_1 : i32
    %scan3A_3 = arith.constant 1 : i32
    %scan3A_4 = scf.for %scan3A_83 = %scan3A_0 to %scan3A_2 step %scan3A_3 iter_args(%scan3A_84 = %scan3A) -> (i32)  : i32 {
      %broadcast_in_dim3A = arith.constant 0.000000e+00 : f32
      %broadcast_in_dim3A_85 = vector.broadcast %broadcast_in_dim3A : f32 to vector<16xf32>
      %swap3A = arith.index_cast %scan3A_83 : i32 to index
      %swap3A_86 = arith.constant 0 : index
      %swap3A_87 = tpu.vector_load %arg5[%swap3A, %swap3A_86] {strides = array<i32>} : memref<392x16xf32, #tpu.memory_space<vmem>>, vector<1x16xf32>,
      %swap3A_88 = vector.shape_cast %swap3A_87 : vector<1x16xf32> to vector<16xf32>
      %swap3A_89 = vector.shape_cast %broadcast_in_dim3A_85 : vector<16xf32> to vector<1x16xf32>
      tpu.vector_store %arg5[%swap3A, %swap3A_86], %swap3A_89 {strides = array<i32>} : memref<392x16xf32, #tpu.memory_space<vmem>>, vector<1x16xf32>,
      %scan3A_90 = arith.constant 0 : i32
      scf.yield %scan3A_90 : i32
    }
    %scan3A_5 = arith.constant 392 : i32
    %scan3A_6 = arith.constant 0 : i32
    %scan3A_7 = arith.constant 0 : i32
    %scan3A_8 = arith.constant 112 : i32
    %scan3A_9 = arith.addi %scan3A_7, %scan3A_8 : i32
    %scan3A_10 = arith.constant 1 : i32
    %scan3A_11 = scf.for %scan3A_83 = %scan3A_7 to %scan3A_9 step %scan3A_10 iter_args(%scan3A_84 = %scan3A_6) -> (i32)  : i32 {
      %broadcast_in_dim3A = arith.constant 1.000000e+00 : f32
      %broadcast_in_dim3A_85 = vector.broadcast %broadcast_in_dim3A : f32 to vector<16xf32>
      %swap3A = arith.index_cast %scan3A_83 : i32 to index
      %swap3A_86 = arith.constant 0 : index
      %swap3A_87 = tpu.vector_load %arg6[%swap3A, %swap3A_86] {strides = array<i32>} : memref<112x16xf32, #tpu.memory_space<vmem>>, vector<1x16xf32>,
      %swap3A_88 = vector.shape_cast %swap3A_87 : vector<1x16xf32> to vector<16xf32>
      %swap3A_89 = vector.shape_cast %broadcast_in_dim3A_85 : vector<16xf32> to vector<1x16xf32>
      tpu.vector_store %arg6[%swap3A, %swap3A_86], %swap3A_89 {strides = array<i32>} : memref<112x16xf32, #tpu.memory_space<vmem>>, vector<1x16xf32>,
      %scan3A_90 = arith.constant 0 : i32
      scf.yield %scan3A_90 : i32
    }
    %scan3A_12 = arith.constant 112 : i32
    %mul3A = arith.constant 3136 : i32
    %mul3A_13 = arith.muli %arg1, %mul3A : i32
    %add3A = arith.constant 0 : i32
    %add3A_14 = arith.addi %mul3A_13, %add3A : i32
    "tpu.region"() ({
      %run_scoped3A = tpu.sem_alloc : memref<!tpu.dma_semaphore, #tpu.memory_space<semaphore_mem>>
      %dma_start3A = arith.constant 0 : i32
      %dma_start3A_83 = tpu.memref_slice %arg4[%add3A_14, %dma_start3A] : memref<50176x16xf32, #tpu.memory_space<vmem_shared>> -> memref<392x16xf32, #tpu.memory_space<vmem_shared>>
      %dma_start3A_84 = arith.constant 0 : i32
      %dma_start3A_85 = tpu.memref_slice %arg4[%add3A_14, %dma_start3A_84] : memref<50176x16xf32, #tpu.memory_space<vmem_shared>> -> memref<392x16xf32, #tpu.memory_space<vmem_shared>>
      tpu.enqueue_dma source(%arg5 : memref<392x16xf32, #tpu.memory_space<vmem>>) target(%dma_start3A_85 : memref<392x16xf32, #tpu.memory_space<vmem_shared>>) target_semaphore(%run_scoped3A : memref<!tpu.dma_semaphore, #tpu.memory_space<semaphore_mem>>)
      %dma_wait3A = arith.constant 0 : i32
      %dma_wait3A_86 = tpu.memref_slice %arg4[%add3A_14, %dma_wait3A] : memref<50176x16xf32, #tpu.memory_space<vmem_shared>> -> memref<392x16xf32, #tpu.memory_space<vmem_shared>>
      %dma_wait3A_87 = arith.constant 0 : i32
      %dma_wait3A_88 = tpu.memref_slice %arg4[%add3A_14, %dma_wait3A_87] : memref<50176x16xf32, #tpu.memory_space<vmem_shared>> -> memref<392x16xf32, #tpu.memory_space<vmem_shared>>
      tpu.wait_dma2 semaphore(%run_scoped3A : memref<!tpu.dma_semaphore, #tpu.memory_space<semaphore_mem>>) src(%arg5 : memref<392x16xf32, #tpu.memory_space<vmem>>) dst(%dma_wait3A_88 : memref<392x16xf32, #tpu.memory_space<vmem_shared>>)
      tpu.yield
    }) : () -> ()
    %mul3A_15 = arith.constant 3136 : i32
    %mul3A_16 = arith.muli %arg1, %mul3A_15 : i32
    %add3A_17 = arith.constant 392 : i32
    %add3A_18 = arith.addi %mul3A_16, %add3A_17 : i32
    "tpu.region"() ({
      %run_scoped3A = tpu.sem_alloc : memref<!tpu.dma_semaphore, #tpu.memory_space<semaphore_mem>>
      %dma_start3A = arith.constant 0 : i32
      %dma_start3A_83 = tpu.memref_slice %arg4[%add3A_18, %dma_start3A] : memref<50176x16xf32, #tpu.memory_space<vmem_shared>> -> memref<392x16xf32, #tpu.memory_space<vmem_shared>>
      %dma_start3A_84 = arith.constant 0 : i32
      %dma_start3A_85 = tpu.memref_slice %arg4[%add3A_18, %dma_start3A_84] : memref<50176x16xf32, #tpu.memory_space<vmem_shared>> -> memref<392x16xf32, #tpu.memory_space<vmem_shared>>
      tpu.enqueue_dma source(%arg5 : memref<392x16xf32, #tpu.memory_space<vmem>>) target(%dma_start3A_85 : memref<392x16xf32, #tpu.memory_space<vmem_shared>>) target_semaphore(%run_scoped3A : memref<!tpu.dma_semaphore, #tpu.memory_space<semaphore_mem>>)
      %dma_wait3A = arith.constant 0 : i32
      %dma_wait3A_86 = tpu.memref_slice %arg4[%add3A_18, %dma_wait3A] : memref<50176x16xf32, #tpu.memory_space<vmem_shared>> -> memref<392x16xf32, #tpu.memory_space<vmem_shared>>
      %dma_wait3A_87 = arith.constant 0 : i32
      %dma_wait3A_88 = tpu.memref_slice %arg4[%add3A_18, %dma_wait3A_87] : memref<50176x16xf32, #tpu.memory_space<vmem_shared>> -> memref<392x16xf32, #tpu.memory_space<vmem_shared>>
      tpu.wait_dma2 semaphore(%run_scoped3A : memref<!tpu.dma_semaphore, #tpu.memory_space<semaphore_mem>>) src(%arg5 : memref<392x16xf32, #tpu.memory_space<vmem>>) dst(%dma_wait3A_88 : memref<392x16xf32, #tpu.memory_space<vmem_shared>>)
      tpu.yield
    }) : () -> ()
    %mul3A_19 = arith.constant 3136 : i32
    %mul3A_20 = arith.muli %arg1, %mul3A_19 : i32
    %add3A_21 = arith.constant 784 : i32
    %add3A_22 = arith.addi %mul3A_20, %add3A_21 : i32
    "tpu.region"() ({
      %run_scoped3A = tpu.sem_alloc : memref<!tpu.dma_semaphore, #tpu.memory_space<semaphore_mem>>
      %dma_start3A = arith.constant 0 : i32
      %dma_start3A_83 = tpu.memref_slice %arg4[%add3A_22, %dma_start3A] : memref<50176x16xf32, #tpu.memory_space<vmem_shared>> -> memref<392x16xf32, #tpu.memory_space<vmem_shared>>
      %dma_start3A_84 = arith.constant 0 : i32
      %dma_start3A_85 = tpu.memref_slice %arg4[%add3A_22, %dma_start3A_84] : memref<50176x16xf32, #tpu.memory_space<vmem_shared>> -> memref<392x16xf32, #tpu.memory_space<vmem_shared>>
      tpu.enqueue_dma source(%arg5 : memref<392x16xf32, #tpu.memory_space<vmem>>) target(%dma_start3A_85 : memref<392x16xf32, #tpu.memory_space<vmem_shared>>) target_semaphore(%run_scoped3A : memref<!tpu.dma_semaphore, #tpu.memory_space<semaphore_mem>>)
      %dma_wait3A = arith.constant 0 : i32
      %dma_wait3A_86 = tpu.memref_slice %arg4[%add3A_22, %dma_wait3A] : memref<50176x16xf32, #tpu.memory_space<vmem_shared>> -> memref<392x16xf32, #tpu.memory_space<vmem_shared>>
      %dma_wait3A_87 = arith.constant 0 : i32
      %dma_wait3A_88 = tpu.memref_slice %arg4[%add3A_22, %dma_wait3A_87] : memref<50176x16xf32, #tpu.memory_space<vmem_shared>> -> memref<392x16xf32, #tpu.memory_space<vmem_shared>>
      tpu.wait_dma2 semaphore(%run_scoped3A : memref<!tpu.dma_semaphore, #tpu.memory_space<semaphore_mem>>) src(%arg5 : memref<392x16xf32, #tpu.memory_space<vmem>>) dst(%dma_wait3A_88 : memref<392x16xf32, #tpu.memory_space<vmem_shared>>)
      tpu.yield
    }) : () -> ()
    %mul3A_23 = arith.constant 3136 : i32
    %mul3A_24 = arith.muli %arg1, %mul3A_23 : i32
    %add3A_25 = arith.constant 1176 : i32
    %add3A_26 = arith.addi %mul3A_24, %add3A_25 : i32
    "tpu.region"() ({
      %run_scoped3A = tpu.sem_alloc : memref<!tpu.dma_semaphore, #tpu.memory_space<semaphore_mem>>
      %dma_start3A = arith.constant 0 : i32
      %dma_start3A_83 = tpu.memref_slice %arg4[%add3A_26, %dma_start3A] : memref<50176x16xf32, #tpu.memory_space<vmem_shared>> -> memref<392x16xf32, #tpu.memory_space<vmem_shared>>
      %dma_start3A_84 = arith.constant 0 : i32
      %dma_start3A_85 = tpu.memref_slice %arg4[%add3A_26, %dma_start3A_84] : memref<50176x16xf32, #tpu.memory_space<vmem_shared>> -> memref<392x16xf32, #tpu.memory_space<vmem_shared>>
      tpu.enqueue_dma source(%arg5 : memref<392x16xf32, #tpu.memory_space<vmem>>) target(%dma_start3A_85 : memref<392x16xf32, #tpu.memory_space<vmem_shared>>) target_semaphore(%run_scoped3A : memref<!tpu.dma_semaphore, #tpu.memory_space<semaphore_mem>>)
      %dma_wait3A = arith.constant 0 : i32
      %dma_wait3A_86 = tpu.memref_slice %arg4[%add3A_26, %dma_wait3A] : memref<50176x16xf32, #tpu.memory_space<vmem_shared>> -> memref<392x16xf32, #tpu.memory_space<vmem_shared>>
      %dma_wait3A_87 = arith.constant 0 : i32
      %dma_wait3A_88 = tpu.memref_slice %arg4[%add3A_26, %dma_wait3A_87] : memref<50176x16xf32, #tpu.memory_space<vmem_shared>> -> memref<392x16xf32, #tpu.memory_space<vmem_shared>>
      tpu.wait_dma2 semaphore(%run_scoped3A : memref<!tpu.dma_semaphore, #tpu.memory_space<semaphore_mem>>) src(%arg5 : memref<392x16xf32, #tpu.memory_space<vmem>>) dst(%dma_wait3A_88 : memref<392x16xf32, #tpu.memory_space<vmem_shared>>)
      tpu.yield
    }) : () -> ()
    %mul3A_27 = arith.constant 3136 : i32
    %mul3A_28 = arith.muli %arg1, %mul3A_27 : i32
    %add3A_29 = arith.constant 1568 : i32
    %add3A_30 = arith.addi %mul3A_28, %add3A_29 : i32
    "tpu.region"() ({
      %run_scoped3A = tpu.sem_alloc : memref<!tpu.dma_semaphore, #tpu.memory_space<semaphore_mem>>
      %dma_start3A = arith.constant 0 : i32
      %dma_start3A_83 = tpu.memref_slice %arg4[%add3A_30, %dma_start3A] : memref<50176x16xf32, #tpu.memory_space<vmem_shared>> -> memref<392x16xf32, #tpu.memory_space<vmem_shared>>
      %dma_start3A_84 = arith.constant 0 : i32
      %dma_start3A_85 = tpu.memref_slice %arg4[%add3A_30, %dma_start3A_84] : memref<50176x16xf32, #tpu.memory_space<vmem_shared>> -> memref<392x16xf32, #tpu.memory_space<vmem_shared>>
      tpu.enqueue_dma source(%arg5 : memref<392x16xf32, #tpu.memory_space<vmem>>) target(%dma_start3A_85 : memref<392x16xf32, #tpu.memory_space<vmem_shared>>) target_semaphore(%run_scoped3A : memref<!tpu.dma_semaphore, #tpu.memory_space<semaphore_mem>>)
      %dma_wait3A = arith.constant 0 : i32
      %dma_wait3A_86 = tpu.memref_slice %arg4[%add3A_30, %dma_wait3A] : memref<50176x16xf32, #tpu.memory_space<vmem_shared>> -> memref<392x16xf32, #tpu.memory_space<vmem_shared>>
      %dma_wait3A_87 = arith.constant 0 : i32
      %dma_wait3A_88 = tpu.memref_slice %arg4[%add3A_30, %dma_wait3A_87] : memref<50176x16xf32, #tpu.memory_space<vmem_shared>> -> memref<392x16xf32, #tpu.memory_space<vmem_shared>>
      tpu.wait_dma2 semaphore(%run_scoped3A : memref<!tpu.dma_semaphore, #tpu.memory_space<semaphore_mem>>) src(%arg5 : memref<392x16xf32, #tpu.memory_space<vmem>>) dst(%dma_wait3A_88 : memref<392x16xf32, #tpu.memory_space<vmem_shared>>)
      tpu.yield
    }) : () -> ()
    %mul3A_31 = arith.constant 3136 : i32
    %mul3A_32 = arith.muli %arg1, %mul3A_31 : i32
    %add3A_33 = arith.constant 1960 : i32
    %add3A_34 = arith.addi %mul3A_32, %add3A_33 : i32
    "tpu.region"() ({
      %run_scoped3A = tpu.sem_alloc : memref<!tpu.dma_semaphore, #tpu.memory_space<semaphore_mem>>
      %dma_start3A = arith.constant 0 : i32
      %dma_start3A_83 = tpu.memref_slice %arg4[%add3A_34, %dma_start3A] : memref<50176x16xf32, #tpu.memory_space<vmem_shared>> -> memref<392x16xf32, #tpu.memory_space<vmem_shared>>
      %dma_start3A_84 = arith.constant 0 : i32
      %dma_start3A_85 = tpu.memref_slice %arg4[%add3A_34, %dma_start3A_84] : memref<50176x16xf32, #tpu.memory_space<vmem_shared>> -> memref<392x16xf32, #tpu.memory_space<vmem_shared>>
      tpu.enqueue_dma source(%arg5 : memref<392x16xf32, #tpu.memory_space<vmem>>) target(%dma_start3A_85 : memref<392x16xf32, #tpu.memory_space<vmem_shared>>) target_semaphore(%run_scoped3A : memref<!tpu.dma_semaphore, #tpu.memory_space<semaphore_mem>>)
      %dma_wait3A = arith.constant 0 : i32
      %dma_wait3A_86 = tpu.memref_slice %arg4[%add3A_34, %dma_wait3A] : memref<50176x16xf32, #tpu.memory_space<vmem_shared>> -> memref<392x16xf32, #tpu.memory_space<vmem_shared>>
      %dma_wait3A_87 = arith.constant 0 : i32
      %dma_wait3A_88 = tpu.memref_slice %arg4[%add3A_34, %dma_wait3A_87] : memref<50176x16xf32, #tpu.memory_space<vmem_shared>> -> memref<392x16xf32, #tpu.memory_space<vmem_shared>>
      tpu.wait_dma2 semaphore(%run_scoped3A : memref<!tpu.dma_semaphore, #tpu.memory_space<semaphore_mem>>) src(%arg5 : memref<392x16xf32, #tpu.memory_space<vmem>>) dst(%dma_wait3A_88 : memref<392x16xf32, #tpu.memory_space<vmem_shared>>)
      tpu.yield
    }) : () -> ()
    %mul3A_35 = arith.constant 3136 : i32
    %mul3A_36 = arith.muli %arg1, %mul3A_35 : i32
    %add3A_37 = arith.constant 2352 : i32
    %add3A_38 = arith.addi %mul3A_36, %add3A_37 : i32
    "tpu.region"() ({
      %run_scoped3A = tpu.sem_alloc : memref<!tpu.dma_semaphore, #tpu.memory_space<semaphore_mem>>
      %dma_start3A = arith.constant 0 : i32
      %dma_start3A_83 = tpu.memref_slice %arg4[%add3A_38, %dma_start3A] : memref<50176x16xf32, #tpu.memory_space<vmem_shared>> -> memref<392x16xf32, #tpu.memory_space<vmem_shared>>
      %dma_start3A_84 = arith.constant 0 : i32
      %dma_start3A_85 = tpu.memref_slice %arg4[%add3A_38, %dma_start3A_84] : memref<50176x16xf32, #tpu.memory_space<vmem_shared>> -> memref<392x16xf32, #tpu.memory_space<vmem_shared>>
      tpu.enqueue_dma source(%arg5 : memref<392x16xf32, #tpu.memory_space<vmem>>) target(%dma_start3A_85 : memref<392x16xf32, #tpu.memory_space<vmem_shared>>) target_semaphore(%run_scoped3A : memref<!tpu.dma_semaphore, #tpu.memory_space<semaphore_mem>>)
      %dma_wait3A = arith.constant 0 : i32
      %dma_wait3A_86 = tpu.memref_slice %arg4[%add3A_38, %dma_wait3A] : memref<50176x16xf32, #tpu.memory_space<vmem_shared>> -> memref<392x16xf32, #tpu.memory_space<vmem_shared>>
      %dma_wait3A_87 = arith.constant 0 : i32
      %dma_wait3A_88 = tpu.memref_slice %arg4[%add3A_38, %dma_wait3A_87] : memref<50176x16xf32, #tpu.memory_space<vmem_shared>> -> memref<392x16xf32, #tpu.memory_space<vmem_shared>>
      tpu.wait_dma2 semaphore(%run_scoped3A : memref<!tpu.dma_semaphore, #tpu.memory_space<semaphore_mem>>) src(%arg5 : memref<392x16xf32, #tpu.memory_space<vmem>>) dst(%dma_wait3A_88 : memref<392x16xf32, #tpu.memory_space<vmem_shared>>)
      tpu.yield
    }) : () -> ()
    %mul3A_39 = arith.constant 3136 : i32
    %mul3A_40 = arith.muli %arg1, %mul3A_39 : i32
    %add3A_41 = arith.constant 2744 : i32
    %add3A_42 = arith.addi %mul3A_40, %add3A_41 : i32
    "tpu.region"() ({
      %run_scoped3A = tpu.sem_alloc : memref<!tpu.dma_semaphore, #tpu.memory_space<semaphore_mem>>
      %dma_start3A = arith.constant 0 : i32
      %dma_start3A_83 = tpu.memref_slice %arg4[%add3A_42, %dma_start3A] : memref<50176x16xf32, #tpu.memory_space<vmem_shared>> -> memref<392x16xf32, #tpu.memory_space<vmem_shared>>
      %dma_start3A_84 = arith.constant 0 : i32
      %dma_start3A_85 = tpu.memref_slice %arg4[%add3A_42, %dma_start3A_84] : memref<50176x16xf32, #tpu.memory_space<vmem_shared>> -> memref<392x16xf32, #tpu.memory_space<vmem_shared>>
      tpu.enqueue_dma source(%arg5 : memref<392x16xf32, #tpu.memory_space<vmem>>) target(%dma_start3A_85 : memref<392x16xf32, #tpu.memory_space<vmem_shared>>) target_semaphore(%run_scoped3A : memref<!tpu.dma_semaphore, #tpu.memory_space<semaphore_mem>>)
      %dma_wait3A = arith.constant 0 : i32
      %dma_wait3A_86 = tpu.memref_slice %arg4[%add3A_42, %dma_wait3A] : memref<50176x16xf32, #tpu.memory_space<vmem_shared>> -> memref<392x16xf32, #tpu.memory_space<vmem_shared>>
      %dma_wait3A_87 = arith.constant 0 : i32
      %dma_wait3A_88 = tpu.memref_slice %arg4[%add3A_42, %dma_wait3A_87] : memref<50176x16xf32, #tpu.memory_space<vmem_shared>> -> memref<392x16xf32, #tpu.memory_space<vmem_shared>>
      tpu.wait_dma2 semaphore(%run_scoped3A : memref<!tpu.dma_semaphore, #tpu.memory_space<semaphore_mem>>) src(%arg5 : memref<392x16xf32, #tpu.memory_space<vmem>>) dst(%dma_wait3A_88 : memref<392x16xf32, #tpu.memory_space<vmem_shared>>)
      tpu.yield
    }) : () -> ()
    %barrier3A = arith.constant 0 : index
    tpu.barrier barrier_id(%barrier3A)
    %scan3A_43 = arith.constant 0 : i32
    %scan3A_44 = arith.constant 0 : i32
    %scan3A_45 = arith.constant 28 : i32
    %scan3A_46 = arith.addi %scan3A_44, %scan3A_45 : i32
    %scan3A_47 = arith.constant 1 : i32
    %scan3A_48 = scf.for %scan3A_83 = %scan3A_44 to %scan3A_46 step %scan3A_47 iter_args(%scan3A_84 = %scan3A_43) -> (i32)  : i32 {
      %mul3A_85 = arith.constant 3584 : i32
      %mul3A_86 = arith.muli %arg0, %mul3A_85 : i32
      %mul3A_87 = arith.constant 224 : i32
      %mul3A_88 = arith.muli %arg1, %mul3A_87 : i32
      %add3A_89 = arith.addi %mul3A_86, %mul3A_88 : i32
      %mul3A_90 = arith.constant 8 : i32
      %mul3A_91 = arith.muli %scan3A_83, %mul3A_90 : i32
      %add3A_92 = arith.addi %add3A_89, %mul3A_91 : i32
      "tpu.region"() ({
        %run_scoped3A = tpu.sem_alloc : memref<!tpu.dma_semaphore, #tpu.memory_space<semaphore_mem>>
        %dma_start3A_204 = arith.constant 0 : i32
        %dma_start3A_205 = tpu.memref_slice %arg2[%add3A_92, %dma_start3A_204] : memref<7168x112xi32, #tpu.memory_space<hbm>> -> memref<8x112xi32, #tpu.memory_space<hbm>>
        %dma_start3A_206 = arith.constant 0 : i32
        %dma_start3A_207 = tpu.memref_slice %arg2[%add3A_92, %dma_start3A_206] : memref<7168x112xi32, #tpu.memory_space<hbm>> -> memref<8x112xi32, #tpu.memory_space<hbm>>
        tpu.enqueue_dma source(%dma_start3A_207 : memref<8x112xi32, #tpu.memory_space<hbm>>) target(%arg7 : memref<8x112xi32, #tpu.memory_space<vmem>>) target_semaphore(%run_scoped3A : memref<!tpu.dma_semaphore, #tpu.memory_space<semaphore_mem>>)
        %dma_wait3A_208 = arith.constant 0 : i32
        %dma_wait3A_209 = tpu.memref_slice %arg2[%add3A_92, %dma_wait3A_208] : memref<7168x112xi32, #tpu.memory_space<hbm>> -> memref<8x112xi32, #tpu.memory_space<hbm>>
        %dma_wait3A_210 = arith.constant 0 : i32
        %dma_wait3A_211 = tpu.memref_slice %arg2[%add3A_92, %dma_wait3A_210] : memref<7168x112xi32, #tpu.memory_space<hbm>> -> memref<8x112xi32, #tpu.memory_space<hbm>>
        tpu.wait_dma2 semaphore(%run_scoped3A : memref<!tpu.dma_semaphore, #tpu.memory_space<semaphore_mem>>) src(%dma_wait3A_211 : memref<8x112xi32, #tpu.memory_space<hbm>>) dst(%arg7 : memref<8x112xi32, #tpu.memory_space<vmem>>)
        tpu.yield
      }) : () -> ()
      %dma_start3A = arith.constant 0 : i32
      %dma_start3A_93 = arith.constant 0 : i32
      %dma_start3A_94 = tpu.memref_slice %arg7[%dma_start3A, %dma_start3A_93] : memref<8x112xi32, #tpu.memory_space<vmem>> -> memref<1x112xi32, #tpu.memory_space<vmem>>
      %dma_start3A_95 = tpu.memref_squeeze %dma_start3A_94 : memref<1x112xi32, #tpu.memory_space<vmem>> -> memref<112xi32, #tpu.memory_space<vmem>>
      %dma_start3A_96 = arith.constant 0 : i32
      %dma_start3A_97 = arith.constant 0 : i32
      %dma_start3A_98 = tpu.memref_slice %arg4[%dma_start3A_96, %dma_start3A_97] : memref<50176x16xf32, #tpu.memory_space<vmem_shared>> -> memref<50176x16xf32, #tpu.memory_space<vmem_shared>>
      tpu.enqueue_indirect_dma source(%arg6 : memref<112x16xf32, #tpu.memory_space<vmem>>) target(%dma_start3A_98 : memref<50176x16xf32, #tpu.memory_space<vmem_shared>>) offsets(%dma_start3A_95 : memref<112xi32, #tpu.memory_space<vmem>>) semaphore(%arg8 : memref<!tpu.dma_semaphore, #tpu.memory_space<semaphore_mem>>) {add = true}
      %dma_start3A_99 = arith.constant 1 : i32
      %dma_start3A_100 = arith.constant 0 : i32
      %dma_start3A_101 = tpu.memref_slice %arg7[%dma_start3A_99, %dma_start3A_100] : memref<8x112xi32, #tpu.memory_space<vmem>> -> memref<1x112xi32, #tpu.memory_space<vmem>>
      %dma_start3A_102 = tpu.memref_squeeze %dma_start3A_101 : memref<1x112xi32, #tpu.memory_space<vmem>> -> memref<112xi32, #tpu.memory_space<vmem>>
      %dma_start3A_103 = arith.constant 0 : i32
      %dma_start3A_104 = arith.constant 0 : i32
      %dma_start3A_105 = tpu.memref_slice %arg4[%dma_start3A_103, %dma_start3A_104] : memref<50176x16xf32, #tpu.memory_space<vmem_shared>> -> memref<50176x16xf32, #tpu.memory_space<vmem_shared>>
      tpu.enqueue_indirect_dma source(%arg6 : memref<112x16xf32, #tpu.memory_space<vmem>>) target(%dma_start3A_105 : memref<50176x16xf32, #tpu.memory_space<vmem_shared>>) offsets(%dma_start3A_102 : memref<112xi32, #tpu.memory_space<vmem>>) semaphore(%arg8 : memref<!tpu.dma_semaphore, #tpu.memory_space<semaphore_mem>>) {add = true}
      %dma_start3A_106 = arith.constant 2 : i32
      %dma_start3A_107 = arith.constant 0 : i32
      %dma_start3A_108 = tpu.memref_slice %arg7[%dma_start3A_106, %dma_start3A_107] : memref<8x112xi32, #tpu.memory_space<vmem>> -> memref<1x112xi32, #tpu.memory_space<vmem>>
      %dma_start3A_109 = tpu.memref_squeeze %dma_start3A_108 : memref<1x112xi32, #tpu.memory_space<vmem>> -> memref<112xi32, #tpu.memory_space<vmem>>
      %dma_start3A_110 = arith.constant 0 : i32
      %dma_start3A_111 = arith.constant 0 : i32
      %dma_start3A_112 = tpu.memref_slice %arg4[%dma_start3A_110, %dma_start3A_111] : memref<50176x16xf32, #tpu.memory_space<vmem_shared>> -> memref<50176x16xf32, #tpu.memory_space<vmem_shared>>
      tpu.enqueue_indirect_dma source(%arg6 : memref<112x16xf32, #tpu.memory_space<vmem>>) target(%dma_start3A_112 : memref<50176x16xf32, #tpu.memory_space<vmem_shared>>) offsets(%dma_start3A_109 : memref<112xi32, #tpu.memory_space<vmem>>) semaphore(%arg8 : memref<!tpu.dma_semaphore, #tpu.memory_space<semaphore_mem>>) {add = true}
      %dma_start3A_113 = arith.constant 3 : i32
      %dma_start3A_114 = arith.constant 0 : i32
      %dma_start3A_115 = tpu.memref_slice %arg7[%dma_start3A_113, %dma_start3A_114] : memref<8x112xi32, #tpu.memory_space<vmem>> -> memref<1x112xi32, #tpu.memory_space<vmem>>
      %dma_start3A_116 = tpu.memref_squeeze %dma_start3A_115 : memref<1x112xi32, #tpu.memory_space<vmem>> -> memref<112xi32, #tpu.memory_space<vmem>>
      %dma_start3A_117 = arith.constant 0 : i32
      %dma_start3A_118 = arith.constant 0 : i32
      %dma_start3A_119 = tpu.memref_slice %arg4[%dma_start3A_117, %dma_start3A_118] : memref<50176x16xf32, #tpu.memory_space<vmem_shared>> -> memref<50176x16xf32, #tpu.memory_space<vmem_shared>>
      tpu.enqueue_indirect_dma source(%arg6 : memref<112x16xf32, #tpu.memory_space<vmem>>) target(%dma_start3A_119 : memref<50176x16xf32, #tpu.memory_space<vmem_shared>>) offsets(%dma_start3A_116 : memref<112xi32, #tpu.memory_space<vmem>>) semaphore(%arg8 : memref<!tpu.dma_semaphore, #tpu.memory_space<semaphore_mem>>) {add = true}
      %dma_start3A_120 = arith.constant 4 : i32
      %dma_start3A_121 = arith.constant 0 : i32
      %dma_start3A_122 = tpu.memref_slice %arg7[%dma_start3A_120, %dma_start3A_121] : memref<8x112xi32, #tpu.memory_space<vmem>> -> memref<1x112xi32, #tpu.memory_space<vmem>>
      %dma_start3A_123 = tpu.memref_squeeze %dma_start3A_122 : memref<1x112xi32, #tpu.memory_space<vmem>> -> memref<112xi32, #tpu.memory_space<vmem>>
      %dma_start3A_124 = arith.constant 0 : i32
      %dma_start3A_125 = arith.constant 0 : i32
      %dma_start3A_126 = tpu.memref_slice %arg4[%dma_start3A_124, %dma_start3A_125] : memref<50176x16xf32, #tpu.memory_space<vmem_shared>> -> memref<50176x16xf32, #tpu.memory_space<vmem_shared>>
      tpu.enqueue_indirect_dma source(%arg6 : memref<112x16xf32, #tpu.memory_space<vmem>>) target(%dma_start3A_126 : memref<50176x16xf32, #tpu.memory_space<vmem_shared>>) offsets(%dma_start3A_123 : memref<112xi32, #tpu.memory_space<vmem>>) semaphore(%arg8 : memref<!tpu.dma_semaphore, #tpu.memory_space<semaphore_mem>>) {add = true}
      %dma_start3A_127 = arith.constant 5 : i32
      %dma_start3A_128 = arith.constant 0 : i32
      %dma_start3A_129 = tpu.memref_slice %arg7[%dma_start3A_127, %dma_start3A_128] : memref<8x112xi32, #tpu.memory_space<vmem>> -> memref<1x112xi32, #tpu.memory_space<vmem>>
      %dma_start3A_130 = tpu.memref_squeeze %dma_start3A_129 : memref<1x112xi32, #tpu.memory_space<vmem>> -> memref<112xi32, #tpu.memory_space<vmem>>
      %dma_start3A_131 = arith.constant 0 : i32
      %dma_start3A_132 = arith.constant 0 : i32
      %dma_start3A_133 = tpu.memref_slice %arg4[%dma_start3A_131, %dma_start3A_132] : memref<50176x16xf32, #tpu.memory_space<vmem_shared>> -> memref<50176x16xf32, #tpu.memory_space<vmem_shared>>
      tpu.enqueue_indirect_dma source(%arg6 : memref<112x16xf32, #tpu.memory_space<vmem>>) target(%dma_start3A_133 : memref<50176x16xf32, #tpu.memory_space<vmem_shared>>) offsets(%dma_start3A_130 : memref<112xi32, #tpu.memory_space<vmem>>) semaphore(%arg8 : memref<!tpu.dma_semaphore, #tpu.memory_space<semaphore_mem>>) {add = true}
      %dma_start3A_134 = arith.constant 6 : i32
      %dma_start3A_135 = arith.constant 0 : i32
      %dma_start3A_136 = tpu.memref_slice %arg7[%dma_start3A_134, %dma_start3A_135] : memref<8x112xi32, #tpu.memory_space<vmem>> -> memref<1x112xi32, #tpu.memory_space<vmem>>
      %dma_start3A_137 = tpu.memref_squeeze %dma_start3A_136 : memref<1x112xi32, #tpu.memory_space<vmem>> -> memref<112xi32, #tpu.memory_space<vmem>>
      %dma_start3A_138 = arith.constant 0 : i32
      %dma_start3A_139 = arith.constant 0 : i32
      %dma_start3A_140 = tpu.memref_slice %arg4[%dma_start3A_138, %dma_start3A_139] : memref<50176x16xf32, #tpu.memory_space<vmem_shared>> -> memref<50176x16xf32, #tpu.memory_space<vmem_shared>>
      tpu.enqueue_indirect_dma source(%arg6 : memref<112x16xf32, #tpu.memory_space<vmem>>) target(%dma_start3A_140 : memref<50176x16xf32, #tpu.memory_space<vmem_shared>>) offsets(%dma_start3A_137 : memref<112xi32, #tpu.memory_space<vmem>>) semaphore(%arg8 : memref<!tpu.dma_semaphore, #tpu.memory_space<semaphore_mem>>) {add = true}
      %dma_start3A_141 = arith.constant 7 : i32
      %dma_start3A_142 = arith.constant 0 : i32
      %dma_start3A_143 = tpu.memref_slice %arg7[%dma_start3A_141, %dma_start3A_142] : memref<8x112xi32, #tpu.memory_space<vmem>> -> memref<1x112xi32, #tpu.memory_space<vmem>>
      %dma_start3A_144 = tpu.memref_squeeze %dma_start3A_143 : memref<1x112xi32, #tpu.memory_space<vmem>> -> memref<112xi32, #tpu.memory_space<vmem>>
      %dma_start3A_145 = arith.constant 0 : i32
      %dma_start3A_146 = arith.constant 0 : i32
      %dma_start3A_147 = tpu.memref_slice %arg4[%dma_start3A_145, %dma_start3A_146] : memref<50176x16xf32, #tpu.memory_space<vmem_shared>> -> memref<50176x16xf32, #tpu.memory_space<vmem_shared>>
      tpu.enqueue_indirect_dma source(%arg6 : memref<112x16xf32, #tpu.memory_space<vmem>>) target(%dma_start3A_147 : memref<50176x16xf32, #tpu.memory_space<vmem_shared>>) offsets(%dma_start3A_144 : memref<112xi32, #tpu.memory_space<vmem>>) semaphore(%arg8 : memref<!tpu.dma_semaphore, #tpu.memory_space<semaphore_mem>>) {add = true}
      %dma_wait3A = arith.constant 0 : i32
      %dma_wait3A_148 = arith.constant 0 : i32
      %dma_wait3A_149 = tpu.memref_slice %arg7[%dma_wait3A, %dma_wait3A_148] : memref<8x112xi32, #tpu.memory_space<vmem>> -> memref<1x112xi32, #tpu.memory_space<vmem>>
      %dma_wait3A_150 = tpu.memref_squeeze %dma_wait3A_149 : memref<1x112xi32, #tpu.memory_space<vmem>> -> memref<112xi32, #tpu.memory_space<vmem>>
      %dma_wait3A_151 = arith.constant 0 : i32
      %dma_wait3A_152 = arith.constant 0 : i32
      %dma_wait3A_153 = tpu.memref_slice %arg4[%dma_wait3A_151, %dma_wait3A_152] : memref<50176x16xf32, #tpu.memory_space<vmem_shared>> -> memref<50176x16xf32, #tpu.memory_space<vmem_shared>>
      tpu.wait_indirect_dma semaphore(%arg8 : memref<!tpu.dma_semaphore, #tpu.memory_space<semaphore_mem>>) src(%arg6 : memref<112x16xf32, #tpu.memory_space<vmem>>) dst(%dma_wait3A_153 : memref<50176x16xf32, #tpu.memory_space<vmem_shared>>)
      %dma_wait3A_154 = arith.constant 1 : i32
      %dma_wait3A_155 = arith.constant 0 : i32
      %dma_wait3A_156 = tpu.memref_slice %arg7[%dma_wait3A_154, %dma_wait3A_155] : memref<8x112xi32, #tpu.memory_space<vmem>> -> memref<1x112xi32, #tpu.memory_space<vmem>>
      %dma_wait3A_157 = tpu.memref_squeeze %dma_wait3A_156 : memref<1x112xi32, #tpu.memory_space<vmem>> -> memref<112xi32, #tpu.memory_space<vmem>>
      %dma_wait3A_158 = arith.constant 0 : i32
      %dma_wait3A_159 = arith.constant 0 : i32
      %dma_wait3A_160 = tpu.memref_slice %arg4[%dma_wait3A_158, %dma_wait3A_159] : memref<50176x16xf32, #tpu.memory_space<vmem_shared>> -> memref<50176x16xf32, #tpu.memory_space<vmem_shared>>
      tpu.wait_indirect_dma semaphore(%arg8 : memref<!tpu.dma_semaphore, #tpu.memory_space<semaphore_mem>>) src(%arg6 : memref<112x16xf32, #tpu.memory_space<vmem>>) dst(%dma_wait3A_160 : memref<50176x16xf32, #tpu.memory_space<vmem_shared>>)
      %dma_wait3A_161 = arith.constant 2 : i32
      %dma_wait3A_162 = arith.constant 0 : i32
      %dma_wait3A_163 = tpu.memref_slice %arg7[%dma_wait3A_161, %dma_wait3A_162] : memref<8x112xi32, #tpu.memory_space<vmem>> -> memref<1x112xi32, #tpu.memory_space<vmem>>
      %dma_wait3A_164 = tpu.memref_squeeze %dma_wait3A_163 : memref<1x112xi32, #tpu.memory_space<vmem>> -> memref<112xi32, #tpu.memory_space<vmem>>
      %dma_wait3A_165 = arith.constant 0 : i32
      %dma_wait3A_166 = arith.constant 0 : i32
      %dma_wait3A_167 = tpu.memref_slice %arg4[%dma_wait3A_165, %dma_wait3A_166] : memref<50176x16xf32, #tpu.memory_space<vmem_shared>> -> memref<50176x16xf32, #tpu.memory_space<vmem_shared>>
      tpu.wait_indirect_dma semaphore(%arg8 : memref<!tpu.dma_semaphore, #tpu.memory_space<semaphore_mem>>) src(%arg6 : memref<112x16xf32, #tpu.memory_space<vmem>>) dst(%dma_wait3A_167 : memref<50176x16xf32, #tpu.memory_space<vmem_shared>>)
      %dma_wait3A_168 = arith.constant 3 : i32
      %dma_wait3A_169 = arith.constant 0 : i32
      %dma_wait3A_170 = tpu.memref_slice %arg7[%dma_wait3A_168, %dma_wait3A_169] : memref<8x112xi32, #tpu.memory_space<vmem>> -> memref<1x112xi32, #tpu.memory_space<vmem>>
      %dma_wait3A_171 = tpu.memref_squeeze %dma_wait3A_170 : memref<1x112xi32, #tpu.memory_space<vmem>> -> memref<112xi32, #tpu.memory_space<vmem>>
      %dma_wait3A_172 = arith.constant 0 : i32
      %dma_wait3A_173 = arith.constant 0 : i32
      %dma_wait3A_174 = tpu.memref_slice %arg4[%dma_wait3A_172, %dma_wait3A_173] : memref<50176x16xf32, #tpu.memory_space<vmem_shared>> -> memref<50176x16xf32, #tpu.memory_space<vmem_shared>>
      tpu.wait_indirect_dma semaphore(%arg8 : memref<!tpu.dma_semaphore, #tpu.memory_space<semaphore_mem>>) src(%arg6 : memref<112x16xf32, #tpu.memory_space<vmem>>) dst(%dma_wait3A_174 : memref<50176x16xf32, #tpu.memory_space<vmem_shared>>)
      %dma_wait3A_175 = arith.constant 4 : i32
      %dma_wait3A_176 = arith.constant 0 : i32
      %dma_wait3A_177 = tpu.memref_slice %arg7[%dma_wait3A_175, %dma_wait3A_176] : memref<8x112xi32, #tpu.memory_space<vmem>> -> memref<1x112xi32, #tpu.memory_space<vmem>>
      %dma_wait3A_178 = tpu.memref_squeeze %dma_wait3A_177 : memref<1x112xi32, #tpu.memory_space<vmem>> -> memref<112xi32, #tpu.memory_space<vmem>>
      %dma_wait3A_179 = arith.constant 0 : i32
      %dma_wait3A_180 = arith.constant 0 : i32
      %dma_wait3A_181 = tpu.memref_slice %arg4[%dma_wait3A_179, %dma_wait3A_180] : memref<50176x16xf32, #tpu.memory_space<vmem_shared>> -> memref<50176x16xf32, #tpu.memory_space<vmem_shared>>
      tpu.wait_indirect_dma semaphore(%arg8 : memref<!tpu.dma_semaphore, #tpu.memory_space<semaphore_mem>>) src(%arg6 : memref<112x16xf32, #tpu.memory_space<vmem>>) dst(%dma_wait3A_181 : memref<50176x16xf32, #tpu.memory_space<vmem_shared>>)
      %dma_wait3A_182 = arith.constant 5 : i32
      %dma_wait3A_183 = arith.constant 0 : i32
      %dma_wait3A_184 = tpu.memref_slice %arg7[%dma_wait3A_182, %dma_wait3A_183] : memref<8x112xi32, #tpu.memory_space<vmem>> -> memref<1x112xi32, #tpu.memory_space<vmem>>
      %dma_wait3A_185 = tpu.memref_squeeze %dma_wait3A_184 : memref<1x112xi32, #tpu.memory_space<vmem>> -> memref<112xi32, #tpu.memory_space<vmem>>
      %dma_wait3A_186 = arith.constant 0 : i32
      %dma_wait3A_187 = arith.constant 0 : i32
      %dma_wait3A_188 = tpu.memref_slice %arg4[%dma_wait3A_186, %dma_wait3A_187] : memref<50176x16xf32, #tpu.memory_space<vmem_shared>> -> memref<50176x16xf32, #tpu.memory_space<vmem_shared>>
      tpu.wait_indirect_dma semaphore(%arg8 : memref<!tpu.dma_semaphore, #tpu.memory_space<semaphore_mem>>) src(%arg6 : memref<112x16xf32, #tpu.memory_space<vmem>>) dst(%dma_wait3A_188 : memref<50176x16xf32, #tpu.memory_space<vmem_shared>>)
      %dma_wait3A_189 = arith.constant 6 : i32
      %dma_wait3A_190 = arith.constant 0 : i32
      %dma_wait3A_191 = tpu.memref_slice %arg7[%dma_wait3A_189, %dma_wait3A_190] : memref<8x112xi32, #tpu.memory_space<vmem>> -> memref<1x112xi32, #tpu.memory_space<vmem>>
      %dma_wait3A_192 = tpu.memref_squeeze %dma_wait3A_191 : memref<1x112xi32, #tpu.memory_space<vmem>> -> memref<112xi32, #tpu.memory_space<vmem>>
      %dma_wait3A_193 = arith.constant 0 : i32
      %dma_wait3A_194 = arith.constant 0 : i32
      %dma_wait3A_195 = tpu.memref_slice %arg4[%dma_wait3A_193, %dma_wait3A_194] : memref<50176x16xf32, #tpu.memory_space<vmem_shared>> -> memref<50176x16xf32, #tpu.memory_space<vmem_shared>>
      tpu.wait_indirect_dma semaphore(%arg8 : memref<!tpu.dma_semaphore, #tpu.memory_space<semaphore_mem>>) src(%arg6 : memref<112x16xf32, #tpu.memory_space<vmem>>) dst(%dma_wait3A_195 : memref<50176x16xf32, #tpu.memory_space<vmem_shared>>)
      %dma_wait3A_196 = arith.constant 7 : i32
      %dma_wait3A_197 = arith.constant 0 : i32
      %dma_wait3A_198 = tpu.memref_slice %arg7[%dma_wait3A_196, %dma_wait3A_197] : memref<8x112xi32, #tpu.memory_space<vmem>> -> memref<1x112xi32, #tpu.memory_space<vmem>>
      %dma_wait3A_199 = tpu.memref_squeeze %dma_wait3A_198 : memref<1x112xi32, #tpu.memory_space<vmem>> -> memref<112xi32, #tpu.memory_space<vmem>>
      %dma_wait3A_200 = arith.constant 0 : i32
      %dma_wait3A_201 = arith.constant 0 : i32
      %dma_wait3A_202 = tpu.memref_slice %arg4[%dma_wait3A_200, %dma_wait3A_201] : memref<50176x16xf32, #tpu.memory_space<vmem_shared>> -> memref<50176x16xf32, #tpu.memory_space<vmem_shared>>
      tpu.wait_indirect_dma semaphore(%arg8 : memref<!tpu.dma_semaphore, #tpu.memory_space<semaphore_mem>>) src(%arg6 : memref<112x16xf32, #tpu.memory_space<vmem>>) dst(%dma_wait3A_202 : memref<50176x16xf32, #tpu.memory_space<vmem_shared>>)
      %scan3A_203 = arith.constant 0 : i32
      scf.yield %scan3A_203 : i32
    }
    %scan3A_49 = arith.constant 28 : i32
    %barrier3A_50 = arith.constant 0 : index
    tpu.barrier barrier_id(%barrier3A_50)
    %mul3A_51 = arith.constant 3136 : i32
    %mul3A_52 = arith.muli %arg1, %mul3A_51 : i32
    %add3A_53 = arith.constant 0 : i32
    %add3A_54 = arith.addi %mul3A_52, %add3A_53 : i32
    "tpu.region"() ({
      %run_scoped3A = tpu.sem_alloc : memref<!tpu.dma_semaphore, #tpu.memory_space<semaphore_mem>>
      %dma_start3A = arith.constant 0 : i32
      %dma_start3A_83 = tpu.memref_slice %arg4[%add3A_54, %dma_start3A] : memref<50176x16xf32, #tpu.memory_space<vmem_shared>> -> memref<392x16xf32, #tpu.memory_space<vmem_shared>>
      %dma_start3A_84 = arith.constant 0 : i32
      %dma_start3A_85 = tpu.memref_slice %arg4[%add3A_54, %dma_start3A_84] : memref<50176x16xf32, #tpu.memory_space<vmem_shared>> -> memref<392x16xf32, #tpu.memory_space<vmem_shared>>
      tpu.enqueue_dma source(%dma_start3A_85 : memref<392x16xf32, #tpu.memory_space<vmem_shared>>) target(%arg5 : memref<392x16xf32, #tpu.memory_space<vmem>>) target_semaphore(%run_scoped3A : memref<!tpu.dma_semaphore, #tpu.memory_space<semaphore_mem>>)
      %dma_wait3A = arith.constant 0 : i32
      %dma_wait3A_86 = tpu.memref_slice %arg4[%add3A_54, %dma_wait3A] : memref<50176x16xf32, #tpu.memory_space<vmem_shared>> -> memref<392x16xf32, #tpu.memory_space<vmem_shared>>
      %dma_wait3A_87 = arith.constant 0 : i32
      %dma_wait3A_88 = tpu.memref_slice %arg4[%add3A_54, %dma_wait3A_87] : memref<50176x16xf32, #tpu.memory_space<vmem_shared>> -> memref<392x16xf32, #tpu.memory_space<vmem_shared>>
      tpu.wait_dma2 semaphore(%run_scoped3A : memref<!tpu.dma_semaphore, #tpu.memory_space<semaphore_mem>>) src(%dma_wait3A_88 : memref<392x16xf32, #tpu.memory_space<vmem_shared>>) dst(%arg5 : memref<392x16xf32, #tpu.memory_space<vmem>>)
      tpu.yield
    }) : () -> ()
    "tpu.region"() ({
      %run_scoped3A = tpu.sem_alloc : memref<!tpu.dma_semaphore, #tpu.memory_space<semaphore_mem>>
      %dma_start3A = arith.constant 0 : i32
      %dma_start3A_83 = tpu.memref_slice %arg3[%arg0, %add3A_54, %dma_start3A] : memref<2x50176x16xf32, #tpu.memory_space<hbm>> -> memref<1x392x16xf32, #tpu.memory_space<hbm>>
      %dma_start3A_84 = tpu.memref_squeeze %dma_start3A_83 : memref<1x392x16xf32, #tpu.memory_space<hbm>> -> memref<392x16xf32, #tpu.memory_space<hbm>>
      %dma_start3A_85 = arith.constant 0 : i32
      %dma_start3A_86 = tpu.memref_slice %arg3[%arg0, %add3A_54, %dma_start3A_85] : memref<2x50176x16xf32, #tpu.memory_space<hbm>> -> memref<1x392x16xf32, #tpu.memory_space<hbm>>
      %dma_start3A_87 = tpu.memref_squeeze %dma_start3A_86 : memref<1x392x16xf32, #tpu.memory_space<hbm>> -> memref<392x16xf32, #tpu.memory_space<hbm>>
      tpu.enqueue_dma source(%arg5 : memref<392x16xf32, #tpu.memory_space<vmem>>) target(%dma_start3A_87 : memref<392x16xf32, #tpu.memory_space<hbm>>) target_semaphore(%run_scoped3A : memref<!tpu.dma_semaphore, #tpu.memory_space<semaphore_mem>>)
      %dma_wait3A = arith.constant 0 : i32
      %dma_wait3A_88 = tpu.memref_slice %arg3[%arg0, %add3A_54, %dma_wait3A] : memref<2x50176x16xf32, #tpu.memory_space<hbm>> -> memref<1x392x16xf32, #tpu.memory_space<hbm>>
      %dma_wait3A_89 = tpu.memref_squeeze %dma_wait3A_88 : memref<1x392x16xf32, #tpu.memory_space<hbm>> -> memref<392x16xf32, #tpu.memory_space<hbm>>
      %dma_wait3A_90 = arith.constant 0 : i32
      %dma_wait3A_91 = tpu.memref_slice %arg3[%arg0, %add3A_54, %dma_wait3A_90] : memref<2x50176x16xf32, #tpu.memory_space<hbm>> -> memref<1x392x16xf32, #tpu.memory_space<hbm>>
      %dma_wait3A_92 = tpu.memref_squeeze %dma_wait3A_91 : memref<1x392x16xf32, #tpu.memory_space<hbm>> -> memref<392x16xf32, #tpu.memory_space<hbm>>
      tpu.wait_dma2 semaphore(%run_scoped3A : memref<!tpu.dma_semaphore, #tpu.memory_space<semaphore_mem>>) src(%arg5 : memref<392x16xf32, #tpu.memory_space<vmem>>) dst(%dma_wait3A_92 : memref<392x16xf32, #tpu.memory_space<hbm>>)
      tpu.yield
    }) : () -> ()
    %mul3A_55 = arith.constant 3136 : i32
    %mul3A_56 = arith.muli %arg1, %mul3A_55 : i32
    %add3A_57 = arith.constant 392 : i32
    %add3A_58 = arith.addi %mul3A_56, %add3A_57 : i32
    "tpu.region"() ({
      %run_scoped3A = tpu.sem_alloc : memref<!tpu.dma_semaphore, #tpu.memory_space<semaphore_mem>>
      %dma_start3A = arith.constant 0 : i32
      %dma_start3A_83 = tpu.memref_slice %arg4[%add3A_58, %dma_start3A] : memref<50176x16xf32, #tpu.memory_space<vmem_shared>> -> memref<392x16xf32, #tpu.memory_space<vmem_shared>>
      %dma_start3A_84 = arith.constant 0 : i32
      %dma_start3A_85 = tpu.memref_slice %arg4[%add3A_58, %dma_start3A_84] : memref<50176x16xf32, #tpu.memory_space<vmem_shared>> -> memref<392x16xf32, #tpu.memory_space<vmem_shared>>
      tpu.enqueue_dma source(%dma_start3A_85 : memref<392x16xf32, #tpu.memory_space<vmem_shared>>) target(%arg5 : memref<392x16xf32, #tpu.memory_space<vmem>>) target_semaphore(%run_scoped3A : memref<!tpu.dma_semaphore, #tpu.memory_space<semaphore_mem>>)
      %dma_wait3A = arith.constant 0 : i32
      %dma_wait3A_86 = tpu.memref_slice %arg4[%add3A_58, %dma_wait3A] : memref<50176x16xf32, #tpu.memory_space<vmem_shared>> -> memref<392x16xf32, #tpu.memory_space<vmem_shared>>
      %dma_wait3A_87 = arith.constant 0 : i32
      %dma_wait3A_88 = tpu.memref_slice %arg4[%add3A_58, %dma_wait3A_87] : memref<50176x16xf32, #tpu.memory_space<vmem_shared>> -> memref<392x16xf32, #tpu.memory_space<vmem_shared>>
      tpu.wait_dma2 semaphore(%run_scoped3A : memref<!tpu.dma_semaphore, #tpu.memory_space<semaphore_mem>>) src(%dma_wait3A_88 : memref<392x16xf32, #tpu.memory_space<vmem_shared>>) dst(%arg5 : memref<392x16xf32, #tpu.memory_space<vmem>>)
      tpu.yield
    }) : () -> ()
    "tpu.region"() ({
      %run_scoped3A = tpu.sem_alloc : memref<!tpu.dma_semaphore, #tpu.memory_space<semaphore_mem>>
      %dma_start3A = arith.constant 0 : i32
      %dma_start3A_83 = tpu.memref_slice %arg3[%arg0, %add3A_58, %dma_start3A] : memref<2x50176x16xf32, #tpu.memory_space<hbm>> -> memref<1x392x16xf32, #tpu.memory_space<hbm>>
      %dma_start3A_84 = tpu.memref_squeeze %dma_start3A_83 : memref<1x392x16xf32, #tpu.memory_space<hbm>> -> memref<392x16xf32, #tpu.memory_space<hbm>>
      %dma_start3A_85 = arith.constant 0 : i32
      %dma_start3A_86 = tpu.memref_slice %arg3[%arg0, %add3A_58, %dma_start3A_85] : memref<2x50176x16xf32, #tpu.memory_space<hbm>> -> memref<1x392x16xf32, #tpu.memory_space<hbm>>
      %dma_start3A_87 = tpu.memref_squeeze %dma_start3A_86 : memref<1x392x16xf32, #tpu.memory_space<hbm>> -> memref<392x16xf32, #tpu.memory_space<hbm>>
      tpu.enqueue_dma source(%arg5 : memref<392x16xf32, #tpu.memory_space<vmem>>) target(%dma_start3A_87 : memref<392x16xf32, #tpu.memory_space<hbm>>) target_semaphore(%run_scoped3A : memref<!tpu.dma_semaphore, #tpu.memory_space<semaphore_mem>>)
      %dma_wait3A = arith.constant 0 : i32
      %dma_wait3A_88 = tpu.memref_slice %arg3[%arg0, %add3A_58, %dma_wait3A] : memref<2x50176x16xf32, #tpu.memory_space<hbm>> -> memref<1x392x16xf32, #tpu.memory_space<hbm>>
      %dma_wait3A_89 = tpu.memref_squeeze %dma_wait3A_88 : memref<1x392x16xf32, #tpu.memory_space<hbm>> -> memref<392x16xf32, #tpu.memory_space<hbm>>
      %dma_wait3A_90 = arith.constant 0 : i32
      %dma_wait3A_91 = tpu.memref_slice %arg3[%arg0, %add3A_58, %dma_wait3A_90] : memref<2x50176x16xf32, #tpu.memory_space<hbm>> -> memref<1x392x16xf32, #tpu.memory_space<hbm>>
      %dma_wait3A_92 = tpu.memref_squeeze %dma_wait3A_91 : memref<1x392x16xf32, #tpu.memory_space<hbm>> -> memref<392x16xf32, #tpu.memory_space<hbm>>
      tpu.wait_dma2 semaphore(%run_scoped3A : memref<!tpu.dma_semaphore, #tpu.memory_space<semaphore_mem>>) src(%arg5 : memref<392x16xf32, #tpu.memory_space<vmem>>) dst(%dma_wait3A_92 : memref<392x16xf32, #tpu.memory_space<hbm>>)
      tpu.yield
    }) : () -> ()
    %mul3A_59 = arith.constant 3136 : i32
    %mul3A_60 = arith.muli %arg1, %mul3A_59 : i32
    %add3A_61 = arith.constant 784 : i32
    %add3A_62 = arith.addi %mul3A_60, %add3A_61 : i32
    "tpu.region"() ({
      %run_scoped3A = tpu.sem_alloc : memref<!tpu.dma_semaphore, #tpu.memory_space<semaphore_mem>>
      %dma_start3A = arith.constant 0 : i32
      %dma_start3A_83 = tpu.memref_slice %arg4[%add3A_62, %dma_start3A] : memref<50176x16xf32, #tpu.memory_space<vmem_shared>> -> memref<392x16xf32, #tpu.memory_space<vmem_shared>>
      %dma_start3A_84 = arith.constant 0 : i32
      %dma_start3A_85 = tpu.memref_slice %arg4[%add3A_62, %dma_start3A_84] : memref<50176x16xf32, #tpu.memory_space<vmem_shared>> -> memref<392x16xf32, #tpu.memory_space<vmem_shared>>
      tpu.enqueue_dma source(%dma_start3A_85 : memref<392x16xf32, #tpu.memory_space<vmem_shared>>) target(%arg5 : memref<392x16xf32, #tpu.memory_space<vmem>>) target_semaphore(%run_scoped3A : memref<!tpu.dma_semaphore, #tpu.memory_space<semaphore_mem>>)
      %dma_wait3A = arith.constant 0 : i32
      %dma_wait3A_86 = tpu.memref_slice %arg4[%add3A_62, %dma_wait3A] : memref<50176x16xf32, #tpu.memory_space<vmem_shared>> -> memref<392x16xf32, #tpu.memory_space<vmem_shared>>
      %dma_wait3A_87 = arith.constant 0 : i32
      %dma_wait3A_88 = tpu.memref_slice %arg4[%add3A_62, %dma_wait3A_87] : memref<50176x16xf32, #tpu.memory_space<vmem_shared>> -> memref<392x16xf32, #tpu.memory_space<vmem_shared>>
      tpu.wait_dma2 semaphore(%run_scoped3A : memref<!tpu.dma_semaphore, #tpu.memory_space<semaphore_mem>>) src(%dma_wait3A_88 : memref<392x16xf32, #tpu.memory_space<vmem_shared>>) dst(%arg5 : memref<392x16xf32, #tpu.memory_space<vmem>>)
      tpu.yield
    }) : () -> ()
    "tpu.region"() ({
      %run_scoped3A = tpu.sem_alloc : memref<!tpu.dma_semaphore, #tpu.memory_space<semaphore_mem>>
      %dma_start3A = arith.constant 0 : i32
      %dma_start3A_83 = tpu.memref_slice %arg3[%arg0, %add3A_62, %dma_start3A] : memref<2x50176x16xf32, #tpu.memory_space<hbm>> -> memref<1x392x16xf32, #tpu.memory_space<hbm>>
      %dma_start3A_84 = tpu.memref_squeeze %dma_start3A_83 : memref<1x392x16xf32, #tpu.memory_space<hbm>> -> memref<392x16xf32, #tpu.memory_space<hbm>>
      %dma_start3A_85 = arith.constant 0 : i32
      %dma_start3A_86 = tpu.memref_slice %arg3[%arg0, %add3A_62, %dma_start3A_85] : memref<2x50176x16xf32, #tpu.memory_space<hbm>> -> memref<1x392x16xf32, #tpu.memory_space<hbm>>
      %dma_start3A_87 = tpu.memref_squeeze %dma_start3A_86 : memref<1x392x16xf32, #tpu.memory_space<hbm>> -> memref<392x16xf32, #tpu.memory_space<hbm>>
      tpu.enqueue_dma source(%arg5 : memref<392x16xf32, #tpu.memory_space<vmem>>) target(%dma_start3A_87 : memref<392x16xf32, #tpu.memory_space<hbm>>) target_semaphore(%run_scoped3A : memref<!tpu.dma_semaphore, #tpu.memory_space<semaphore_mem>>)
      %dma_wait3A = arith.constant 0 : i32
      %dma_wait3A_88 = tpu.memref_slice %arg3[%arg0, %add3A_62, %dma_wait3A] : memref<2x50176x16xf32, #tpu.memory_space<hbm>> -> memref<1x392x16xf32, #tpu.memory_space<hbm>>
      %dma_wait3A_89 = tpu.memref_squeeze %dma_wait3A_88 : memref<1x392x16xf32, #tpu.memory_space<hbm>> -> memref<392x16xf32, #tpu.memory_space<hbm>>
      %dma_wait3A_90 = arith.constant 0 : i32
      %dma_wait3A_91 = tpu.memref_slice %arg3[%arg0, %add3A_62, %dma_wait3A_90] : memref<2x50176x16xf32, #tpu.memory_space<hbm>> -> memref<1x392x16xf32, #tpu.memory_space<hbm>>
      %dma_wait3A_92 = tpu.memref_squeeze %dma_wait3A_91 : memref<1x392x16xf32, #tpu.memory_space<hbm>> -> memref<392x16xf32, #tpu.memory_space<hbm>>
      tpu.wait_dma2 semaphore(%run_scoped3A : memref<!tpu.dma_semaphore, #tpu.memory_space<semaphore_mem>>) src(%arg5 : memref<392x16xf32, #tpu.memory_space<vmem>>) dst(%dma_wait3A_92 : memref<392x16xf32, #tpu.memory_space<hbm>>)
      tpu.yield
    }) : () -> ()
    %mul3A_63 = arith.constant 3136 : i32
    %mul3A_64 = arith.muli %arg1, %mul3A_63 : i32
    %add3A_65 = arith.constant 1176 : i32
    %add3A_66 = arith.addi %mul3A_64, %add3A_65 : i32
    "tpu.region"() ({
      %run_scoped3A = tpu.sem_alloc : memref<!tpu.dma_semaphore, #tpu.memory_space<semaphore_mem>>
      %dma_start3A = arith.constant 0 : i32
      %dma_start3A_83 = tpu.memref_slice %arg4[%add3A_66, %dma_start3A] : memref<50176x16xf32, #tpu.memory_space<vmem_shared>> -> memref<392x16xf32, #tpu.memory_space<vmem_shared>>
      %dma_start3A_84 = arith.constant 0 : i32
      %dma_start3A_85 = tpu.memref_slice %arg4[%add3A_66, %dma_start3A_84] : memref<50176x16xf32, #tpu.memory_space<vmem_shared>> -> memref<392x16xf32, #tpu.memory_space<vmem_shared>>
      tpu.enqueue_dma source(%dma_start3A_85 : memref<392x16xf32, #tpu.memory_space<vmem_shared>>) target(%arg5 : memref<392x16xf32, #tpu.memory_space<vmem>>) target_semaphore(%run_scoped3A : memref<!tpu.dma_semaphore, #tpu.memory_space<semaphore_mem>>)
      %dma_wait3A = arith.constant 0 : i32
      %dma_wait3A_86 = tpu.memref_slice %arg4[%add3A_66, %dma_wait3A] : memref<50176x16xf32, #tpu.memory_space<vmem_shared>> -> memref<392x16xf32, #tpu.memory_space<vmem_shared>>
      %dma_wait3A_87 = arith.constant 0 : i32
      %dma_wait3A_88 = tpu.memref_slice %arg4[%add3A_66, %dma_wait3A_87] : memref<50176x16xf32, #tpu.memory_space<vmem_shared>> -> memref<392x16xf32, #tpu.memory_space<vmem_shared>>
      tpu.wait_dma2 semaphore(%run_scoped3A : memref<!tpu.dma_semaphore, #tpu.memory_space<semaphore_mem>>) src(%dma_wait3A_88 : memref<392x16xf32, #tpu.memory_space<vmem_shared>>) dst(%arg5 : memref<392x16xf32, #tpu.memory_space<vmem>>)
      tpu.yield
    }) : () -> ()
    "tpu.region"() ({
      %run_scoped3A = tpu.sem_alloc : memref<!tpu.dma_semaphore, #tpu.memory_space<semaphore_mem>>
      %dma_start3A = arith.constant 0 : i32
      %dma_start3A_83 = tpu.memref_slice %arg3[%arg0, %add3A_66, %dma_start3A] : memref<2x50176x16xf32, #tpu.memory_space<hbm>> -> memref<1x392x16xf32, #tpu.memory_space<hbm>>
      %dma_start3A_84 = tpu.memref_squeeze %dma_start3A_83 : memref<1x392x16xf32, #tpu.memory_space<hbm>> -> memref<392x16xf32, #tpu.memory_space<hbm>>
      %dma_start3A_85 = arith.constant 0 : i32
      %dma_start3A_86 = tpu.memref_slice %arg3[%arg0, %add3A_66, %dma_start3A_85] : memref<2x50176x16xf32, #tpu.memory_space<hbm>> -> memref<1x392x16xf32, #tpu.memory_space<hbm>>
      %dma_start3A_87 = tpu.memref_squeeze %dma_start3A_86 : memref<1x392x16xf32, #tpu.memory_space<hbm>> -> memref<392x16xf32, #tpu.memory_space<hbm>>
      tpu.enqueue_dma source(%arg5 : memref<392x16xf32, #tpu.memory_space<vmem>>) target(%dma_start3A_87 : memref<392x16xf32, #tpu.memory_space<hbm>>) target_semaphore(%run_scoped3A : memref<!tpu.dma_semaphore, #tpu.memory_space<semaphore_mem>>)
      %dma_wait3A = arith.constant 0 : i32
      %dma_wait3A_88 = tpu.memref_slice %arg3[%arg0, %add3A_66, %dma_wait3A] : memref<2x50176x16xf32, #tpu.memory_space<hbm>> -> memref<1x392x16xf32, #tpu.memory_space<hbm>>
      %dma_wait3A_89 = tpu.memref_squeeze %dma_wait3A_88 : memref<1x392x16xf32, #tpu.memory_space<hbm>> -> memref<392x16xf32, #tpu.memory_space<hbm>>
      %dma_wait3A_90 = arith.constant 0 : i32
      %dma_wait3A_91 = tpu.memref_slice %arg3[%arg0, %add3A_66, %dma_wait3A_90] : memref<2x50176x16xf32, #tpu.memory_space<hbm>> -> memref<1x392x16xf32, #tpu.memory_space<hbm>>
      %dma_wait3A_92 = tpu.memref_squeeze %dma_wait3A_91 : memref<1x392x16xf32, #tpu.memory_space<hbm>> -> memref<392x16xf32, #tpu.memory_space<hbm>>
      tpu.wait_dma2 semaphore(%run_scoped3A : memref<!tpu.dma_semaphore, #tpu.memory_space<semaphore_mem>>) src(%arg5 : memref<392x16xf32, #tpu.memory_space<vmem>>) dst(%dma_wait3A_92 : memref<392x16xf32, #tpu.memory_space<hbm>>)
      tpu.yield
    }) : () -> ()
    %mul3A_67 = arith.constant 3136 : i32
    %mul3A_68 = arith.muli %arg1, %mul3A_67 : i32
    %add3A_69 = arith.constant 1568 : i32
    %add3A_70 = arith.addi %mul3A_68, %add3A_69 : i32
    "tpu.region"() ({
      %run_scoped3A = tpu.sem_alloc : memref<!tpu.dma_semaphore, #tpu.memory_space<semaphore_mem>>
      %dma_start3A = arith.constant 0 : i32
      %dma_start3A_83 = tpu.memref_slice %arg4[%add3A_70, %dma_start3A] : memref<50176x16xf32, #tpu.memory_space<vmem_shared>> -> memref<392x16xf32, #tpu.memory_space<vmem_shared>>
      %dma_start3A_84 = arith.constant 0 : i32
      %dma_start3A_85 = tpu.memref_slice %arg4[%add3A_70, %dma_start3A_84] : memref<50176x16xf32, #tpu.memory_space<vmem_shared>> -> memref<392x16xf32, #tpu.memory_space<vmem_shared>>
      tpu.enqueue_dma source(%dma_start3A_85 : memref<392x16xf32, #tpu.memory_space<vmem_shared>>) target(%arg5 : memref<392x16xf32, #tpu.memory_space<vmem>>) target_semaphore(%run_scoped3A : memref<!tpu.dma_semaphore, #tpu.memory_space<semaphore_mem>>)
      %dma_wait3A = arith.constant 0 : i32
      %dma_wait3A_86 = tpu.memref_slice %arg4[%add3A_70, %dma_wait3A] : memref<50176x16xf32, #tpu.memory_space<vmem_shared>> -> memref<392x16xf32, #tpu.memory_space<vmem_shared>>
      %dma_wait3A_87 = arith.constant 0 : i32
      %dma_wait3A_88 = tpu.memref_slice %arg4[%add3A_70, %dma_wait3A_87] : memref<50176x16xf32, #tpu.memory_space<vmem_shared>> -> memref<392x16xf32, #tpu.memory_space<vmem_shared>>
      tpu.wait_dma2 semaphore(%run_scoped3A : memref<!tpu.dma_semaphore, #tpu.memory_space<semaphore_mem>>) src(%dma_wait3A_88 : memref<392x16xf32, #tpu.memory_space<vmem_shared>>) dst(%arg5 : memref<392x16xf32, #tpu.memory_space<vmem>>)
      tpu.yield
    }) : () -> ()
    "tpu.region"() ({
      %run_scoped3A = tpu.sem_alloc : memref<!tpu.dma_semaphore, #tpu.memory_space<semaphore_mem>>
      %dma_start3A = arith.constant 0 : i32
      %dma_start3A_83 = tpu.memref_slice %arg3[%arg0, %add3A_70, %dma_start3A] : memref<2x50176x16xf32, #tpu.memory_space<hbm>> -> memref<1x392x16xf32, #tpu.memory_space<hbm>>
      %dma_start3A_84 = tpu.memref_squeeze %dma_start3A_83 : memref<1x392x16xf32, #tpu.memory_space<hbm>> -> memref<392x16xf32, #tpu.memory_space<hbm>>
      %dma_start3A_85 = arith.constant 0 : i32
      %dma_start3A_86 = tpu.memref_slice %arg3[%arg0, %add3A_70, %dma_start3A_85] : memref<2x50176x16xf32, #tpu.memory_space<hbm>> -> memref<1x392x16xf32, #tpu.memory_space<hbm>>
      %dma_start3A_87 = tpu.memref_squeeze %dma_start3A_86 : memref<1x392x16xf32, #tpu.memory_space<hbm>> -> memref<392x16xf32, #tpu.memory_space<hbm>>
      tpu.enqueue_dma source(%arg5 : memref<392x16xf32, #tpu.memory_space<vmem>>) target(%dma_start3A_87 : memref<392x16xf32, #tpu.memory_space<hbm>>) target_semaphore(%run_scoped3A : memref<!tpu.dma_semaphore, #tpu.memory_space<semaphore_mem>>)
      %dma_wait3A = arith.constant 0 : i32
      %dma_wait3A_88 = tpu.memref_slice %arg3[%arg0, %add3A_70, %dma_wait3A] : memref<2x50176x16xf32, #tpu.memory_space<hbm>> -> memref<1x392x16xf32, #tpu.memory_space<hbm>>
      %dma_wait3A_89 = tpu.memref_squeeze %dma_wait3A_88 : memref<1x392x16xf32, #tpu.memory_space<hbm>> -> memref<392x16xf32, #tpu.memory_space<hbm>>
      %dma_wait3A_90 = arith.constant 0 : i32
      %dma_wait3A_91 = tpu.memref_slice %arg3[%arg0, %add3A_70, %dma_wait3A_90] : memref<2x50176x16xf32, #tpu.memory_space<hbm>> -> memref<1x392x16xf32, #tpu.memory_space<hbm>>
      %dma_wait3A_92 = tpu.memref_squeeze %dma_wait3A_91 : memref<1x392x16xf32, #tpu.memory_space<hbm>> -> memref<392x16xf32, #tpu.memory_space<hbm>>
      tpu.wait_dma2 semaphore(%run_scoped3A : memref<!tpu.dma_semaphore, #tpu.memory_space<semaphore_mem>>) src(%arg5 : memref<392x16xf32, #tpu.memory_space<vmem>>) dst(%dma_wait3A_92 : memref<392x16xf32, #tpu.memory_space<hbm>>)
      tpu.yield
    }) : () -> ()
    %mul3A_71 = arith.constant 3136 : i32
    %mul3A_72 = arith.muli %arg1, %mul3A_71 : i32
    %add3A_73 = arith.constant 1960 : i32
    %add3A_74 = arith.addi %mul3A_72, %add3A_73 : i32
    "tpu.region"() ({
      %run_scoped3A = tpu.sem_alloc : memref<!tpu.dma_semaphore, #tpu.memory_space<semaphore_mem>>
      %dma_start3A = arith.constant 0 : i32
      %dma_start3A_83 = tpu.memref_slice %arg4[%add3A_74, %dma_start3A] : memref<50176x16xf32, #tpu.memory_space<vmem_shared>> -> memref<392x16xf32, #tpu.memory_space<vmem_shared>>
      %dma_start3A_84 = arith.constant 0 : i32
      %dma_start3A_85 = tpu.memref_slice %arg4[%add3A_74, %dma_start3A_84] : memref<50176x16xf32, #tpu.memory_space<vmem_shared>> -> memref<392x16xf32, #tpu.memory_space<vmem_shared>>
      tpu.enqueue_dma source(%dma_start3A_85 : memref<392x16xf32, #tpu.memory_space<vmem_shared>>) target(%arg5 : memref<392x16xf32, #tpu.memory_space<vmem>>) target_semaphore(%run_scoped3A : memref<!tpu.dma_semaphore, #tpu.memory_space<semaphore_mem>>)
      %dma_wait3A = arith.constant 0 : i32
      %dma_wait3A_86 = tpu.memref_slice %arg4[%add3A_74, %dma_wait3A] : memref<50176x16xf32, #tpu.memory_space<vmem_shared>> -> memref<392x16xf32, #tpu.memory_space<vmem_shared>>
      %dma_wait3A_87 = arith.constant 0 : i32
      %dma_wait3A_88 = tpu.memref_slice %arg4[%add3A_74, %dma_wait3A_87] : memref<50176x16xf32, #tpu.memory_space<vmem_shared>> -> memref<392x16xf32, #tpu.memory_space<vmem_shared>>
      tpu.wait_dma2 semaphore(%run_scoped3A : memref<!tpu.dma_semaphore, #tpu.memory_space<semaphore_mem>>) src(%dma_wait3A_88 : memref<392x16xf32, #tpu.memory_space<vmem_shared>>) dst(%arg5 : memref<392x16xf32, #tpu.memory_space<vmem>>)
      tpu.yield
    }) : () -> ()
    "tpu.region"() ({
      %run_scoped3A = tpu.sem_alloc : memref<!tpu.dma_semaphore, #tpu.memory_space<semaphore_mem>>
      %dma_start3A = arith.constant 0 : i32
      %dma_start3A_83 = tpu.memref_slice %arg3[%arg0, %add3A_74, %dma_start3A] : memref<2x50176x16xf32, #tpu.memory_space<hbm>> -> memref<1x392x16xf32, #tpu.memory_space<hbm>>
      %dma_start3A_84 = tpu.memref_squeeze %dma_start3A_83 : memref<1x392x16xf32, #tpu.memory_space<hbm>> -> memref<392x16xf32, #tpu.memory_space<hbm>>
      %dma_start3A_85 = arith.constant 0 : i32
      %dma_start3A_86 = tpu.memref_slice %arg3[%arg0, %add3A_74, %dma_start3A_85] : memref<2x50176x16xf32, #tpu.memory_space<hbm>> -> memref<1x392x16xf32, #tpu.memory_space<hbm>>
      %dma_start3A_87 = tpu.memref_squeeze %dma_start3A_86 : memref<1x392x16xf32, #tpu.memory_space<hbm>> -> memref<392x16xf32, #tpu.memory_space<hbm>>
      tpu.enqueue_dma source(%arg5 : memref<392x16xf32, #tpu.memory_space<vmem>>) target(%dma_start3A_87 : memref<392x16xf32, #tpu.memory_space<hbm>>) target_semaphore(%run_scoped3A : memref<!tpu.dma_semaphore, #tpu.memory_space<semaphore_mem>>)
      %dma_wait3A = arith.constant 0 : i32
      %dma_wait3A_88 = tpu.memref_slice %arg3[%arg0, %add3A_74, %dma_wait3A] : memref<2x50176x16xf32, #tpu.memory_space<hbm>> -> memref<1x392x16xf32, #tpu.memory_space<hbm>>
      %dma_wait3A_89 = tpu.memref_squeeze %dma_wait3A_88 : memref<1x392x16xf32, #tpu.memory_space<hbm>> -> memref<392x16xf32, #tpu.memory_space<hbm>>
      %dma_wait3A_90 = arith.constant 0 : i32
      %dma_wait3A_91 = tpu.memref_slice %arg3[%arg0, %add3A_74, %dma_wait3A_90] : memref<2x50176x16xf32, #tpu.memory_space<hbm>> -> memref<1x392x16xf32, #tpu.memory_space<hbm>>
      %dma_wait3A_92 = tpu.memref_squeeze %dma_wait3A_91 : memref<1x392x16xf32, #tpu.memory_space<hbm>> -> memref<392x16xf32, #tpu.memory_space<hbm>>
      tpu.wait_dma2 semaphore(%run_scoped3A : memref<!tpu.dma_semaphore, #tpu.memory_space<semaphore_mem>>) src(%arg5 : memref<392x16xf32, #tpu.memory_space<vmem>>) dst(%dma_wait3A_92 : memref<392x16xf32, #tpu.memory_space<hbm>>)
      tpu.yield
    }) : () -> ()
    %mul3A_75 = arith.constant 3136 : i32
    %mul3A_76 = arith.muli %arg1, %mul3A_75 : i32
    %add3A_77 = arith.constant 2352 : i32
    %add3A_78 = arith.addi %mul3A_76, %add3A_77 : i32
    "tpu.region"() ({
      %run_scoped3A = tpu.sem_alloc : memref<!tpu.dma_semaphore, #tpu.memory_space<semaphore_mem>>
      %dma_start3A = arith.constant 0 : i32
      %dma_start3A_83 = tpu.memref_slice %arg4[%add3A_78, %dma_start3A] : memref<50176x16xf32, #tpu.memory_space<vmem_shared>> -> memref<392x16xf32, #tpu.memory_space<vmem_shared>>
      %dma_start3A_84 = arith.constant 0 : i32
      %dma_start3A_85 = tpu.memref_slice %arg4[%add3A_78, %dma_start3A_84] : memref<50176x16xf32, #tpu.memory_space<vmem_shared>> -> memref<392x16xf32, #tpu.memory_space<vmem_shared>>
      tpu.enqueue_dma source(%dma_start3A_85 : memref<392x16xf32, #tpu.memory_space<vmem_shared>>) target(%arg5 : memref<392x16xf32, #tpu.memory_space<vmem>>) target_semaphore(%run_scoped3A : memref<!tpu.dma_semaphore, #tpu.memory_space<semaphore_mem>>)
      %dma_wait3A = arith.constant 0 : i32
      %dma_wait3A_86 = tpu.memref_slice %arg4[%add3A_78, %dma_wait3A] : memref<50176x16xf32, #tpu.memory_space<vmem_shared>> -> memref<392x16xf32, #tpu.memory_space<vmem_shared>>
      %dma_wait3A_87 = arith.constant 0 : i32
      %dma_wait3A_88 = tpu.memref_slice %arg4[%add3A_78, %dma_wait3A_87] : memref<50176x16xf32, #tpu.memory_space<vmem_shared>> -> memref<392x16xf32, #tpu.memory_space<vmem_shared>>
      tpu.wait_dma2 semaphore(%run_scoped3A : memref<!tpu.dma_semaphore, #tpu.memory_space<semaphore_mem>>) src(%dma_wait3A_88 : memref<392x16xf32, #tpu.memory_space<vmem_shared>>) dst(%arg5 : memref<392x16xf32, #tpu.memory_space<vmem>>)
      tpu.yield
    }) : () -> ()
    "tpu.region"() ({
      %run_scoped3A = tpu.sem_alloc : memref<!tpu.dma_semaphore, #tpu.memory_space<semaphore_mem>>
      %dma_start3A = arith.constant 0 : i32
      %dma_start3A_83 = tpu.memref_slice %arg3[%arg0, %add3A_78, %dma_start3A] : memref<2x50176x16xf32, #tpu.memory_space<hbm>> -> memref<1x392x16xf32, #tpu.memory_space<hbm>>
      %dma_start3A_84 = tpu.memref_squeeze %dma_start3A_83 : memref<1x392x16xf32, #tpu.memory_space<hbm>> -> memref<392x16xf32, #tpu.memory_space<hbm>>
      %dma_start3A_85 = arith.constant 0 : i32
      %dma_start3A_86 = tpu.memref_slice %arg3[%arg0, %add3A_78, %dma_start3A_85] : memref<2x50176x16xf32, #tpu.memory_space<hbm>> -> memref<1x392x16xf32, #tpu.memory_space<hbm>>
      %dma_start3A_87 = tpu.memref_squeeze %dma_start3A_86 : memref<1x392x16xf32, #tpu.memory_space<hbm>> -> memref<392x16xf32, #tpu.memory_space<hbm>>
      tpu.enqueue_dma source(%arg5 : memref<392x16xf32, #tpu.memory_space<vmem>>) target(%dma_start3A_87 : memref<392x16xf32, #tpu.memory_space<hbm>>) target_semaphore(%run_scoped3A : memref<!tpu.dma_semaphore, #tpu.memory_space<semaphore_mem>>)
      %dma_wait3A = arith.constant 0 : i32
      %dma_wait3A_88 = tpu.memref_slice %arg3[%arg0, %add3A_78, %dma_wait3A] : memref<2x50176x16xf32, #tpu.memory_space<hbm>> -> memref<1x392x16xf32, #tpu.memory_space<hbm>>
      %dma_wait3A_89 = tpu.memref_squeeze %dma_wait3A_88 : memref<1x392x16xf32, #tpu.memory_space<hbm>> -> memref<392x16xf32, #tpu.memory_space<hbm>>
      %dma_wait3A_90 = arith.constant 0 : i32
      %dma_wait3A_91 = tpu.memref_slice %arg3[%arg0, %add3A_78, %dma_wait3A_90] : memref<2x50176x16xf32, #tpu.memory_space<hbm>> -> memref<1x392x16xf32, #tpu.memory_space<hbm>>
      %dma_wait3A_92 = tpu.memref_squeeze %dma_wait3A_91 : memref<1x392x16xf32, #tpu.memory_space<hbm>> -> memref<392x16xf32, #tpu.memory_space<hbm>>
      tpu.wait_dma2 semaphore(%run_scoped3A : memref<!tpu.dma_semaphore, #tpu.memory_space<semaphore_mem>>) src(%arg5 : memref<392x16xf32, #tpu.memory_space<vmem>>) dst(%dma_wait3A_92 : memref<392x16xf32, #tpu.memory_space<hbm>>)
      tpu.yield
    }) : () -> ()
    %mul3A_79 = arith.constant 3136 : i32
    %mul3A_80 = arith.muli %arg1, %mul3A_79 : i32
    %add3A_81 = arith.constant 2744 : i32
    %add3A_82 = arith.addi %mul3A_80, %add3A_81 : i32
    "tpu.region"() ({
      %run_scoped3A = tpu.sem_alloc : memref<!tpu.dma_semaphore, #tpu.memory_space<semaphore_mem>>
      %dma_start3A = arith.constant 0 : i32
      %dma_start3A_83 = tpu.memref_slice %arg4[%add3A_82, %dma_start3A] : memref<50176x16xf32, #tpu.memory_space<vmem_shared>> -> memref<392x16xf32, #tpu.memory_space<vmem_shared>>
      %dma_start3A_84 = arith.constant 0 : i32
      %dma_start3A_85 = tpu.memref_slice %arg4[%add3A_82, %dma_start3A_84] : memref<50176x16xf32, #tpu.memory_space<vmem_shared>> -> memref<392x16xf32, #tpu.memory_space<vmem_shared>>
      tpu.enqueue_dma source(%dma_start3A_85 : memref<392x16xf32, #tpu.memory_space<vmem_shared>>) target(%arg5 : memref<392x16xf32, #tpu.memory_space<vmem>>) target_semaphore(%run_scoped3A : memref<!tpu.dma_semaphore, #tpu.memory_space<semaphore_mem>>)
      %dma_wait3A = arith.constant 0 : i32
      %dma_wait3A_86 = tpu.memref_slice %arg4[%add3A_82, %dma_wait3A] : memref<50176x16xf32, #tpu.memory_space<vmem_shared>> -> memref<392x16xf32, #tpu.memory_space<vmem_shared>>
      %dma_wait3A_87 = arith.constant 0 : i32
      %dma_wait3A_88 = tpu.memref_slice %arg4[%add3A_82, %dma_wait3A_87] : memref<50176x16xf32, #tpu.memory_space<vmem_shared>> -> memref<392x16xf32, #tpu.memory_space<vmem_shared>>
      tpu.wait_dma2 semaphore(%run_scoped3A : memref<!tpu.dma_semaphore, #tpu.memory_space<semaphore_mem>>) src(%dma_wait3A_88 : memref<392x16xf32, #tpu.memory_space<vmem_shared>>) dst(%arg5 : memref<392x16xf32, #tpu.memory_space<vmem>>)
      tpu.yield
    }) : () -> ()
    "tpu.region"() ({
      %run_scoped3A = tpu.sem_alloc : memref<!tpu.dma_semaphore, #tpu.memory_space<semaphore_mem>>
      %dma_start3A = arith.constant 0 : i32
      %dma_start3A_83 = tpu.memref_slice %arg3[%arg0, %add3A_82, %dma_start3A] : memref<2x50176x16xf32, #tpu.memory_space<hbm>> -> memref<1x392x16xf32, #tpu.memory_space<hbm>>
      %dma_start3A_84 = tpu.memref_squeeze %dma_start3A_83 : memref<1x392x16xf32, #tpu.memory_space<hbm>> -> memref<392x16xf32, #tpu.memory_space<hbm>>
      %dma_start3A_85 = arith.constant 0 : i32
      %dma_start3A_86 = tpu.memref_slice %arg3[%arg0, %add3A_82, %dma_start3A_85] : memref<2x50176x16xf32, #tpu.memory_space<hbm>> -> memref<1x392x16xf32, #tpu.memory_space<hbm>>
      %dma_start3A_87 = tpu.memref_squeeze %dma_start3A_86 : memref<1x392x16xf32, #tpu.memory_space<hbm>> -> memref<392x16xf32, #tpu.memory_space<hbm>>
      tpu.enqueue_dma source(%arg5 : memref<392x16xf32, #tpu.memory_space<vmem>>) target(%dma_start3A_87 : memref<392x16xf32, #tpu.memory_space<hbm>>) target_semaphore(%run_scoped3A : memref<!tpu.dma_semaphore, #tpu.memory_space<semaphore_mem>>)
      %dma_wait3A = arith.constant 0 : i32
      %dma_wait3A_88 = tpu.memref_slice %arg3[%arg0, %add3A_82, %dma_wait3A] : memref<2x50176x16xf32, #tpu.memory_space<hbm>> -> memref<1x392x16xf32, #tpu.memory_space<hbm>>
      %dma_wait3A_89 = tpu.memref_squeeze %dma_wait3A_88 : memref<1x392x16xf32, #tpu.memory_space<hbm>> -> memref<392x16xf32, #tpu.memory_space<hbm>>
      %dma_wait3A_90 = arith.constant 0 : i32
      %dma_wait3A_91 = tpu.memref_slice %arg3[%arg0, %add3A_82, %dma_wait3A_90] : memref<2x50176x16xf32, #tpu.memory_space<hbm>> -> memref<1x392x16xf32, #tpu.memory_space<hbm>>
      %dma_wait3A_92 = tpu.memref_squeeze %dma_wait3A_91 : memref<1x392x16xf32, #tpu.memory_space<hbm>> -> memref<392x16xf32, #tpu.memory_space<hbm>>
      tpu.wait_dma2 semaphore(%run_scoped3A : memref<!tpu.dma_semaphore, #tpu.memory_space<semaphore_mem>>) src(%arg5 : memref<392x16xf32, #tpu.memory_space<vmem>>) dst(%dma_wait3A_92 : memref<392x16xf32, #tpu.memory_space<hbm>>)
      tpu.yield
    }) : () -> ()
    return
  }
}

#map = affine_map<(d0, d1) -> (0, 0, 0)>
#map1 = affine_map<(d0, d1) -> (0, 0)>
module attributes {stable_mosaic.version = 14 : i64} {
  func.func @_main_body(%arg0: i32, %arg1: i32, %arg2: memref<2x50176x32xf32, #tpu.memory_space<hbm>>, %arg3: memref<2x50176x32xf32, #tpu.memory_space<hbm>>, %arg4: memref<50176x32xf32, #tpu.memory_space<hbm>>, %arg5: memref<50176x32xf32, #tpu.memory_space<hbm>>, %arg6: memref<7168x2x112xi32, #tpu.memory_space<hbm>>, %arg7: memref<2x50176x32xf32, #tpu.memory_space<hbm>>, %arg8: memref<2x50176x32xf32, #tpu.memory_space<hbm>>, %arg9: memref<50176x32xf32, #tpu.memory_space<vmem_shared>>, %arg10: memref<8x2x112xi32, #tpu.memory_space<vmem>>, %arg11: memref<896x32xf32, #tpu.memory_space<vmem>>, %arg12: memref<!tpu.dma_semaphore, #tpu.memory_space<semaphore_mem>>, %arg13: memref<!tpu.dma_semaphore, #tpu.memory_space<semaphore_mem>>) attributes {dimension_semantics = [#tpu.dimension_semantics<core_parallel>, #tpu.dimension_semantics<subcore_parallel>], iteration_bounds = array<i64: 2, 16>, scalar_prefetch = 0 : i64, scratch_operands = 5 : i64, tpu.core_type = #tpu.core_type<sc_vector_subcore>, window_params = [{transform_indices = #map}, {transform_indices = #map}, {transform_indices = #map1}, {transform_indices = #map1}, {transform_indices = #map}, {transform_indices = #map}, {transform_indices = #map}]} {
    %mul3A = arith.constant 16 : i32
    %mul3A_0 = arith.muli %arg0, %mul3A : i32
    %add3A = arith.addi %mul3A_0, %arg1 : i32
    %mul3A_1 = arith.constant 3136 : i32
    %mul3A_2 = arith.muli %arg1, %mul3A_1 : i32
    %scan3A = arith.constant 0 : i32
    %scan3A_3 = arith.constant 0 : i32
    %scan3A_4 = arith.constant 7 : i32
    %scan3A_5 = arith.addi %scan3A_3, %scan3A_4 : i32
    %scan3A_6 = arith.constant 1 : i32
    %scan3A_7 = scf.for %scan3A_38 = %scan3A_3 to %scan3A_5 step %scan3A_6 iter_args(%scan3A_39 = %scan3A) -> (i32)  : i32 {
      %mul3A_40 = arith.constant 448 : i32
      %mul3A_41 = arith.muli %scan3A_38, %mul3A_40 : i32
      %add3A_42 = arith.addi %mul3A_2, %mul3A_41 : i32
      "tpu.region"() ({
        %run_scoped3A = tpu.sem_alloc : memref<!tpu.dma_semaphore, #tpu.memory_space<semaphore_mem>>
        %dma_start3A = arith.constant 0 : i32
        %dma_start3A_44 = arith.constant 0 : i32
        %dma_start3A_45 = tpu.memref_slice %arg11[%dma_start3A, %dma_start3A_44] : memref<896x32xf32, #tpu.memory_space<vmem>> -> memref<448x32xf32, #tpu.memory_space<vmem>>
        %dma_start3A_46 = arith.constant 0 : i32
        %dma_start3A_47 = tpu.memref_slice %arg2[%arg0, %add3A_42, %dma_start3A_46] : memref<2x50176x32xf32, #tpu.memory_space<hbm>> -> memref<1x448x32xf32, #tpu.memory_space<hbm>>
        %dma_start3A_48 = tpu.memref_squeeze %dma_start3A_47 : memref<1x448x32xf32, #tpu.memory_space<hbm>> -> memref<448x32xf32, #tpu.memory_space<hbm>>
        %dma_start3A_49 = arith.constant 0 : i32
        %dma_start3A_50 = arith.constant 0 : i32
        %dma_start3A_51 = tpu.memref_slice %arg11[%dma_start3A_49, %dma_start3A_50] : memref<896x32xf32, #tpu.memory_space<vmem>> -> memref<448x32xf32, #tpu.memory_space<vmem>>
        %dma_start3A_52 = arith.constant 0 : i32
        %dma_start3A_53 = tpu.memref_slice %arg2[%arg0, %add3A_42, %dma_start3A_52] : memref<2x50176x32xf32, #tpu.memory_space<hbm>> -> memref<1x448x32xf32, #tpu.memory_space<hbm>>
        %dma_start3A_54 = tpu.memref_squeeze %dma_start3A_53 : memref<1x448x32xf32, #tpu.memory_space<hbm>> -> memref<448x32xf32, #tpu.memory_space<hbm>>
        tpu.enqueue_dma source(%dma_start3A_54 : memref<448x32xf32, #tpu.memory_space<hbm>>) target(%dma_start3A_51 : memref<448x32xf32, #tpu.memory_space<vmem>>) target_semaphore(%run_scoped3A : memref<!tpu.dma_semaphore, #tpu.memory_space<semaphore_mem>>)
        %dma_wait3A = arith.constant 0 : i32
        %dma_wait3A_55 = arith.constant 0 : i32
        %dma_wait3A_56 = tpu.memref_slice %arg11[%dma_wait3A, %dma_wait3A_55] : memref<896x32xf32, #tpu.memory_space<vmem>> -> memref<448x32xf32, #tpu.memory_space<vmem>>
        %dma_wait3A_57 = arith.constant 0 : i32
        %dma_wait3A_58 = tpu.memref_slice %arg2[%arg0, %add3A_42, %dma_wait3A_57] : memref<2x50176x32xf32, #tpu.memory_space<hbm>> -> memref<1x448x32xf32, #tpu.memory_space<hbm>>
        %dma_wait3A_59 = tpu.memref_squeeze %dma_wait3A_58 : memref<1x448x32xf32, #tpu.memory_space<hbm>> -> memref<448x32xf32, #tpu.memory_space<hbm>>
        %dma_wait3A_60 = arith.constant 0 : i32
        %dma_wait3A_61 = arith.constant 0 : i32
        %dma_wait3A_62 = tpu.memref_slice %arg11[%dma_wait3A_60, %dma_wait3A_61] : memref<896x32xf32, #tpu.memory_space<vmem>> -> memref<448x32xf32, #tpu.memory_space<vmem>>
        %dma_wait3A_63 = arith.constant 0 : i32
        %dma_wait3A_64 = tpu.memref_slice %arg2[%arg0, %add3A_42, %dma_wait3A_63] : memref<2x50176x32xf32, #tpu.memory_space<hbm>> -> memref<1x448x32xf32, #tpu.memory_space<hbm>>
        %dma_wait3A_65 = tpu.memref_squeeze %dma_wait3A_64 : memref<1x448x32xf32, #tpu.memory_space<hbm>> -> memref<448x32xf32, #tpu.memory_space<hbm>>
        tpu.wait_dma2 semaphore(%run_scoped3A : memref<!tpu.dma_semaphore, #tpu.memory_space<semaphore_mem>>) src(%dma_wait3A_65 : memref<448x32xf32, #tpu.memory_space<hbm>>) dst(%dma_wait3A_62 : memref<448x32xf32, #tpu.memory_space<vmem>>)
        tpu.yield
      }) : () -> ()
      "tpu.region"() ({
        %run_scoped3A = tpu.sem_alloc : memref<!tpu.dma_semaphore, #tpu.memory_space<semaphore_mem>>
        %dma_start3A = arith.constant 0 : i32
        %dma_start3A_44 = arith.constant 0 : i32
        %dma_start3A_45 = tpu.memref_slice %arg11[%dma_start3A, %dma_start3A_44] : memref<896x32xf32, #tpu.memory_space<vmem>> -> memref<448x32xf32, #tpu.memory_space<vmem>>
        %dma_start3A_46 = arith.constant 0 : i32
        %dma_start3A_47 = tpu.memref_slice %arg8[%arg0, %add3A_42, %dma_start3A_46] : memref<2x50176x32xf32, #tpu.memory_space<hbm>> -> memref<1x448x32xf32, #tpu.memory_space<hbm>>
        %dma_start3A_48 = tpu.memref_squeeze %dma_start3A_47 : memref<1x448x32xf32, #tpu.memory_space<hbm>> -> memref<448x32xf32, #tpu.memory_space<hbm>>
        %dma_start3A_49 = arith.constant 0 : i32
        %dma_start3A_50 = tpu.memref_slice %arg8[%arg0, %add3A_42, %dma_start3A_49] : memref<2x50176x32xf32, #tpu.memory_space<hbm>> -> memref<1x448x32xf32, #tpu.memory_space<hbm>>
        %dma_start3A_51 = tpu.memref_squeeze %dma_start3A_50 : memref<1x448x32xf32, #tpu.memory_space<hbm>> -> memref<448x32xf32, #tpu.memory_space<hbm>>
        %dma_start3A_52 = arith.constant 0 : i32
        %dma_start3A_53 = arith.constant 0 : i32
        %dma_start3A_54 = tpu.memref_slice %arg11[%dma_start3A_52, %dma_start3A_53] : memref<896x32xf32, #tpu.memory_space<vmem>> -> memref<448x32xf32, #tpu.memory_space<vmem>>
        tpu.enqueue_dma source(%dma_start3A_54 : memref<448x32xf32, #tpu.memory_space<vmem>>) target(%dma_start3A_51 : memref<448x32xf32, #tpu.memory_space<hbm>>) target_semaphore(%run_scoped3A : memref<!tpu.dma_semaphore, #tpu.memory_space<semaphore_mem>>)
        %dma_wait3A = arith.constant 0 : i32
        %dma_wait3A_55 = arith.constant 0 : i32
        %dma_wait3A_56 = tpu.memref_slice %arg11[%dma_wait3A, %dma_wait3A_55] : memref<896x32xf32, #tpu.memory_space<vmem>> -> memref<448x32xf32, #tpu.memory_space<vmem>>
        %dma_wait3A_57 = arith.constant 0 : i32
        %dma_wait3A_58 = tpu.memref_slice %arg8[%arg0, %add3A_42, %dma_wait3A_57] : memref<2x50176x32xf32, #tpu.memory_space<hbm>> -> memref<1x448x32xf32, #tpu.memory_space<hbm>>
        %dma_wait3A_59 = tpu.memref_squeeze %dma_wait3A_58 : memref<1x448x32xf32, #tpu.memory_space<hbm>> -> memref<448x32xf32, #tpu.memory_space<hbm>>
        %dma_wait3A_60 = arith.constant 0 : i32
        %dma_wait3A_61 = tpu.memref_slice %arg8[%arg0, %add3A_42, %dma_wait3A_60] : memref<2x50176x32xf32, #tpu.memory_space<hbm>> -> memref<1x448x32xf32, #tpu.memory_space<hbm>>
        %dma_wait3A_62 = tpu.memref_squeeze %dma_wait3A_61 : memref<1x448x32xf32, #tpu.memory_space<hbm>> -> memref<448x32xf32, #tpu.memory_space<hbm>>
        %dma_wait3A_63 = arith.constant 0 : i32
        %dma_wait3A_64 = arith.constant 0 : i32
        %dma_wait3A_65 = tpu.memref_slice %arg11[%dma_wait3A_63, %dma_wait3A_64] : memref<896x32xf32, #tpu.memory_space<vmem>> -> memref<448x32xf32, #tpu.memory_space<vmem>>
        tpu.wait_dma2 semaphore(%run_scoped3A : memref<!tpu.dma_semaphore, #tpu.memory_space<semaphore_mem>>) src(%dma_wait3A_65 : memref<448x32xf32, #tpu.memory_space<vmem>>) dst(%dma_wait3A_62 : memref<448x32xf32, #tpu.memory_space<hbm>>)
        tpu.yield
      }) : () -> ()
      %scan3A_43 = arith.constant 0 : i32
      scf.yield %scan3A_43 : i32
    }
    %scan3A_8 = arith.constant 7 : i32
    %scan3A_9 = arith.constant 0 : i32
    %scan3A_10 = arith.constant 0 : i32
    %scan3A_11 = arith.constant 7 : i32
    %scan3A_12 = arith.addi %scan3A_10, %scan3A_11 : i32
    %scan3A_13 = arith.constant 1 : i32
    %scan3A_14 = scf.for %scan3A_38 = %scan3A_10 to %scan3A_12 step %scan3A_13 iter_args(%scan3A_39 = %scan3A_9) -> (i32)  : i32 {
      %mul3A_40 = arith.constant 448 : i32
      %mul3A_41 = arith.muli %scan3A_38, %mul3A_40 : i32
      %add3A_42 = arith.addi %mul3A_2, %mul3A_41 : i32
      "tpu.region"() ({
        %run_scoped3A = tpu.sem_alloc : memref<!tpu.dma_semaphore, #tpu.memory_space<semaphore_mem>>
        %dma_start3A = arith.constant 448 : i32
        %dma_start3A_47 = arith.constant 0 : i32
        %dma_start3A_48 = tpu.memref_slice %arg11[%dma_start3A, %dma_start3A_47] : memref<896x32xf32, #tpu.memory_space<vmem>> -> memref<448x32xf32, #tpu.memory_space<vmem>>
        %dma_start3A_49 = arith.constant 0 : i32
        %dma_start3A_50 = tpu.memref_slice %arg3[%arg0, %add3A_42, %dma_start3A_49] : memref<2x50176x32xf32, #tpu.memory_space<hbm>> -> memref<1x448x32xf32, #tpu.memory_space<hbm>>
        %dma_start3A_51 = tpu.memref_squeeze %dma_start3A_50 : memref<1x448x32xf32, #tpu.memory_space<hbm>> -> memref<448x32xf32, #tpu.memory_space<hbm>>
        %dma_start3A_52 = arith.constant 448 : i32
        %dma_start3A_53 = arith.constant 0 : i32
        %dma_start3A_54 = tpu.memref_slice %arg11[%dma_start3A_52, %dma_start3A_53] : memref<896x32xf32, #tpu.memory_space<vmem>> -> memref<448x32xf32, #tpu.memory_space<vmem>>
        %dma_start3A_55 = arith.constant 0 : i32
        %dma_start3A_56 = tpu.memref_slice %arg3[%arg0, %add3A_42, %dma_start3A_55] : memref<2x50176x32xf32, #tpu.memory_space<hbm>> -> memref<1x448x32xf32, #tpu.memory_space<hbm>>
        %dma_start3A_57 = tpu.memref_squeeze %dma_start3A_56 : memref<1x448x32xf32, #tpu.memory_space<hbm>> -> memref<448x32xf32, #tpu.memory_space<hbm>>
        tpu.enqueue_dma source(%dma_start3A_57 : memref<448x32xf32, #tpu.memory_space<hbm>>) target(%dma_start3A_54 : memref<448x32xf32, #tpu.memory_space<vmem>>) target_semaphore(%run_scoped3A : memref<!tpu.dma_semaphore, #tpu.memory_space<semaphore_mem>>)
        %dma_wait3A = arith.constant 448 : i32
        %dma_wait3A_58 = arith.constant 0 : i32
        %dma_wait3A_59 = tpu.memref_slice %arg11[%dma_wait3A, %dma_wait3A_58] : memref<896x32xf32, #tpu.memory_space<vmem>> -> memref<448x32xf32, #tpu.memory_space<vmem>>
        %dma_wait3A_60 = arith.constant 0 : i32
        %dma_wait3A_61 = tpu.memref_slice %arg3[%arg0, %add3A_42, %dma_wait3A_60] : memref<2x50176x32xf32, #tpu.memory_space<hbm>> -> memref<1x448x32xf32, #tpu.memory_space<hbm>>
        %dma_wait3A_62 = tpu.memref_squeeze %dma_wait3A_61 : memref<1x448x32xf32, #tpu.memory_space<hbm>> -> memref<448x32xf32, #tpu.memory_space<hbm>>
        %dma_wait3A_63 = arith.constant 448 : i32
        %dma_wait3A_64 = arith.constant 0 : i32
        %dma_wait3A_65 = tpu.memref_slice %arg11[%dma_wait3A_63, %dma_wait3A_64] : memref<896x32xf32, #tpu.memory_space<vmem>> -> memref<448x32xf32, #tpu.memory_space<vmem>>
        %dma_wait3A_66 = arith.constant 0 : i32
        %dma_wait3A_67 = tpu.memref_slice %arg3[%arg0, %add3A_42, %dma_wait3A_66] : memref<2x50176x32xf32, #tpu.memory_space<hbm>> -> memref<1x448x32xf32, #tpu.memory_space<hbm>>
        %dma_wait3A_68 = tpu.memref_squeeze %dma_wait3A_67 : memref<1x448x32xf32, #tpu.memory_space<hbm>> -> memref<448x32xf32, #tpu.memory_space<hbm>>
        tpu.wait_dma2 semaphore(%run_scoped3A : memref<!tpu.dma_semaphore, #tpu.memory_space<semaphore_mem>>) src(%dma_wait3A_68 : memref<448x32xf32, #tpu.memory_space<hbm>>) dst(%dma_wait3A_65 : memref<448x32xf32, #tpu.memory_space<vmem>>)
        tpu.yield
      }) : () -> ()
      %mul3A_43 = arith.constant 448 : i32
      %mul3A_44 = arith.muli %scan3A_38, %mul3A_43 : i32
      %add3A_45 = arith.addi %mul3A_2, %mul3A_44 : i32
      "tpu.region"() ({
        %run_scoped3A = tpu.sem_alloc : memref<!tpu.dma_semaphore, #tpu.memory_space<semaphore_mem>>
        %dma_start3A = arith.constant 448 : i32
        %dma_start3A_47 = arith.constant 0 : i32
        %dma_start3A_48 = tpu.memref_slice %arg11[%dma_start3A, %dma_start3A_47] : memref<896x32xf32, #tpu.memory_space<vmem>> -> memref<448x32xf32, #tpu.memory_space<vmem>>
        %dma_start3A_49 = arith.constant 0 : i32
        %dma_start3A_50 = tpu.memref_slice %arg9[%add3A_45, %dma_start3A_49] : memref<50176x32xf32, #tpu.memory_space<vmem_shared>> -> memref<448x32xf32, #tpu.memory_space<vmem_shared>>
        %dma_start3A_51 = arith.constant 0 : i32
        %dma_start3A_52 = tpu.memref_slice %arg9[%add3A_45, %dma_start3A_51] : memref<50176x32xf32, #tpu.memory_space<vmem_shared>> -> memref<448x32xf32, #tpu.memory_space<vmem_shared>>
        %dma_start3A_53 = arith.constant 448 : i32
        %dma_start3A_54 = arith.constant 0 : i32
        %dma_start3A_55 = tpu.memref_slice %arg11[%dma_start3A_53, %dma_start3A_54] : memref<896x32xf32, #tpu.memory_space<vmem>> -> memref<448x32xf32, #tpu.memory_space<vmem>>
        tpu.enqueue_dma source(%dma_start3A_55 : memref<448x32xf32, #tpu.memory_space<vmem>>) target(%dma_start3A_52 : memref<448x32xf32, #tpu.memory_space<vmem_shared>>) target_semaphore(%run_scoped3A : memref<!tpu.dma_semaphore, #tpu.memory_space<semaphore_mem>>)
        %dma_wait3A = arith.constant 448 : i32
        %dma_wait3A_56 = arith.constant 0 : i32
        %dma_wait3A_57 = tpu.memref_slice %arg11[%dma_wait3A, %dma_wait3A_56] : memref<896x32xf32, #tpu.memory_space<vmem>> -> memref<448x32xf32, #tpu.memory_space<vmem>>
        %dma_wait3A_58 = arith.constant 0 : i32
        %dma_wait3A_59 = tpu.memref_slice %arg9[%add3A_45, %dma_wait3A_58] : memref<50176x32xf32, #tpu.memory_space<vmem_shared>> -> memref<448x32xf32, #tpu.memory_space<vmem_shared>>
        %dma_wait3A_60 = arith.constant 0 : i32
        %dma_wait3A_61 = tpu.memref_slice %arg9[%add3A_45, %dma_wait3A_60] : memref<50176x32xf32, #tpu.memory_space<vmem_shared>> -> memref<448x32xf32, #tpu.memory_space<vmem_shared>>
        %dma_wait3A_62 = arith.constant 448 : i32
        %dma_wait3A_63 = arith.constant 0 : i32
        %dma_wait3A_64 = tpu.memref_slice %arg11[%dma_wait3A_62, %dma_wait3A_63] : memref<896x32xf32, #tpu.memory_space<vmem>> -> memref<448x32xf32, #tpu.memory_space<vmem>>
        tpu.wait_dma2 semaphore(%run_scoped3A : memref<!tpu.dma_semaphore, #tpu.memory_space<semaphore_mem>>) src(%dma_wait3A_64 : memref<448x32xf32, #tpu.memory_space<vmem>>) dst(%dma_wait3A_61 : memref<448x32xf32, #tpu.memory_space<vmem_shared>>)
        tpu.yield
      }) : () -> ()
      %scan3A_46 = arith.constant 0 : i32
      scf.yield %scan3A_46 : i32
    }
    %scan3A_15 = arith.constant 7 : i32
    %barrier3A = arith.constant 0 : index
    tpu.barrier barrier_id(%barrier3A)
    %scan3A_16 = arith.constant 0 : i32
    %scan3A_17 = arith.constant 0 : i32
    %scan3A_18 = arith.constant 9 : i32
    %scan3A_19 = arith.addi %scan3A_17, %scan3A_18 : i32
    %scan3A_20 = arith.constant 1 : i32
    %scan3A_21 = scf.for %scan3A_38 = %scan3A_17 to %scan3A_19 step %scan3A_20 iter_args(%scan3A_39 = %scan3A_16) -> (i32)  : i32 {
      "tpu.trace_start"() <{level = 10 : i32, message = "edge_scatter"}> : () -> ()
      %scan3A_40 = arith.constant 0 : i32
      %scan3A_41 = arith.constant 0 : i32
      %scan3A_42 = arith.constant 56 : i32
      %scan3A_43 = arith.addi %scan3A_41, %scan3A_42 : i32
      %scan3A_44 = arith.constant 1 : i32
      %scan3A_45 = scf.for %scan3A_57 = %scan3A_41 to %scan3A_43 step %scan3A_44 iter_args(%scan3A_58 = %scan3A_40) -> (i32)  : i32 {
        %mul3A_59 = arith.constant 448 : i32
        %mul3A_60 = arith.muli %arg1, %mul3A_59 : i32
        %mul3A_61 = arith.constant 8 : i32
        %mul3A_62 = arith.muli %scan3A_57, %mul3A_61 : i32
        %add3A_63 = arith.addi %mul3A_60, %mul3A_62 : i32
        "tpu.region"() ({
          %run_scoped3A = tpu.sem_alloc : memref<!tpu.dma_semaphore, #tpu.memory_space<semaphore_mem>>
          %dma_start3A_479 = arith.constant 0 : i32
          %dma_start3A_480 = arith.constant 0 : i32
          %dma_start3A_481 = tpu.memref_slice %arg6[%add3A_63, %dma_start3A_479, %dma_start3A_480] : memref<7168x2x112xi32, #tpu.memory_space<hbm>> -> memref<8x2x112xi32, #tpu.memory_space<hbm>>
          %dma_start3A_482 = arith.constant 0 : i32
          %dma_start3A_483 = arith.constant 0 : i32
          %dma_start3A_484 = tpu.memref_slice %arg6[%add3A_63, %dma_start3A_482, %dma_start3A_483] : memref<7168x2x112xi32, #tpu.memory_space<hbm>> -> memref<8x2x112xi32, #tpu.memory_space<hbm>>
          tpu.enqueue_dma source(%dma_start3A_484 : memref<8x2x112xi32, #tpu.memory_space<hbm>>) target(%arg10 : memref<8x2x112xi32, #tpu.memory_space<vmem>>) target_semaphore(%run_scoped3A : memref<!tpu.dma_semaphore, #tpu.memory_space<semaphore_mem>>)
          %dma_wait3A_485 = arith.constant 0 : i32
          %dma_wait3A_486 = arith.constant 0 : i32
          %dma_wait3A_487 = tpu.memref_slice %arg6[%add3A_63, %dma_wait3A_485, %dma_wait3A_486] : memref<7168x2x112xi32, #tpu.memory_space<hbm>> -> memref<8x2x112xi32, #tpu.memory_space<hbm>>
          %dma_wait3A_488 = arith.constant 0 : i32
          %dma_wait3A_489 = arith.constant 0 : i32
          %dma_wait3A_490 = tpu.memref_slice %arg6[%add3A_63, %dma_wait3A_488, %dma_wait3A_489] : memref<7168x2x112xi32, #tpu.memory_space<hbm>> -> memref<8x2x112xi32, #tpu.memory_space<hbm>>
          tpu.wait_dma2 semaphore(%run_scoped3A : memref<!tpu.dma_semaphore, #tpu.memory_space<semaphore_mem>>) src(%dma_wait3A_490 : memref<8x2x112xi32, #tpu.memory_space<hbm>>) dst(%arg10 : memref<8x2x112xi32, #tpu.memory_space<vmem>>)
          tpu.yield
        }) : () -> ()
        %dma_start3A = arith.constant 0 : i32
        %dma_start3A_64 = arith.constant 0 : i32
        %dma_start3A_65 = arith.constant 0 : i32
        %dma_start3A_66 = arith.constant 0 : i32
        %dma_start3A_67 = tpu.memref_slice %arg11[%dma_start3A_65, %dma_start3A_66] : memref<896x32xf32, #tpu.memory_space<vmem>> -> memref<112x32xf32, #tpu.memory_space<vmem>>
        %dma_start3A_68 = arith.constant 0 : i32
        %dma_start3A_69 = tpu.memref_slice %arg10[%dma_start3A, %dma_start3A_64, %dma_start3A_68] : memref<8x2x112xi32, #tpu.memory_space<vmem>> -> memref<1x1x112xi32, #tpu.memory_space<vmem>>
        %dma_start3A_70 = tpu.memref_squeeze %dma_start3A_69 : memref<1x1x112xi32, #tpu.memory_space<vmem>> -> memref<112xi32, #tpu.memory_space<vmem>>
        %dma_start3A_71 = arith.constant 0 : i32
        %dma_start3A_72 = arith.constant 0 : i32
        %dma_start3A_73 = tpu.memref_slice %arg8[%arg0, %dma_start3A_71, %dma_start3A_72] : memref<2x50176x32xf32, #tpu.memory_space<hbm>> -> memref<1x50176x32xf32, #tpu.memory_space<hbm>>
        %dma_start3A_74 = tpu.memref_squeeze %dma_start3A_73 : memref<1x50176x32xf32, #tpu.memory_space<hbm>> -> memref<50176x32xf32, #tpu.memory_space<hbm>>
        %dma_start3A_75 = arith.constant 0 : i32
        %dma_start3A_76 = arith.constant 0 : i32
        %dma_start3A_77 = tpu.memref_slice %dma_start3A_74[%dma_start3A_75, %dma_start3A_76] : memref<50176x32xf32, #tpu.memory_space<hbm>> -> memref<50176x32xf32, #tpu.memory_space<hbm>>
        tpu.enqueue_indirect_dma source(%dma_start3A_77 : memref<50176x32xf32, #tpu.memory_space<hbm>>) target(%dma_start3A_67 : memref<112x32xf32, #tpu.memory_space<vmem>>) offsets(%dma_start3A_70 : memref<112xi32, #tpu.memory_space<vmem>>) semaphore(%arg12 : memref<!tpu.dma_semaphore, #tpu.memory_space<semaphore_mem>>)
        %dma_start3A_78 = arith.constant 1 : i32
        %dma_start3A_79 = arith.constant 0 : i32
        %dma_start3A_80 = arith.constant 112 : i32
        %dma_start3A_81 = arith.constant 0 : i32
        %dma_start3A_82 = tpu.memref_slice %arg11[%dma_start3A_80, %dma_start3A_81] : memref<896x32xf32, #tpu.memory_space<vmem>> -> memref<112x32xf32, #tpu.memory_space<vmem>>
        %dma_start3A_83 = arith.constant 0 : i32
        %dma_start3A_84 = tpu.memref_slice %arg10[%dma_start3A_78, %dma_start3A_79, %dma_start3A_83] : memref<8x2x112xi32, #tpu.memory_space<vmem>> -> memref<1x1x112xi32, #tpu.memory_space<vmem>>
        %dma_start3A_85 = tpu.memref_squeeze %dma_start3A_84 : memref<1x1x112xi32, #tpu.memory_space<vmem>> -> memref<112xi32, #tpu.memory_space<vmem>>
        %dma_start3A_86 = arith.constant 0 : i32
        %dma_start3A_87 = arith.constant 0 : i32
        %dma_start3A_88 = tpu.memref_slice %arg8[%arg0, %dma_start3A_86, %dma_start3A_87] : memref<2x50176x32xf32, #tpu.memory_space<hbm>> -> memref<1x50176x32xf32, #tpu.memory_space<hbm>>
        %dma_start3A_89 = tpu.memref_squeeze %dma_start3A_88 : memref<1x50176x32xf32, #tpu.memory_space<hbm>> -> memref<50176x32xf32, #tpu.memory_space<hbm>>
        %dma_start3A_90 = arith.constant 0 : i32
        %dma_start3A_91 = arith.constant 0 : i32
        %dma_start3A_92 = tpu.memref_slice %dma_start3A_89[%dma_start3A_90, %dma_start3A_91] : memref<50176x32xf32, #tpu.memory_space<hbm>> -> memref<50176x32xf32, #tpu.memory_space<hbm>>
        tpu.enqueue_indirect_dma source(%dma_start3A_92 : memref<50176x32xf32, #tpu.memory_space<hbm>>) target(%dma_start3A_82 : memref<112x32xf32, #tpu.memory_space<vmem>>) offsets(%dma_start3A_85 : memref<112xi32, #tpu.memory_space<vmem>>) semaphore(%arg12 : memref<!tpu.dma_semaphore, #tpu.memory_space<semaphore_mem>>)
        %dma_start3A_93 = arith.constant 2 : i32
        %dma_start3A_94 = arith.constant 0 : i32
        %dma_start3A_95 = arith.constant 224 : i32
        %dma_start3A_96 = arith.constant 0 : i32
        %dma_start3A_97 = tpu.memref_slice %arg11[%dma_start3A_95, %dma_start3A_96] : memref<896x32xf32, #tpu.memory_space<vmem>> -> memref<112x32xf32, #tpu.memory_space<vmem>>
        %dma_start3A_98 = arith.constant 0 : i32
        %dma_start3A_99 = tpu.memref_slice %arg10[%dma_start3A_93, %dma_start3A_94, %dma_start3A_98] : memref<8x2x112xi32, #tpu.memory_space<vmem>> -> memref<1x1x112xi32, #tpu.memory_space<vmem>>
        %dma_start3A_100 = tpu.memref_squeeze %dma_start3A_99 : memref<1x1x112xi32, #tpu.memory_space<vmem>> -> memref<112xi32, #tpu.memory_space<vmem>>
        %dma_start3A_101 = arith.constant 0 : i32
        %dma_start3A_102 = arith.constant 0 : i32
        %dma_start3A_103 = tpu.memref_slice %arg8[%arg0, %dma_start3A_101, %dma_start3A_102] : memref<2x50176x32xf32, #tpu.memory_space<hbm>> -> memref<1x50176x32xf32, #tpu.memory_space<hbm>>
        %dma_start3A_104 = tpu.memref_squeeze %dma_start3A_103 : memref<1x50176x32xf32, #tpu.memory_space<hbm>> -> memref<50176x32xf32, #tpu.memory_space<hbm>>
        %dma_start3A_105 = arith.constant 0 : i32
        %dma_start3A_106 = arith.constant 0 : i32
        %dma_start3A_107 = tpu.memref_slice %dma_start3A_104[%dma_start3A_105, %dma_start3A_106] : memref<50176x32xf32, #tpu.memory_space<hbm>> -> memref<50176x32xf32, #tpu.memory_space<hbm>>
        tpu.enqueue_indirect_dma source(%dma_start3A_107 : memref<50176x32xf32, #tpu.memory_space<hbm>>) target(%dma_start3A_97 : memref<112x32xf32, #tpu.memory_space<vmem>>) offsets(%dma_start3A_100 : memref<112xi32, #tpu.memory_space<vmem>>) semaphore(%arg12 : memref<!tpu.dma_semaphore, #tpu.memory_space<semaphore_mem>>)
        %dma_start3A_108 = arith.constant 3 : i32
        %dma_start3A_109 = arith.constant 0 : i32
        %dma_start3A_110 = arith.constant 336 : i32
        %dma_start3A_111 = arith.constant 0 : i32
        %dma_start3A_112 = tpu.memref_slice %arg11[%dma_start3A_110, %dma_start3A_111] : memref<896x32xf32, #tpu.memory_space<vmem>> -> memref<112x32xf32, #tpu.memory_space<vmem>>
        %dma_start3A_113 = arith.constant 0 : i32
        %dma_start3A_114 = tpu.memref_slice %arg10[%dma_start3A_108, %dma_start3A_109, %dma_start3A_113] : memref<8x2x112xi32, #tpu.memory_space<vmem>> -> memref<1x1x112xi32, #tpu.memory_space<vmem>>
        %dma_start3A_115 = tpu.memref_squeeze %dma_start3A_114 : memref<1x1x112xi32, #tpu.memory_space<vmem>> -> memref<112xi32, #tpu.memory_space<vmem>>
        %dma_start3A_116 = arith.constant 0 : i32
        %dma_start3A_117 = arith.constant 0 : i32
        %dma_start3A_118 = tpu.memref_slice %arg8[%arg0, %dma_start3A_116, %dma_start3A_117] : memref<2x50176x32xf32, #tpu.memory_space<hbm>> -> memref<1x50176x32xf32, #tpu.memory_space<hbm>>
        %dma_start3A_119 = tpu.memref_squeeze %dma_start3A_118 : memref<1x50176x32xf32, #tpu.memory_space<hbm>> -> memref<50176x32xf32, #tpu.memory_space<hbm>>
        %dma_start3A_120 = arith.constant 0 : i32
        %dma_start3A_121 = arith.constant 0 : i32
        %dma_start3A_122 = tpu.memref_slice %dma_start3A_119[%dma_start3A_120, %dma_start3A_121] : memref<50176x32xf32, #tpu.memory_space<hbm>> -> memref<50176x32xf32, #tpu.memory_space<hbm>>
        tpu.enqueue_indirect_dma source(%dma_start3A_122 : memref<50176x32xf32, #tpu.memory_space<hbm>>) target(%dma_start3A_112 : memref<112x32xf32, #tpu.memory_space<vmem>>) offsets(%dma_start3A_115 : memref<112xi32, #tpu.memory_space<vmem>>) semaphore(%arg12 : memref<!tpu.dma_semaphore, #tpu.memory_space<semaphore_mem>>)
        %dma_start3A_123 = arith.constant 4 : i32
        %dma_start3A_124 = arith.constant 0 : i32
        %dma_start3A_125 = arith.constant 448 : i32
        %dma_start3A_126 = arith.constant 0 : i32
        %dma_start3A_127 = tpu.memref_slice %arg11[%dma_start3A_125, %dma_start3A_126] : memref<896x32xf32, #tpu.memory_space<vmem>> -> memref<112x32xf32, #tpu.memory_space<vmem>>
        %dma_start3A_128 = arith.constant 0 : i32
        %dma_start3A_129 = tpu.memref_slice %arg10[%dma_start3A_123, %dma_start3A_124, %dma_start3A_128] : memref<8x2x112xi32, #tpu.memory_space<vmem>> -> memref<1x1x112xi32, #tpu.memory_space<vmem>>
        %dma_start3A_130 = tpu.memref_squeeze %dma_start3A_129 : memref<1x1x112xi32, #tpu.memory_space<vmem>> -> memref<112xi32, #tpu.memory_space<vmem>>
        %dma_start3A_131 = arith.constant 0 : i32
        %dma_start3A_132 = arith.constant 0 : i32
        %dma_start3A_133 = tpu.memref_slice %arg8[%arg0, %dma_start3A_131, %dma_start3A_132] : memref<2x50176x32xf32, #tpu.memory_space<hbm>> -> memref<1x50176x32xf32, #tpu.memory_space<hbm>>
        %dma_start3A_134 = tpu.memref_squeeze %dma_start3A_133 : memref<1x50176x32xf32, #tpu.memory_space<hbm>> -> memref<50176x32xf32, #tpu.memory_space<hbm>>
        %dma_start3A_135 = arith.constant 0 : i32
        %dma_start3A_136 = arith.constant 0 : i32
        %dma_start3A_137 = tpu.memref_slice %dma_start3A_134[%dma_start3A_135, %dma_start3A_136] : memref<50176x32xf32, #tpu.memory_space<hbm>> -> memref<50176x32xf32, #tpu.memory_space<hbm>>
        tpu.enqueue_indirect_dma source(%dma_start3A_137 : memref<50176x32xf32, #tpu.memory_space<hbm>>) target(%dma_start3A_127 : memref<112x32xf32, #tpu.memory_space<vmem>>) offsets(%dma_start3A_130 : memref<112xi32, #tpu.memory_space<vmem>>) semaphore(%arg12 : memref<!tpu.dma_semaphore, #tpu.memory_space<semaphore_mem>>)
        %dma_start3A_138 = arith.constant 5 : i32
        %dma_start3A_139 = arith.constant 0 : i32
        %dma_start3A_140 = arith.constant 560 : i32
        %dma_start3A_141 = arith.constant 0 : i32
        %dma_start3A_142 = tpu.memref_slice %arg11[%dma_start3A_140, %dma_start3A_141] : memref<896x32xf32, #tpu.memory_space<vmem>> -> memref<112x32xf32, #tpu.memory_space<vmem>>
        %dma_start3A_143 = arith.constant 0 : i32
        %dma_start3A_144 = tpu.memref_slice %arg10[%dma_start3A_138, %dma_start3A_139, %dma_start3A_143] : memref<8x2x112xi32, #tpu.memory_space<vmem>> -> memref<1x1x112xi32, #tpu.memory_space<vmem>>
        %dma_start3A_145 = tpu.memref_squeeze %dma_start3A_144 : memref<1x1x112xi32, #tpu.memory_space<vmem>> -> memref<112xi32, #tpu.memory_space<vmem>>
        %dma_start3A_146 = arith.constant 0 : i32
        %dma_start3A_147 = arith.constant 0 : i32
        %dma_start3A_148 = tpu.memref_slice %arg8[%arg0, %dma_start3A_146, %dma_start3A_147] : memref<2x50176x32xf32, #tpu.memory_space<hbm>> -> memref<1x50176x32xf32, #tpu.memory_space<hbm>>
        %dma_start3A_149 = tpu.memref_squeeze %dma_start3A_148 : memref<1x50176x32xf32, #tpu.memory_space<hbm>> -> memref<50176x32xf32, #tpu.memory_space<hbm>>
        %dma_start3A_150 = arith.constant 0 : i32
        %dma_start3A_151 = arith.constant 0 : i32
        %dma_start3A_152 = tpu.memref_slice %dma_start3A_149[%dma_start3A_150, %dma_start3A_151] : memref<50176x32xf32, #tpu.memory_space<hbm>> -> memref<50176x32xf32, #tpu.memory_space<hbm>>
        tpu.enqueue_indirect_dma source(%dma_start3A_152 : memref<50176x32xf32, #tpu.memory_space<hbm>>) target(%dma_start3A_142 : memref<112x32xf32, #tpu.memory_space<vmem>>) offsets(%dma_start3A_145 : memref<112xi32, #tpu.memory_space<vmem>>) semaphore(%arg12 : memref<!tpu.dma_semaphore, #tpu.memory_space<semaphore_mem>>)
        %dma_start3A_153 = arith.constant 6 : i32
        %dma_start3A_154 = arith.constant 0 : i32
        %dma_start3A_155 = arith.constant 672 : i32
        %dma_start3A_156 = arith.constant 0 : i32
        %dma_start3A_157 = tpu.memref_slice %arg11[%dma_start3A_155, %dma_start3A_156] : memref<896x32xf32, #tpu.memory_space<vmem>> -> memref<112x32xf32, #tpu.memory_space<vmem>>
        %dma_start3A_158 = arith.constant 0 : i32
        %dma_start3A_159 = tpu.memref_slice %arg10[%dma_start3A_153, %dma_start3A_154, %dma_start3A_158] : memref<8x2x112xi32, #tpu.memory_space<vmem>> -> memref<1x1x112xi32, #tpu.memory_space<vmem>>
        %dma_start3A_160 = tpu.memref_squeeze %dma_start3A_159 : memref<1x1x112xi32, #tpu.memory_space<vmem>> -> memref<112xi32, #tpu.memory_space<vmem>>
        %dma_start3A_161 = arith.constant 0 : i32
        %dma_start3A_162 = arith.constant 0 : i32
        %dma_start3A_163 = tpu.memref_slice %arg8[%arg0, %dma_start3A_161, %dma_start3A_162] : memref<2x50176x32xf32, #tpu.memory_space<hbm>> -> memref<1x50176x32xf32, #tpu.memory_space<hbm>>
        %dma_start3A_164 = tpu.memref_squeeze %dma_start3A_163 : memref<1x50176x32xf32, #tpu.memory_space<hbm>> -> memref<50176x32xf32, #tpu.memory_space<hbm>>
        %dma_start3A_165 = arith.constant 0 : i32
        %dma_start3A_166 = arith.constant 0 : i32
        %dma_start3A_167 = tpu.memref_slice %dma_start3A_164[%dma_start3A_165, %dma_start3A_166] : memref<50176x32xf32, #tpu.memory_space<hbm>> -> memref<50176x32xf32, #tpu.memory_space<hbm>>
        tpu.enqueue_indirect_dma source(%dma_start3A_167 : memref<50176x32xf32, #tpu.memory_space<hbm>>) target(%dma_start3A_157 : memref<112x32xf32, #tpu.memory_space<vmem>>) offsets(%dma_start3A_160 : memref<112xi32, #tpu.memory_space<vmem>>) semaphore(%arg12 : memref<!tpu.dma_semaphore, #tpu.memory_space<semaphore_mem>>)
        %dma_start3A_168 = arith.constant 7 : i32
        %dma_start3A_169 = arith.constant 0 : i32
        %dma_start3A_170 = arith.constant 784 : i32
        %dma_start3A_171 = arith.constant 0 : i32
        %dma_start3A_172 = tpu.memref_slice %arg11[%dma_start3A_170, %dma_start3A_171] : memref<896x32xf32, #tpu.memory_space<vmem>> -> memref<112x32xf32, #tpu.memory_space<vmem>>
        %dma_start3A_173 = arith.constant 0 : i32
        %dma_start3A_174 = tpu.memref_slice %arg10[%dma_start3A_168, %dma_start3A_169, %dma_start3A_173] : memref<8x2x112xi32, #tpu.memory_space<vmem>> -> memref<1x1x112xi32, #tpu.memory_space<vmem>>
        %dma_start3A_175 = tpu.memref_squeeze %dma_start3A_174 : memref<1x1x112xi32, #tpu.memory_space<vmem>> -> memref<112xi32, #tpu.memory_space<vmem>>
        %dma_start3A_176 = arith.constant 0 : i32
        %dma_start3A_177 = arith.constant 0 : i32
        %dma_start3A_178 = tpu.memref_slice %arg8[%arg0, %dma_start3A_176, %dma_start3A_177] : memref<2x50176x32xf32, #tpu.memory_space<hbm>> -> memref<1x50176x32xf32, #tpu.memory_space<hbm>>
        %dma_start3A_179 = tpu.memref_squeeze %dma_start3A_178 : memref<1x50176x32xf32, #tpu.memory_space<hbm>> -> memref<50176x32xf32, #tpu.memory_space<hbm>>
        %dma_start3A_180 = arith.constant 0 : i32
        %dma_start3A_181 = arith.constant 0 : i32
        %dma_start3A_182 = tpu.memref_slice %dma_start3A_179[%dma_start3A_180, %dma_start3A_181] : memref<50176x32xf32, #tpu.memory_space<hbm>> -> memref<50176x32xf32, #tpu.memory_space<hbm>>
        tpu.enqueue_indirect_dma source(%dma_start3A_182 : memref<50176x32xf32, #tpu.memory_space<hbm>>) target(%dma_start3A_172 : memref<112x32xf32, #tpu.memory_space<vmem>>) offsets(%dma_start3A_175 : memref<112xi32, #tpu.memory_space<vmem>>) semaphore(%arg12 : memref<!tpu.dma_semaphore, #tpu.memory_space<semaphore_mem>>)
        %dma_wait3A = arith.constant 0 : i32
        %dma_wait3A_183 = arith.constant 0 : i32
        %dma_wait3A_184 = arith.constant 0 : i32
        %dma_wait3A_185 = arith.constant 0 : i32
        %dma_wait3A_186 = tpu.memref_slice %arg11[%dma_wait3A_184, %dma_wait3A_185] : memref<896x32xf32, #tpu.memory_space<vmem>> -> memref<112x32xf32, #tpu.memory_space<vmem>>
        %dma_wait3A_187 = arith.constant 0 : i32
        %dma_wait3A_188 = tpu.memref_slice %arg10[%dma_wait3A, %dma_wait3A_183, %dma_wait3A_187] : memref<8x2x112xi32, #tpu.memory_space<vmem>> -> memref<1x1x112xi32, #tpu.memory_space<vmem>>
        %dma_wait3A_189 = tpu.memref_squeeze %dma_wait3A_188 : memref<1x1x112xi32, #tpu.memory_space<vmem>> -> memref<112xi32, #tpu.memory_space<vmem>>
        %dma_wait3A_190 = arith.constant 0 : i32
        %dma_wait3A_191 = arith.constant 0 : i32
        %dma_wait3A_192 = tpu.memref_slice %arg8[%arg0, %dma_wait3A_190, %dma_wait3A_191] : memref<2x50176x32xf32, #tpu.memory_space<hbm>> -> memref<1x50176x32xf32, #tpu.memory_space<hbm>>
        %dma_wait3A_193 = tpu.memref_squeeze %dma_wait3A_192 : memref<1x50176x32xf32, #tpu.memory_space<hbm>> -> memref<50176x32xf32, #tpu.memory_space<hbm>>
        %dma_wait3A_194 = arith.constant 0 : i32
        %dma_wait3A_195 = arith.constant 0 : i32
        %dma_wait3A_196 = tpu.memref_slice %dma_wait3A_193[%dma_wait3A_194, %dma_wait3A_195] : memref<50176x32xf32, #tpu.memory_space<hbm>> -> memref<50176x32xf32, #tpu.memory_space<hbm>>
        tpu.wait_indirect_dma semaphore(%arg12 : memref<!tpu.dma_semaphore, #tpu.memory_space<semaphore_mem>>) src(%dma_wait3A_196 : memref<50176x32xf32, #tpu.memory_space<hbm>>) dst(%dma_wait3A_186 : memref<112x32xf32, #tpu.memory_space<vmem>>)
        %dma_start3A_197 = arith.constant 0 : i32
        %dma_start3A_198 = arith.constant 1 : i32
        %dma_start3A_199 = arith.constant 0 : i32
        %dma_start3A_200 = arith.constant 0 : i32
        %dma_start3A_201 = tpu.memref_slice %arg11[%dma_start3A_199, %dma_start3A_200] : memref<896x32xf32, #tpu.memory_space<vmem>> -> memref<112x32xf32, #tpu.memory_space<vmem>>
        %dma_start3A_202 = arith.constant 0 : i32
        %dma_start3A_203 = tpu.memref_slice %arg10[%dma_start3A_197, %dma_start3A_198, %dma_start3A_202] : memref<8x2x112xi32, #tpu.memory_space<vmem>> -> memref<1x1x112xi32, #tpu.memory_space<vmem>>
        %dma_start3A_204 = tpu.memref_squeeze %dma_start3A_203 : memref<1x1x112xi32, #tpu.memory_space<vmem>> -> memref<112xi32, #tpu.memory_space<vmem>>
        %dma_start3A_205 = arith.constant 0 : i32
        %dma_start3A_206 = arith.constant 0 : i32
        %dma_start3A_207 = tpu.memref_slice %arg9[%dma_start3A_205, %dma_start3A_206] : memref<50176x32xf32, #tpu.memory_space<vmem_shared>> -> memref<50176x32xf32, #tpu.memory_space<vmem_shared>>
        tpu.enqueue_indirect_dma source(%dma_start3A_201 : memref<112x32xf32, #tpu.memory_space<vmem>>) target(%dma_start3A_207 : memref<50176x32xf32, #tpu.memory_space<vmem_shared>>) offsets(%dma_start3A_204 : memref<112xi32, #tpu.memory_space<vmem>>) semaphore(%arg13 : memref<!tpu.dma_semaphore, #tpu.memory_space<semaphore_mem>>) {add = true}
        %dma_wait3A_208 = arith.constant 1 : i32
        %dma_wait3A_209 = arith.constant 0 : i32
        %dma_wait3A_210 = arith.constant 112 : i32
        %dma_wait3A_211 = arith.constant 0 : i32
        %dma_wait3A_212 = tpu.memref_slice %arg11[%dma_wait3A_210, %dma_wait3A_211] : memref<896x32xf32, #tpu.memory_space<vmem>> -> memref<112x32xf32, #tpu.memory_space<vmem>>
        %dma_wait3A_213 = arith.constant 0 : i32
        %dma_wait3A_214 = tpu.memref_slice %arg10[%dma_wait3A_208, %dma_wait3A_209, %dma_wait3A_213] : memref<8x2x112xi32, #tpu.memory_space<vmem>> -> memref<1x1x112xi32, #tpu.memory_space<vmem>>
        %dma_wait3A_215 = tpu.memref_squeeze %dma_wait3A_214 : memref<1x1x112xi32, #tpu.memory_space<vmem>> -> memref<112xi32, #tpu.memory_space<vmem>>
        %dma_wait3A_216 = arith.constant 0 : i32
        %dma_wait3A_217 = arith.constant 0 : i32
        %dma_wait3A_218 = tpu.memref_slice %arg8[%arg0, %dma_wait3A_216, %dma_wait3A_217] : memref<2x50176x32xf32, #tpu.memory_space<hbm>> -> memref<1x50176x32xf32, #tpu.memory_space<hbm>>
        %dma_wait3A_219 = tpu.memref_squeeze %dma_wait3A_218 : memref<1x50176x32xf32, #tpu.memory_space<hbm>> -> memref<50176x32xf32, #tpu.memory_space<hbm>>
        %dma_wait3A_220 = arith.constant 0 : i32
        %dma_wait3A_221 = arith.constant 0 : i32
        %dma_wait3A_222 = tpu.memref_slice %dma_wait3A_219[%dma_wait3A_220, %dma_wait3A_221] : memref<50176x32xf32, #tpu.memory_space<hbm>> -> memref<50176x32xf32, #tpu.memory_space<hbm>>
        tpu.wait_indirect_dma semaphore(%arg12 : memref<!tpu.dma_semaphore, #tpu.memory_space<semaphore_mem>>) src(%dma_wait3A_222 : memref<50176x32xf32, #tpu.memory_space<hbm>>) dst(%dma_wait3A_212 : memref<112x32xf32, #tpu.memory_space<vmem>>)
        %dma_start3A_223 = arith.constant 1 : i32
        %dma_start3A_224 = arith.constant 1 : i32
        %dma_start3A_225 = arith.constant 112 : i32
        %dma_start3A_226 = arith.constant 0 : i32
        %dma_start3A_227 = tpu.memref_slice %arg11[%dma_start3A_225, %dma_start3A_226] : memref<896x32xf32, #tpu.memory_space<vmem>> -> memref<112x32xf32, #tpu.memory_space<vmem>>
        %dma_start3A_228 = arith.constant 0 : i32
        %dma_start3A_229 = tpu.memref_slice %arg10[%dma_start3A_223, %dma_start3A_224, %dma_start3A_228] : memref<8x2x112xi32, #tpu.memory_space<vmem>> -> memref<1x1x112xi32, #tpu.memory_space<vmem>>
        %dma_start3A_230 = tpu.memref_squeeze %dma_start3A_229 : memref<1x1x112xi32, #tpu.memory_space<vmem>> -> memref<112xi32, #tpu.memory_space<vmem>>
        %dma_start3A_231 = arith.constant 0 : i32
        %dma_start3A_232 = arith.constant 0 : i32
        %dma_start3A_233 = tpu.memref_slice %arg9[%dma_start3A_231, %dma_start3A_232] : memref<50176x32xf32, #tpu.memory_space<vmem_shared>> -> memref<50176x32xf32, #tpu.memory_space<vmem_shared>>
        tpu.enqueue_indirect_dma source(%dma_start3A_227 : memref<112x32xf32, #tpu.memory_space<vmem>>) target(%dma_start3A_233 : memref<50176x32xf32, #tpu.memory_space<vmem_shared>>) offsets(%dma_start3A_230 : memref<112xi32, #tpu.memory_space<vmem>>) semaphore(%arg13 : memref<!tpu.dma_semaphore, #tpu.memory_space<semaphore_mem>>) {add = true}
        %dma_wait3A_234 = arith.constant 2 : i32
        %dma_wait3A_235 = arith.constant 0 : i32
        %dma_wait3A_236 = arith.constant 224 : i32
        %dma_wait3A_237 = arith.constant 0 : i32
        %dma_wait3A_238 = tpu.memref_slice %arg11[%dma_wait3A_236, %dma_wait3A_237] : memref<896x32xf32, #tpu.memory_space<vmem>> -> memref<112x32xf32, #tpu.memory_space<vmem>>
        %dma_wait3A_239 = arith.constant 0 : i32
        %dma_wait3A_240 = tpu.memref_slice %arg10[%dma_wait3A_234, %dma_wait3A_235, %dma_wait3A_239] : memref<8x2x112xi32, #tpu.memory_space<vmem>> -> memref<1x1x112xi32, #tpu.memory_space<vmem>>
        %dma_wait3A_241 = tpu.memref_squeeze %dma_wait3A_240 : memref<1x1x112xi32, #tpu.memory_space<vmem>> -> memref<112xi32, #tpu.memory_space<vmem>>
        %dma_wait3A_242 = arith.constant 0 : i32
        %dma_wait3A_243 = arith.constant 0 : i32
        %dma_wait3A_244 = tpu.memref_slice %arg8[%arg0, %dma_wait3A_242, %dma_wait3A_243] : memref<2x50176x32xf32, #tpu.memory_space<hbm>> -> memref<1x50176x32xf32, #tpu.memory_space<hbm>>
        %dma_wait3A_245 = tpu.memref_squeeze %dma_wait3A_244 : memref<1x50176x32xf32, #tpu.memory_space<hbm>> -> memref<50176x32xf32, #tpu.memory_space<hbm>>
        %dma_wait3A_246 = arith.constant 0 : i32
        %dma_wait3A_247 = arith.constant 0 : i32
        %dma_wait3A_248 = tpu.memref_slice %dma_wait3A_245[%dma_wait3A_246, %dma_wait3A_247] : memref<50176x32xf32, #tpu.memory_space<hbm>> -> memref<50176x32xf32, #tpu.memory_space<hbm>>
        tpu.wait_indirect_dma semaphore(%arg12 : memref<!tpu.dma_semaphore, #tpu.memory_space<semaphore_mem>>) src(%dma_wait3A_248 : memref<50176x32xf32, #tpu.memory_space<hbm>>) dst(%dma_wait3A_238 : memref<112x32xf32, #tpu.memory_space<vmem>>)
        %dma_start3A_249 = arith.constant 2 : i32
        %dma_start3A_250 = arith.constant 1 : i32
        %dma_start3A_251 = arith.constant 224 : i32
        %dma_start3A_252 = arith.constant 0 : i32
        %dma_start3A_253 = tpu.memref_slice %arg11[%dma_start3A_251, %dma_start3A_252] : memref<896x32xf32, #tpu.memory_space<vmem>> -> memref<112x32xf32, #tpu.memory_space<vmem>>
        %dma_start3A_254 = arith.constant 0 : i32
        %dma_start3A_255 = tpu.memref_slice %arg10[%dma_start3A_249, %dma_start3A_250, %dma_start3A_254] : memref<8x2x112xi32, #tpu.memory_space<vmem>> -> memref<1x1x112xi32, #tpu.memory_space<vmem>>
        %dma_start3A_256 = tpu.memref_squeeze %dma_start3A_255 : memref<1x1x112xi32, #tpu.memory_space<vmem>> -> memref<112xi32, #tpu.memory_space<vmem>>
        %dma_start3A_257 = arith.constant 0 : i32
        %dma_start3A_258 = arith.constant 0 : i32
        %dma_start3A_259 = tpu.memref_slice %arg9[%dma_start3A_257, %dma_start3A_258] : memref<50176x32xf32, #tpu.memory_space<vmem_shared>> -> memref<50176x32xf32, #tpu.memory_space<vmem_shared>>
        tpu.enqueue_indirect_dma source(%dma_start3A_253 : memref<112x32xf32, #tpu.memory_space<vmem>>) target(%dma_start3A_259 : memref<50176x32xf32, #tpu.memory_space<vmem_shared>>) offsets(%dma_start3A_256 : memref<112xi32, #tpu.memory_space<vmem>>) semaphore(%arg13 : memref<!tpu.dma_semaphore, #tpu.memory_space<semaphore_mem>>) {add = true}
        %dma_wait3A_260 = arith.constant 3 : i32
        %dma_wait3A_261 = arith.constant 0 : i32
        %dma_wait3A_262 = arith.constant 336 : i32
        %dma_wait3A_263 = arith.constant 0 : i32
        %dma_wait3A_264 = tpu.memref_slice %arg11[%dma_wait3A_262, %dma_wait3A_263] : memref<896x32xf32, #tpu.memory_space<vmem>> -> memref<112x32xf32, #tpu.memory_space<vmem>>
        %dma_wait3A_265 = arith.constant 0 : i32
        %dma_wait3A_266 = tpu.memref_slice %arg10[%dma_wait3A_260, %dma_wait3A_261, %dma_wait3A_265] : memref<8x2x112xi32, #tpu.memory_space<vmem>> -> memref<1x1x112xi32, #tpu.memory_space<vmem>>
        %dma_wait3A_267 = tpu.memref_squeeze %dma_wait3A_266 : memref<1x1x112xi32, #tpu.memory_space<vmem>> -> memref<112xi32, #tpu.memory_space<vmem>>
        %dma_wait3A_268 = arith.constant 0 : i32
        %dma_wait3A_269 = arith.constant 0 : i32
        %dma_wait3A_270 = tpu.memref_slice %arg8[%arg0, %dma_wait3A_268, %dma_wait3A_269] : memref<2x50176x32xf32, #tpu.memory_space<hbm>> -> memref<1x50176x32xf32, #tpu.memory_space<hbm>>
        %dma_wait3A_271 = tpu.memref_squeeze %dma_wait3A_270 : memref<1x50176x32xf32, #tpu.memory_space<hbm>> -> memref<50176x32xf32, #tpu.memory_space<hbm>>
        %dma_wait3A_272 = arith.constant 0 : i32
        %dma_wait3A_273 = arith.constant 0 : i32
        %dma_wait3A_274 = tpu.memref_slice %dma_wait3A_271[%dma_wait3A_272, %dma_wait3A_273] : memref<50176x32xf32, #tpu.memory_space<hbm>> -> memref<50176x32xf32, #tpu.memory_space<hbm>>
        tpu.wait_indirect_dma semaphore(%arg12 : memref<!tpu.dma_semaphore, #tpu.memory_space<semaphore_mem>>) src(%dma_wait3A_274 : memref<50176x32xf32, #tpu.memory_space<hbm>>) dst(%dma_wait3A_264 : memref<112x32xf32, #tpu.memory_space<vmem>>)
        %dma_start3A_275 = arith.constant 3 : i32
        %dma_start3A_276 = arith.constant 1 : i32
        %dma_start3A_277 = arith.constant 336 : i32
        %dma_start3A_278 = arith.constant 0 : i32
        %dma_start3A_279 = tpu.memref_slice %arg11[%dma_start3A_277, %dma_start3A_278] : memref<896x32xf32, #tpu.memory_space<vmem>> -> memref<112x32xf32, #tpu.memory_space<vmem>>
        %dma_start3A_280 = arith.constant 0 : i32
        %dma_start3A_281 = tpu.memref_slice %arg10[%dma_start3A_275, %dma_start3A_276, %dma_start3A_280] : memref<8x2x112xi32, #tpu.memory_space<vmem>> -> memref<1x1x112xi32, #tpu.memory_space<vmem>>
        %dma_start3A_282 = tpu.memref_squeeze %dma_start3A_281 : memref<1x1x112xi32, #tpu.memory_space<vmem>> -> memref<112xi32, #tpu.memory_space<vmem>>
        %dma_start3A_283 = arith.constant 0 : i32
        %dma_start3A_284 = arith.constant 0 : i32
        %dma_start3A_285 = tpu.memref_slice %arg9[%dma_start3A_283, %dma_start3A_284] : memref<50176x32xf32, #tpu.memory_space<vmem_shared>> -> memref<50176x32xf32, #tpu.memory_space<vmem_shared>>
        tpu.enqueue_indirect_dma source(%dma_start3A_279 : memref<112x32xf32, #tpu.memory_space<vmem>>) target(%dma_start3A_285 : memref<50176x32xf32, #tpu.memory_space<vmem_shared>>) offsets(%dma_start3A_282 : memref<112xi32, #tpu.memory_space<vmem>>) semaphore(%arg13 : memref<!tpu.dma_semaphore, #tpu.memory_space<semaphore_mem>>) {add = true}
        %dma_wait3A_286 = arith.constant 4 : i32
        %dma_wait3A_287 = arith.constant 0 : i32
        %dma_wait3A_288 = arith.constant 448 : i32
        %dma_wait3A_289 = arith.constant 0 : i32
        %dma_wait3A_290 = tpu.memref_slice %arg11[%dma_wait3A_288, %dma_wait3A_289] : memref<896x32xf32, #tpu.memory_space<vmem>> -> memref<112x32xf32, #tpu.memory_space<vmem>>
        %dma_wait3A_291 = arith.constant 0 : i32
        %dma_wait3A_292 = tpu.memref_slice %arg10[%dma_wait3A_286, %dma_wait3A_287, %dma_wait3A_291] : memref<8x2x112xi32, #tpu.memory_space<vmem>> -> memref<1x1x112xi32, #tpu.memory_space<vmem>>
        %dma_wait3A_293 = tpu.memref_squeeze %dma_wait3A_292 : memref<1x1x112xi32, #tpu.memory_space<vmem>> -> memref<112xi32, #tpu.memory_space<vmem>>
        %dma_wait3A_294 = arith.constant 0 : i32
        %dma_wait3A_295 = arith.constant 0 : i32
        %dma_wait3A_296 = tpu.memref_slice %arg8[%arg0, %dma_wait3A_294, %dma_wait3A_295] : memref<2x50176x32xf32, #tpu.memory_space<hbm>> -> memref<1x50176x32xf32, #tpu.memory_space<hbm>>
        %dma_wait3A_297 = tpu.memref_squeeze %dma_wait3A_296 : memref<1x50176x32xf32, #tpu.memory_space<hbm>> -> memref<50176x32xf32, #tpu.memory_space<hbm>>
        %dma_wait3A_298 = arith.constant 0 : i32
        %dma_wait3A_299 = arith.constant 0 : i32
        %dma_wait3A_300 = tpu.memref_slice %dma_wait3A_297[%dma_wait3A_298, %dma_wait3A_299] : memref<50176x32xf32, #tpu.memory_space<hbm>> -> memref<50176x32xf32, #tpu.memory_space<hbm>>
        tpu.wait_indirect_dma semaphore(%arg12 : memref<!tpu.dma_semaphore, #tpu.memory_space<semaphore_mem>>) src(%dma_wait3A_300 : memref<50176x32xf32, #tpu.memory_space<hbm>>) dst(%dma_wait3A_290 : memref<112x32xf32, #tpu.memory_space<vmem>>)
        %dma_start3A_301 = arith.constant 4 : i32
        %dma_start3A_302 = arith.constant 1 : i32
        %dma_start3A_303 = arith.constant 448 : i32
        %dma_start3A_304 = arith.constant 0 : i32
        %dma_start3A_305 = tpu.memref_slice %arg11[%dma_start3A_303, %dma_start3A_304] : memref<896x32xf32, #tpu.memory_space<vmem>> -> memref<112x32xf32, #tpu.memory_space<vmem>>
        %dma_start3A_306 = arith.constant 0 : i32
        %dma_start3A_307 = tpu.memref_slice %arg10[%dma_start3A_301, %dma_start3A_302, %dma_start3A_306] : memref<8x2x112xi32, #tpu.memory_space<vmem>> -> memref<1x1x112xi32, #tpu.memory_space<vmem>>
        %dma_start3A_308 = tpu.memref_squeeze %dma_start3A_307 : memref<1x1x112xi32, #tpu.memory_space<vmem>> -> memref<112xi32, #tpu.memory_space<vmem>>
        %dma_start3A_309 = arith.constant 0 : i32
        %dma_start3A_310 = arith.constant 0 : i32
        %dma_start3A_311 = tpu.memref_slice %arg9[%dma_start3A_309, %dma_start3A_310] : memref<50176x32xf32, #tpu.memory_space<vmem_shared>> -> memref<50176x32xf32, #tpu.memory_space<vmem_shared>>
        tpu.enqueue_indirect_dma source(%dma_start3A_305 : memref<112x32xf32, #tpu.memory_space<vmem>>) target(%dma_start3A_311 : memref<50176x32xf32, #tpu.memory_space<vmem_shared>>) offsets(%dma_start3A_308 : memref<112xi32, #tpu.memory_space<vmem>>) semaphore(%arg13 : memref<!tpu.dma_semaphore, #tpu.memory_space<semaphore_mem>>) {add = true}
        %dma_wait3A_312 = arith.constant 5 : i32
        %dma_wait3A_313 = arith.constant 0 : i32
        %dma_wait3A_314 = arith.constant 560 : i32
        %dma_wait3A_315 = arith.constant 0 : i32
        %dma_wait3A_316 = tpu.memref_slice %arg11[%dma_wait3A_314, %dma_wait3A_315] : memref<896x32xf32, #tpu.memory_space<vmem>> -> memref<112x32xf32, #tpu.memory_space<vmem>>
        %dma_wait3A_317 = arith.constant 0 : i32
        %dma_wait3A_318 = tpu.memref_slice %arg10[%dma_wait3A_312, %dma_wait3A_313, %dma_wait3A_317] : memref<8x2x112xi32, #tpu.memory_space<vmem>> -> memref<1x1x112xi32, #tpu.memory_space<vmem>>
        %dma_wait3A_319 = tpu.memref_squeeze %dma_wait3A_318 : memref<1x1x112xi32, #tpu.memory_space<vmem>> -> memref<112xi32, #tpu.memory_space<vmem>>
        %dma_wait3A_320 = arith.constant 0 : i32
        %dma_wait3A_321 = arith.constant 0 : i32
        %dma_wait3A_322 = tpu.memref_slice %arg8[%arg0, %dma_wait3A_320, %dma_wait3A_321] : memref<2x50176x32xf32, #tpu.memory_space<hbm>> -> memref<1x50176x32xf32, #tpu.memory_space<hbm>>
        %dma_wait3A_323 = tpu.memref_squeeze %dma_wait3A_322 : memref<1x50176x32xf32, #tpu.memory_space<hbm>> -> memref<50176x32xf32, #tpu.memory_space<hbm>>
        %dma_wait3A_324 = arith.constant 0 : i32
        %dma_wait3A_325 = arith.constant 0 : i32
        %dma_wait3A_326 = tpu.memref_slice %dma_wait3A_323[%dma_wait3A_324, %dma_wait3A_325] : memref<50176x32xf32, #tpu.memory_space<hbm>> -> memref<50176x32xf32, #tpu.memory_space<hbm>>
        tpu.wait_indirect_dma semaphore(%arg12 : memref<!tpu.dma_semaphore, #tpu.memory_space<semaphore_mem>>) src(%dma_wait3A_326 : memref<50176x32xf32, #tpu.memory_space<hbm>>) dst(%dma_wait3A_316 : memref<112x32xf32, #tpu.memory_space<vmem>>)
        %dma_start3A_327 = arith.constant 5 : i32
        %dma_start3A_328 = arith.constant 1 : i32
        %dma_start3A_329 = arith.constant 560 : i32
        %dma_start3A_330 = arith.constant 0 : i32
        %dma_start3A_331 = tpu.memref_slice %arg11[%dma_start3A_329, %dma_start3A_330] : memref<896x32xf32, #tpu.memory_space<vmem>> -> memref<112x32xf32, #tpu.memory_space<vmem>>
        %dma_start3A_332 = arith.constant 0 : i32
        %dma_start3A_333 = tpu.memref_slice %arg10[%dma_start3A_327, %dma_start3A_328, %dma_start3A_332] : memref<8x2x112xi32, #tpu.memory_space<vmem>> -> memref<1x1x112xi32, #tpu.memory_space<vmem>>
        %dma_start3A_334 = tpu.memref_squeeze %dma_start3A_333 : memref<1x1x112xi32, #tpu.memory_space<vmem>> -> memref<112xi32, #tpu.memory_space<vmem>>
        %dma_start3A_335 = arith.constant 0 : i32
        %dma_start3A_336 = arith.constant 0 : i32
        %dma_start3A_337 = tpu.memref_slice %arg9[%dma_start3A_335, %dma_start3A_336] : memref<50176x32xf32, #tpu.memory_space<vmem_shared>> -> memref<50176x32xf32, #tpu.memory_space<vmem_shared>>
        tpu.enqueue_indirect_dma source(%dma_start3A_331 : memref<112x32xf32, #tpu.memory_space<vmem>>) target(%dma_start3A_337 : memref<50176x32xf32, #tpu.memory_space<vmem_shared>>) offsets(%dma_start3A_334 : memref<112xi32, #tpu.memory_space<vmem>>) semaphore(%arg13 : memref<!tpu.dma_semaphore, #tpu.memory_space<semaphore_mem>>) {add = true}
        %dma_wait3A_338 = arith.constant 6 : i32
        %dma_wait3A_339 = arith.constant 0 : i32
        %dma_wait3A_340 = arith.constant 672 : i32
        %dma_wait3A_341 = arith.constant 0 : i32
        %dma_wait3A_342 = tpu.memref_slice %arg11[%dma_wait3A_340, %dma_wait3A_341] : memref<896x32xf32, #tpu.memory_space<vmem>> -> memref<112x32xf32, #tpu.memory_space<vmem>>
        %dma_wait3A_343 = arith.constant 0 : i32
        %dma_wait3A_344 = tpu.memref_slice %arg10[%dma_wait3A_338, %dma_wait3A_339, %dma_wait3A_343] : memref<8x2x112xi32, #tpu.memory_space<vmem>> -> memref<1x1x112xi32, #tpu.memory_space<vmem>>
        %dma_wait3A_345 = tpu.memref_squeeze %dma_wait3A_344 : memref<1x1x112xi32, #tpu.memory_space<vmem>> -> memref<112xi32, #tpu.memory_space<vmem>>
        %dma_wait3A_346 = arith.constant 0 : i32
        %dma_wait3A_347 = arith.constant 0 : i32
        %dma_wait3A_348 = tpu.memref_slice %arg8[%arg0, %dma_wait3A_346, %dma_wait3A_347] : memref<2x50176x32xf32, #tpu.memory_space<hbm>> -> memref<1x50176x32xf32, #tpu.memory_space<hbm>>
        %dma_wait3A_349 = tpu.memref_squeeze %dma_wait3A_348 : memref<1x50176x32xf32, #tpu.memory_space<hbm>> -> memref<50176x32xf32, #tpu.memory_space<hbm>>
        %dma_wait3A_350 = arith.constant 0 : i32
        %dma_wait3A_351 = arith.constant 0 : i32
        %dma_wait3A_352 = tpu.memref_slice %dma_wait3A_349[%dma_wait3A_350, %dma_wait3A_351] : memref<50176x32xf32, #tpu.memory_space<hbm>> -> memref<50176x32xf32, #tpu.memory_space<hbm>>
        tpu.wait_indirect_dma semaphore(%arg12 : memref<!tpu.dma_semaphore, #tpu.memory_space<semaphore_mem>>) src(%dma_wait3A_352 : memref<50176x32xf32, #tpu.memory_space<hbm>>) dst(%dma_wait3A_342 : memref<112x32xf32, #tpu.memory_space<vmem>>)
        %dma_start3A_353 = arith.constant 6 : i32
        %dma_start3A_354 = arith.constant 1 : i32
        %dma_start3A_355 = arith.constant 672 : i32
        %dma_start3A_356 = arith.constant 0 : i32
        %dma_start3A_357 = tpu.memref_slice %arg11[%dma_start3A_355, %dma_start3A_356] : memref<896x32xf32, #tpu.memory_space<vmem>> -> memref<112x32xf32, #tpu.memory_space<vmem>>
        %dma_start3A_358 = arith.constant 0 : i32
        %dma_start3A_359 = tpu.memref_slice %arg10[%dma_start3A_353, %dma_start3A_354, %dma_start3A_358] : memref<8x2x112xi32, #tpu.memory_space<vmem>> -> memref<1x1x112xi32, #tpu.memory_space<vmem>>
        %dma_start3A_360 = tpu.memref_squeeze %dma_start3A_359 : memref<1x1x112xi32, #tpu.memory_space<vmem>> -> memref<112xi32, #tpu.memory_space<vmem>>
        %dma_start3A_361 = arith.constant 0 : i32
        %dma_start3A_362 = arith.constant 0 : i32
        %dma_start3A_363 = tpu.memref_slice %arg9[%dma_start3A_361, %dma_start3A_362] : memref<50176x32xf32, #tpu.memory_space<vmem_shared>> -> memref<50176x32xf32, #tpu.memory_space<vmem_shared>>
        tpu.enqueue_indirect_dma source(%dma_start3A_357 : memref<112x32xf32, #tpu.memory_space<vmem>>) target(%dma_start3A_363 : memref<50176x32xf32, #tpu.memory_space<vmem_shared>>) offsets(%dma_start3A_360 : memref<112xi32, #tpu.memory_space<vmem>>) semaphore(%arg13 : memref<!tpu.dma_semaphore, #tpu.memory_space<semaphore_mem>>) {add = true}
        %dma_wait3A_364 = arith.constant 7 : i32
        %dma_wait3A_365 = arith.constant 0 : i32
        %dma_wait3A_366 = arith.constant 784 : i32
        %dma_wait3A_367 = arith.constant 0 : i32
        %dma_wait3A_368 = tpu.memref_slice %arg11[%dma_wait3A_366, %dma_wait3A_367] : memref<896x32xf32, #tpu.memory_space<vmem>> -> memref<112x32xf32, #tpu.memory_space<vmem>>
        %dma_wait3A_369 = arith.constant 0 : i32
        %dma_wait3A_370 = tpu.memref_slice %arg10[%dma_wait3A_364, %dma_wait3A_365, %dma_wait3A_369] : memref<8x2x112xi32, #tpu.memory_space<vmem>> -> memref<1x1x112xi32, #tpu.memory_space<vmem>>
        %dma_wait3A_371 = tpu.memref_squeeze %dma_wait3A_370 : memref<1x1x112xi32, #tpu.memory_space<vmem>> -> memref<112xi32, #tpu.memory_space<vmem>>
        %dma_wait3A_372 = arith.constant 0 : i32
        %dma_wait3A_373 = arith.constant 0 : i32
        %dma_wait3A_374 = tpu.memref_slice %arg8[%arg0, %dma_wait3A_372, %dma_wait3A_373] : memref<2x50176x32xf32, #tpu.memory_space<hbm>> -> memref<1x50176x32xf32, #tpu.memory_space<hbm>>
        %dma_wait3A_375 = tpu.memref_squeeze %dma_wait3A_374 : memref<1x50176x32xf32, #tpu.memory_space<hbm>> -> memref<50176x32xf32, #tpu.memory_space<hbm>>
        %dma_wait3A_376 = arith.constant 0 : i32
        %dma_wait3A_377 = arith.constant 0 : i32
        %dma_wait3A_378 = tpu.memref_slice %dma_wait3A_375[%dma_wait3A_376, %dma_wait3A_377] : memref<50176x32xf32, #tpu.memory_space<hbm>> -> memref<50176x32xf32, #tpu.memory_space<hbm>>
        tpu.wait_indirect_dma semaphore(%arg12 : memref<!tpu.dma_semaphore, #tpu.memory_space<semaphore_mem>>) src(%dma_wait3A_378 : memref<50176x32xf32, #tpu.memory_space<hbm>>) dst(%dma_wait3A_368 : memref<112x32xf32, #tpu.memory_space<vmem>>)
        %dma_start3A_379 = arith.constant 7 : i32
        %dma_start3A_380 = arith.constant 1 : i32
        %dma_start3A_381 = arith.constant 784 : i32
        %dma_start3A_382 = arith.constant 0 : i32
        %dma_start3A_383 = tpu.memref_slice %arg11[%dma_start3A_381, %dma_start3A_382] : memref<896x32xf32, #tpu.memory_space<vmem>> -> memref<112x32xf32, #tpu.memory_space<vmem>>
        %dma_start3A_384 = arith.constant 0 : i32
        %dma_start3A_385 = tpu.memref_slice %arg10[%dma_start3A_379, %dma_start3A_380, %dma_start3A_384] : memref<8x2x112xi32, #tpu.memory_space<vmem>> -> memref<1x1x112xi32, #tpu.memory_space<vmem>>
        %dma_start3A_386 = tpu.memref_squeeze %dma_start3A_385 : memref<1x1x112xi32, #tpu.memory_space<vmem>> -> memref<112xi32, #tpu.memory_space<vmem>>
        %dma_start3A_387 = arith.constant 0 : i32
        %dma_start3A_388 = arith.constant 0 : i32
        %dma_start3A_389 = tpu.memref_slice %arg9[%dma_start3A_387, %dma_start3A_388] : memref<50176x32xf32, #tpu.memory_space<vmem_shared>> -> memref<50176x32xf32, #tpu.memory_space<vmem_shared>>
        tpu.enqueue_indirect_dma source(%dma_start3A_383 : memref<112x32xf32, #tpu.memory_space<vmem>>) target(%dma_start3A_389 : memref<50176x32xf32, #tpu.memory_space<vmem_shared>>) offsets(%dma_start3A_386 : memref<112xi32, #tpu.memory_space<vmem>>) semaphore(%arg13 : memref<!tpu.dma_semaphore, #tpu.memory_space<semaphore_mem>>) {add = true}
        %dma_wait3A_390 = arith.constant 0 : i32
        %dma_wait3A_391 = arith.constant 1 : i32
        %dma_wait3A_392 = arith.constant 0 : i32
        %dma_wait3A_393 = arith.constant 0 : i32
        %dma_wait3A_394 = tpu.memref_slice %arg11[%dma_wait3A_392, %dma_wait3A_393] : memref<896x32xf32, #tpu.memory_space<vmem>> -> memref<112x32xf32, #tpu.memory_space<vmem>>
        %dma_wait3A_395 = arith.constant 0 : i32
        %dma_wait3A_396 = tpu.memref_slice %arg10[%dma_wait3A_390, %dma_wait3A_391, %dma_wait3A_395] : memref<8x2x112xi32, #tpu.memory_space<vmem>> -> memref<1x1x112xi32, #tpu.memory_space<vmem>>
        %dma_wait3A_397 = tpu.memref_squeeze %dma_wait3A_396 : memref<1x1x112xi32, #tpu.memory_space<vmem>> -> memref<112xi32, #tpu.memory_space<vmem>>
        %dma_wait3A_398 = arith.constant 0 : i32
        %dma_wait3A_399 = arith.constant 0 : i32
        %dma_wait3A_400 = tpu.memref_slice %arg9[%dma_wait3A_398, %dma_wait3A_399] : memref<50176x32xf32, #tpu.memory_space<vmem_shared>> -> memref<50176x32xf32, #tpu.memory_space<vmem_shared>>
        tpu.wait_indirect_dma semaphore(%arg13 : memref<!tpu.dma_semaphore, #tpu.memory_space<semaphore_mem>>) src(%dma_wait3A_394 : memref<112x32xf32, #tpu.memory_space<vmem>>) dst(%dma_wait3A_400 : memref<50176x32xf32, #tpu.memory_space<vmem_shared>>)
        %dma_wait3A_401 = arith.constant 1 : i32
        %dma_wait3A_402 = arith.constant 1 : i32
        %dma_wait3A_403 = arith.constant 112 : i32
        %dma_wait3A_404 = arith.constant 0 : i32
        %dma_wait3A_405 = tpu.memref_slice %arg11[%dma_wait3A_403, %dma_wait3A_404] : memref<896x32xf32, #tpu.memory_space<vmem>> -> memref<112x32xf32, #tpu.memory_space<vmem>>
        %dma_wait3A_406 = arith.constant 0 : i32
        %dma_wait3A_407 = tpu.memref_slice %arg10[%dma_wait3A_401, %dma_wait3A_402, %dma_wait3A_406] : memref<8x2x112xi32, #tpu.memory_space<vmem>> -> memref<1x1x112xi32, #tpu.memory_space<vmem>>
        %dma_wait3A_408 = tpu.memref_squeeze %dma_wait3A_407 : memref<1x1x112xi32, #tpu.memory_space<vmem>> -> memref<112xi32, #tpu.memory_space<vmem>>
        %dma_wait3A_409 = arith.constant 0 : i32
        %dma_wait3A_410 = arith.constant 0 : i32
        %dma_wait3A_411 = tpu.memref_slice %arg9[%dma_wait3A_409, %dma_wait3A_410] : memref<50176x32xf32, #tpu.memory_space<vmem_shared>> -> memref<50176x32xf32, #tpu.memory_space<vmem_shared>>
        tpu.wait_indirect_dma semaphore(%arg13 : memref<!tpu.dma_semaphore, #tpu.memory_space<semaphore_mem>>) src(%dma_wait3A_405 : memref<112x32xf32, #tpu.memory_space<vmem>>) dst(%dma_wait3A_411 : memref<50176x32xf32, #tpu.memory_space<vmem_shared>>)
        %dma_wait3A_412 = arith.constant 2 : i32
        %dma_wait3A_413 = arith.constant 1 : i32
        %dma_wait3A_414 = arith.constant 224 : i32
        %dma_wait3A_415 = arith.constant 0 : i32
        %dma_wait3A_416 = tpu.memref_slice %arg11[%dma_wait3A_414, %dma_wait3A_415] : memref<896x32xf32, #tpu.memory_space<vmem>> -> memref<112x32xf32, #tpu.memory_space<vmem>>
        %dma_wait3A_417 = arith.constant 0 : i32
        %dma_wait3A_418 = tpu.memref_slice %arg10[%dma_wait3A_412, %dma_wait3A_413, %dma_wait3A_417] : memref<8x2x112xi32, #tpu.memory_space<vmem>> -> memref<1x1x112xi32, #tpu.memory_space<vmem>>
        %dma_wait3A_419 = tpu.memref_squeeze %dma_wait3A_418 : memref<1x1x112xi32, #tpu.memory_space<vmem>> -> memref<112xi32, #tpu.memory_space<vmem>>
        %dma_wait3A_420 = arith.constant 0 : i32
        %dma_wait3A_421 = arith.constant 0 : i32
        %dma_wait3A_422 = tpu.memref_slice %arg9[%dma_wait3A_420, %dma_wait3A_421] : memref<50176x32xf32, #tpu.memory_space<vmem_shared>> -> memref<50176x32xf32, #tpu.memory_space<vmem_shared>>
        tpu.wait_indirect_dma semaphore(%arg13 : memref<!tpu.dma_semaphore, #tpu.memory_space<semaphore_mem>>) src(%dma_wait3A_416 : memref<112x32xf32, #tpu.memory_space<vmem>>) dst(%dma_wait3A_422 : memref<50176x32xf32, #tpu.memory_space<vmem_shared>>)
        %dma_wait3A_423 = arith.constant 3 : i32
        %dma_wait3A_424 = arith.constant 1 : i32
        %dma_wait3A_425 = arith.constant 336 : i32
        %dma_wait3A_426 = arith.constant 0 : i32
        %dma_wait3A_427 = tpu.memref_slice %arg11[%dma_wait3A_425, %dma_wait3A_426] : memref<896x32xf32, #tpu.memory_space<vmem>> -> memref<112x32xf32, #tpu.memory_space<vmem>>
        %dma_wait3A_428 = arith.constant 0 : i32
        %dma_wait3A_429 = tpu.memref_slice %arg10[%dma_wait3A_423, %dma_wait3A_424, %dma_wait3A_428] : memref<8x2x112xi32, #tpu.memory_space<vmem>> -> memref<1x1x112xi32, #tpu.memory_space<vmem>>
        %dma_wait3A_430 = tpu.memref_squeeze %dma_wait3A_429 : memref<1x1x112xi32, #tpu.memory_space<vmem>> -> memref<112xi32, #tpu.memory_space<vmem>>
        %dma_wait3A_431 = arith.constant 0 : i32
        %dma_wait3A_432 = arith.constant 0 : i32
        %dma_wait3A_433 = tpu.memref_slice %arg9[%dma_wait3A_431, %dma_wait3A_432] : memref<50176x32xf32, #tpu.memory_space<vmem_shared>> -> memref<50176x32xf32, #tpu.memory_space<vmem_shared>>
        tpu.wait_indirect_dma semaphore(%arg13 : memref<!tpu.dma_semaphore, #tpu.memory_space<semaphore_mem>>) src(%dma_wait3A_427 : memref<112x32xf32, #tpu.memory_space<vmem>>) dst(%dma_wait3A_433 : memref<50176x32xf32, #tpu.memory_space<vmem_shared>>)
        %dma_wait3A_434 = arith.constant 4 : i32
        %dma_wait3A_435 = arith.constant 1 : i32
        %dma_wait3A_436 = arith.constant 448 : i32
        %dma_wait3A_437 = arith.constant 0 : i32
        %dma_wait3A_438 = tpu.memref_slice %arg11[%dma_wait3A_436, %dma_wait3A_437] : memref<896x32xf32, #tpu.memory_space<vmem>> -> memref<112x32xf32, #tpu.memory_space<vmem>>
        %dma_wait3A_439 = arith.constant 0 : i32
        %dma_wait3A_440 = tpu.memref_slice %arg10[%dma_wait3A_434, %dma_wait3A_435, %dma_wait3A_439] : memref<8x2x112xi32, #tpu.memory_space<vmem>> -> memref<1x1x112xi32, #tpu.memory_space<vmem>>
        %dma_wait3A_441 = tpu.memref_squeeze %dma_wait3A_440 : memref<1x1x112xi32, #tpu.memory_space<vmem>> -> memref<112xi32, #tpu.memory_space<vmem>>
        %dma_wait3A_442 = arith.constant 0 : i32
        %dma_wait3A_443 = arith.constant 0 : i32
        %dma_wait3A_444 = tpu.memref_slice %arg9[%dma_wait3A_442, %dma_wait3A_443] : memref<50176x32xf32, #tpu.memory_space<vmem_shared>> -> memref<50176x32xf32, #tpu.memory_space<vmem_shared>>
        tpu.wait_indirect_dma semaphore(%arg13 : memref<!tpu.dma_semaphore, #tpu.memory_space<semaphore_mem>>) src(%dma_wait3A_438 : memref<112x32xf32, #tpu.memory_space<vmem>>) dst(%dma_wait3A_444 : memref<50176x32xf32, #tpu.memory_space<vmem_shared>>)
        %dma_wait3A_445 = arith.constant 5 : i32
        %dma_wait3A_446 = arith.constant 1 : i32
        %dma_wait3A_447 = arith.constant 560 : i32
        %dma_wait3A_448 = arith.constant 0 : i32
        %dma_wait3A_449 = tpu.memref_slice %arg11[%dma_wait3A_447, %dma_wait3A_448] : memref<896x32xf32, #tpu.memory_space<vmem>> -> memref<112x32xf32, #tpu.memory_space<vmem>>
        %dma_wait3A_450 = arith.constant 0 : i32
        %dma_wait3A_451 = tpu.memref_slice %arg10[%dma_wait3A_445, %dma_wait3A_446, %dma_wait3A_450] : memref<8x2x112xi32, #tpu.memory_space<vmem>> -> memref<1x1x112xi32, #tpu.memory_space<vmem>>
        %dma_wait3A_452 = tpu.memref_squeeze %dma_wait3A_451 : memref<1x1x112xi32, #tpu.memory_space<vmem>> -> memref<112xi32, #tpu.memory_space<vmem>>
        %dma_wait3A_453 = arith.constant 0 : i32
        %dma_wait3A_454 = arith.constant 0 : i32
        %dma_wait3A_455 = tpu.memref_slice %arg9[%dma_wait3A_453, %dma_wait3A_454] : memref<50176x32xf32, #tpu.memory_space<vmem_shared>> -> memref<50176x32xf32, #tpu.memory_space<vmem_shared>>
        tpu.wait_indirect_dma semaphore(%arg13 : memref<!tpu.dma_semaphore, #tpu.memory_space<semaphore_mem>>) src(%dma_wait3A_449 : memref<112x32xf32, #tpu.memory_space<vmem>>) dst(%dma_wait3A_455 : memref<50176x32xf32, #tpu.memory_space<vmem_shared>>)
        %dma_wait3A_456 = arith.constant 6 : i32
        %dma_wait3A_457 = arith.constant 1 : i32
        %dma_wait3A_458 = arith.constant 672 : i32
        %dma_wait3A_459 = arith.constant 0 : i32
        %dma_wait3A_460 = tpu.memref_slice %arg11[%dma_wait3A_458, %dma_wait3A_459] : memref<896x32xf32, #tpu.memory_space<vmem>> -> memref<112x32xf32, #tpu.memory_space<vmem>>
        %dma_wait3A_461 = arith.constant 0 : i32
        %dma_wait3A_462 = tpu.memref_slice %arg10[%dma_wait3A_456, %dma_wait3A_457, %dma_wait3A_461] : memref<8x2x112xi32, #tpu.memory_space<vmem>> -> memref<1x1x112xi32, #tpu.memory_space<vmem>>
        %dma_wait3A_463 = tpu.memref_squeeze %dma_wait3A_462 : memref<1x1x112xi32, #tpu.memory_space<vmem>> -> memref<112xi32, #tpu.memory_space<vmem>>
        %dma_wait3A_464 = arith.constant 0 : i32
        %dma_wait3A_465 = arith.constant 0 : i32
        %dma_wait3A_466 = tpu.memref_slice %arg9[%dma_wait3A_464, %dma_wait3A_465] : memref<50176x32xf32, #tpu.memory_space<vmem_shared>> -> memref<50176x32xf32, #tpu.memory_space<vmem_shared>>
        tpu.wait_indirect_dma semaphore(%arg13 : memref<!tpu.dma_semaphore, #tpu.memory_space<semaphore_mem>>) src(%dma_wait3A_460 : memref<112x32xf32, #tpu.memory_space<vmem>>) dst(%dma_wait3A_466 : memref<50176x32xf32, #tpu.memory_space<vmem_shared>>)
        %dma_wait3A_467 = arith.constant 7 : i32
        %dma_wait3A_468 = arith.constant 1 : i32
        %dma_wait3A_469 = arith.constant 784 : i32
        %dma_wait3A_470 = arith.constant 0 : i32
        %dma_wait3A_471 = tpu.memref_slice %arg11[%dma_wait3A_469, %dma_wait3A_470] : memref<896x32xf32, #tpu.memory_space<vmem>> -> memref<112x32xf32, #tpu.memory_space<vmem>>
        %dma_wait3A_472 = arith.constant 0 : i32
        %dma_wait3A_473 = tpu.memref_slice %arg10[%dma_wait3A_467, %dma_wait3A_468, %dma_wait3A_472] : memref<8x2x112xi32, #tpu.memory_space<vmem>> -> memref<1x1x112xi32, #tpu.memory_space<vmem>>
        %dma_wait3A_474 = tpu.memref_squeeze %dma_wait3A_473 : memref<1x1x112xi32, #tpu.memory_space<vmem>> -> memref<112xi32, #tpu.memory_space<vmem>>
        %dma_wait3A_475 = arith.constant 0 : i32
        %dma_wait3A_476 = arith.constant 0 : i32
        %dma_wait3A_477 = tpu.memref_slice %arg9[%dma_wait3A_475, %dma_wait3A_476] : memref<50176x32xf32, #tpu.memory_space<vmem_shared>> -> memref<50176x32xf32, #tpu.memory_space<vmem_shared>>
        tpu.wait_indirect_dma semaphore(%arg13 : memref<!tpu.dma_semaphore, #tpu.memory_space<semaphore_mem>>) src(%dma_wait3A_471 : memref<112x32xf32, #tpu.memory_space<vmem>>) dst(%dma_wait3A_477 : memref<50176x32xf32, #tpu.memory_space<vmem_shared>>)
        %scan3A_478 = arith.constant 0 : i32
        scf.yield %scan3A_478 : i32
      }
      %scan3A_46 = arith.constant 56 : i32
      "tpu.trace_stop"() : () -> ()
      %barrier3A_47 = arith.constant 0 : index
      tpu.barrier barrier_id(%barrier3A_47)
      "tpu.trace_start"() <{level = 10 : i32, message = "node_update"}> : () -> ()
      %scan3A_48 = arith.constant 0 : i32
      %scan3A_49 = arith.constant 0 : i32
      %scan3A_50 = arith.constant 7 : i32
      %scan3A_51 = arith.addi %scan3A_49, %scan3A_50 : i32
      %scan3A_52 = arith.constant 1 : i32
      %scan3A_53 = scf.for %scan3A_57 = %scan3A_49 to %scan3A_51 step %scan3A_52 iter_args(%scan3A_58 = %scan3A_48) -> (i32)  : i32 {
        %mul3A_59 = arith.constant 448 : i32
        %mul3A_60 = arith.muli %scan3A_57, %mul3A_59 : i32
        %add3A_61 = arith.addi %mul3A_2, %mul3A_60 : i32
        "tpu.region"() ({
          %run_scoped3A = tpu.sem_alloc : memref<!tpu.dma_semaphore, #tpu.memory_space<semaphore_mem>>
          %dma_start3A = arith.constant 0 : i32
          %dma_start3A_65 = arith.constant 0 : i32
          %dma_start3A_66 = tpu.memref_slice %arg11[%dma_start3A, %dma_start3A_65] : memref<896x32xf32, #tpu.memory_space<vmem>> -> memref<448x32xf32, #tpu.memory_space<vmem>>
          %dma_start3A_67 = arith.constant 0 : i32
          %dma_start3A_68 = tpu.memref_slice %arg9[%add3A_61, %dma_start3A_67] : memref<50176x32xf32, #tpu.memory_space<vmem_shared>> -> memref<448x32xf32, #tpu.memory_space<vmem_shared>>
          %dma_start3A_69 = arith.constant 0 : i32
          %dma_start3A_70 = arith.constant 0 : i32
          %dma_start3A_71 = tpu.memref_slice %arg11[%dma_start3A_69, %dma_start3A_70] : memref<896x32xf32, #tpu.memory_space<vmem>> -> memref<448x32xf32, #tpu.memory_space<vmem>>
          %dma_start3A_72 = arith.constant 0 : i32
          %dma_start3A_73 = tpu.memref_slice %arg9[%add3A_61, %dma_start3A_72] : memref<50176x32xf32, #tpu.memory_space<vmem_shared>> -> memref<448x32xf32, #tpu.memory_space<vmem_shared>>
          tpu.enqueue_dma source(%dma_start3A_73 : memref<448x32xf32, #tpu.memory_space<vmem_shared>>) target(%dma_start3A_71 : memref<448x32xf32, #tpu.memory_space<vmem>>) target_semaphore(%run_scoped3A : memref<!tpu.dma_semaphore, #tpu.memory_space<semaphore_mem>>)
          %dma_wait3A = arith.constant 0 : i32
          %dma_wait3A_74 = arith.constant 0 : i32
          %dma_wait3A_75 = tpu.memref_slice %arg11[%dma_wait3A, %dma_wait3A_74] : memref<896x32xf32, #tpu.memory_space<vmem>> -> memref<448x32xf32, #tpu.memory_space<vmem>>
          %dma_wait3A_76 = arith.constant 0 : i32
          %dma_wait3A_77 = tpu.memref_slice %arg9[%add3A_61, %dma_wait3A_76] : memref<50176x32xf32, #tpu.memory_space<vmem_shared>> -> memref<448x32xf32, #tpu.memory_space<vmem_shared>>
          %dma_wait3A_78 = arith.constant 0 : i32
          %dma_wait3A_79 = arith.constant 0 : i32
          %dma_wait3A_80 = tpu.memref_slice %arg11[%dma_wait3A_78, %dma_wait3A_79] : memref<896x32xf32, #tpu.memory_space<vmem>> -> memref<448x32xf32, #tpu.memory_space<vmem>>
          %dma_wait3A_81 = arith.constant 0 : i32
          %dma_wait3A_82 = tpu.memref_slice %arg9[%add3A_61, %dma_wait3A_81] : memref<50176x32xf32, #tpu.memory_space<vmem_shared>> -> memref<448x32xf32, #tpu.memory_space<vmem_shared>>
          tpu.wait_dma2 semaphore(%run_scoped3A : memref<!tpu.dma_semaphore, #tpu.memory_space<semaphore_mem>>) src(%dma_wait3A_82 : memref<448x32xf32, #tpu.memory_space<vmem_shared>>) dst(%dma_wait3A_80 : memref<448x32xf32, #tpu.memory_space<vmem>>)
          tpu.yield
        }) : () -> ()
        "tpu.region"() ({
          %run_scoped3A = tpu.sem_alloc : memref<!tpu.dma_semaphore, #tpu.memory_space<semaphore_mem>>
          %dma_start3A = arith.constant 448 : i32
          %dma_start3A_65 = arith.constant 0 : i32
          %dma_start3A_66 = tpu.memref_slice %arg11[%dma_start3A, %dma_start3A_65] : memref<896x32xf32, #tpu.memory_space<vmem>> -> memref<448x32xf32, #tpu.memory_space<vmem>>
          %dma_start3A_67 = arith.constant 0 : i32
          %dma_start3A_68 = tpu.memref_slice %arg4[%add3A_61, %dma_start3A_67] : memref<50176x32xf32, #tpu.memory_space<hbm>> -> memref<448x32xf32, #tpu.memory_space<hbm>>
          %dma_start3A_69 = arith.constant 448 : i32
          %dma_start3A_70 = arith.constant 0 : i32
          %dma_start3A_71 = tpu.memref_slice %arg11[%dma_start3A_69, %dma_start3A_70] : memref<896x32xf32, #tpu.memory_space<vmem>> -> memref<448x32xf32, #tpu.memory_space<vmem>>
          %dma_start3A_72 = arith.constant 0 : i32
          %dma_start3A_73 = tpu.memref_slice %arg4[%add3A_61, %dma_start3A_72] : memref<50176x32xf32, #tpu.memory_space<hbm>> -> memref<448x32xf32, #tpu.memory_space<hbm>>
          tpu.enqueue_dma source(%dma_start3A_73 : memref<448x32xf32, #tpu.memory_space<hbm>>) target(%dma_start3A_71 : memref<448x32xf32, #tpu.memory_space<vmem>>) target_semaphore(%run_scoped3A : memref<!tpu.dma_semaphore, #tpu.memory_space<semaphore_mem>>)
          %dma_wait3A = arith.constant 448 : i32
          %dma_wait3A_74 = arith.constant 0 : i32
          %dma_wait3A_75 = tpu.memref_slice %arg11[%dma_wait3A, %dma_wait3A_74] : memref<896x32xf32, #tpu.memory_space<vmem>> -> memref<448x32xf32, #tpu.memory_space<vmem>>
          %dma_wait3A_76 = arith.constant 0 : i32
          %dma_wait3A_77 = tpu.memref_slice %arg4[%add3A_61, %dma_wait3A_76] : memref<50176x32xf32, #tpu.memory_space<hbm>> -> memref<448x32xf32, #tpu.memory_space<hbm>>
          %dma_wait3A_78 = arith.constant 448 : i32
          %dma_wait3A_79 = arith.constant 0 : i32
          %dma_wait3A_80 = tpu.memref_slice %arg11[%dma_wait3A_78, %dma_wait3A_79] : memref<896x32xf32, #tpu.memory_space<vmem>> -> memref<448x32xf32, #tpu.memory_space<vmem>>
          %dma_wait3A_81 = arith.constant 0 : i32
          %dma_wait3A_82 = tpu.memref_slice %arg4[%add3A_61, %dma_wait3A_81] : memref<50176x32xf32, #tpu.memory_space<hbm>> -> memref<448x32xf32, #tpu.memory_space<hbm>>
          tpu.wait_dma2 semaphore(%run_scoped3A : memref<!tpu.dma_semaphore, #tpu.memory_space<semaphore_mem>>) src(%dma_wait3A_82 : memref<448x32xf32, #tpu.memory_space<hbm>>) dst(%dma_wait3A_80 : memref<448x32xf32, #tpu.memory_space<vmem>>)
          tpu.yield
        }) : () -> ()
        %parallel_loop3A = arith.constant 0 : i32
        %parallel_loop3A_62 = arith.constant 448 : i32
        %parallel_loop3A_63 = arith.constant 1 : i32
        scf.for %parallel_loop3A_65 = %parallel_loop3A to %parallel_loop3A_62 step %parallel_loop3A_63  : i32 {
          %parallel_loop3A_66 = arith.index_cast %parallel_loop3A_65 : i32 to index
          %parallel_loop3A_67 = arith.constant 0 : index
          %parallel_loop3A_68 = tpu.vector_load %arg11[%parallel_loop3A_66, %parallel_loop3A_67] {strides = array<i32>} : memref<896x32xf32, #tpu.memory_space<vmem>>, vector<1x16xf32>,
          %parallel_loop3A_69 = vector.shape_cast %parallel_loop3A_68 : vector<1x16xf32> to vector<16xf32>
          %parallel_loop3A_70 = arith.constant 448 : i32
          %parallel_loop3A_71 = arith.addi %parallel_loop3A_70, %parallel_loop3A_65 : i32
          %parallel_loop3A_72 = arith.index_cast %parallel_loop3A_71 : i32 to index
          %parallel_loop3A_73 = arith.constant 0 : index
          %parallel_loop3A_74 = tpu.vector_load %arg11[%parallel_loop3A_72, %parallel_loop3A_73] {strides = array<i32>} : memref<896x32xf32, #tpu.memory_space<vmem>>, vector<1x16xf32>,
          %parallel_loop3A_75 = vector.shape_cast %parallel_loop3A_74 : vector<1x16xf32> to vector<16xf32>
          %parallel_loop3A_76 = arith.mulf %parallel_loop3A_69, %parallel_loop3A_75 : vector<16xf32>
          %parallel_loop3A_77 = arith.index_cast %parallel_loop3A_65 : i32 to index
          %parallel_loop3A_78 = arith.constant 0 : index
          %parallel_loop3A_79 = tpu.vector_load %arg11[%parallel_loop3A_77, %parallel_loop3A_78] {strides = array<i32>} : memref<896x32xf32, #tpu.memory_space<vmem>>, vector<1x16xf32>,
          %parallel_loop3A_80 = vector.shape_cast %parallel_loop3A_79 : vector<1x16xf32> to vector<16xf32>
          %parallel_loop3A_81 = vector.shape_cast %parallel_loop3A_76 : vector<16xf32> to vector<1x16xf32>
          tpu.vector_store %arg11[%parallel_loop3A_77, %parallel_loop3A_78], %parallel_loop3A_81 {strides = array<i32>} : memref<896x32xf32, #tpu.memory_space<vmem>>, vector<1x16xf32>,
          %parallel_loop3A_82 = arith.index_cast %parallel_loop3A_65 : i32 to index
          %parallel_loop3A_83 = arith.constant 16 : index
          %parallel_loop3A_84 = tpu.vector_load %arg11[%parallel_loop3A_82, %parallel_loop3A_83] {strides = array<i32>} : memref<896x32xf32, #tpu.memory_space<vmem>>, vector<1x16xf32>,
          %parallel_loop3A_85 = vector.shape_cast %parallel_loop3A_84 : vector<1x16xf32> to vector<16xf32>
          %parallel_loop3A_86 = arith.constant 448 : i32
          %parallel_loop3A_87 = arith.addi %parallel_loop3A_86, %parallel_loop3A_65 : i32
          %parallel_loop3A_88 = arith.index_cast %parallel_loop3A_87 : i32 to index
          %parallel_loop3A_89 = arith.constant 16 : index
          %parallel_loop3A_90 = tpu.vector_load %arg11[%parallel_loop3A_88, %parallel_loop3A_89] {strides = array<i32>} : memref<896x32xf32, #tpu.memory_space<vmem>>, vector<1x16xf32>,
          %parallel_loop3A_91 = vector.shape_cast %parallel_loop3A_90 : vector<1x16xf32> to vector<16xf32>
          %parallel_loop3A_92 = arith.mulf %parallel_loop3A_85, %parallel_loop3A_91 : vector<16xf32>
          %parallel_loop3A_93 = arith.index_cast %parallel_loop3A_65 : i32 to index
          %parallel_loop3A_94 = arith.constant 16 : index
          %parallel_loop3A_95 = tpu.vector_load %arg11[%parallel_loop3A_93, %parallel_loop3A_94] {strides = array<i32>} : memref<896x32xf32, #tpu.memory_space<vmem>>, vector<1x16xf32>,
          %parallel_loop3A_96 = vector.shape_cast %parallel_loop3A_95 : vector<1x16xf32> to vector<16xf32>
          %parallel_loop3A_97 = vector.shape_cast %parallel_loop3A_92 : vector<16xf32> to vector<1x16xf32>
          tpu.vector_store %arg11[%parallel_loop3A_93, %parallel_loop3A_94], %parallel_loop3A_97 {strides = array<i32>} : memref<896x32xf32, #tpu.memory_space<vmem>>, vector<1x16xf32>,
        } {sc.loop_unroll_factor = 8 : i64, sc.parallel_access}
        "tpu.region"() ({
          %run_scoped3A = tpu.sem_alloc : memref<!tpu.dma_semaphore, #tpu.memory_space<semaphore_mem>>
          %dma_start3A = arith.constant 0 : i32
          %dma_start3A_65 = arith.constant 0 : i32
          %dma_start3A_66 = tpu.memref_slice %arg11[%dma_start3A, %dma_start3A_65] : memref<896x32xf32, #tpu.memory_space<vmem>> -> memref<448x32xf32, #tpu.memory_space<vmem>>
          %dma_start3A_67 = arith.constant 0 : i32
          %dma_start3A_68 = tpu.memref_slice %arg8[%arg0, %add3A_61, %dma_start3A_67] : memref<2x50176x32xf32, #tpu.memory_space<hbm>> -> memref<1x448x32xf32, #tpu.memory_space<hbm>>
          %dma_start3A_69 = tpu.memref_squeeze %dma_start3A_68 : memref<1x448x32xf32, #tpu.memory_space<hbm>> -> memref<448x32xf32, #tpu.memory_space<hbm>>
          %dma_start3A_70 = arith.constant 0 : i32
          %dma_start3A_71 = tpu.memref_slice %arg8[%arg0, %add3A_61, %dma_start3A_70] : memref<2x50176x32xf32, #tpu.memory_space<hbm>> -> memref<1x448x32xf32, #tpu.memory_space<hbm>>
          %dma_start3A_72 = tpu.memref_squeeze %dma_start3A_71 : memref<1x448x32xf32, #tpu.memory_space<hbm>> -> memref<448x32xf32, #tpu.memory_space<hbm>>
          %dma_start3A_73 = arith.constant 0 : i32
          %dma_start3A_74 = arith.constant 0 : i32
          %dma_start3A_75 = tpu.memref_slice %arg11[%dma_start3A_73, %dma_start3A_74] : memref<896x32xf32, #tpu.memory_space<vmem>> -> memref<448x32xf32, #tpu.memory_space<vmem>>
          tpu.enqueue_dma source(%dma_start3A_75 : memref<448x32xf32, #tpu.memory_space<vmem>>) target(%dma_start3A_72 : memref<448x32xf32, #tpu.memory_space<hbm>>) target_semaphore(%run_scoped3A : memref<!tpu.dma_semaphore, #tpu.memory_space<semaphore_mem>>)
          %dma_wait3A = arith.constant 0 : i32
          %dma_wait3A_76 = arith.constant 0 : i32
          %dma_wait3A_77 = tpu.memref_slice %arg11[%dma_wait3A, %dma_wait3A_76] : memref<896x32xf32, #tpu.memory_space<vmem>> -> memref<448x32xf32, #tpu.memory_space<vmem>>
          %dma_wait3A_78 = arith.constant 0 : i32
          %dma_wait3A_79 = tpu.memref_slice %arg8[%arg0, %add3A_61, %dma_wait3A_78] : memref<2x50176x32xf32, #tpu.memory_space<hbm>> -> memref<1x448x32xf32, #tpu.memory_space<hbm>>
          %dma_wait3A_80 = tpu.memref_squeeze %dma_wait3A_79 : memref<1x448x32xf32, #tpu.memory_space<hbm>> -> memref<448x32xf32, #tpu.memory_space<hbm>>
          %dma_wait3A_81 = arith.constant 0 : i32
          %dma_wait3A_82 = tpu.memref_slice %arg8[%arg0, %add3A_61, %dma_wait3A_81] : memref<2x50176x32xf32, #tpu.memory_space<hbm>> -> memref<1x448x32xf32, #tpu.memory_space<hbm>>
          %dma_wait3A_83 = tpu.memref_squeeze %dma_wait3A_82 : memref<1x448x32xf32, #tpu.memory_space<hbm>> -> memref<448x32xf32, #tpu.memory_space<hbm>>
          %dma_wait3A_84 = arith.constant 0 : i32
          %dma_wait3A_85 = arith.constant 0 : i32
          %dma_wait3A_86 = tpu.memref_slice %arg11[%dma_wait3A_84, %dma_wait3A_85] : memref<896x32xf32, #tpu.memory_space<vmem>> -> memref<448x32xf32, #tpu.memory_space<vmem>>
          tpu.wait_dma2 semaphore(%run_scoped3A : memref<!tpu.dma_semaphore, #tpu.memory_space<semaphore_mem>>) src(%dma_wait3A_86 : memref<448x32xf32, #tpu.memory_space<vmem>>) dst(%dma_wait3A_83 : memref<448x32xf32, #tpu.memory_space<hbm>>)
          tpu.yield
        }) : () -> ()
        "tpu.region"() ({
          %run_scoped3A = tpu.sem_alloc : memref<!tpu.dma_semaphore, #tpu.memory_space<semaphore_mem>>
          %dma_start3A = arith.constant 448 : i32
          %dma_start3A_65 = arith.constant 0 : i32
          %dma_start3A_66 = tpu.memref_slice %arg11[%dma_start3A, %dma_start3A_65] : memref<896x32xf32, #tpu.memory_space<vmem>> -> memref<448x32xf32, #tpu.memory_space<vmem>>
          %dma_start3A_67 = arith.constant 0 : i32
          %dma_start3A_68 = tpu.memref_slice %arg3[%arg0, %add3A_61, %dma_start3A_67] : memref<2x50176x32xf32, #tpu.memory_space<hbm>> -> memref<1x448x32xf32, #tpu.memory_space<hbm>>
          %dma_start3A_69 = tpu.memref_squeeze %dma_start3A_68 : memref<1x448x32xf32, #tpu.memory_space<hbm>> -> memref<448x32xf32, #tpu.memory_space<hbm>>
          %dma_start3A_70 = arith.constant 448 : i32
          %dma_start3A_71 = arith.constant 0 : i32
          %dma_start3A_72 = tpu.memref_slice %arg11[%dma_start3A_70, %dma_start3A_71] : memref<896x32xf32, #tpu.memory_space<vmem>> -> memref<448x32xf32, #tpu.memory_space<vmem>>
          %dma_start3A_73 = arith.constant 0 : i32
          %dma_start3A_74 = tpu.memref_slice %arg3[%arg0, %add3A_61, %dma_start3A_73] : memref<2x50176x32xf32, #tpu.memory_space<hbm>> -> memref<1x448x32xf32, #tpu.memory_space<hbm>>
          %dma_start3A_75 = tpu.memref_squeeze %dma_start3A_74 : memref<1x448x32xf32, #tpu.memory_space<hbm>> -> memref<448x32xf32, #tpu.memory_space<hbm>>
          tpu.enqueue_dma source(%dma_start3A_75 : memref<448x32xf32, #tpu.memory_space<hbm>>) target(%dma_start3A_72 : memref<448x32xf32, #tpu.memory_space<vmem>>) target_semaphore(%run_scoped3A : memref<!tpu.dma_semaphore, #tpu.memory_space<semaphore_mem>>)
          %dma_wait3A = arith.constant 448 : i32
          %dma_wait3A_76 = arith.constant 0 : i32
          %dma_wait3A_77 = tpu.memref_slice %arg11[%dma_wait3A, %dma_wait3A_76] : memref<896x32xf32, #tpu.memory_space<vmem>> -> memref<448x32xf32, #tpu.memory_space<vmem>>
          %dma_wait3A_78 = arith.constant 0 : i32
          %dma_wait3A_79 = tpu.memref_slice %arg3[%arg0, %add3A_61, %dma_wait3A_78] : memref<2x50176x32xf32, #tpu.memory_space<hbm>> -> memref<1x448x32xf32, #tpu.memory_space<hbm>>
          %dma_wait3A_80 = tpu.memref_squeeze %dma_wait3A_79 : memref<1x448x32xf32, #tpu.memory_space<hbm>> -> memref<448x32xf32, #tpu.memory_space<hbm>>
          %dma_wait3A_81 = arith.constant 448 : i32
          %dma_wait3A_82 = arith.constant 0 : i32
          %dma_wait3A_83 = tpu.memref_slice %arg11[%dma_wait3A_81, %dma_wait3A_82] : memref<896x32xf32, #tpu.memory_space<vmem>> -> memref<448x32xf32, #tpu.memory_space<vmem>>
          %dma_wait3A_84 = arith.constant 0 : i32
          %dma_wait3A_85 = tpu.memref_slice %arg3[%arg0, %add3A_61, %dma_wait3A_84] : memref<2x50176x32xf32, #tpu.memory_space<hbm>> -> memref<1x448x32xf32, #tpu.memory_space<hbm>>
          %dma_wait3A_86 = tpu.memref_squeeze %dma_wait3A_85 : memref<1x448x32xf32, #tpu.memory_space<hbm>> -> memref<448x32xf32, #tpu.memory_space<hbm>>
          tpu.wait_dma2 semaphore(%run_scoped3A : memref<!tpu.dma_semaphore, #tpu.memory_space<semaphore_mem>>) src(%dma_wait3A_86 : memref<448x32xf32, #tpu.memory_space<hbm>>) dst(%dma_wait3A_83 : memref<448x32xf32, #tpu.memory_space<vmem>>)
          tpu.yield
        }) : () -> ()
        "tpu.region"() ({
          %run_scoped3A = tpu.sem_alloc : memref<!tpu.dma_semaphore, #tpu.memory_space<semaphore_mem>>
          %dma_start3A = arith.constant 448 : i32
          %dma_start3A_65 = arith.constant 0 : i32
          %dma_start3A_66 = tpu.memref_slice %arg11[%dma_start3A, %dma_start3A_65] : memref<896x32xf32, #tpu.memory_space<vmem>> -> memref<448x32xf32, #tpu.memory_space<vmem>>
          %dma_start3A_67 = arith.constant 0 : i32
          %dma_start3A_68 = tpu.memref_slice %arg9[%add3A_61, %dma_start3A_67] : memref<50176x32xf32, #tpu.memory_space<vmem_shared>> -> memref<448x32xf32, #tpu.memory_space<vmem_shared>>
          %dma_start3A_69 = arith.constant 0 : i32
          %dma_start3A_70 = tpu.memref_slice %arg9[%add3A_61, %dma_start3A_69] : memref<50176x32xf32, #tpu.memory_space<vmem_shared>> -> memref<448x32xf32, #tpu.memory_space<vmem_shared>>
          %dma_start3A_71 = arith.constant 448 : i32
          %dma_start3A_72 = arith.constant 0 : i32
          %dma_start3A_73 = tpu.memref_slice %arg11[%dma_start3A_71, %dma_start3A_72] : memref<896x32xf32, #tpu.memory_space<vmem>> -> memref<448x32xf32, #tpu.memory_space<vmem>>
          tpu.enqueue_dma source(%dma_start3A_73 : memref<448x32xf32, #tpu.memory_space<vmem>>) target(%dma_start3A_70 : memref<448x32xf32, #tpu.memory_space<vmem_shared>>) target_semaphore(%run_scoped3A : memref<!tpu.dma_semaphore, #tpu.memory_space<semaphore_mem>>)
          %dma_wait3A = arith.constant 448 : i32
          %dma_wait3A_74 = arith.constant 0 : i32
          %dma_wait3A_75 = tpu.memref_slice %arg11[%dma_wait3A, %dma_wait3A_74] : memref<896x32xf32, #tpu.memory_space<vmem>> -> memref<448x32xf32, #tpu.memory_space<vmem>>
          %dma_wait3A_76 = arith.constant 0 : i32
          %dma_wait3A_77 = tpu.memref_slice %arg9[%add3A_61, %dma_wait3A_76] : memref<50176x32xf32, #tpu.memory_space<vmem_shared>> -> memref<448x32xf32, #tpu.memory_space<vmem_shared>>
          %dma_wait3A_78 = arith.constant 0 : i32
          %dma_wait3A_79 = tpu.memref_slice %arg9[%add3A_61, %dma_wait3A_78] : memref<50176x32xf32, #tpu.memory_space<vmem_shared>> -> memref<448x32xf32, #tpu.memory_space<vmem_shared>>
          %dma_wait3A_80 = arith.constant 448 : i32
          %dma_wait3A_81 = arith.constant 0 : i32
          %dma_wait3A_82 = tpu.memref_slice %arg11[%dma_wait3A_80, %dma_wait3A_81] : memref<896x32xf32, #tpu.memory_space<vmem>> -> memref<448x32xf32, #tpu.memory_space<vmem>>
          tpu.wait_dma2 semaphore(%run_scoped3A : memref<!tpu.dma_semaphore, #tpu.memory_space<semaphore_mem>>) src(%dma_wait3A_82 : memref<448x32xf32, #tpu.memory_space<vmem>>) dst(%dma_wait3A_79 : memref<448x32xf32, #tpu.memory_space<vmem_shared>>)
          tpu.yield
        }) : () -> ()
        %scan3A_64 = arith.constant 0 : i32
        scf.yield %scan3A_64 : i32
      }
      %scan3A_54 = arith.constant 7 : i32
      "tpu.trace_stop"() : () -> ()
      %barrier3A_55 = arith.constant 0 : index
      tpu.barrier barrier_id(%barrier3A_55)
      %scan3A_56 = arith.constant 0 : i32
      scf.yield %scan3A_56 : i32
    }
    %scan3A_22 = arith.constant 9 : i32
    "tpu.trace_start"() <{level = 10 : i32, message = "edge_scatter"}> : () -> ()
    %scan3A_23 = arith.constant 0 : i32
    %scan3A_24 = arith.constant 0 : i32
    %scan3A_25 = arith.constant 56 : i32
    %scan3A_26 = arith.addi %scan3A_24, %scan3A_25 : i32
    %scan3A_27 = arith.constant 1 : i32
    %scan3A_28 = scf.for %scan3A_38 = %scan3A_24 to %scan3A_26 step %scan3A_27 iter_args(%scan3A_39 = %scan3A_23) -> (i32)  : i32 {
      %mul3A_40 = arith.constant 448 : i32
      %mul3A_41 = arith.muli %arg1, %mul3A_40 : i32
      %mul3A_42 = arith.constant 8 : i32
      %mul3A_43 = arith.muli %scan3A_38, %mul3A_42 : i32
      %add3A_44 = arith.addi %mul3A_41, %mul3A_43 : i32
      "tpu.region"() ({
        %run_scoped3A = tpu.sem_alloc : memref<!tpu.dma_semaphore, #tpu.memory_space<semaphore_mem>>
        %dma_start3A_460 = arith.constant 0 : i32
        %dma_start3A_461 = arith.constant 0 : i32
        %dma_start3A_462 = tpu.memref_slice %arg6[%add3A_44, %dma_start3A_460, %dma_start3A_461] : memref<7168x2x112xi32, #tpu.memory_space<hbm>> -> memref<8x2x112xi32, #tpu.memory_space<hbm>>
        %dma_start3A_463 = arith.constant 0 : i32
        %dma_start3A_464 = arith.constant 0 : i32
        %dma_start3A_465 = tpu.memref_slice %arg6[%add3A_44, %dma_start3A_463, %dma_start3A_464] : memref<7168x2x112xi32, #tpu.memory_space<hbm>> -> memref<8x2x112xi32, #tpu.memory_space<hbm>>
        tpu.enqueue_dma source(%dma_start3A_465 : memref<8x2x112xi32, #tpu.memory_space<hbm>>) target(%arg10 : memref<8x2x112xi32, #tpu.memory_space<vmem>>) target_semaphore(%run_scoped3A : memref<!tpu.dma_semaphore, #tpu.memory_space<semaphore_mem>>)
        %dma_wait3A_466 = arith.constant 0 : i32
        %dma_wait3A_467 = arith.constant 0 : i32
        %dma_wait3A_468 = tpu.memref_slice %arg6[%add3A_44, %dma_wait3A_466, %dma_wait3A_467] : memref<7168x2x112xi32, #tpu.memory_space<hbm>> -> memref<8x2x112xi32, #tpu.memory_space<hbm>>
        %dma_wait3A_469 = arith.constant 0 : i32
        %dma_wait3A_470 = arith.constant 0 : i32
        %dma_wait3A_471 = tpu.memref_slice %arg6[%add3A_44, %dma_wait3A_469, %dma_wait3A_470] : memref<7168x2x112xi32, #tpu.memory_space<hbm>> -> memref<8x2x112xi32, #tpu.memory_space<hbm>>
        tpu.wait_dma2 semaphore(%run_scoped3A : memref<!tpu.dma_semaphore, #tpu.memory_space<semaphore_mem>>) src(%dma_wait3A_471 : memref<8x2x112xi32, #tpu.memory_space<hbm>>) dst(%arg10 : memref<8x2x112xi32, #tpu.memory_space<vmem>>)
        tpu.yield
      }) : () -> ()
      %dma_start3A = arith.constant 0 : i32
      %dma_start3A_45 = arith.constant 0 : i32
      %dma_start3A_46 = arith.constant 0 : i32
      %dma_start3A_47 = arith.constant 0 : i32
      %dma_start3A_48 = tpu.memref_slice %arg11[%dma_start3A_46, %dma_start3A_47] : memref<896x32xf32, #tpu.memory_space<vmem>> -> memref<112x32xf32, #tpu.memory_space<vmem>>
      %dma_start3A_49 = arith.constant 0 : i32
      %dma_start3A_50 = tpu.memref_slice %arg10[%dma_start3A, %dma_start3A_45, %dma_start3A_49] : memref<8x2x112xi32, #tpu.memory_space<vmem>> -> memref<1x1x112xi32, #tpu.memory_space<vmem>>
      %dma_start3A_51 = tpu.memref_squeeze %dma_start3A_50 : memref<1x1x112xi32, #tpu.memory_space<vmem>> -> memref<112xi32, #tpu.memory_space<vmem>>
      %dma_start3A_52 = arith.constant 0 : i32
      %dma_start3A_53 = arith.constant 0 : i32
      %dma_start3A_54 = tpu.memref_slice %arg8[%arg0, %dma_start3A_52, %dma_start3A_53] : memref<2x50176x32xf32, #tpu.memory_space<hbm>> -> memref<1x50176x32xf32, #tpu.memory_space<hbm>>
      %dma_start3A_55 = tpu.memref_squeeze %dma_start3A_54 : memref<1x50176x32xf32, #tpu.memory_space<hbm>> -> memref<50176x32xf32, #tpu.memory_space<hbm>>
      %dma_start3A_56 = arith.constant 0 : i32
      %dma_start3A_57 = arith.constant 0 : i32
      %dma_start3A_58 = tpu.memref_slice %dma_start3A_55[%dma_start3A_56, %dma_start3A_57] : memref<50176x32xf32, #tpu.memory_space<hbm>> -> memref<50176x32xf32, #tpu.memory_space<hbm>>
      tpu.enqueue_indirect_dma source(%dma_start3A_58 : memref<50176x32xf32, #tpu.memory_space<hbm>>) target(%dma_start3A_48 : memref<112x32xf32, #tpu.memory_space<vmem>>) offsets(%dma_start3A_51 : memref<112xi32, #tpu.memory_space<vmem>>) semaphore(%arg12 : memref<!tpu.dma_semaphore, #tpu.memory_space<semaphore_mem>>)
      %dma_start3A_59 = arith.constant 1 : i32
      %dma_start3A_60 = arith.constant 0 : i32
      %dma_start3A_61 = arith.constant 112 : i32
      %dma_start3A_62 = arith.constant 0 : i32
      %dma_start3A_63 = tpu.memref_slice %arg11[%dma_start3A_61, %dma_start3A_62] : memref<896x32xf32, #tpu.memory_space<vmem>> -> memref<112x32xf32, #tpu.memory_space<vmem>>
      %dma_start3A_64 = arith.constant 0 : i32
      %dma_start3A_65 = tpu.memref_slice %arg10[%dma_start3A_59, %dma_start3A_60, %dma_start3A_64] : memref<8x2x112xi32, #tpu.memory_space<vmem>> -> memref<1x1x112xi32, #tpu.memory_space<vmem>>
      %dma_start3A_66 = tpu.memref_squeeze %dma_start3A_65 : memref<1x1x112xi32, #tpu.memory_space<vmem>> -> memref<112xi32, #tpu.memory_space<vmem>>
      %dma_start3A_67 = arith.constant 0 : i32
      %dma_start3A_68 = arith.constant 0 : i32
      %dma_start3A_69 = tpu.memref_slice %arg8[%arg0, %dma_start3A_67, %dma_start3A_68] : memref<2x50176x32xf32, #tpu.memory_space<hbm>> -> memref<1x50176x32xf32, #tpu.memory_space<hbm>>
      %dma_start3A_70 = tpu.memref_squeeze %dma_start3A_69 : memref<1x50176x32xf32, #tpu.memory_space<hbm>> -> memref<50176x32xf32, #tpu.memory_space<hbm>>
      %dma_start3A_71 = arith.constant 0 : i32
      %dma_start3A_72 = arith.constant 0 : i32
      %dma_start3A_73 = tpu.memref_slice %dma_start3A_70[%dma_start3A_71, %dma_start3A_72] : memref<50176x32xf32, #tpu.memory_space<hbm>> -> memref<50176x32xf32, #tpu.memory_space<hbm>>
      tpu.enqueue_indirect_dma source(%dma_start3A_73 : memref<50176x32xf32, #tpu.memory_space<hbm>>) target(%dma_start3A_63 : memref<112x32xf32, #tpu.memory_space<vmem>>) offsets(%dma_start3A_66 : memref<112xi32, #tpu.memory_space<vmem>>) semaphore(%arg12 : memref<!tpu.dma_semaphore, #tpu.memory_space<semaphore_mem>>)
      %dma_start3A_74 = arith.constant 2 : i32
      %dma_start3A_75 = arith.constant 0 : i32
      %dma_start3A_76 = arith.constant 224 : i32
      %dma_start3A_77 = arith.constant 0 : i32
      %dma_start3A_78 = tpu.memref_slice %arg11[%dma_start3A_76, %dma_start3A_77] : memref<896x32xf32, #tpu.memory_space<vmem>> -> memref<112x32xf32, #tpu.memory_space<vmem>>
      %dma_start3A_79 = arith.constant 0 : i32
      %dma_start3A_80 = tpu.memref_slice %arg10[%dma_start3A_74, %dma_start3A_75, %dma_start3A_79] : memref<8x2x112xi32, #tpu.memory_space<vmem>> -> memref<1x1x112xi32, #tpu.memory_space<vmem>>
      %dma_start3A_81 = tpu.memref_squeeze %dma_start3A_80 : memref<1x1x112xi32, #tpu.memory_space<vmem>> -> memref<112xi32, #tpu.memory_space<vmem>>
      %dma_start3A_82 = arith.constant 0 : i32
      %dma_start3A_83 = arith.constant 0 : i32
      %dma_start3A_84 = tpu.memref_slice %arg8[%arg0, %dma_start3A_82, %dma_start3A_83] : memref<2x50176x32xf32, #tpu.memory_space<hbm>> -> memref<1x50176x32xf32, #tpu.memory_space<hbm>>
      %dma_start3A_85 = tpu.memref_squeeze %dma_start3A_84 : memref<1x50176x32xf32, #tpu.memory_space<hbm>> -> memref<50176x32xf32, #tpu.memory_space<hbm>>
      %dma_start3A_86 = arith.constant 0 : i32
      %dma_start3A_87 = arith.constant 0 : i32
      %dma_start3A_88 = tpu.memref_slice %dma_start3A_85[%dma_start3A_86, %dma_start3A_87] : memref<50176x32xf32, #tpu.memory_space<hbm>> -> memref<50176x32xf32, #tpu.memory_space<hbm>>
      tpu.enqueue_indirect_dma source(%dma_start3A_88 : memref<50176x32xf32, #tpu.memory_space<hbm>>) target(%dma_start3A_78 : memref<112x32xf32, #tpu.memory_space<vmem>>) offsets(%dma_start3A_81 : memref<112xi32, #tpu.memory_space<vmem>>) semaphore(%arg12 : memref<!tpu.dma_semaphore, #tpu.memory_space<semaphore_mem>>)
      %dma_start3A_89 = arith.constant 3 : i32
      %dma_start3A_90 = arith.constant 0 : i32
      %dma_start3A_91 = arith.constant 336 : i32
      %dma_start3A_92 = arith.constant 0 : i32
      %dma_start3A_93 = tpu.memref_slice %arg11[%dma_start3A_91, %dma_start3A_92] : memref<896x32xf32, #tpu.memory_space<vmem>> -> memref<112x32xf32, #tpu.memory_space<vmem>>
      %dma_start3A_94 = arith.constant 0 : i32
      %dma_start3A_95 = tpu.memref_slice %arg10[%dma_start3A_89, %dma_start3A_90, %dma_start3A_94] : memref<8x2x112xi32, #tpu.memory_space<vmem>> -> memref<1x1x112xi32, #tpu.memory_space<vmem>>
      %dma_start3A_96 = tpu.memref_squeeze %dma_start3A_95 : memref<1x1x112xi32, #tpu.memory_space<vmem>> -> memref<112xi32, #tpu.memory_space<vmem>>
      %dma_start3A_97 = arith.constant 0 : i32
      %dma_start3A_98 = arith.constant 0 : i32
      %dma_start3A_99 = tpu.memref_slice %arg8[%arg0, %dma_start3A_97, %dma_start3A_98] : memref<2x50176x32xf32, #tpu.memory_space<hbm>> -> memref<1x50176x32xf32, #tpu.memory_space<hbm>>
      %dma_start3A_100 = tpu.memref_squeeze %dma_start3A_99 : memref<1x50176x32xf32, #tpu.memory_space<hbm>> -> memref<50176x32xf32, #tpu.memory_space<hbm>>
      %dma_start3A_101 = arith.constant 0 : i32
      %dma_start3A_102 = arith.constant 0 : i32
      %dma_start3A_103 = tpu.memref_slice %dma_start3A_100[%dma_start3A_101, %dma_start3A_102] : memref<50176x32xf32, #tpu.memory_space<hbm>> -> memref<50176x32xf32, #tpu.memory_space<hbm>>
      tpu.enqueue_indirect_dma source(%dma_start3A_103 : memref<50176x32xf32, #tpu.memory_space<hbm>>) target(%dma_start3A_93 : memref<112x32xf32, #tpu.memory_space<vmem>>) offsets(%dma_start3A_96 : memref<112xi32, #tpu.memory_space<vmem>>) semaphore(%arg12 : memref<!tpu.dma_semaphore, #tpu.memory_space<semaphore_mem>>)
      %dma_start3A_104 = arith.constant 4 : i32
      %dma_start3A_105 = arith.constant 0 : i32
      %dma_start3A_106 = arith.constant 448 : i32
      %dma_start3A_107 = arith.constant 0 : i32
      %dma_start3A_108 = tpu.memref_slice %arg11[%dma_start3A_106, %dma_start3A_107] : memref<896x32xf32, #tpu.memory_space<vmem>> -> memref<112x32xf32, #tpu.memory_space<vmem>>
      %dma_start3A_109 = arith.constant 0 : i32
      %dma_start3A_110 = tpu.memref_slice %arg10[%dma_start3A_104, %dma_start3A_105, %dma_start3A_109] : memref<8x2x112xi32, #tpu.memory_space<vmem>> -> memref<1x1x112xi32, #tpu.memory_space<vmem>>
      %dma_start3A_111 = tpu.memref_squeeze %dma_start3A_110 : memref<1x1x112xi32, #tpu.memory_space<vmem>> -> memref<112xi32, #tpu.memory_space<vmem>>
      %dma_start3A_112 = arith.constant 0 : i32
      %dma_start3A_113 = arith.constant 0 : i32
      %dma_start3A_114 = tpu.memref_slice %arg8[%arg0, %dma_start3A_112, %dma_start3A_113] : memref<2x50176x32xf32, #tpu.memory_space<hbm>> -> memref<1x50176x32xf32, #tpu.memory_space<hbm>>
      %dma_start3A_115 = tpu.memref_squeeze %dma_start3A_114 : memref<1x50176x32xf32, #tpu.memory_space<hbm>> -> memref<50176x32xf32, #tpu.memory_space<hbm>>
      %dma_start3A_116 = arith.constant 0 : i32
      %dma_start3A_117 = arith.constant 0 : i32
      %dma_start3A_118 = tpu.memref_slice %dma_start3A_115[%dma_start3A_116, %dma_start3A_117] : memref<50176x32xf32, #tpu.memory_space<hbm>> -> memref<50176x32xf32, #tpu.memory_space<hbm>>
      tpu.enqueue_indirect_dma source(%dma_start3A_118 : memref<50176x32xf32, #tpu.memory_space<hbm>>) target(%dma_start3A_108 : memref<112x32xf32, #tpu.memory_space<vmem>>) offsets(%dma_start3A_111 : memref<112xi32, #tpu.memory_space<vmem>>) semaphore(%arg12 : memref<!tpu.dma_semaphore, #tpu.memory_space<semaphore_mem>>)
      %dma_start3A_119 = arith.constant 5 : i32
      %dma_start3A_120 = arith.constant 0 : i32
      %dma_start3A_121 = arith.constant 560 : i32
      %dma_start3A_122 = arith.constant 0 : i32
      %dma_start3A_123 = tpu.memref_slice %arg11[%dma_start3A_121, %dma_start3A_122] : memref<896x32xf32, #tpu.memory_space<vmem>> -> memref<112x32xf32, #tpu.memory_space<vmem>>
      %dma_start3A_124 = arith.constant 0 : i32
      %dma_start3A_125 = tpu.memref_slice %arg10[%dma_start3A_119, %dma_start3A_120, %dma_start3A_124] : memref<8x2x112xi32, #tpu.memory_space<vmem>> -> memref<1x1x112xi32, #tpu.memory_space<vmem>>
      %dma_start3A_126 = tpu.memref_squeeze %dma_start3A_125 : memref<1x1x112xi32, #tpu.memory_space<vmem>> -> memref<112xi32, #tpu.memory_space<vmem>>
      %dma_start3A_127 = arith.constant 0 : i32
      %dma_start3A_128 = arith.constant 0 : i32
      %dma_start3A_129 = tpu.memref_slice %arg8[%arg0, %dma_start3A_127, %dma_start3A_128] : memref<2x50176x32xf32, #tpu.memory_space<hbm>> -> memref<1x50176x32xf32, #tpu.memory_space<hbm>>
      %dma_start3A_130 = tpu.memref_squeeze %dma_start3A_129 : memref<1x50176x32xf32, #tpu.memory_space<hbm>> -> memref<50176x32xf32, #tpu.memory_space<hbm>>
      %dma_start3A_131 = arith.constant 0 : i32
      %dma_start3A_132 = arith.constant 0 : i32
      %dma_start3A_133 = tpu.memref_slice %dma_start3A_130[%dma_start3A_131, %dma_start3A_132] : memref<50176x32xf32, #tpu.memory_space<hbm>> -> memref<50176x32xf32, #tpu.memory_space<hbm>>
      tpu.enqueue_indirect_dma source(%dma_start3A_133 : memref<50176x32xf32, #tpu.memory_space<hbm>>) target(%dma_start3A_123 : memref<112x32xf32, #tpu.memory_space<vmem>>) offsets(%dma_start3A_126 : memref<112xi32, #tpu.memory_space<vmem>>) semaphore(%arg12 : memref<!tpu.dma_semaphore, #tpu.memory_space<semaphore_mem>>)
      %dma_start3A_134 = arith.constant 6 : i32
      %dma_start3A_135 = arith.constant 0 : i32
      %dma_start3A_136 = arith.constant 672 : i32
      %dma_start3A_137 = arith.constant 0 : i32
      %dma_start3A_138 = tpu.memref_slice %arg11[%dma_start3A_136, %dma_start3A_137] : memref<896x32xf32, #tpu.memory_space<vmem>> -> memref<112x32xf32, #tpu.memory_space<vmem>>
      %dma_start3A_139 = arith.constant 0 : i32
      %dma_start3A_140 = tpu.memref_slice %arg10[%dma_start3A_134, %dma_start3A_135, %dma_start3A_139] : memref<8x2x112xi32, #tpu.memory_space<vmem>> -> memref<1x1x112xi32, #tpu.memory_space<vmem>>
      %dma_start3A_141 = tpu.memref_squeeze %dma_start3A_140 : memref<1x1x112xi32, #tpu.memory_space<vmem>> -> memref<112xi32, #tpu.memory_space<vmem>>
      %dma_start3A_142 = arith.constant 0 : i32
      %dma_start3A_143 = arith.constant 0 : i32
      %dma_start3A_144 = tpu.memref_slice %arg8[%arg0, %dma_start3A_142, %dma_start3A_143] : memref<2x50176x32xf32, #tpu.memory_space<hbm>> -> memref<1x50176x32xf32, #tpu.memory_space<hbm>>
      %dma_start3A_145 = tpu.memref_squeeze %dma_start3A_144 : memref<1x50176x32xf32, #tpu.memory_space<hbm>> -> memref<50176x32xf32, #tpu.memory_space<hbm>>
      %dma_start3A_146 = arith.constant 0 : i32
      %dma_start3A_147 = arith.constant 0 : i32
      %dma_start3A_148 = tpu.memref_slice %dma_start3A_145[%dma_start3A_146, %dma_start3A_147] : memref<50176x32xf32, #tpu.memory_space<hbm>> -> memref<50176x32xf32, #tpu.memory_space<hbm>>
      tpu.enqueue_indirect_dma source(%dma_start3A_148 : memref<50176x32xf32, #tpu.memory_space<hbm>>) target(%dma_start3A_138 : memref<112x32xf32, #tpu.memory_space<vmem>>) offsets(%dma_start3A_141 : memref<112xi32, #tpu.memory_space<vmem>>) semaphore(%arg12 : memref<!tpu.dma_semaphore, #tpu.memory_space<semaphore_mem>>)
      %dma_start3A_149 = arith.constant 7 : i32
      %dma_start3A_150 = arith.constant 0 : i32
      %dma_start3A_151 = arith.constant 784 : i32
      %dma_start3A_152 = arith.constant 0 : i32
      %dma_start3A_153 = tpu.memref_slice %arg11[%dma_start3A_151, %dma_start3A_152] : memref<896x32xf32, #tpu.memory_space<vmem>> -> memref<112x32xf32, #tpu.memory_space<vmem>>
      %dma_start3A_154 = arith.constant 0 : i32
      %dma_start3A_155 = tpu.memref_slice %arg10[%dma_start3A_149, %dma_start3A_150, %dma_start3A_154] : memref<8x2x112xi32, #tpu.memory_space<vmem>> -> memref<1x1x112xi32, #tpu.memory_space<vmem>>
      %dma_start3A_156 = tpu.memref_squeeze %dma_start3A_155 : memref<1x1x112xi32, #tpu.memory_space<vmem>> -> memref<112xi32, #tpu.memory_space<vmem>>
      %dma_start3A_157 = arith.constant 0 : i32
      %dma_start3A_158 = arith.constant 0 : i32
      %dma_start3A_159 = tpu.memref_slice %arg8[%arg0, %dma_start3A_157, %dma_start3A_158] : memref<2x50176x32xf32, #tpu.memory_space<hbm>> -> memref<1x50176x32xf32, #tpu.memory_space<hbm>>
      %dma_start3A_160 = tpu.memref_squeeze %dma_start3A_159 : memref<1x50176x32xf32, #tpu.memory_space<hbm>> -> memref<50176x32xf32, #tpu.memory_space<hbm>>
      %dma_start3A_161 = arith.constant 0 : i32
      %dma_start3A_162 = arith.constant 0 : i32
      %dma_start3A_163 = tpu.memref_slice %dma_start3A_160[%dma_start3A_161, %dma_start3A_162] : memref<50176x32xf32, #tpu.memory_space<hbm>> -> memref<50176x32xf32, #tpu.memory_space<hbm>>
      tpu.enqueue_indirect_dma source(%dma_start3A_163 : memref<50176x32xf32, #tpu.memory_space<hbm>>) target(%dma_start3A_153 : memref<112x32xf32, #tpu.memory_space<vmem>>) offsets(%dma_start3A_156 : memref<112xi32, #tpu.memory_space<vmem>>) semaphore(%arg12 : memref<!tpu.dma_semaphore, #tpu.memory_space<semaphore_mem>>)
      %dma_wait3A = arith.constant 0 : i32
      %dma_wait3A_164 = arith.constant 0 : i32
      %dma_wait3A_165 = arith.constant 0 : i32
      %dma_wait3A_166 = arith.constant 0 : i32
      %dma_wait3A_167 = tpu.memref_slice %arg11[%dma_wait3A_165, %dma_wait3A_166] : memref<896x32xf32, #tpu.memory_space<vmem>> -> memref<112x32xf32, #tpu.memory_space<vmem>>
      %dma_wait3A_168 = arith.constant 0 : i32
      %dma_wait3A_169 = tpu.memref_slice %arg10[%dma_wait3A, %dma_wait3A_164, %dma_wait3A_168] : memref<8x2x112xi32, #tpu.memory_space<vmem>> -> memref<1x1x112xi32, #tpu.memory_space<vmem>>
      %dma_wait3A_170 = tpu.memref_squeeze %dma_wait3A_169 : memref<1x1x112xi32, #tpu.memory_space<vmem>> -> memref<112xi32, #tpu.memory_space<vmem>>
      %dma_wait3A_171 = arith.constant 0 : i32
      %dma_wait3A_172 = arith.constant 0 : i32
      %dma_wait3A_173 = tpu.memref_slice %arg8[%arg0, %dma_wait3A_171, %dma_wait3A_172] : memref<2x50176x32xf32, #tpu.memory_space<hbm>> -> memref<1x50176x32xf32, #tpu.memory_space<hbm>>
      %dma_wait3A_174 = tpu.memref_squeeze %dma_wait3A_173 : memref<1x50176x32xf32, #tpu.memory_space<hbm>> -> memref<50176x32xf32, #tpu.memory_space<hbm>>
      %dma_wait3A_175 = arith.constant 0 : i32
      %dma_wait3A_176 = arith.constant 0 : i32
      %dma_wait3A_177 = tpu.memref_slice %dma_wait3A_174[%dma_wait3A_175, %dma_wait3A_176] : memref<50176x32xf32, #tpu.memory_space<hbm>> -> memref<50176x32xf32, #tpu.memory_space<hbm>>
      tpu.wait_indirect_dma semaphore(%arg12 : memref<!tpu.dma_semaphore, #tpu.memory_space<semaphore_mem>>) src(%dma_wait3A_177 : memref<50176x32xf32, #tpu.memory_space<hbm>>) dst(%dma_wait3A_167 : memref<112x32xf32, #tpu.memory_space<vmem>>)
      %dma_start3A_178 = arith.constant 0 : i32
      %dma_start3A_179 = arith.constant 1 : i32
      %dma_start3A_180 = arith.constant 0 : i32
      %dma_start3A_181 = arith.constant 0 : i32
      %dma_start3A_182 = tpu.memref_slice %arg11[%dma_start3A_180, %dma_start3A_181] : memref<896x32xf32, #tpu.memory_space<vmem>> -> memref<112x32xf32, #tpu.memory_space<vmem>>
      %dma_start3A_183 = arith.constant 0 : i32
      %dma_start3A_184 = tpu.memref_slice %arg10[%dma_start3A_178, %dma_start3A_179, %dma_start3A_183] : memref<8x2x112xi32, #tpu.memory_space<vmem>> -> memref<1x1x112xi32, #tpu.memory_space<vmem>>
      %dma_start3A_185 = tpu.memref_squeeze %dma_start3A_184 : memref<1x1x112xi32, #tpu.memory_space<vmem>> -> memref<112xi32, #tpu.memory_space<vmem>>
      %dma_start3A_186 = arith.constant 0 : i32
      %dma_start3A_187 = arith.constant 0 : i32
      %dma_start3A_188 = tpu.memref_slice %arg9[%dma_start3A_186, %dma_start3A_187] : memref<50176x32xf32, #tpu.memory_space<vmem_shared>> -> memref<50176x32xf32, #tpu.memory_space<vmem_shared>>
      tpu.enqueue_indirect_dma source(%dma_start3A_182 : memref<112x32xf32, #tpu.memory_space<vmem>>) target(%dma_start3A_188 : memref<50176x32xf32, #tpu.memory_space<vmem_shared>>) offsets(%dma_start3A_185 : memref<112xi32, #tpu.memory_space<vmem>>) semaphore(%arg13 : memref<!tpu.dma_semaphore, #tpu.memory_space<semaphore_mem>>) {add = true}
      %dma_wait3A_189 = arith.constant 1 : i32
      %dma_wait3A_190 = arith.constant 0 : i32
      %dma_wait3A_191 = arith.constant 112 : i32
      %dma_wait3A_192 = arith.constant 0 : i32
      %dma_wait3A_193 = tpu.memref_slice %arg11[%dma_wait3A_191, %dma_wait3A_192] : memref<896x32xf32, #tpu.memory_space<vmem>> -> memref<112x32xf32, #tpu.memory_space<vmem>>
      %dma_wait3A_194 = arith.constant 0 : i32
      %dma_wait3A_195 = tpu.memref_slice %arg10[%dma_wait3A_189, %dma_wait3A_190, %dma_wait3A_194] : memref<8x2x112xi32, #tpu.memory_space<vmem>> -> memref<1x1x112xi32, #tpu.memory_space<vmem>>
      %dma_wait3A_196 = tpu.memref_squeeze %dma_wait3A_195 : memref<1x1x112xi32, #tpu.memory_space<vmem>> -> memref<112xi32, #tpu.memory_space<vmem>>
      %dma_wait3A_197 = arith.constant 0 : i32
      %dma_wait3A_198 = arith.constant 0 : i32
      %dma_wait3A_199 = tpu.memref_slice %arg8[%arg0, %dma_wait3A_197, %dma_wait3A_198] : memref<2x50176x32xf32, #tpu.memory_space<hbm>> -> memref<1x50176x32xf32, #tpu.memory_space<hbm>>
      %dma_wait3A_200 = tpu.memref_squeeze %dma_wait3A_199 : memref<1x50176x32xf32, #tpu.memory_space<hbm>> -> memref<50176x32xf32, #tpu.memory_space<hbm>>
      %dma_wait3A_201 = arith.constant 0 : i32
      %dma_wait3A_202 = arith.constant 0 : i32
      %dma_wait3A_203 = tpu.memref_slice %dma_wait3A_200[%dma_wait3A_201, %dma_wait3A_202] : memref<50176x32xf32, #tpu.memory_space<hbm>> -> memref<50176x32xf32, #tpu.memory_space<hbm>>
      tpu.wait_indirect_dma semaphore(%arg12 : memref<!tpu.dma_semaphore, #tpu.memory_space<semaphore_mem>>) src(%dma_wait3A_203 : memref<50176x32xf32, #tpu.memory_space<hbm>>) dst(%dma_wait3A_193 : memref<112x32xf32, #tpu.memory_space<vmem>>)
      %dma_start3A_204 = arith.constant 1 : i32
      %dma_start3A_205 = arith.constant 1 : i32
      %dma_start3A_206 = arith.constant 112 : i32
      %dma_start3A_207 = arith.constant 0 : i32
      %dma_start3A_208 = tpu.memref_slice %arg11[%dma_start3A_206, %dma_start3A_207] : memref<896x32xf32, #tpu.memory_space<vmem>> -> memref<112x32xf32, #tpu.memory_space<vmem>>
      %dma_start3A_209 = arith.constant 0 : i32
      %dma_start3A_210 = tpu.memref_slice %arg10[%dma_start3A_204, %dma_start3A_205, %dma_start3A_209] : memref<8x2x112xi32, #tpu.memory_space<vmem>> -> memref<1x1x112xi32, #tpu.memory_space<vmem>>
      %dma_start3A_211 = tpu.memref_squeeze %dma_start3A_210 : memref<1x1x112xi32, #tpu.memory_space<vmem>> -> memref<112xi32, #tpu.memory_space<vmem>>
      %dma_start3A_212 = arith.constant 0 : i32
      %dma_start3A_213 = arith.constant 0 : i32
      %dma_start3A_214 = tpu.memref_slice %arg9[%dma_start3A_212, %dma_start3A_213] : memref<50176x32xf32, #tpu.memory_space<vmem_shared>> -> memref<50176x32xf32, #tpu.memory_space<vmem_shared>>
      tpu.enqueue_indirect_dma source(%dma_start3A_208 : memref<112x32xf32, #tpu.memory_space<vmem>>) target(%dma_start3A_214 : memref<50176x32xf32, #tpu.memory_space<vmem_shared>>) offsets(%dma_start3A_211 : memref<112xi32, #tpu.memory_space<vmem>>) semaphore(%arg13 : memref<!tpu.dma_semaphore, #tpu.memory_space<semaphore_mem>>) {add = true}
      %dma_wait3A_215 = arith.constant 2 : i32
      %dma_wait3A_216 = arith.constant 0 : i32
      %dma_wait3A_217 = arith.constant 224 : i32
      %dma_wait3A_218 = arith.constant 0 : i32
      %dma_wait3A_219 = tpu.memref_slice %arg11[%dma_wait3A_217, %dma_wait3A_218] : memref<896x32xf32, #tpu.memory_space<vmem>> -> memref<112x32xf32, #tpu.memory_space<vmem>>
      %dma_wait3A_220 = arith.constant 0 : i32
      %dma_wait3A_221 = tpu.memref_slice %arg10[%dma_wait3A_215, %dma_wait3A_216, %dma_wait3A_220] : memref<8x2x112xi32, #tpu.memory_space<vmem>> -> memref<1x1x112xi32, #tpu.memory_space<vmem>>
      %dma_wait3A_222 = tpu.memref_squeeze %dma_wait3A_221 : memref<1x1x112xi32, #tpu.memory_space<vmem>> -> memref<112xi32, #tpu.memory_space<vmem>>
      %dma_wait3A_223 = arith.constant 0 : i32
      %dma_wait3A_224 = arith.constant 0 : i32
      %dma_wait3A_225 = tpu.memref_slice %arg8[%arg0, %dma_wait3A_223, %dma_wait3A_224] : memref<2x50176x32xf32, #tpu.memory_space<hbm>> -> memref<1x50176x32xf32, #tpu.memory_space<hbm>>
      %dma_wait3A_226 = tpu.memref_squeeze %dma_wait3A_225 : memref<1x50176x32xf32, #tpu.memory_space<hbm>> -> memref<50176x32xf32, #tpu.memory_space<hbm>>
      %dma_wait3A_227 = arith.constant 0 : i32
      %dma_wait3A_228 = arith.constant 0 : i32
      %dma_wait3A_229 = tpu.memref_slice %dma_wait3A_226[%dma_wait3A_227, %dma_wait3A_228] : memref<50176x32xf32, #tpu.memory_space<hbm>> -> memref<50176x32xf32, #tpu.memory_space<hbm>>
      tpu.wait_indirect_dma semaphore(%arg12 : memref<!tpu.dma_semaphore, #tpu.memory_space<semaphore_mem>>) src(%dma_wait3A_229 : memref<50176x32xf32, #tpu.memory_space<hbm>>) dst(%dma_wait3A_219 : memref<112x32xf32, #tpu.memory_space<vmem>>)
      %dma_start3A_230 = arith.constant 2 : i32
      %dma_start3A_231 = arith.constant 1 : i32
      %dma_start3A_232 = arith.constant 224 : i32
      %dma_start3A_233 = arith.constant 0 : i32
      %dma_start3A_234 = tpu.memref_slice %arg11[%dma_start3A_232, %dma_start3A_233] : memref<896x32xf32, #tpu.memory_space<vmem>> -> memref<112x32xf32, #tpu.memory_space<vmem>>
      %dma_start3A_235 = arith.constant 0 : i32
      %dma_start3A_236 = tpu.memref_slice %arg10[%dma_start3A_230, %dma_start3A_231, %dma_start3A_235] : memref<8x2x112xi32, #tpu.memory_space<vmem>> -> memref<1x1x112xi32, #tpu.memory_space<vmem>>
      %dma_start3A_237 = tpu.memref_squeeze %dma_start3A_236 : memref<1x1x112xi32, #tpu.memory_space<vmem>> -> memref<112xi32, #tpu.memory_space<vmem>>
      %dma_start3A_238 = arith.constant 0 : i32
      %dma_start3A_239 = arith.constant 0 : i32
      %dma_start3A_240 = tpu.memref_slice %arg9[%dma_start3A_238, %dma_start3A_239] : memref<50176x32xf32, #tpu.memory_space<vmem_shared>> -> memref<50176x32xf32, #tpu.memory_space<vmem_shared>>
      tpu.enqueue_indirect_dma source(%dma_start3A_234 : memref<112x32xf32, #tpu.memory_space<vmem>>) target(%dma_start3A_240 : memref<50176x32xf32, #tpu.memory_space<vmem_shared>>) offsets(%dma_start3A_237 : memref<112xi32, #tpu.memory_space<vmem>>) semaphore(%arg13 : memref<!tpu.dma_semaphore, #tpu.memory_space<semaphore_mem>>) {add = true}
      %dma_wait3A_241 = arith.constant 3 : i32
      %dma_wait3A_242 = arith.constant 0 : i32
      %dma_wait3A_243 = arith.constant 336 : i32
      %dma_wait3A_244 = arith.constant 0 : i32
      %dma_wait3A_245 = tpu.memref_slice %arg11[%dma_wait3A_243, %dma_wait3A_244] : memref<896x32xf32, #tpu.memory_space<vmem>> -> memref<112x32xf32, #tpu.memory_space<vmem>>
      %dma_wait3A_246 = arith.constant 0 : i32
      %dma_wait3A_247 = tpu.memref_slice %arg10[%dma_wait3A_241, %dma_wait3A_242, %dma_wait3A_246] : memref<8x2x112xi32, #tpu.memory_space<vmem>> -> memref<1x1x112xi32, #tpu.memory_space<vmem>>
      %dma_wait3A_248 = tpu.memref_squeeze %dma_wait3A_247 : memref<1x1x112xi32, #tpu.memory_space<vmem>> -> memref<112xi32, #tpu.memory_space<vmem>>
      %dma_wait3A_249 = arith.constant 0 : i32
      %dma_wait3A_250 = arith.constant 0 : i32
      %dma_wait3A_251 = tpu.memref_slice %arg8[%arg0, %dma_wait3A_249, %dma_wait3A_250] : memref<2x50176x32xf32, #tpu.memory_space<hbm>> -> memref<1x50176x32xf32, #tpu.memory_space<hbm>>
      %dma_wait3A_252 = tpu.memref_squeeze %dma_wait3A_251 : memref<1x50176x32xf32, #tpu.memory_space<hbm>> -> memref<50176x32xf32, #tpu.memory_space<hbm>>
      %dma_wait3A_253 = arith.constant 0 : i32
      %dma_wait3A_254 = arith.constant 0 : i32
      %dma_wait3A_255 = tpu.memref_slice %dma_wait3A_252[%dma_wait3A_253, %dma_wait3A_254] : memref<50176x32xf32, #tpu.memory_space<hbm>> -> memref<50176x32xf32, #tpu.memory_space<hbm>>
      tpu.wait_indirect_dma semaphore(%arg12 : memref<!tpu.dma_semaphore, #tpu.memory_space<semaphore_mem>>) src(%dma_wait3A_255 : memref<50176x32xf32, #tpu.memory_space<hbm>>) dst(%dma_wait3A_245 : memref<112x32xf32, #tpu.memory_space<vmem>>)
      %dma_start3A_256 = arith.constant 3 : i32
      %dma_start3A_257 = arith.constant 1 : i32
      %dma_start3A_258 = arith.constant 336 : i32
      %dma_start3A_259 = arith.constant 0 : i32
      %dma_start3A_260 = tpu.memref_slice %arg11[%dma_start3A_258, %dma_start3A_259] : memref<896x32xf32, #tpu.memory_space<vmem>> -> memref<112x32xf32, #tpu.memory_space<vmem>>
      %dma_start3A_261 = arith.constant 0 : i32
      %dma_start3A_262 = tpu.memref_slice %arg10[%dma_start3A_256, %dma_start3A_257, %dma_start3A_261] : memref<8x2x112xi32, #tpu.memory_space<vmem>> -> memref<1x1x112xi32, #tpu.memory_space<vmem>>
      %dma_start3A_263 = tpu.memref_squeeze %dma_start3A_262 : memref<1x1x112xi32, #tpu.memory_space<vmem>> -> memref<112xi32, #tpu.memory_space<vmem>>
      %dma_start3A_264 = arith.constant 0 : i32
      %dma_start3A_265 = arith.constant 0 : i32
      %dma_start3A_266 = tpu.memref_slice %arg9[%dma_start3A_264, %dma_start3A_265] : memref<50176x32xf32, #tpu.memory_space<vmem_shared>> -> memref<50176x32xf32, #tpu.memory_space<vmem_shared>>
      tpu.enqueue_indirect_dma source(%dma_start3A_260 : memref<112x32xf32, #tpu.memory_space<vmem>>) target(%dma_start3A_266 : memref<50176x32xf32, #tpu.memory_space<vmem_shared>>) offsets(%dma_start3A_263 : memref<112xi32, #tpu.memory_space<vmem>>) semaphore(%arg13 : memref<!tpu.dma_semaphore, #tpu.memory_space<semaphore_mem>>) {add = true}
      %dma_wait3A_267 = arith.constant 4 : i32
      %dma_wait3A_268 = arith.constant 0 : i32
      %dma_wait3A_269 = arith.constant 448 : i32
      %dma_wait3A_270 = arith.constant 0 : i32
      %dma_wait3A_271 = tpu.memref_slice %arg11[%dma_wait3A_269, %dma_wait3A_270] : memref<896x32xf32, #tpu.memory_space<vmem>> -> memref<112x32xf32, #tpu.memory_space<vmem>>
      %dma_wait3A_272 = arith.constant 0 : i32
      %dma_wait3A_273 = tpu.memref_slice %arg10[%dma_wait3A_267, %dma_wait3A_268, %dma_wait3A_272] : memref<8x2x112xi32, #tpu.memory_space<vmem>> -> memref<1x1x112xi32, #tpu.memory_space<vmem>>
      %dma_wait3A_274 = tpu.memref_squeeze %dma_wait3A_273 : memref<1x1x112xi32, #tpu.memory_space<vmem>> -> memref<112xi32, #tpu.memory_space<vmem>>
      %dma_wait3A_275 = arith.constant 0 : i32
      %dma_wait3A_276 = arith.constant 0 : i32
      %dma_wait3A_277 = tpu.memref_slice %arg8[%arg0, %dma_wait3A_275, %dma_wait3A_276] : memref<2x50176x32xf32, #tpu.memory_space<hbm>> -> memref<1x50176x32xf32, #tpu.memory_space<hbm>>
      %dma_wait3A_278 = tpu.memref_squeeze %dma_wait3A_277 : memref<1x50176x32xf32, #tpu.memory_space<hbm>> -> memref<50176x32xf32, #tpu.memory_space<hbm>>
      %dma_wait3A_279 = arith.constant 0 : i32
      %dma_wait3A_280 = arith.constant 0 : i32
      %dma_wait3A_281 = tpu.memref_slice %dma_wait3A_278[%dma_wait3A_279, %dma_wait3A_280] : memref<50176x32xf32, #tpu.memory_space<hbm>> -> memref<50176x32xf32, #tpu.memory_space<hbm>>
      tpu.wait_indirect_dma semaphore(%arg12 : memref<!tpu.dma_semaphore, #tpu.memory_space<semaphore_mem>>) src(%dma_wait3A_281 : memref<50176x32xf32, #tpu.memory_space<hbm>>) dst(%dma_wait3A_271 : memref<112x32xf32, #tpu.memory_space<vmem>>)
      %dma_start3A_282 = arith.constant 4 : i32
      %dma_start3A_283 = arith.constant 1 : i32
      %dma_start3A_284 = arith.constant 448 : i32
      %dma_start3A_285 = arith.constant 0 : i32
      %dma_start3A_286 = tpu.memref_slice %arg11[%dma_start3A_284, %dma_start3A_285] : memref<896x32xf32, #tpu.memory_space<vmem>> -> memref<112x32xf32, #tpu.memory_space<vmem>>
      %dma_start3A_287 = arith.constant 0 : i32
      %dma_start3A_288 = tpu.memref_slice %arg10[%dma_start3A_282, %dma_start3A_283, %dma_start3A_287] : memref<8x2x112xi32, #tpu.memory_space<vmem>> -> memref<1x1x112xi32, #tpu.memory_space<vmem>>
      %dma_start3A_289 = tpu.memref_squeeze %dma_start3A_288 : memref<1x1x112xi32, #tpu.memory_space<vmem>> -> memref<112xi32, #tpu.memory_space<vmem>>
      %dma_start3A_290 = arith.constant 0 : i32
      %dma_start3A_291 = arith.constant 0 : i32
      %dma_start3A_292 = tpu.memref_slice %arg9[%dma_start3A_290, %dma_start3A_291] : memref<50176x32xf32, #tpu.memory_space<vmem_shared>> -> memref<50176x32xf32, #tpu.memory_space<vmem_shared>>
      tpu.enqueue_indirect_dma source(%dma_start3A_286 : memref<112x32xf32, #tpu.memory_space<vmem>>) target(%dma_start3A_292 : memref<50176x32xf32, #tpu.memory_space<vmem_shared>>) offsets(%dma_start3A_289 : memref<112xi32, #tpu.memory_space<vmem>>) semaphore(%arg13 : memref<!tpu.dma_semaphore, #tpu.memory_space<semaphore_mem>>) {add = true}
      %dma_wait3A_293 = arith.constant 5 : i32
      %dma_wait3A_294 = arith.constant 0 : i32
      %dma_wait3A_295 = arith.constant 560 : i32
      %dma_wait3A_296 = arith.constant 0 : i32
      %dma_wait3A_297 = tpu.memref_slice %arg11[%dma_wait3A_295, %dma_wait3A_296] : memref<896x32xf32, #tpu.memory_space<vmem>> -> memref<112x32xf32, #tpu.memory_space<vmem>>
      %dma_wait3A_298 = arith.constant 0 : i32
      %dma_wait3A_299 = tpu.memref_slice %arg10[%dma_wait3A_293, %dma_wait3A_294, %dma_wait3A_298] : memref<8x2x112xi32, #tpu.memory_space<vmem>> -> memref<1x1x112xi32, #tpu.memory_space<vmem>>
      %dma_wait3A_300 = tpu.memref_squeeze %dma_wait3A_299 : memref<1x1x112xi32, #tpu.memory_space<vmem>> -> memref<112xi32, #tpu.memory_space<vmem>>
      %dma_wait3A_301 = arith.constant 0 : i32
      %dma_wait3A_302 = arith.constant 0 : i32
      %dma_wait3A_303 = tpu.memref_slice %arg8[%arg0, %dma_wait3A_301, %dma_wait3A_302] : memref<2x50176x32xf32, #tpu.memory_space<hbm>> -> memref<1x50176x32xf32, #tpu.memory_space<hbm>>
      %dma_wait3A_304 = tpu.memref_squeeze %dma_wait3A_303 : memref<1x50176x32xf32, #tpu.memory_space<hbm>> -> memref<50176x32xf32, #tpu.memory_space<hbm>>
      %dma_wait3A_305 = arith.constant 0 : i32
      %dma_wait3A_306 = arith.constant 0 : i32
      %dma_wait3A_307 = tpu.memref_slice %dma_wait3A_304[%dma_wait3A_305, %dma_wait3A_306] : memref<50176x32xf32, #tpu.memory_space<hbm>> -> memref<50176x32xf32, #tpu.memory_space<hbm>>
      tpu.wait_indirect_dma semaphore(%arg12 : memref<!tpu.dma_semaphore, #tpu.memory_space<semaphore_mem>>) src(%dma_wait3A_307 : memref<50176x32xf32, #tpu.memory_space<hbm>>) dst(%dma_wait3A_297 : memref<112x32xf32, #tpu.memory_space<vmem>>)
      %dma_start3A_308 = arith.constant 5 : i32
      %dma_start3A_309 = arith.constant 1 : i32
      %dma_start3A_310 = arith.constant 560 : i32
      %dma_start3A_311 = arith.constant 0 : i32
      %dma_start3A_312 = tpu.memref_slice %arg11[%dma_start3A_310, %dma_start3A_311] : memref<896x32xf32, #tpu.memory_space<vmem>> -> memref<112x32xf32, #tpu.memory_space<vmem>>
      %dma_start3A_313 = arith.constant 0 : i32
      %dma_start3A_314 = tpu.memref_slice %arg10[%dma_start3A_308, %dma_start3A_309, %dma_start3A_313] : memref<8x2x112xi32, #tpu.memory_space<vmem>> -> memref<1x1x112xi32, #tpu.memory_space<vmem>>
      %dma_start3A_315 = tpu.memref_squeeze %dma_start3A_314 : memref<1x1x112xi32, #tpu.memory_space<vmem>> -> memref<112xi32, #tpu.memory_space<vmem>>
      %dma_start3A_316 = arith.constant 0 : i32
      %dma_start3A_317 = arith.constant 0 : i32
      %dma_start3A_318 = tpu.memref_slice %arg9[%dma_start3A_316, %dma_start3A_317] : memref<50176x32xf32, #tpu.memory_space<vmem_shared>> -> memref<50176x32xf32, #tpu.memory_space<vmem_shared>>
      tpu.enqueue_indirect_dma source(%dma_start3A_312 : memref<112x32xf32, #tpu.memory_space<vmem>>) target(%dma_start3A_318 : memref<50176x32xf32, #tpu.memory_space<vmem_shared>>) offsets(%dma_start3A_315 : memref<112xi32, #tpu.memory_space<vmem>>) semaphore(%arg13 : memref<!tpu.dma_semaphore, #tpu.memory_space<semaphore_mem>>) {add = true}
      %dma_wait3A_319 = arith.constant 6 : i32
      %dma_wait3A_320 = arith.constant 0 : i32
      %dma_wait3A_321 = arith.constant 672 : i32
      %dma_wait3A_322 = arith.constant 0 : i32
      %dma_wait3A_323 = tpu.memref_slice %arg11[%dma_wait3A_321, %dma_wait3A_322] : memref<896x32xf32, #tpu.memory_space<vmem>> -> memref<112x32xf32, #tpu.memory_space<vmem>>
      %dma_wait3A_324 = arith.constant 0 : i32
      %dma_wait3A_325 = tpu.memref_slice %arg10[%dma_wait3A_319, %dma_wait3A_320, %dma_wait3A_324] : memref<8x2x112xi32, #tpu.memory_space<vmem>> -> memref<1x1x112xi32, #tpu.memory_space<vmem>>
      %dma_wait3A_326 = tpu.memref_squeeze %dma_wait3A_325 : memref<1x1x112xi32, #tpu.memory_space<vmem>> -> memref<112xi32, #tpu.memory_space<vmem>>
      %dma_wait3A_327 = arith.constant 0 : i32
      %dma_wait3A_328 = arith.constant 0 : i32
      %dma_wait3A_329 = tpu.memref_slice %arg8[%arg0, %dma_wait3A_327, %dma_wait3A_328] : memref<2x50176x32xf32, #tpu.memory_space<hbm>> -> memref<1x50176x32xf32, #tpu.memory_space<hbm>>
      %dma_wait3A_330 = tpu.memref_squeeze %dma_wait3A_329 : memref<1x50176x32xf32, #tpu.memory_space<hbm>> -> memref<50176x32xf32, #tpu.memory_space<hbm>>
      %dma_wait3A_331 = arith.constant 0 : i32
      %dma_wait3A_332 = arith.constant 0 : i32
      %dma_wait3A_333 = tpu.memref_slice %dma_wait3A_330[%dma_wait3A_331, %dma_wait3A_332] : memref<50176x32xf32, #tpu.memory_space<hbm>> -> memref<50176x32xf32, #tpu.memory_space<hbm>>
      tpu.wait_indirect_dma semaphore(%arg12 : memref<!tpu.dma_semaphore, #tpu.memory_space<semaphore_mem>>) src(%dma_wait3A_333 : memref<50176x32xf32, #tpu.memory_space<hbm>>) dst(%dma_wait3A_323 : memref<112x32xf32, #tpu.memory_space<vmem>>)
      %dma_start3A_334 = arith.constant 6 : i32
      %dma_start3A_335 = arith.constant 1 : i32
      %dma_start3A_336 = arith.constant 672 : i32
      %dma_start3A_337 = arith.constant 0 : i32
      %dma_start3A_338 = tpu.memref_slice %arg11[%dma_start3A_336, %dma_start3A_337] : memref<896x32xf32, #tpu.memory_space<vmem>> -> memref<112x32xf32, #tpu.memory_space<vmem>>
      %dma_start3A_339 = arith.constant 0 : i32
      %dma_start3A_340 = tpu.memref_slice %arg10[%dma_start3A_334, %dma_start3A_335, %dma_start3A_339] : memref<8x2x112xi32, #tpu.memory_space<vmem>> -> memref<1x1x112xi32, #tpu.memory_space<vmem>>
      %dma_start3A_341 = tpu.memref_squeeze %dma_start3A_340 : memref<1x1x112xi32, #tpu.memory_space<vmem>> -> memref<112xi32, #tpu.memory_space<vmem>>
      %dma_start3A_342 = arith.constant 0 : i32
      %dma_start3A_343 = arith.constant 0 : i32
      %dma_start3A_344 = tpu.memref_slice %arg9[%dma_start3A_342, %dma_start3A_343] : memref<50176x32xf32, #tpu.memory_space<vmem_shared>> -> memref<50176x32xf32, #tpu.memory_space<vmem_shared>>
      tpu.enqueue_indirect_dma source(%dma_start3A_338 : memref<112x32xf32, #tpu.memory_space<vmem>>) target(%dma_start3A_344 : memref<50176x32xf32, #tpu.memory_space<vmem_shared>>) offsets(%dma_start3A_341 : memref<112xi32, #tpu.memory_space<vmem>>) semaphore(%arg13 : memref<!tpu.dma_semaphore, #tpu.memory_space<semaphore_mem>>) {add = true}
      %dma_wait3A_345 = arith.constant 7 : i32
      %dma_wait3A_346 = arith.constant 0 : i32
      %dma_wait3A_347 = arith.constant 784 : i32
      %dma_wait3A_348 = arith.constant 0 : i32
      %dma_wait3A_349 = tpu.memref_slice %arg11[%dma_wait3A_347, %dma_wait3A_348] : memref<896x32xf32, #tpu.memory_space<vmem>> -> memref<112x32xf32, #tpu.memory_space<vmem>>
      %dma_wait3A_350 = arith.constant 0 : i32
      %dma_wait3A_351 = tpu.memref_slice %arg10[%dma_wait3A_345, %dma_wait3A_346, %dma_wait3A_350] : memref<8x2x112xi32, #tpu.memory_space<vmem>> -> memref<1x1x112xi32, #tpu.memory_space<vmem>>
      %dma_wait3A_352 = tpu.memref_squeeze %dma_wait3A_351 : memref<1x1x112xi32, #tpu.memory_space<vmem>> -> memref<112xi32, #tpu.memory_space<vmem>>
      %dma_wait3A_353 = arith.constant 0 : i32
      %dma_wait3A_354 = arith.constant 0 : i32
      %dma_wait3A_355 = tpu.memref_slice %arg8[%arg0, %dma_wait3A_353, %dma_wait3A_354] : memref<2x50176x32xf32, #tpu.memory_space<hbm>> -> memref<1x50176x32xf32, #tpu.memory_space<hbm>>
      %dma_wait3A_356 = tpu.memref_squeeze %dma_wait3A_355 : memref<1x50176x32xf32, #tpu.memory_space<hbm>> -> memref<50176x32xf32, #tpu.memory_space<hbm>>
      %dma_wait3A_357 = arith.constant 0 : i32
      %dma_wait3A_358 = arith.constant 0 : i32
      %dma_wait3A_359 = tpu.memref_slice %dma_wait3A_356[%dma_wait3A_357, %dma_wait3A_358] : memref<50176x32xf32, #tpu.memory_space<hbm>> -> memref<50176x32xf32, #tpu.memory_space<hbm>>
      tpu.wait_indirect_dma semaphore(%arg12 : memref<!tpu.dma_semaphore, #tpu.memory_space<semaphore_mem>>) src(%dma_wait3A_359 : memref<50176x32xf32, #tpu.memory_space<hbm>>) dst(%dma_wait3A_349 : memref<112x32xf32, #tpu.memory_space<vmem>>)
      %dma_start3A_360 = arith.constant 7 : i32
      %dma_start3A_361 = arith.constant 1 : i32
      %dma_start3A_362 = arith.constant 784 : i32
      %dma_start3A_363 = arith.constant 0 : i32
      %dma_start3A_364 = tpu.memref_slice %arg11[%dma_start3A_362, %dma_start3A_363] : memref<896x32xf32, #tpu.memory_space<vmem>> -> memref<112x32xf32, #tpu.memory_space<vmem>>
      %dma_start3A_365 = arith.constant 0 : i32
      %dma_start3A_366 = tpu.memref_slice %arg10[%dma_start3A_360, %dma_start3A_361, %dma_start3A_365] : memref<8x2x112xi32, #tpu.memory_space<vmem>> -> memref<1x1x112xi32, #tpu.memory_space<vmem>>
      %dma_start3A_367 = tpu.memref_squeeze %dma_start3A_366 : memref<1x1x112xi32, #tpu.memory_space<vmem>> -> memref<112xi32, #tpu.memory_space<vmem>>
      %dma_start3A_368 = arith.constant 0 : i32
      %dma_start3A_369 = arith.constant 0 : i32
      %dma_start3A_370 = tpu.memref_slice %arg9[%dma_start3A_368, %dma_start3A_369] : memref<50176x32xf32, #tpu.memory_space<vmem_shared>> -> memref<50176x32xf32, #tpu.memory_space<vmem_shared>>
      tpu.enqueue_indirect_dma source(%dma_start3A_364 : memref<112x32xf32, #tpu.memory_space<vmem>>) target(%dma_start3A_370 : memref<50176x32xf32, #tpu.memory_space<vmem_shared>>) offsets(%dma_start3A_367 : memref<112xi32, #tpu.memory_space<vmem>>) semaphore(%arg13 : memref<!tpu.dma_semaphore, #tpu.memory_space<semaphore_mem>>) {add = true}
      %dma_wait3A_371 = arith.constant 0 : i32
      %dma_wait3A_372 = arith.constant 1 : i32
      %dma_wait3A_373 = arith.constant 0 : i32
      %dma_wait3A_374 = arith.constant 0 : i32
      %dma_wait3A_375 = tpu.memref_slice %arg11[%dma_wait3A_373, %dma_wait3A_374] : memref<896x32xf32, #tpu.memory_space<vmem>> -> memref<112x32xf32, #tpu.memory_space<vmem>>
      %dma_wait3A_376 = arith.constant 0 : i32
      %dma_wait3A_377 = tpu.memref_slice %arg10[%dma_wait3A_371, %dma_wait3A_372, %dma_wait3A_376] : memref<8x2x112xi32, #tpu.memory_space<vmem>> -> memref<1x1x112xi32, #tpu.memory_space<vmem>>
      %dma_wait3A_378 = tpu.memref_squeeze %dma_wait3A_377 : memref<1x1x112xi32, #tpu.memory_space<vmem>> -> memref<112xi32, #tpu.memory_space<vmem>>
      %dma_wait3A_379 = arith.constant 0 : i32
      %dma_wait3A_380 = arith.constant 0 : i32
      %dma_wait3A_381 = tpu.memref_slice %arg9[%dma_wait3A_379, %dma_wait3A_380] : memref<50176x32xf32, #tpu.memory_space<vmem_shared>> -> memref<50176x32xf32, #tpu.memory_space<vmem_shared>>
      tpu.wait_indirect_dma semaphore(%arg13 : memref<!tpu.dma_semaphore, #tpu.memory_space<semaphore_mem>>) src(%dma_wait3A_375 : memref<112x32xf32, #tpu.memory_space<vmem>>) dst(%dma_wait3A_381 : memref<50176x32xf32, #tpu.memory_space<vmem_shared>>)
      %dma_wait3A_382 = arith.constant 1 : i32
      %dma_wait3A_383 = arith.constant 1 : i32
      %dma_wait3A_384 = arith.constant 112 : i32
      %dma_wait3A_385 = arith.constant 0 : i32
      %dma_wait3A_386 = tpu.memref_slice %arg11[%dma_wait3A_384, %dma_wait3A_385] : memref<896x32xf32, #tpu.memory_space<vmem>> -> memref<112x32xf32, #tpu.memory_space<vmem>>
      %dma_wait3A_387 = arith.constant 0 : i32
      %dma_wait3A_388 = tpu.memref_slice %arg10[%dma_wait3A_382, %dma_wait3A_383, %dma_wait3A_387] : memref<8x2x112xi32, #tpu.memory_space<vmem>> -> memref<1x1x112xi32, #tpu.memory_space<vmem>>
      %dma_wait3A_389 = tpu.memref_squeeze %dma_wait3A_388 : memref<1x1x112xi32, #tpu.memory_space<vmem>> -> memref<112xi32, #tpu.memory_space<vmem>>
      %dma_wait3A_390 = arith.constant 0 : i32
      %dma_wait3A_391 = arith.constant 0 : i32
      %dma_wait3A_392 = tpu.memref_slice %arg9[%dma_wait3A_390, %dma_wait3A_391] : memref<50176x32xf32, #tpu.memory_space<vmem_shared>> -> memref<50176x32xf32, #tpu.memory_space<vmem_shared>>
      tpu.wait_indirect_dma semaphore(%arg13 : memref<!tpu.dma_semaphore, #tpu.memory_space<semaphore_mem>>) src(%dma_wait3A_386 : memref<112x32xf32, #tpu.memory_space<vmem>>) dst(%dma_wait3A_392 : memref<50176x32xf32, #tpu.memory_space<vmem_shared>>)
      %dma_wait3A_393 = arith.constant 2 : i32
      %dma_wait3A_394 = arith.constant 1 : i32
      %dma_wait3A_395 = arith.constant 224 : i32
      %dma_wait3A_396 = arith.constant 0 : i32
      %dma_wait3A_397 = tpu.memref_slice %arg11[%dma_wait3A_395, %dma_wait3A_396] : memref<896x32xf32, #tpu.memory_space<vmem>> -> memref<112x32xf32, #tpu.memory_space<vmem>>
      %dma_wait3A_398 = arith.constant 0 : i32
      %dma_wait3A_399 = tpu.memref_slice %arg10[%dma_wait3A_393, %dma_wait3A_394, %dma_wait3A_398] : memref<8x2x112xi32, #tpu.memory_space<vmem>> -> memref<1x1x112xi32, #tpu.memory_space<vmem>>
      %dma_wait3A_400 = tpu.memref_squeeze %dma_wait3A_399 : memref<1x1x112xi32, #tpu.memory_space<vmem>> -> memref<112xi32, #tpu.memory_space<vmem>>
      %dma_wait3A_401 = arith.constant 0 : i32
      %dma_wait3A_402 = arith.constant 0 : i32
      %dma_wait3A_403 = tpu.memref_slice %arg9[%dma_wait3A_401, %dma_wait3A_402] : memref<50176x32xf32, #tpu.memory_space<vmem_shared>> -> memref<50176x32xf32, #tpu.memory_space<vmem_shared>>
      tpu.wait_indirect_dma semaphore(%arg13 : memref<!tpu.dma_semaphore, #tpu.memory_space<semaphore_mem>>) src(%dma_wait3A_397 : memref<112x32xf32, #tpu.memory_space<vmem>>) dst(%dma_wait3A_403 : memref<50176x32xf32, #tpu.memory_space<vmem_shared>>)
      %dma_wait3A_404 = arith.constant 3 : i32
      %dma_wait3A_405 = arith.constant 1 : i32
      %dma_wait3A_406 = arith.constant 336 : i32
      %dma_wait3A_407 = arith.constant 0 : i32
      %dma_wait3A_408 = tpu.memref_slice %arg11[%dma_wait3A_406, %dma_wait3A_407] : memref<896x32xf32, #tpu.memory_space<vmem>> -> memref<112x32xf32, #tpu.memory_space<vmem>>
      %dma_wait3A_409 = arith.constant 0 : i32
      %dma_wait3A_410 = tpu.memref_slice %arg10[%dma_wait3A_404, %dma_wait3A_405, %dma_wait3A_409] : memref<8x2x112xi32, #tpu.memory_space<vmem>> -> memref<1x1x112xi32, #tpu.memory_space<vmem>>
      %dma_wait3A_411 = tpu.memref_squeeze %dma_wait3A_410 : memref<1x1x112xi32, #tpu.memory_space<vmem>> -> memref<112xi32, #tpu.memory_space<vmem>>
      %dma_wait3A_412 = arith.constant 0 : i32
      %dma_wait3A_413 = arith.constant 0 : i32
      %dma_wait3A_414 = tpu.memref_slice %arg9[%dma_wait3A_412, %dma_wait3A_413] : memref<50176x32xf32, #tpu.memory_space<vmem_shared>> -> memref<50176x32xf32, #tpu.memory_space<vmem_shared>>
      tpu.wait_indirect_dma semaphore(%arg13 : memref<!tpu.dma_semaphore, #tpu.memory_space<semaphore_mem>>) src(%dma_wait3A_408 : memref<112x32xf32, #tpu.memory_space<vmem>>) dst(%dma_wait3A_414 : memref<50176x32xf32, #tpu.memory_space<vmem_shared>>)
      %dma_wait3A_415 = arith.constant 4 : i32
      %dma_wait3A_416 = arith.constant 1 : i32
      %dma_wait3A_417 = arith.constant 448 : i32
      %dma_wait3A_418 = arith.constant 0 : i32
      %dma_wait3A_419 = tpu.memref_slice %arg11[%dma_wait3A_417, %dma_wait3A_418] : memref<896x32xf32, #tpu.memory_space<vmem>> -> memref<112x32xf32, #tpu.memory_space<vmem>>
      %dma_wait3A_420 = arith.constant 0 : i32
      %dma_wait3A_421 = tpu.memref_slice %arg10[%dma_wait3A_415, %dma_wait3A_416, %dma_wait3A_420] : memref<8x2x112xi32, #tpu.memory_space<vmem>> -> memref<1x1x112xi32, #tpu.memory_space<vmem>>
      %dma_wait3A_422 = tpu.memref_squeeze %dma_wait3A_421 : memref<1x1x112xi32, #tpu.memory_space<vmem>> -> memref<112xi32, #tpu.memory_space<vmem>>
      %dma_wait3A_423 = arith.constant 0 : i32
      %dma_wait3A_424 = arith.constant 0 : i32
      %dma_wait3A_425 = tpu.memref_slice %arg9[%dma_wait3A_423, %dma_wait3A_424] : memref<50176x32xf32, #tpu.memory_space<vmem_shared>> -> memref<50176x32xf32, #tpu.memory_space<vmem_shared>>
      tpu.wait_indirect_dma semaphore(%arg13 : memref<!tpu.dma_semaphore, #tpu.memory_space<semaphore_mem>>) src(%dma_wait3A_419 : memref<112x32xf32, #tpu.memory_space<vmem>>) dst(%dma_wait3A_425 : memref<50176x32xf32, #tpu.memory_space<vmem_shared>>)
      %dma_wait3A_426 = arith.constant 5 : i32
      %dma_wait3A_427 = arith.constant 1 : i32
      %dma_wait3A_428 = arith.constant 560 : i32
      %dma_wait3A_429 = arith.constant 0 : i32
      %dma_wait3A_430 = tpu.memref_slice %arg11[%dma_wait3A_428, %dma_wait3A_429] : memref<896x32xf32, #tpu.memory_space<vmem>> -> memref<112x32xf32, #tpu.memory_space<vmem>>
      %dma_wait3A_431 = arith.constant 0 : i32
      %dma_wait3A_432 = tpu.memref_slice %arg10[%dma_wait3A_426, %dma_wait3A_427, %dma_wait3A_431] : memref<8x2x112xi32, #tpu.memory_space<vmem>> -> memref<1x1x112xi32, #tpu.memory_space<vmem>>
      %dma_wait3A_433 = tpu.memref_squeeze %dma_wait3A_432 : memref<1x1x112xi32, #tpu.memory_space<vmem>> -> memref<112xi32, #tpu.memory_space<vmem>>
      %dma_wait3A_434 = arith.constant 0 : i32
      %dma_wait3A_435 = arith.constant 0 : i32
      %dma_wait3A_436 = tpu.memref_slice %arg9[%dma_wait3A_434, %dma_wait3A_435] : memref<50176x32xf32, #tpu.memory_space<vmem_shared>> -> memref<50176x32xf32, #tpu.memory_space<vmem_shared>>
      tpu.wait_indirect_dma semaphore(%arg13 : memref<!tpu.dma_semaphore, #tpu.memory_space<semaphore_mem>>) src(%dma_wait3A_430 : memref<112x32xf32, #tpu.memory_space<vmem>>) dst(%dma_wait3A_436 : memref<50176x32xf32, #tpu.memory_space<vmem_shared>>)
      %dma_wait3A_437 = arith.constant 6 : i32
      %dma_wait3A_438 = arith.constant 1 : i32
      %dma_wait3A_439 = arith.constant 672 : i32
      %dma_wait3A_440 = arith.constant 0 : i32
      %dma_wait3A_441 = tpu.memref_slice %arg11[%dma_wait3A_439, %dma_wait3A_440] : memref<896x32xf32, #tpu.memory_space<vmem>> -> memref<112x32xf32, #tpu.memory_space<vmem>>
      %dma_wait3A_442 = arith.constant 0 : i32
      %dma_wait3A_443 = tpu.memref_slice %arg10[%dma_wait3A_437, %dma_wait3A_438, %dma_wait3A_442] : memref<8x2x112xi32, #tpu.memory_space<vmem>> -> memref<1x1x112xi32, #tpu.memory_space<vmem>>
      %dma_wait3A_444 = tpu.memref_squeeze %dma_wait3A_443 : memref<1x1x112xi32, #tpu.memory_space<vmem>> -> memref<112xi32, #tpu.memory_space<vmem>>
      %dma_wait3A_445 = arith.constant 0 : i32
      %dma_wait3A_446 = arith.constant 0 : i32
      %dma_wait3A_447 = tpu.memref_slice %arg9[%dma_wait3A_445, %dma_wait3A_446] : memref<50176x32xf32, #tpu.memory_space<vmem_shared>> -> memref<50176x32xf32, #tpu.memory_space<vmem_shared>>
      tpu.wait_indirect_dma semaphore(%arg13 : memref<!tpu.dma_semaphore, #tpu.memory_space<semaphore_mem>>) src(%dma_wait3A_441 : memref<112x32xf32, #tpu.memory_space<vmem>>) dst(%dma_wait3A_447 : memref<50176x32xf32, #tpu.memory_space<vmem_shared>>)
      %dma_wait3A_448 = arith.constant 7 : i32
      %dma_wait3A_449 = arith.constant 1 : i32
      %dma_wait3A_450 = arith.constant 784 : i32
      %dma_wait3A_451 = arith.constant 0 : i32
      %dma_wait3A_452 = tpu.memref_slice %arg11[%dma_wait3A_450, %dma_wait3A_451] : memref<896x32xf32, #tpu.memory_space<vmem>> -> memref<112x32xf32, #tpu.memory_space<vmem>>
      %dma_wait3A_453 = arith.constant 0 : i32
      %dma_wait3A_454 = tpu.memref_slice %arg10[%dma_wait3A_448, %dma_wait3A_449, %dma_wait3A_453] : memref<8x2x112xi32, #tpu.memory_space<vmem>> -> memref<1x1x112xi32, #tpu.memory_space<vmem>>
      %dma_wait3A_455 = tpu.memref_squeeze %dma_wait3A_454 : memref<1x1x112xi32, #tpu.memory_space<vmem>> -> memref<112xi32, #tpu.memory_space<vmem>>
      %dma_wait3A_456 = arith.constant 0 : i32
      %dma_wait3A_457 = arith.constant 0 : i32
      %dma_wait3A_458 = tpu.memref_slice %arg9[%dma_wait3A_456, %dma_wait3A_457] : memref<50176x32xf32, #tpu.memory_space<vmem_shared>> -> memref<50176x32xf32, #tpu.memory_space<vmem_shared>>
      tpu.wait_indirect_dma semaphore(%arg13 : memref<!tpu.dma_semaphore, #tpu.memory_space<semaphore_mem>>) src(%dma_wait3A_452 : memref<112x32xf32, #tpu.memory_space<vmem>>) dst(%dma_wait3A_458 : memref<50176x32xf32, #tpu.memory_space<vmem_shared>>)
      %scan3A_459 = arith.constant 0 : i32
      scf.yield %scan3A_459 : i32
    }
    %scan3A_29 = arith.constant 56 : i32
    "tpu.trace_stop"() : () -> ()
    %barrier3A_30 = arith.constant 0 : index
    tpu.barrier barrier_id(%barrier3A_30)
    "tpu.trace_start"() <{level = 10 : i32, message = "node_update"}> : () -> ()
    %scan3A_31 = arith.constant 0 : i32
    %scan3A_32 = arith.constant 0 : i32
    %scan3A_33 = arith.constant 7 : i32
    %scan3A_34 = arith.addi %scan3A_32, %scan3A_33 : i32
    %scan3A_35 = arith.constant 1 : i32
    %scan3A_36 = scf.for %scan3A_38 = %scan3A_32 to %scan3A_34 step %scan3A_35 iter_args(%scan3A_39 = %scan3A_31) -> (i32)  : i32 {
      %mul3A_40 = arith.constant 448 : i32
      %mul3A_41 = arith.muli %scan3A_38, %mul3A_40 : i32
      %add3A_42 = arith.addi %mul3A_2, %mul3A_41 : i32
      "tpu.region"() ({
        %run_scoped3A = tpu.sem_alloc : memref<!tpu.dma_semaphore, #tpu.memory_space<semaphore_mem>>
        %dma_start3A = arith.constant 0 : i32
        %dma_start3A_46 = arith.constant 0 : i32
        %dma_start3A_47 = tpu.memref_slice %arg11[%dma_start3A, %dma_start3A_46] : memref<896x32xf32, #tpu.memory_space<vmem>> -> memref<448x32xf32, #tpu.memory_space<vmem>>
        %dma_start3A_48 = arith.constant 0 : i32
        %dma_start3A_49 = tpu.memref_slice %arg9[%add3A_42, %dma_start3A_48] : memref<50176x32xf32, #tpu.memory_space<vmem_shared>> -> memref<448x32xf32, #tpu.memory_space<vmem_shared>>
        %dma_start3A_50 = arith.constant 0 : i32
        %dma_start3A_51 = arith.constant 0 : i32
        %dma_start3A_52 = tpu.memref_slice %arg11[%dma_start3A_50, %dma_start3A_51] : memref<896x32xf32, #tpu.memory_space<vmem>> -> memref<448x32xf32, #tpu.memory_space<vmem>>
        %dma_start3A_53 = arith.constant 0 : i32
        %dma_start3A_54 = tpu.memref_slice %arg9[%add3A_42, %dma_start3A_53] : memref<50176x32xf32, #tpu.memory_space<vmem_shared>> -> memref<448x32xf32, #tpu.memory_space<vmem_shared>>
        tpu.enqueue_dma source(%dma_start3A_54 : memref<448x32xf32, #tpu.memory_space<vmem_shared>>) target(%dma_start3A_52 : memref<448x32xf32, #tpu.memory_space<vmem>>) target_semaphore(%run_scoped3A : memref<!tpu.dma_semaphore, #tpu.memory_space<semaphore_mem>>)
        %dma_wait3A = arith.constant 0 : i32
        %dma_wait3A_55 = arith.constant 0 : i32
        %dma_wait3A_56 = tpu.memref_slice %arg11[%dma_wait3A, %dma_wait3A_55] : memref<896x32xf32, #tpu.memory_space<vmem>> -> memref<448x32xf32, #tpu.memory_space<vmem>>
        %dma_wait3A_57 = arith.constant 0 : i32
        %dma_wait3A_58 = tpu.memref_slice %arg9[%add3A_42, %dma_wait3A_57] : memref<50176x32xf32, #tpu.memory_space<vmem_shared>> -> memref<448x32xf32, #tpu.memory_space<vmem_shared>>
        %dma_wait3A_59 = arith.constant 0 : i32
        %dma_wait3A_60 = arith.constant 0 : i32
        %dma_wait3A_61 = tpu.memref_slice %arg11[%dma_wait3A_59, %dma_wait3A_60] : memref<896x32xf32, #tpu.memory_space<vmem>> -> memref<448x32xf32, #tpu.memory_space<vmem>>
        %dma_wait3A_62 = arith.constant 0 : i32
        %dma_wait3A_63 = tpu.memref_slice %arg9[%add3A_42, %dma_wait3A_62] : memref<50176x32xf32, #tpu.memory_space<vmem_shared>> -> memref<448x32xf32, #tpu.memory_space<vmem_shared>>
        tpu.wait_dma2 semaphore(%run_scoped3A : memref<!tpu.dma_semaphore, #tpu.memory_space<semaphore_mem>>) src(%dma_wait3A_63 : memref<448x32xf32, #tpu.memory_space<vmem_shared>>) dst(%dma_wait3A_61 : memref<448x32xf32, #tpu.memory_space<vmem>>)
        tpu.yield
      }) : () -> ()
      "tpu.region"() ({
        %run_scoped3A = tpu.sem_alloc : memref<!tpu.dma_semaphore, #tpu.memory_space<semaphore_mem>>
        %dma_start3A = arith.constant 448 : i32
        %dma_start3A_46 = arith.constant 0 : i32
        %dma_start3A_47 = tpu.memref_slice %arg11[%dma_start3A, %dma_start3A_46] : memref<896x32xf32, #tpu.memory_space<vmem>> -> memref<448x32xf32, #tpu.memory_space<vmem>>
        %dma_start3A_48 = arith.constant 0 : i32
        %dma_start3A_49 = tpu.memref_slice %arg5[%add3A_42, %dma_start3A_48] : memref<50176x32xf32, #tpu.memory_space<hbm>> -> memref<448x32xf32, #tpu.memory_space<hbm>>
        %dma_start3A_50 = arith.constant 448 : i32
        %dma_start3A_51 = arith.constant 0 : i32
        %dma_start3A_52 = tpu.memref_slice %arg11[%dma_start3A_50, %dma_start3A_51] : memref<896x32xf32, #tpu.memory_space<vmem>> -> memref<448x32xf32, #tpu.memory_space<vmem>>
        %dma_start3A_53 = arith.constant 0 : i32
        %dma_start3A_54 = tpu.memref_slice %arg5[%add3A_42, %dma_start3A_53] : memref<50176x32xf32, #tpu.memory_space<hbm>> -> memref<448x32xf32, #tpu.memory_space<hbm>>
        tpu.enqueue_dma source(%dma_start3A_54 : memref<448x32xf32, #tpu.memory_space<hbm>>) target(%dma_start3A_52 : memref<448x32xf32, #tpu.memory_space<vmem>>) target_semaphore(%run_scoped3A : memref<!tpu.dma_semaphore, #tpu.memory_space<semaphore_mem>>)
        %dma_wait3A = arith.constant 448 : i32
        %dma_wait3A_55 = arith.constant 0 : i32
        %dma_wait3A_56 = tpu.memref_slice %arg11[%dma_wait3A, %dma_wait3A_55] : memref<896x32xf32, #tpu.memory_space<vmem>> -> memref<448x32xf32, #tpu.memory_space<vmem>>
        %dma_wait3A_57 = arith.constant 0 : i32
        %dma_wait3A_58 = tpu.memref_slice %arg5[%add3A_42, %dma_wait3A_57] : memref<50176x32xf32, #tpu.memory_space<hbm>> -> memref<448x32xf32, #tpu.memory_space<hbm>>
        %dma_wait3A_59 = arith.constant 448 : i32
        %dma_wait3A_60 = arith.constant 0 : i32
        %dma_wait3A_61 = tpu.memref_slice %arg11[%dma_wait3A_59, %dma_wait3A_60] : memref<896x32xf32, #tpu.memory_space<vmem>> -> memref<448x32xf32, #tpu.memory_space<vmem>>
        %dma_wait3A_62 = arith.constant 0 : i32
        %dma_wait3A_63 = tpu.memref_slice %arg5[%add3A_42, %dma_wait3A_62] : memref<50176x32xf32, #tpu.memory_space<hbm>> -> memref<448x32xf32, #tpu.memory_space<hbm>>
        tpu.wait_dma2 semaphore(%run_scoped3A : memref<!tpu.dma_semaphore, #tpu.memory_space<semaphore_mem>>) src(%dma_wait3A_63 : memref<448x32xf32, #tpu.memory_space<hbm>>) dst(%dma_wait3A_61 : memref<448x32xf32, #tpu.memory_space<vmem>>)
        tpu.yield
      }) : () -> ()
      %parallel_loop3A = arith.constant 0 : i32
      %parallel_loop3A_43 = arith.constant 448 : i32
      %parallel_loop3A_44 = arith.constant 1 : i32
      scf.for %parallel_loop3A_46 = %parallel_loop3A to %parallel_loop3A_43 step %parallel_loop3A_44  : i32 {
        %parallel_loop3A_47 = arith.index_cast %parallel_loop3A_46 : i32 to index
        %parallel_loop3A_48 = arith.constant 0 : index
        %parallel_loop3A_49 = tpu.vector_load %arg11[%parallel_loop3A_47, %parallel_loop3A_48] {strides = array<i32>} : memref<896x32xf32, #tpu.memory_space<vmem>>, vector<1x16xf32>,
        %parallel_loop3A_50 = vector.shape_cast %parallel_loop3A_49 : vector<1x16xf32> to vector<16xf32>
        %parallel_loop3A_51 = arith.constant 448 : i32
        %parallel_loop3A_52 = arith.addi %parallel_loop3A_51, %parallel_loop3A_46 : i32
        %parallel_loop3A_53 = arith.index_cast %parallel_loop3A_52 : i32 to index
        %parallel_loop3A_54 = arith.constant 0 : index
        %parallel_loop3A_55 = tpu.vector_load %arg11[%parallel_loop3A_53, %parallel_loop3A_54] {strides = array<i32>} : memref<896x32xf32, #tpu.memory_space<vmem>>, vector<1x16xf32>,
        %parallel_loop3A_56 = vector.shape_cast %parallel_loop3A_55 : vector<1x16xf32> to vector<16xf32>
        %parallel_loop3A_57 = arith.mulf %parallel_loop3A_50, %parallel_loop3A_56 : vector<16xf32>
        %parallel_loop3A_58 = arith.index_cast %parallel_loop3A_46 : i32 to index
        %parallel_loop3A_59 = arith.constant 0 : index
        %parallel_loop3A_60 = tpu.vector_load %arg11[%parallel_loop3A_58, %parallel_loop3A_59] {strides = array<i32>} : memref<896x32xf32, #tpu.memory_space<vmem>>, vector<1x16xf32>,
        %parallel_loop3A_61 = vector.shape_cast %parallel_loop3A_60 : vector<1x16xf32> to vector<16xf32>
        %parallel_loop3A_62 = vector.shape_cast %parallel_loop3A_57 : vector<16xf32> to vector<1x16xf32>
        tpu.vector_store %arg11[%parallel_loop3A_58, %parallel_loop3A_59], %parallel_loop3A_62 {strides = array<i32>} : memref<896x32xf32, #tpu.memory_space<vmem>>, vector<1x16xf32>,
        %parallel_loop3A_63 = arith.index_cast %parallel_loop3A_46 : i32 to index
        %parallel_loop3A_64 = arith.constant 16 : index
        %parallel_loop3A_65 = tpu.vector_load %arg11[%parallel_loop3A_63, %parallel_loop3A_64] {strides = array<i32>} : memref<896x32xf32, #tpu.memory_space<vmem>>, vector<1x16xf32>,
        %parallel_loop3A_66 = vector.shape_cast %parallel_loop3A_65 : vector<1x16xf32> to vector<16xf32>
        %parallel_loop3A_67 = arith.constant 448 : i32
        %parallel_loop3A_68 = arith.addi %parallel_loop3A_67, %parallel_loop3A_46 : i32
        %parallel_loop3A_69 = arith.index_cast %parallel_loop3A_68 : i32 to index
        %parallel_loop3A_70 = arith.constant 16 : index
        %parallel_loop3A_71 = tpu.vector_load %arg11[%parallel_loop3A_69, %parallel_loop3A_70] {strides = array<i32>} : memref<896x32xf32, #tpu.memory_space<vmem>>, vector<1x16xf32>,
        %parallel_loop3A_72 = vector.shape_cast %parallel_loop3A_71 : vector<1x16xf32> to vector<16xf32>
        %parallel_loop3A_73 = arith.mulf %parallel_loop3A_66, %parallel_loop3A_72 : vector<16xf32>
        %parallel_loop3A_74 = arith.index_cast %parallel_loop3A_46 : i32 to index
        %parallel_loop3A_75 = arith.constant 16 : index
        %parallel_loop3A_76 = tpu.vector_load %arg11[%parallel_loop3A_74, %parallel_loop3A_75] {strides = array<i32>} : memref<896x32xf32, #tpu.memory_space<vmem>>, vector<1x16xf32>,
        %parallel_loop3A_77 = vector.shape_cast %parallel_loop3A_76 : vector<1x16xf32> to vector<16xf32>
        %parallel_loop3A_78 = vector.shape_cast %parallel_loop3A_73 : vector<16xf32> to vector<1x16xf32>
        tpu.vector_store %arg11[%parallel_loop3A_74, %parallel_loop3A_75], %parallel_loop3A_78 {strides = array<i32>} : memref<896x32xf32, #tpu.memory_space<vmem>>, vector<1x16xf32>,
      } {sc.loop_unroll_factor = 8 : i64, sc.parallel_access}
      "tpu.region"() ({
        %run_scoped3A = tpu.sem_alloc : memref<!tpu.dma_semaphore, #tpu.memory_space<semaphore_mem>>
        %dma_start3A = arith.constant 0 : i32
        %dma_start3A_46 = arith.constant 0 : i32
        %dma_start3A_47 = tpu.memref_slice %arg11[%dma_start3A, %dma_start3A_46] : memref<896x32xf32, #tpu.memory_space<vmem>> -> memref<448x32xf32, #tpu.memory_space<vmem>>
        %dma_start3A_48 = arith.constant 0 : i32
        %dma_start3A_49 = tpu.memref_slice %arg7[%arg0, %add3A_42, %dma_start3A_48] : memref<2x50176x32xf32, #tpu.memory_space<hbm>> -> memref<1x448x32xf32, #tpu.memory_space<hbm>>
        %dma_start3A_50 = tpu.memref_squeeze %dma_start3A_49 : memref<1x448x32xf32, #tpu.memory_space<hbm>> -> memref<448x32xf32, #tpu.memory_space<hbm>>
        %dma_start3A_51 = arith.constant 0 : i32
        %dma_start3A_52 = tpu.memref_slice %arg7[%arg0, %add3A_42, %dma_start3A_51] : memref<2x50176x32xf32, #tpu.memory_space<hbm>> -> memref<1x448x32xf32, #tpu.memory_space<hbm>>
        %dma_start3A_53 = tpu.memref_squeeze %dma_start3A_52 : memref<1x448x32xf32, #tpu.memory_space<hbm>> -> memref<448x32xf32, #tpu.memory_space<hbm>>
        %dma_start3A_54 = arith.constant 0 : i32
        %dma_start3A_55 = arith.constant 0 : i32
        %dma_start3A_56 = tpu.memref_slice %arg11[%dma_start3A_54, %dma_start3A_55] : memref<896x32xf32, #tpu.memory_space<vmem>> -> memref<448x32xf32, #tpu.memory_space<vmem>>
        tpu.enqueue_dma source(%dma_start3A_56 : memref<448x32xf32, #tpu.memory_space<vmem>>) target(%dma_start3A_53 : memref<448x32xf32, #tpu.memory_space<hbm>>) target_semaphore(%run_scoped3A : memref<!tpu.dma_semaphore, #tpu.memory_space<semaphore_mem>>)
        %dma_wait3A = arith.constant 0 : i32
        %dma_wait3A_57 = arith.constant 0 : i32
        %dma_wait3A_58 = tpu.memref_slice %arg11[%dma_wait3A, %dma_wait3A_57] : memref<896x32xf32, #tpu.memory_space<vmem>> -> memref<448x32xf32, #tpu.memory_space<vmem>>
        %dma_wait3A_59 = arith.constant 0 : i32
        %dma_wait3A_60 = tpu.memref_slice %arg7[%arg0, %add3A_42, %dma_wait3A_59] : memref<2x50176x32xf32, #tpu.memory_space<hbm>> -> memref<1x448x32xf32, #tpu.memory_space<hbm>>
        %dma_wait3A_61 = tpu.memref_squeeze %dma_wait3A_60 : memref<1x448x32xf32, #tpu.memory_space<hbm>> -> memref<448x32xf32, #tpu.memory_space<hbm>>
        %dma_wait3A_62 = arith.constant 0 : i32
        %dma_wait3A_63 = tpu.memref_slice %arg7[%arg0, %add3A_42, %dma_wait3A_62] : memref<2x50176x32xf32, #tpu.memory_space<hbm>> -> memref<1x448x32xf32, #tpu.memory_space<hbm>>
        %dma_wait3A_64 = tpu.memref_squeeze %dma_wait3A_63 : memref<1x448x32xf32, #tpu.memory_space<hbm>> -> memref<448x32xf32, #tpu.memory_space<hbm>>
        %dma_wait3A_65 = arith.constant 0 : i32
        %dma_wait3A_66 = arith.constant 0 : i32
        %dma_wait3A_67 = tpu.memref_slice %arg11[%dma_wait3A_65, %dma_wait3A_66] : memref<896x32xf32, #tpu.memory_space<vmem>> -> memref<448x32xf32, #tpu.memory_space<vmem>>
        tpu.wait_dma2 semaphore(%run_scoped3A : memref<!tpu.dma_semaphore, #tpu.memory_space<semaphore_mem>>) src(%dma_wait3A_67 : memref<448x32xf32, #tpu.memory_space<vmem>>) dst(%dma_wait3A_64 : memref<448x32xf32, #tpu.memory_space<hbm>>)
        tpu.yield
      }) : () -> ()
      %scan3A_45 = arith.constant 0 : i32
      scf.yield %scan3A_45 : i32
    }
    %scan3A_37 = arith.constant 7 : i32
    "tpu.trace_stop"() : () -> ()
    return
  }
}

module attributes {stable_mosaic.version = 14 : i64} {
  func.func @_prep_body(%arg0: i32, %arg1: memref<3136x64xf32, #tpu.memory_space<vmem>>, %arg2: memref<64x64xf32, #tpu.memory_space<vmem>>, %arg3: memref<1x64xf32, #tpu.memory_space<vmem>>, %arg4: memref<64x64xf32, #tpu.memory_space<vmem>>, %arg5: memref<1x64xf32, #tpu.memory_space<vmem>>, %arg6: memref<2x3136x16xf32, #tpu.memory_space<vmem>>, %arg7: memref<2x3136x32xf32, #tpu.memory_space<vmem>>, %arg8: memref<2x3136x32xf32, #tpu.memory_space<vmem>>, %arg9: memref<3136x32xf32, #tpu.memory_space<vmem>>, %arg10: memref<3136x32xf32, #tpu.memory_space<vmem>>) attributes {dimension_semantics = [#tpu.dimension_semantics<arbitrary>], iteration_bounds = array<i64: 16>, scalar_prefetch = 0 : i64, scratch_operands = 0 : i64, tpu.core_type = #tpu.core_type<tc>, window_params = [{transform_indices = @transform_0, window_bounds = array<i64: 3136, 64>}, {pipeline_mode = #tpu.pipeline_mode<synchronous>, transform_indices = @transform_1, window_bounds = array<i64: 64, 64>}, {pipeline_mode = #tpu.pipeline_mode<synchronous>, transform_indices = @transform_2, window_bounds = array<i64: 1, 64>}, {pipeline_mode = #tpu.pipeline_mode<synchronous>, transform_indices = @transform_3, window_bounds = array<i64: 64, 64>}, {pipeline_mode = #tpu.pipeline_mode<synchronous>, transform_indices = @transform_4, window_bounds = array<i64: 1, 64>}, {transform_indices = @transform_5, window_bounds = array<i64: 2, 3136, 16>}, {transform_indices = @transform_6, window_bounds = array<i64: 2, 3136, 32>}, {transform_indices = @transform_7, window_bounds = array<i64: 2, 3136, 32>}, {transform_indices = @transform_8, window_bounds = array<i64: 3136, 32>}, {transform_indices = @transform_9, window_bounds = array<i64: 3136, 32>}]} {
    %get3A = arith.constant 0 : index
    %get3A_0 = arith.constant 0 : index
    %get3A_1 = vector.load %arg1[%get3A, %get3A_0] : memref<3136x64xf32, #tpu.memory_space<vmem>>, vector<3136x64xf32>
    %get3A_2 = arith.constant 0 : index
    %get3A_3 = arith.constant 0 : index
    %get3A_4 = vector.load %arg2[%get3A_2, %get3A_3] : memref<64x64xf32, #tpu.memory_space<vmem>>, vector<64x64xf32>
    %transpose3A = tpu.transpose %get3A_4, [1, 0] : vector<64x64xf32> -> vector<64x64xf32>
    %dot_general3A = arith.constant dense<0.000000e+00> : vector<3136x64xf32>
    %dot_general3A_5 = tpu.matmul %get3A_1, %transpose3A, %dot_general3A {dimension_numbers = #tpu.dot_dimension_numbers<[1], [0], [0], [1], [0, 0, 1, 1], [], []>, transpose_lhs_hint = false} : vector<3136x64xf32>, vector<64x64xf32>, vector<3136x64xf32> -> vector<3136x64xf32>
    %get3A_6 = arith.constant 0 : index
    %get3A_7 = arith.constant 0 : index
    %get3A_8 = vector.load %arg3[%get3A_6, %get3A_7] : memref<1x64xf32, #tpu.memory_space<vmem>>, vector<1x64xf32>
    %add3A = vector.broadcast %get3A_8 : vector<1x64xf32> to vector<3136x64xf32>
    %add3A_9 = arith.addf %dot_general3A_5, %add3A : vector<3136x64xf32>
    %max3A = arith.constant 0.000000e+00 : f32
    %max3A_10 = vector.broadcast %max3A : f32 to vector<3136x64xf32>
    %max3A_11 = arith.maximumf %add3A_9, %max3A_10 : vector<3136x64xf32>
    %get3A_12 = arith.constant 0 : index
    %get3A_13 = arith.constant 0 : index
    %get3A_14 = vector.load %arg4[%get3A_12, %get3A_13] : memref<64x64xf32, #tpu.memory_space<vmem>>, vector<64x64xf32>
    %transpose3A_15 = tpu.transpose %get3A_14, [1, 0] : vector<64x64xf32> -> vector<64x64xf32>
    %dot_general3A_16 = arith.constant dense<0.000000e+00> : vector<3136x64xf32>
    %dot_general3A_17 = tpu.matmul %max3A_11, %transpose3A_15, %dot_general3A_16 {dimension_numbers = #tpu.dot_dimension_numbers<[1], [0], [0], [1], [0, 0, 1, 1], [], []>, transpose_lhs_hint = false} : vector<3136x64xf32>, vector<64x64xf32>, vector<3136x64xf32> -> vector<3136x64xf32>
    %get3A_18 = arith.constant 0 : index
    %get3A_19 = arith.constant 0 : index
    %get3A_20 = vector.load %arg5[%get3A_18, %get3A_19] : memref<1x64xf32, #tpu.memory_space<vmem>>, vector<1x64xf32>
    %add3A_21 = vector.broadcast %get3A_20 : vector<1x64xf32> to vector<3136x64xf32>
    %add3A_22 = arith.addf %dot_general3A_17, %add3A_21 : vector<3136x64xf32>
    %get3A_23 = arith.constant 0 : index
    %get3A_24 = arith.constant 0 : index
    %get3A_25 = arith.constant 0 : index
    %get3A_26 = vector.load %arg6[%get3A_23, %get3A_24, %get3A_25] : memref<2x3136x16xf32, #tpu.memory_space<vmem>>, vector<2x3136x16xf32>
    %slice3A = vector.extract_strided_slice %get3A_26 {offsets = [0, 0, 0], sizes = [1, 3136, 1], strides = [1, 1, 1]} : vector<2x3136x16xf32> to vector<1x3136x1xf32>
    %squeeze3A = vector.shape_cast %slice3A : vector<1x3136x1xf32> to vector<3136xf32>
    %slice3A_27 = vector.extract_strided_slice %get3A_26 {offsets = [1, 0, 0], sizes = [1, 3136, 1], strides = [1, 1, 1]} : vector<2x3136x16xf32> to vector<1x3136x1xf32>
    %squeeze3A_28 = vector.shape_cast %slice3A_27 : vector<1x3136x1xf32> to vector<3136xf32>
    %add3A_29 = arith.addf %squeeze3A, %squeeze3A_28 : vector<3136xf32>
    %max3A_30 = arith.constant 1.000000e+00 : f32
    %max3A_31 = vector.broadcast %max3A_30 : f32 to vector<3136xf32>
    %max3A_32 = arith.maximumf %add3A_29, %max3A_31 : vector<3136xf32>
    %rsqrt3A = math.rsqrt %max3A_32 : vector<3136xf32>
    %broadcast_in_dim3A = vector.shape_cast %rsqrt3A : vector<3136xf32> to vector<3136x1xf32>
    %mul3A = vector.broadcast %broadcast_in_dim3A : vector<3136x1xf32> to vector<3136x64xf32>
    %mul3A_33 = arith.mulf %add3A_22, %mul3A : vector<3136x64xf32>
    %mul3A_34 = arith.constant 0.111111112 : f32
    %mul3A_35 = vector.broadcast %mul3A_34 : f32 to vector<3136x64xf32>
    %mul3A_36 = arith.mulf %mul3A_35, %add3A_22 : vector<3136x64xf32>
    %div3A = vector.broadcast %broadcast_in_dim3A : vector<3136x1xf32> to vector<3136x64xf32>
    %div3A_37 = arith.divf %mul3A_36, %div3A : vector<3136x64xf32>
    %slice3A_38 = vector.extract_strided_slice %mul3A_33 {offsets = [0, 0], sizes = [3136, 32], strides = [1, 1]} : vector<3136x64xf32> to vector<3136x32xf32>
    %swap3A = arith.constant 0 : index
    %swap3A_39 = arith.constant 0 : index
    %swap3A_40 = arith.constant 0 : index
    %swap3A_41 = vector.load %arg7[%swap3A, %swap3A_39, %swap3A_40] : memref<2x3136x32xf32, #tpu.memory_space<vmem>>, vector<1x3136x32xf32>
    %swap3A_42 = vector.shape_cast %swap3A_41 : vector<1x3136x32xf32> to vector<3136x32xf32>
    %swap3A_43 = vector.shape_cast %slice3A_38 : vector<3136x32xf32> to vector<1x3136x32xf32>
    tpu.vector_store %arg7[%swap3A, %swap3A_39, %swap3A_40], %swap3A_43 {strides = array<i32>} : memref<2x3136x32xf32, #tpu.memory_space<vmem>>, vector<1x3136x32xf32>,
    %slice3A_44 = vector.extract_strided_slice %mul3A_33 {offsets = [0, 32], sizes = [3136, 32], strides = [1, 1]} : vector<3136x64xf32> to vector<3136x32xf32>
    %swap3A_45 = arith.constant 1 : index
    %swap3A_46 = arith.constant 0 : index
    %swap3A_47 = arith.constant 0 : index
    %swap3A_48 = vector.load %arg7[%swap3A_45, %swap3A_46, %swap3A_47] : memref<2x3136x32xf32, #tpu.memory_space<vmem>>, vector<1x3136x32xf32>
    %swap3A_49 = vector.shape_cast %swap3A_48 : vector<1x3136x32xf32> to vector<3136x32xf32>
    %swap3A_50 = vector.shape_cast %slice3A_44 : vector<3136x32xf32> to vector<1x3136x32xf32>
    tpu.vector_store %arg7[%swap3A_45, %swap3A_46, %swap3A_47], %swap3A_50 {strides = array<i32>} : memref<2x3136x32xf32, #tpu.memory_space<vmem>>, vector<1x3136x32xf32>,
    %slice3A_51 = vector.extract_strided_slice %div3A_37 {offsets = [0, 0], sizes = [3136, 32], strides = [1, 1]} : vector<3136x64xf32> to vector<3136x32xf32>
    %swap3A_52 = arith.constant 0 : index
    %swap3A_53 = arith.constant 0 : index
    %swap3A_54 = arith.constant 0 : index
    %swap3A_55 = vector.load %arg8[%swap3A_52, %swap3A_53, %swap3A_54] : memref<2x3136x32xf32, #tpu.memory_space<vmem>>, vector<1x3136x32xf32>
    %swap3A_56 = vector.shape_cast %swap3A_55 : vector<1x3136x32xf32> to vector<3136x32xf32>
    %swap3A_57 = vector.shape_cast %slice3A_51 : vector<3136x32xf32> to vector<1x3136x32xf32>
    tpu.vector_store %arg8[%swap3A_52, %swap3A_53, %swap3A_54], %swap3A_57 {strides = array<i32>} : memref<2x3136x32xf32, #tpu.memory_space<vmem>>, vector<1x3136x32xf32>,
    %slice3A_58 = vector.extract_strided_slice %div3A_37 {offsets = [0, 32], sizes = [3136, 32], strides = [1, 1]} : vector<3136x64xf32> to vector<3136x32xf32>
    %swap3A_59 = arith.constant 1 : index
    %swap3A_60 = arith.constant 0 : index
    %swap3A_61 = arith.constant 0 : index
    %swap3A_62 = vector.load %arg8[%swap3A_59, %swap3A_60, %swap3A_61] : memref<2x3136x32xf32, #tpu.memory_space<vmem>>, vector<1x3136x32xf32>
    %swap3A_63 = vector.shape_cast %swap3A_62 : vector<1x3136x32xf32> to vector<3136x32xf32>
    %swap3A_64 = vector.shape_cast %slice3A_58 : vector<3136x32xf32> to vector<1x3136x32xf32>
    tpu.vector_store %arg8[%swap3A_59, %swap3A_60, %swap3A_61], %swap3A_64 {strides = array<i32>} : memref<2x3136x32xf32, #tpu.memory_space<vmem>>, vector<1x3136x32xf32>,
    %mul3A_65 = arith.constant 0.899999976 : f32
    %mul3A_66 = vector.broadcast %mul3A_65 : f32 to vector<3136x1xf32>
    %mul3A_67 = arith.mulf %mul3A_66, %broadcast_in_dim3A : vector<3136x1xf32>
    %mul3A_68 = arith.mulf %mul3A_67, %broadcast_in_dim3A : vector<3136x1xf32>
    %broadcast_in_dim3A_69 = vector.shape_cast %mul3A_68 : vector<3136x1xf32> to vector<3136x1xf32>
    %broadcast_in_dim3A_70 = vector.broadcast %broadcast_in_dim3A_69 : vector<3136x1xf32> to vector<3136x32xf32>
    %swap3A_71 = arith.constant 0 : index
    %swap3A_72 = arith.constant 0 : index
    %swap3A_73 = vector.load %arg9[%swap3A_71, %swap3A_72] : memref<3136x32xf32, #tpu.memory_space<vmem>>, vector<3136x32xf32>
    tpu.vector_store %arg9[%swap3A_71, %swap3A_72], %broadcast_in_dim3A_70 {strides = array<i32>} : memref<3136x32xf32, #tpu.memory_space<vmem>>, vector<3136x32xf32>,
    %mul3A_74 = arith.constant 0.899999976 : f32
    %mul3A_75 = vector.broadcast %mul3A_74 : f32 to vector<3136x1xf32>
    %mul3A_76 = arith.mulf %mul3A_75, %broadcast_in_dim3A : vector<3136x1xf32>
    %broadcast_in_dim3A_77 = vector.shape_cast %mul3A_76 : vector<3136x1xf32> to vector<3136x1xf32>
    %broadcast_in_dim3A_78 = vector.broadcast %broadcast_in_dim3A_77 : vector<3136x1xf32> to vector<3136x32xf32>
    %swap3A_79 = arith.constant 0 : index
    %swap3A_80 = arith.constant 0 : index
    %swap3A_81 = vector.load %arg10[%swap3A_79, %swap3A_80] : memref<3136x32xf32, #tpu.memory_space<vmem>>, vector<3136x32xf32>
    tpu.vector_store %arg10[%swap3A_79, %swap3A_80], %broadcast_in_dim3A_78 {strides = array<i32>} : memref<3136x32xf32, #tpu.memory_space<vmem>>, vector<3136x32xf32>,
    return
  }
  func.func @transform_0(%arg0: i32) -> (i32, i32) {
    %c0_i32 = arith.constant 0 : i32
    %c0_i32_0 = arith.constant 0 : i32
    return %arg0, %c0_i32 : i32, i32
  }
  func.func @transform_1(%arg0: i32) -> (i32, i32) {
    %c0_i32 = arith.constant 0 : i32
    %c0_i32_0 = arith.constant 0 : i32
    %c0_i32_1 = arith.constant 0 : i32
    return %c0_i32, %c0_i32_0 : i32, i32
  }
  func.func @transform_2(%arg0: i32) -> (i32, i32) {
    %c0_i32 = arith.constant 0 : i32
    %c0_i32_0 = arith.constant 0 : i32
    %c0_i32_1 = arith.constant 0 : i32
    return %c0_i32, %c0_i32_0 : i32, i32
  }
  func.func @transform_3(%arg0: i32) -> (i32, i32) {
    %c0_i32 = arith.constant 0 : i32
    %c0_i32_0 = arith.constant 0 : i32
    %c0_i32_1 = arith.constant 0 : i32
    return %c0_i32, %c0_i32_0 : i32, i32
  }
  func.func @transform_4(%arg0: i32) -> (i32, i32) {
    %c0_i32 = arith.constant 0 : i32
    %c0_i32_0 = arith.constant 0 : i32
    %c0_i32_1 = arith.constant 0 : i32
    return %c0_i32, %c0_i32_0 : i32, i32
  }
  func.func @transform_5(%arg0: i32) -> (i32, i32, i32) {
    %c0_i32 = arith.constant 0 : i32
    %c0_i32_0 = arith.constant 0 : i32
    %c0_i32_1 = arith.constant 0 : i32
    return %c0_i32, %arg0, %c0_i32_0 : i32, i32, i32
  }
  func.func @transform_6(%arg0: i32) -> (i32, i32, i32) {
    %c0_i32 = arith.constant 0 : i32
    %c0_i32_0 = arith.constant 0 : i32
    %c0_i32_1 = arith.constant 0 : i32
    return %c0_i32, %arg0, %c0_i32_0 : i32, i32, i32
  }
  func.func @transform_7(%arg0: i32) -> (i32, i32, i32) {
    %c0_i32 = arith.constant 0 : i32
    %c0_i32_0 = arith.constant 0 : i32
    %c0_i32_1 = arith.constant 0 : i32
    return %c0_i32, %arg0, %c0_i32_0 : i32, i32, i32
  }
  func.func @transform_8(%arg0: i32) -> (i32, i32) {
    %c0_i32 = arith.constant 0 : i32
    %c0_i32_0 = arith.constant 0 : i32
    return %arg0, %c0_i32 : i32, i32
  }
  func.func @transform_9(%arg0: i32) -> (i32, i32) {
    %c0_i32 = arith.constant 0 : i32
    %c0_i32_0 = arith.constant 0 : i32
    return %arg0, %c0_i32 : i32, i32
  }
}

</mosaic_0001>

<sc_bundles>
// kernel: kernel.5.cloned.1.call-start
scs
__scs_entry_jumppad:
0x0: {  	(pc) =	sbr.rel $0x88, $3  }
0x1: {  	(tag) =	ssettag $0x0;
	lr =	simm.s32 $0x1  }
0x2: {  	[smem:$0x3F9B] =	sst lr;
	_ =	strace $0xD0000000  }
0x3: {  	_ = 	snop  }
0x4: {  	_ = 	snop  }
0x5: {  	_ = 	snop  }
0x6: {  	_ = 	snop  }
0x7: {  	_ = 	snop  }
__scs_overlays_trampoline_lowered:
0x8: {  	[smem:$0x3FAA] =	sst s0  }
0x9: {  	[smem:$0x3FAB] =	sst s1  }
0xa: {  	[smem:$0x3FAC] =	sst s2  }
0xb: {  	[smem:$0x3FAD] =	sst s3  }
0xc: {  	[smem:$0x3FAE] =	sst s4  }
0xd: {  	[smem:$0x3FAF] =	sst s5  }
0xe: {  	[smem:$0x3FB0] =	sst s6  }
0xf: {  	[smem:$0x3FB1] =	sst s7  }
0x10: {  	[smem:$0x3FB2] =	sst s8  }
0x11: {  	[smem:$0x3FB3] =	sst s9;
	s0 =	simm.s32 @!p0 $0x0  }
0x12: {  	s1 =	sld [smem:$0x3F99];
	s0 =	simm.s32 @p0 $0x1  }
0x13: {  	[smem:$0x3FB4] =	sst s0;
	s0 =	simm.s32 @!p1 $0x0  }
0x14: {  	s2 =	sld [smem:$0x3F98];
	s0 =	simm.s32 @p1 $0x1  }
0x15: {  	[smem:$0x3FB5] =	sst s0;
	s0 =	simm.s32 @!p2 $0x0  }
0x16: {  	s3 =	sld [smem:$0x3FDB];
	s0 =	simm.s32 @p2 $0x1  }
0x17: {  	s4 =	simm.s32 $0x1BF5;
	[smem:$0x3FB7] =	sst s0  }
0x18: {  	s0 =	sld [smem:$0x3F9A];
	_ =	swait.ge [sflag:s4], $0x0  }
0x19: {  	s7 =	sld [smem:$0x3F9B]  }
0x1a: {  	s8 =	sadd.s32 $0xFFFFE003, lr  }
0x1b: {  	s9 =	sadd.s32 $0xFFFFFEF7, lr;
	s5 =	simm.s32 $0xFFFFFFFF;
	p2 =	slt.u32 s8, $0xFFFFF086  }
0x1c: {  	p1 =	slt.u32 s9, $0xF7A;
	s5 =	simm.s32 @!p2 $0x0  }
0x1d: {  	s5 =	simm.s32 @p1 $0x1;
	p0 =	seq.s32 s7, s2  }
0x1e: {  	s7 =	smul.u32 @!p0 $0xF7A, s2;
	p2 =	seq.s32 @!p0 s5, $0x0  }
0x1f: {  	s9 =	smul.u32 $0xF7A, s1;
	s8 =	simm.s32 @!p0 $0x1BF5;
	p2 =	por !p2, p0  }
0x20: {  	[sflag:s8] =	ssyncset.s32 @!p0 $0xFFFFF086;
	s6 =	sadd.s32 @!p0 s3, s7;
	s7 =	simm.s32 @!p0 $0x108  }
0x21: {  	s3 =	sadd.s32 s3, s9;
	s6 =	sadd.s32 @!p0 $0x88, s6;
	s7 =	simm.s32 @p2 $0x1082  }
0x22: {  	[simem:s7], [sflag:s8] =	dma.local @!p0 [hbm:s6], $0xF7A  }
0x23: {  	s9 =	sor.u32 $0xD0000000, s2;
	s6 =	simm.s32 $0x108;
	_ =	swait.ge @!p0 [sflag:s8], $0x0  }
0x24: {  	s3 =	sadd.s32 $0x88, s3;
	s6 =	simm.s32 @!p1 $0x1082;
	[sflag:s4] =	ssyncset.s32 $0xFFFFF086  }
0x25: {  	[simem:s6], [sflag:s4] =	dma.local [hbm:s3], $0xF7A  }
0x26: {  	[smem:$0x3F9B] =	sst s1;
	(tag) =	ssettag s2;
	_ =	strace s9  }
0x27: {  	s1 =	sld [smem:$0x3FAB]  }
0x28: {  	s2 =	sld [smem:$0x3FAC]  }
0x29: {  	s4 =	sld [smem:$0x3FAE]  }
0x2a: {  	p0 =	seq.s32 s5, $0x0;
	s5 =	sld [smem:$0x3FAF]  }
0x2b: {  	s6 =	sld [smem:$0x3FB0]  }
0x2c: {  	s7 =	sld [smem:$0x3FB1]  }
0x2d: {  	s3 =	simm.s32 $0x108;
	s8 =	sld [smem:$0x3FB2]  }
0x2e: {  	s3 =	simm.s32 @!p0 $0x1082;
	s9 =	sld [smem:$0x3FB3]  }
0x2f: {  	lr =	sadd.s32 s0, s3;
	s0 =	sld [smem:$0x3FAA]  }
0x30: {  	s3 =	sld [smem:$0x3FAD]  }
0x31: {  	[smem:$0x3FB6] =	sst s10  }
0x32: {  	s10 =	sld [smem:$0x3FB4];
	_ =	sdelay $0x3  }
0x33: {  	p0 =	seq.s32 s10, $0x1;
	s10 =	sld [smem:$0x3FB6];
	_ =	sdelay $0x3  }
0x34: {  	[smem:$0x3FB6] =	sst s10  }
0x35: {  	s10 =	sld [smem:$0x3FB5];
	_ =	sdelay $0x3  }
0x36: {  	p1 =	seq.s32 s10, $0x1;
	s10 =	sld [smem:$0x3FB6];
	_ =	sdelay $0x3  }
0x37: {  	[smem:$0x3FB6] =	sst s10  }
0x38: {  	s10 =	sld [smem:$0x3FB7]  }
0x39: {  	_ = 	snop;
	(pc) =	sbr.ind lr, $3  }
0x3a: {  	_ = 	snop  }
0x3b: {  	_ = 	snop  }
0x3c: {  	p2 =	seq.s32 s10, $0x1;
	s10 =	sld [smem:$0x3FB6]  }
0x3d: {  	_ =	shalt  }
0x3e: {  	_ =	shalt  }
0x3f: {  	_ =	shalt  }
0x40: {  	_ =	shalt  }
0x41: {  	_ =	shalt  }
0x42: {  	_ =	shalt  }
0x43: {  	_ =	shalt  }
0x44: {  	_ =	shalt  }
0x45: {  	_ =	shalt  }
0x46: {  	_ =	shalt  }
0x47: {  	_ =	shalt  }
0x48: {  	_ =	shalt  }
0x49: {  	_ =	shalt  }
0x4a: {  	_ =	shalt  }
0x4b: {  	_ =	shalt  }
0x4c: {  	_ =	shalt  }
0x4d: {  	_ =	shalt  }
0x4e: {  	_ =	shalt  }
0x4f: {  	_ =	shalt  }
0x50: {  	_ =	shalt  }
0x51: {  	_ =	shalt  }
0x52: {  	_ =	shalt  }
0x53: {  	_ =	shalt  }
0x54: {  	_ =	shalt  }
0x55: {  	_ =	shalt  }
0x56: {  	_ =	shalt  }
0x57: {  	_ =	shalt  }
0x58: {  	_ =	shalt  }
0x59: {  	_ =	shalt  }
0x5a: {  	_ =	shalt  }
0x5b: {  	_ =	shalt  }
0x5c: {  	_ =	shalt  }
0x5d: {  	_ =	shalt  }
0x5e: {  	_ =	shalt  }
0x5f: {  	_ =	shalt  }
0x60: {  	_ =	shalt  }
0x61: {  	_ =	shalt  }
0x62: {  	_ =	shalt  }
0x63: {  	_ =	shalt  }
0x64: {  	_ =	shalt  }
0x65: {  	_ =	shalt  }
0x66: {  	_ =	shalt  }
0x67: {  	_ =	shalt  }
0x68: {  	_ =	shalt  }
0x69: {  	_ =	shalt  }
0x6a: {  	_ =	shalt  }
0x6b: {  	_ =	shalt  }
0x6c: {  	_ =	shalt  }
0x6d: {  	_ =	shalt  }
0x6e: {  	_ =	shalt  }
0x6f: {  	_ =	shalt  }
0x70: {  	_ =	shalt  }
0x71: {  	_ =	shalt  }
0x72: {  	_ =	shalt  }
0x73: {  	_ =	shalt  }
0x74: {  	_ =	shalt  }
0x75: {  	_ =	shalt  }
0x76: {  	_ =	shalt  }
0x77: {  	_ =	shalt  }
0x78: {  	_ =	shalt  }
0x79: {  	_ =	shalt  }
0x7a: {  	_ =	shalt  }
0x7b: {  	_ =	shalt  }
0x7c: {  	_ =	shalt  }
0x7d: {  	_ =	shalt  }
0x7e: {  	_ =	shalt  }
0x7f: {  	_ =	shalt  }
0x80: {  	_ =	shalt  }
0x81: {  	_ =	shalt  }
0x82: {  	_ =	shalt  }
0x83: {  	_ =	shalt  }
0x84: {  	_ =	shalt  }
0x85: {  	_ =	shalt  }
0x86: {  	_ =	shalt  }
0x87: {  	_ =	shalt  }
.Lfunc_end0:
.L_simem_size_0:
called_computation_lowered:
.L_overlay_start_0:
0x88: {  	s2 =	sld [smem:$0x3FD9]  }
0x89: {  	s3 =	sld [smem:$0x3FFE];
	_ =	sdelay $0x1  }
0x8a: {  	s1 =	srdreg.scid  }
0x8b: {  	s0 =	sand.u32 $0x1, s1  }
0x8c: {  	s17 =	sshll.u32 s0, $0xA;
	s2 =	sadd.s32 s3, s2  }
0x8d: {  	s2 =	sadd.s32 s2, s17  }
0x8e: {  	[smem:$0x3FC2] =	sst s2  }
0x8f: {  	_ = 	snop  }
0x90: {  	s2 =	sld [smem:$0x3FD0];
	(tm) =	ssettm $0x1  }
0x91: {  	s18 =	sld [smem:$0x3FFB];
	_ =	sdelay $0x3  }
0x92: {  	_ =	strace s18  }
0x93: {  	s3 =	sld [smem:$0x3FFC];
	_ =	sdelay $0x3  }
0x94: {  	_ =	strace s3  }
0x95: {  	s3 =	sld [smem:$0x3FFD];
	_ =	sdelay $0x3  }
0x96: {  	_ =	strace s3  }
0x97: {  	_ =	strace $0x8FFFFFFF  }
0x98: {  	s19 =	sld [smem:$0x3FDB];
	_ =	sdelay $0x1  }
0x99: {  	s4 =	simm.s32 $_scs_section_size  }
0x9a: {  	s5 =	simm.s32 $_size__tile_overlayer_lowered;
	s6 =	simm.s32 $_tile_overlayer_lowered  }
0x9b: {  	s22 =	simm.s32 $0x1BFF;
	s21 =	sshll.u32 s6, $0x1;
	s3 =	sadd.s32 s4, s19  }
0x9c: {  	s7 =	simm.s32 $0x0;
	s20 =	sshll.u32 s5, $0x1;
	s5 =	sadd.s32 s21, s3  }
0x9d: {  	[timem:s7], [sflag:s22] =	dma.local [hbm:s5], s20  }
0x9e: {  	_ =	swait.ge [sflag:s22], s20  }
0x9f: {  	s4 =	ssub.s32 $0x0, s20;
	[sflag:s22] =	ssyncset.done $0x0  }
0xa0: {  	[sflag:s22] =	ssyncadd.s32 s4;
	_ =	sdelay $0x1  }
0xa1: {  	s23 =	simm.s32 $0x1B8B  }
0xa2: {  	_ =	swait.ge [sflag:s23], $0x1  }
0xa3: {  	[sflag:s23] =	ssyncset.done $0x0  }
0xa4: {  	s25 =	simm.s32 $0x1B8E;
	s24 =	sld [smem:$0x3FFE];
	[sflag:s23] =	ssyncadd.s32 $0xFFFFFFFF  }
0xa5: {  	s26 =	simm.s32 $execute0_lowered;
	[smem:$0x3FD2] =	sst s25  }
0xa6: {  	s5 =	sshll.u32 s26, $0x1;
	_ =	strace $0x80000046;
	[dreg:$0x1] =	wrdreg $0xFFFFFFFF  }
0xa7: {  	s28 =	simm.s32 $_size_execute0_lowered;
	s3 =	sadd.s32 s3, s5;
	[dreg:$0x0] =	wrdreg $0x0  }
0xa8: {  	s5 =	sshll.u32 s28, $0x1;
	[dreg:$0x2] =	wrdreg s3  }
0xa9: {  	[dreg:$0x3] =	wrdreg s5  }
0xaa: {  	[dreg:$0x4] =	wrdreg $0xC0  }
0xab: {  	_ =	task [dreg:s7], $0x5FFFF  }
0xac: {  	[dreg:$0x1] =	wrdreg $0xFFFFFFFF  }
0xad: {  	[dreg:$0x0] =	wrdreg $0x60  }
0xae: {  	[dreg:$0x2] =	wrdreg s24  }
0xaf: {  	[dreg:$0x3] =	wrdreg s2  }
0xb0: {  	[dreg:$0x4] =	wrdreg $0x0  }
0xb1: {  	[dreg:$0x5] =	wrdreg $0x9  }
0xb2: {  	_ =	task.clear_ibuf [dreg:s7], $0x6FFFF;
	_ =	strace $0x90000046  }
0xb3: {  	s29 =	simm.s32 $0x9;
	_ =	strace $0x80000048  }
0xb4: {  	_ =	swait.ge [sflag:s29], $0x1  }
0xb5: {  	[sflag:s29] =	ssyncadd.s32 $0xFFFFFFFF  }
0xb6: {  	_ =	strace $0x90000048  }
0xb7: {  	_ =	sfence  }
0xb8: {  	s30 =	sld [smem:$0x0];
	_ =	sdelay $0x2  }
0xb9: {  	s31 =	sshll.u32 s1, $0xD;
	s1 =	sshrl.u32 s1, $0x2  }
0xba: {  	s3 =	sand.u32 $0x4000, s31;
	s1 =	sadd.s32 s1, s30  }
0xbb: {  	s0 =	sor.u32 s3, s0;
	s1 =	sshll.u32 s1, $0x11  }
0xbc: {  	s0 =	sor.u32 s1, s0  }
0xbd: {  	s0 =	sadd.s32 $0x8F2B, s0  }
0xbe: {  	[sflag:s0] =	ssyncadd.remote.s32 $0x1  }
0xbf: {  	_ =	sfence.sel $0xFFFF  }
0xc0: {  	[dreg:$0x0] =	wrdreg $0xFFFFFFFF;
	(pc) =	sbr.abs _section_cstart, $3  }
0xc1: {  	[dreg:$0x1] =	wrdreg $0xFFFFFFFF  }
0xc2: {  	_ =	task.clear_ibuf [dreg:s7], $0x2FFFF;
	_ =	strace $0x9FFFFFFF  }
0xc3: {  	(tm) =	ssettm $0x7FFFFFFF  }
tec
execute0_lowered:
.L_overlay_start_1:
0x0: {  	(tag) =	ssettag $0x1  }
0x1: {  	s0 =	rddreg [dreg:$0x0]  }
0x2: {  	s2 =	rddreg [dreg:$0x1]  }
0x3: {  	s1 =	rddreg [dreg:$0x2]  }
0x4: {  	s3 =	srdreg.scid;
	s22 =	stileid.u32  }
0x5: {  	s28 =	simm.s32 $0xE3F0;
	s29 =	simm.s32 $0xE460;
	s30 =	simm.s32 $0xE4D0  }
0x6: {  	s8 =	sand.u32 $0x1, s3;
	s3 =	simm.s32 $0x0;
	s11 =	smul.u32 $0xC400, s22  }
0x7: {  	s31 =	simm.s32 $0xE540;
	s4 =	smul.u32 $0xC400, s8;
	[smem:$0x7FF] =	sst s3  }
0x8: {  	s5 =	ssub.s32 $0x2, s8;
	s18 =	smul.u32 $0xC4000, s8;
	_ =	strace $0x80000047  }
0x9: {  	s6 =	sshrl.u32 s5, $0x1;
	s13 =	sadd.s32 $0x1880, s11;
	s14 =	sadd.s32 $0x3100, s11  }
0xa: {  	s15 =	sadd.s32 $0x4980, s11;
	s16 =	sadd.s32 $0x6200, s11;
	s17 =	sadd.s32 $0x7A80, s11  }
0xb: {  	s19 =	sadd.s32 $0x9300, s11;
	s20 =	sadd.s32 $0xAB80, s11;
	s0 =	sadd.s32 s4, s0  }
0xc: {  	s12 =	ssub.s32 s5, s6;
	s4 =	sadd.s32 s11, s1;
	s5 =	sadd.s32 s13, s1  }
0xd: {  	s6 =	sadd.s32 s14, s1;
	s7 =	sadd.s32 s15, s1;
	s8 =	sadd.s32 s16, s1  }
0xe: {  	s9 =	sadd.s32 s17, s1;
	s10 =	sadd.s32 s19, s1;
	s21 =	sadd.s32 s11, s18  }
0xf: {  	s11 =	sadd.s32 s20, s1;
	s13 =	sadd.s32 s18, s13;
	s14 =	sadd.s32 s18, s14  }
0x10: {  	s24 =	sadd.s32 s18, s15;
	s26 =	sadd.s32 s18, s16;
	s16 =	sadd.s32 s18, s17  }
0x11: {  	s21 =	sshrl.u32 s21, $0x3;
	s13 =	sshrl.u32 s13, $0x3;
	s23 =	sshrl.u32 s14, $0x3  }
0x12: {  	s25 =	sshrl.u32 s24, $0x3;
	s15 =	sshrl.u32 s26, $0x3;
	s21 =	sadd.s32 s2, s21  }
0x13: {  	s17 =	sshrl.u32 s16, $0x3;
	s13 =	sadd.s32 s2, s13;
	[dreg:$0x4] =	wrdreg s21  }
0x14: {  	s24 =	smul.u32 $0xC40, s22;
	s22 =	simm.s32 $0xC400;
	[dreg:$0x5] =	wrdreg s13  }
0x15: {  	s13 =	sadd.s32 s2, s23;
	s21 =	sadd.s32 s18, s19;
	s23 =	sadd.s32 s18, s20  }
0x16: {  	s20 =	smax.u32 s12, $0x1;
	s0 =	sadd.s32 s24, s0;
	s24 =	simm.s32 $0xE380  }
0x17: {  	s12 =	simm.s32 $0xE690;
	[dreg:$0x6] =	wrdreg s13;
	s13 =	sadd.s32 s2, s25  }
0x18: {  	s14 =	sshrl.u32 s21, $0x3;
	s26 =	sshrl.u32 s23, $0x3;
	s21 =	sadd.s32 $0x3000, s0  }
0x19: {  	s23 =	simm.s32 $0x2;
	s0 =	simm.s32 $0xE5B0;
	[dreg:$0x7] =	wrdreg s13  }
0x1a: {  	s13 =	sadd.s32 s2, s15;
	s25 =	sadd.s32 s2, s14;
	s19 =	sadd.s32 s2, s26  }
0x1b: {  	s26 =	simm.s32 $0xDC80;
	s14 =	simm.s32 $0x0;
	[dreg:$0x8] =	wrdreg s13  }
0x1c: {  	s13 =	sadd.s32 s2, s17;
	[dreg:$0xa] =	wrdreg s25;
	s25 =	simm.s32 $0x70  }
0x1d: {  	v0 =	vimm.f32 $0.0e+00;
	v1 =	vimm.f32 $1.000000000e+00;
	s2 =	simm.s32 $0xE620;
	[dreg:$0x9] =	wrdreg s13;
	s13 =	simm.s32 $0x1  }
.LBB2_1:
0x1e: {  	s15 =	simm.s32 $0x0  }
.LBB2_2:
0x1f: {  	p0 =	sne.s32 s15, $0x61C0  }
.Ltmp0:
0x20: {  	_ = 	snop;
	(pc) =	sbr.rel @p0 .LBB2_2-.Ltmp0, $3  }
0x21: {  	_ =	sdelay $0x1  }
0x22: {  	s16 =	sshra.s32 s15, $0x2  }
0x23: {  	s15 =	sadd.s32 $0x40, s15;
	[tilespmem:s16+$0xC400] =	vst v0  }
0x24: {  	s15 =	simm.s32 $0x40;
	s16 =	simm.s32 $0x0  }
.LBB2_4:
0x25: {  	p0 =	sne.s32 s15, $0x1BC0;
	[tilespmem:s16+$0xDC80] =	vst v1;
	s16 =	smov.u32 s15;
	s15 =	sadd.s32 $0x40, s15  }
.Ltmp1:
0x26: {  	(pc) =	sbr.rel @p0 .LBB2_4-.Ltmp1, $2  }
0x27: {  	_ =	sdelay $0x2  }
0x28: {  	s16 =	sshra.s32 s16, $0x2  }
0x29: {  	[tilespmem:s16+$0xDC80] =	vst v1  }
0x2a: {  	[spmem:s4] =	stream.linear.scatter [tilespmem:s22], [sflag:$0x2], $0x1880, $0x38;
	[tilespmem:$0xE700] =	vst v63  }
0x2b: {  	_ =	swait.ge [sflag:s23], $0x1880  }
0x2c: {  	[sflag:s23] =	ssyncset.done $0x0  }
0x2d: {  	[sflag:s23] =	ssyncadd.s32 $0xFFFFE780  }
0x2e: {  	[spmem:s5] =	stream.linear.scatter [tilespmem:s22], [sflag:$0x2], $0x1880, $0x38;
	[tilespmem:$0xE700] =	vst v63  }
0x2f: {  	_ =	swait.ge [sflag:s23], $0x1880  }
0x30: {  	[sflag:s23] =	ssyncset.done $0x0  }
0x31: {  	[sflag:s23] =	ssyncadd.s32 $0xFFFFE780  }
0x32: {  	[spmem:s6] =	stream.linear.scatter [tilespmem:s22], [sflag:$0x2], $0x1880, $0x38;
	[tilespmem:$0xE700] =	vst v63  }
0x33: {  	_ =	swait.ge [sflag:s23], $0x1880  }
0x34: {  	[sflag:s23] =	ssyncset.done $0x0  }
0x35: {  	[sflag:s23] =	ssyncadd.s32 $0xFFFFE780  }
0x36: {  	[spmem:s7] =	stream.linear.scatter [tilespmem:s22], [sflag:$0x2], $0x1880, $0x38;
	[tilespmem:$0xE700] =	vst v63  }
0x37: {  	_ =	swait.ge [sflag:s23], $0x1880  }
0x38: {  	[sflag:s23] =	ssyncset.done $0x0  }
0x39: {  	[sflag:s23] =	ssyncadd.s32 $0xFFFFE780  }
0x3a: {  	[spmem:s8] =	stream.linear.scatter [tilespmem:s22], [sflag:$0x2], $0x1880, $0x38;
	[tilespmem:$0xE700] =	vst v63  }
0x3b: {  	_ =	swait.ge [sflag:s23], $0x1880  }
0x3c: {  	[sflag:s23] =	ssyncset.done $0x0  }
0x3d: {  	[sflag:s23] =	ssyncadd.s32 $0xFFFFE780  }
0x3e: {  	[spmem:s9] =	stream.linear.scatter [tilespmem:s22], [sflag:$0x2], $0x1880, $0x38;
	[tilespmem:$0xE700] =	vst v63  }
0x3f: {  	_ =	swait.ge [sflag:s23], $0x1880  }
0x40: {  	[sflag:s23] =	ssyncset.done $0x0  }
0x41: {  	[sflag:s23] =	ssyncadd.s32 $0xFFFFE780  }
0x42: {  	[spmem:s10] =	stream.linear.scatter [tilespmem:s22], [sflag:$0x2], $0x1880, $0x38;
	[tilespmem:$0xE700] =	vst v63  }
0x43: {  	_ =	swait.ge [sflag:s23], $0x1880  }
0x44: {  	[sflag:s23] =	ssyncset.done $0x0  }
0x45: {  	[sflag:s23] =	ssyncadd.s32 $0xFFFFE780  }
0x46: {  	[spmem:s11] =	stream.linear.scatter [tilespmem:s22], [sflag:$0x2], $0x1880, $0x38;
	[tilespmem:$0xE700] =	vst v63  }
0x47: {  	_ =	swait.ge [sflag:s23], $0x1880  }
0x48: {  	[sflag:s23] =	ssyncset.done $0x0  }
0x49: {  	[sflag:s23] =	ssyncadd.s32 $0xFFFFE780  }
0x4a: {  	s15 =	sadd.s32 $0x0, s21;
	[bflag:$0x0] =	sbarrier.arrive $0xFFFF  }
0x4b: {  	[tilespmem:s24], [sflag:$0x2] =	stream.linear.gather [hbm4b:s15+s3], $0x380, $0x38;
	[tilespmem:$0xE700] =	vst v63  }
0x4c: {  	_ =	swait.ge [sflag:s23], $0x380  }
0x4d: {  	[sflag:s23] =	ssyncset.done $0x0  }
0x4e: {  	[sflag:s23] =	ssyncadd.s32 $0xFFFFFC80  }
0x4f: {  	[spmem:s1] =	stream.indirect.scatter.add.f32 [tilespmem:s26], [sflag:$0x1], $0x10, s24, s25, $0xb8;
	[tilespmem:$0xE700] =	vst v63  }
0x50: {  	_ = 	snop  }
0x51: {  	[spmem:s1] =	stream.indirect.scatter.add.f32 [tilespmem:s26], [sflag:$0x1], $0x10, s28, s25, $0xb8;
	[tilespmem:$0xE700] =	vst v63  }
0x52: {  	_ = 	snop  }
0x53: {  	[spmem:s1] =	stream.indirect.scatter.add.f32 [tilespmem:s26], [sflag:$0x1], $0x10, s29, s25, $0xb8;
	[tilespmem:$0xE700] =	vst v63  }
0x54: {  	_ = 	snop  }
0x55: {  	[spmem:s1] =	stream.indirect.scatter.add.f32 [tilespmem:s26], [sflag:$0x1], $0x10, s30, s25, $0xb8;
	[tilespmem:$0xE700] =	vst v63  }
0x56: {  	_ = 	snop  }
0x57: {  	[spmem:s1] =	stream.indirect.scatter.add.f32 [tilespmem:s26], [sflag:$0x1], $0x10, s31, s25, $0xb8;
	[tilespmem:$0xE700] =	vst v63  }
0x58: {  	_ = 	snop  }
0x59: {  	[spmem:s1] =	stream.indirect.scatter.add.f32 [tilespmem:s26], [sflag:$0x1], $0x10, s0, s25, $0xb8;
	[tilespmem:$0xE700] =	vst v63  }
0x5a: {  	_ = 	snop  }
0x5b: {  	[spmem:s1] =	stream.indirect.scatter.add.f32 [tilespmem:s26], [sflag:$0x1], $0x10, s2, s25, $0xb8;
	[tilespmem:$0xE700] =	vst v63  }
0x5c: {  	_ = 	snop  }
0x5d: {  	[spmem:s1] =	stream.indirect.scatter.add.f32 [tilespmem:s26], [sflag:$0x1], $0x10, s12, s25, $0xb8;
	[tilespmem:$0xE700] =	vst v63  }
0x5e: {  	_ =	swait.ge [sflag:s13], $0x700  }
0x5f: {  	[sflag:s13] =	ssyncset.done $0x0  }
0x60: {  	[sflag:s13] =	ssyncadd.s32 $0xFFFFF900  }
0x61: {  	_ =	swait.ge [sflag:s13], $0x700  }
0x62: {  	[sflag:s13] =	ssyncset.done $0x0  }
0x63: {  	[sflag:s13] =	ssyncadd.s32 $0xFFFFF900  }
0x64: {  	_ =	swait.ge [sflag:s13], $0x700  }
0x65: {  	[sflag:s13] =	ssyncset.done $0x0  }
0x66: {  	[sflag:s13] =	ssyncadd.s32 $0xFFFFF900  }
0x67: {  	_ =	swait.ge [sflag:s13], $0x700  }
0x68: {  	[sflag:s13] =	ssyncset.done $0x0  }
0x69: {  	[sflag:s13] =	ssyncadd.s32 $0xFFFFF900  }
0x6a: {  	_ =	swait.ge [sflag:s13], $0x700  }
0x6b: {  	[sflag:s13] =	ssyncset.done $0x0  }
0x6c: {  	[sflag:s13] =	ssyncadd.s32 $0xFFFFF900  }
0x6d: {  	_ =	swait.ge [sflag:s13], $0x700  }
0x6e: {  	[sflag:s13] =	ssyncset.done $0x0  }
0x6f: {  	[sflag:s13] =	ssyncadd.s32 $0xFFFFF900  }
0x70: {  	_ =	swait.ge [sflag:s13], $0x700  }
0x71: {  	[sflag:s13] =	ssyncset.done $0x0  }
0x72: {  	[sflag:s13] =	ssyncadd.s32 $0xFFFFF900  }
0x73: {  	_ =	swait.ge [sflag:s13], $0x700  }
0x74: {  	s16 =	simm.s32 $0xE0;
	s15 =	simm.s32 $0x70;
	[sflag:s13] =	ssyncset.done $0x0  }
.LBB2_6:
0x75: {  	s18 =	sadd.s32 s15, s21  }
0x76: {  	[sflag:s13] =	ssyncadd.s32 $0xFFFFF900;
	s15 =	smov.u32 s16;
	s17 =	sadd.s32 $0x70, s16  }
0x77: {  	[tilespmem:s24], [sflag:$0x2] =	stream.linear.gather [hbm4b:s18+s3], $0x380, $0x38;
	[tilespmem:$0xE700] =	vst v63  }
0x78: {  	p0 =	sne.s32 s16, $0xBD0;
	_ =	swait.ge [sflag:s23], $0x380  }
0x79: {  	[sflag:s23] =	ssyncset.done $0x0  }
0x7a: {  	[sflag:s23] =	ssyncadd.s32 $0xFFFFFC80  }
0x7b: {  	[spmem:s1] =	stream.indirect.scatter.add.f32 [tilespmem:s26], [sflag:$0x1], $0x10, s24, s25, $0xb8;
	[tilespmem:$0xE700] =	vst v63  }
0x7c: {  	_ = 	snop  }
0x7d: {  	[spmem:s1] =	stream.indirect.scatter.add.f32 [tilespmem:s26], [sflag:$0x1], $0x10, s28, s25, $0xb8;
	[tilespmem:$0xE700] =	vst v63  }
0x7e: {  	_ = 	snop  }
0x7f: {  	[spmem:s1] =	stream.indirect.scatter.add.f32 [tilespmem:s26], [sflag:$0x1], $0x10, s29, s25, $0xb8;
	[tilespmem:$0xE700] =	vst v63  }
0x80: {  	_ = 	snop  }
0x81: {  	[spmem:s1] =	stream.indirect.scatter.add.f32 [tilespmem:s26], [sflag:$0x1], $0x10, s30, s25, $0xb8;
	[tilespmem:$0xE700] =	vst v63  }
0x82: {  	_ = 	snop  }
0x83: {  	[spmem:s1] =	stream.indirect.scatter.add.f32 [tilespmem:s26], [sflag:$0x1], $0x10, s31, s25, $0xb8;
	[tilespmem:$0xE700] =	vst v63  }
0x84: {  	_ = 	snop  }
0x85: {  	[spmem:s1] =	stream.indirect.scatter.add.f32 [tilespmem:s26], [sflag:$0x1], $0x10, s0, s25, $0xb8;
	[tilespmem:$0xE700] =	vst v63  }
0x86: {  	_ = 	snop  }
0x87: {  	[spmem:s1] =	stream.indirect.scatter.add.f32 [tilespmem:s26], [sflag:$0x1], $0x10, s2, s25, $0xb8;
	[tilespmem:$0xE700] =	vst v63  }
0x88: {  	_ = 	snop  }
0x89: {  	[spmem:s1] =	stream.indirect.scatter.add.f32 [tilespmem:s26], [sflag:$0x1], $0x10, s12, s25, $0xb8;
	[tilespmem:$0xE700] =	vst v63  }
0x8a: {  	_ =	swait.ge [sflag:s13], $0x700  }
0x8b: {  	[sflag:s13] =	ssyncset.done $0x0  }
0x8c: {  	[sflag:s13] =	ssyncadd.s32 $0xFFFFF900  }
0x8d: {  	_ =	swait.ge [sflag:s13], $0x700  }
0x8e: {  	[sflag:s13] =	ssyncset.done $0x0  }
0x8f: {  	[sflag:s13] =	ssyncadd.s32 $0xFFFFF900  }
0x90: {  	_ =	swait.ge [sflag:s13], $0x700  }
0x91: {  	[sflag:s13] =	ssyncset.done $0x0  }
0x92: {  	[sflag:s13] =	ssyncadd.s32 $0xFFFFF900  }
0x93: {  	_ =	swait.ge [sflag:s13], $0x700  }
0x94: {  	[sflag:s13] =	ssyncset.done $0x0  }
0x95: {  	[sflag:s13] =	ssyncadd.s32 $0xFFFFF900  }
0x96: {  	_ =	swait.ge [sflag:s13], $0x700  }
0x97: {  	[sflag:s13] =	ssyncset.done $0x0  }
0x98: {  	[sflag:s13] =	ssyncadd.s32 $0xFFFFF900  }
0x99: {  	_ =	swait.ge [sflag:s13], $0x700  }
0x9a: {  	[sflag:s13] =	ssyncset.done $0x0  }
0x9b: {  	[sflag:s13] =	ssyncadd.s32 $0xFFFFF900  }
.Ltmp2:
0x9c: {  	_ =	swait.ge [sflag:s13], $0x700;
	(pc) =	sbr.rel @p0 .LBB2_6-.Ltmp2, $4  }
0x9d: {  	[sflag:s13] =	ssyncset.done $0x0  }
0x9e: {  	[sflag:s13] =	ssyncadd.s32 $0xFFFFF900  }
0x9f: {  	_ =	swait.ge [sflag:s13], $0x700  }
0xa0: {  	s16 =	smov.u32 s17;
	[sflag:s13] =	ssyncset.done $0x0  }
0xa1: {  	s15 =	sadd.s32 s15, s21;
	[sflag:s13] =	ssyncadd.s32 $0xFFFFF900  }
0xa2: {  	[tilespmem:s24], [sflag:$0x2] =	stream.linear.gather [hbm4b:s15+s3], $0x380, $0x38;
	[tilespmem:$0xE700] =	vst v63  }
0xa3: {  	_ =	swait.ge [sflag:s23], $0x380  }
0xa4: {  	[sflag:s23] =	ssyncset.done $0x0  }
0xa5: {  	[sflag:s23] =	ssyncadd.s32 $0xFFFFFC80  }
0xa6: {  	[spmem:s1] =	stream.indirect.scatter.add.f32 [tilespmem:s26], [sflag:$0x1], $0x10, s24, s25, $0xb8;
	[tilespmem:$0xE700] =	vst v63  }
0xa7: {  	_ = 	snop  }
0xa8: {  	[spmem:s1] =	stream.indirect.scatter.add.f32 [tilespmem:s26], [sflag:$0x1], $0x10, s28, s25, $0xb8;
	[tilespmem:$0xE700] =	vst v63  }
0xa9: {  	_ = 	snop  }
0xaa: {  	[spmem:s1] =	stream.indirect.scatter.add.f32 [tilespmem:s26], [sflag:$0x1], $0x10, s29, s25, $0xb8;
	[tilespmem:$0xE700] =	vst v63  }
0xab: {  	_ = 	snop  }
0xac: {  	[spmem:s1] =	stream.indirect.scatter.add.f32 [tilespmem:s26], [sflag:$0x1], $0x10, s30, s25, $0xb8;
	[tilespmem:$0xE700] =	vst v63  }
0xad: {  	_ = 	snop  }
0xae: {  	[spmem:s1] =	stream.indirect.scatter.add.f32 [tilespmem:s26], [sflag:$0x1], $0x10, s31, s25, $0xb8;
	[tilespmem:$0xE700] =	vst v63  }
0xaf: {  	_ = 	snop  }
0xb0: {  	[spmem:s1] =	stream.indirect.scatter.add.f32 [tilespmem:s26], [sflag:$0x1], $0x10, s0, s25, $0xb8;
	[tilespmem:$0xE700] =	vst v63  }
0xb1: {  	_ = 	snop  }
0xb2: {  	[spmem:s1] =	stream.indirect.scatter.add.f32 [tilespmem:s26], [sflag:$0x1], $0x10, s2, s25, $0xb8;
	[tilespmem:$0xE700] =	vst v63  }
0xb3: {  	_ = 	snop  }
0xb4: {  	[spmem:s1] =	stream.indirect.scatter.add.f32 [tilespmem:s26], [sflag:$0x1], $0x10, s12, s25, $0xb8;
	[tilespmem:$0xE700] =	vst v63  }
0xb5: {  	_ =	swait.ge [sflag:s13], $0x700  }
0xb6: {  	[sflag:s13] =	ssyncset.done $0x0  }
0xb7: {  	[sflag:s13] =	ssyncadd.s32 $0xFFFFF900  }
0xb8: {  	_ =	swait.ge [sflag:s13], $0x700  }
0xb9: {  	[sflag:s13] =	ssyncset.done $0x0  }
0xba: {  	[sflag:s13] =	ssyncadd.s32 $0xFFFFF900  }
0xbb: {  	_ =	swait.ge [sflag:s13], $0x700  }
0xbc: {  	[sflag:s13] =	ssyncset.done $0x0  }
0xbd: {  	[sflag:s13] =	ssyncadd.s32 $0xFFFFF900  }
0xbe: {  	_ =	swait.ge [sflag:s13], $0x700  }
0xbf: {  	[sflag:s13] =	ssyncset.done $0x0  }
0xc0: {  	[sflag:s13] =	ssyncadd.s32 $0xFFFFF900  }
0xc1: {  	_ =	swait.ge [sflag:s13], $0x700  }
0xc2: {  	[sflag:s13] =	ssyncset.done $0x0  }
0xc3: {  	[sflag:s13] =	ssyncadd.s32 $0xFFFFF900  }
0xc4: {  	_ =	swait.ge [sflag:s13], $0x700  }
0xc5: {  	[sflag:s13] =	ssyncset.done $0x0  }
0xc6: {  	[sflag:s13] =	ssyncadd.s32 $0xFFFFF900  }
0xc7: {  	_ =	swait.ge [sflag:s13], $0x700  }
0xc8: {  	[sflag:s13] =	ssyncset.done $0x0  }
0xc9: {  	[sflag:s13] =	ssyncadd.s32 $0xFFFFF900  }
0xca: {  	_ =	swait.ge [sflag:s13], $0x700  }
0xcb: {  	[sflag:s13] =	ssyncset.done $0x0  }
0xcc: {  	[sflag:s13] =	ssyncadd.s32 $0xFFFFF900  }
0xcd: {  	[bflag:$0x0] =	sbarrier.arrive $0xFFFF  }
0xce: {  	[tilespmem:s22], [sflag:$0x2] =	stream.linear.gather [spmem:s4], $0x1880, $0x38;
	[tilespmem:$0xE700] =	vst v63  }
0xcf: {  	_ =	swait.ge [sflag:s23], $0x1880  }
0xd0: {  	[sflag:s23] =	ssyncset.done $0x0  }
0xd1: {  	s18 =	rddreg [dreg:$0x4];
	[sflag:s23] =	ssyncadd.s32 $0xFFFFE780  }
0xd2: {  	[hbm4b:s18+s3] =	stream.linear.scatter [tilespmem:s22], [sflag:$0x2], $0x1880, $0x38;
	[tilespmem:$0xE700] =	vst v63  }
0xd3: {  	_ =	swait.ge [sflag:s23], $0x1880  }
0xd4: {  	[sflag:s23] =	ssyncset.done $0x0  }
0xd5: {  	[sflag:s23] =	ssyncadd.s32 $0xFFFFE780  }
0xd6: {  	[tilespmem:s22], [sflag:$0x2] =	stream.linear.gather [spmem:s5], $0x1880, $0x38;
	[tilespmem:$0xE700] =	vst v63  }
0xd7: {  	_ =	swait.ge [sflag:s23], $0x1880  }
0xd8: {  	[sflag:s23] =	ssyncset.done $0x0  }
0xd9: {  	s16 =	rddreg [dreg:$0x5];
	[sflag:s23] =	ssyncadd.s32 $0xFFFFE780  }
0xda: {  	[hbm4b:s16+s3] =	stream.linear.scatter [tilespmem:s22], [sflag:$0x2], $0x1880, $0x38;
	[tilespmem:$0xE700] =	vst v63  }
0xdb: {  	_ =	swait.ge [sflag:s23], $0x1880  }
0xdc: {  	[sflag:s23] =	ssyncset.done $0x0  }
0xdd: {  	[sflag:s23] =	ssyncadd.s32 $0xFFFFE780  }
0xde: {  	[tilespmem:s22], [sflag:$0x2] =	stream.linear.gather [spmem:s6], $0x1880, $0x38;
	[tilespmem:$0xE700] =	vst v63  }
0xdf: {  	_ =	swait.ge [sflag:s23], $0x1880  }
0xe0: {  	[sflag:s23] =	ssyncset.done $0x0  }
0xe1: {  	s17 =	rddreg [dreg:$0x6];
	[sflag:s23] =	ssyncadd.s32 $0xFFFFE780  }
0xe2: {  	[hbm4b:s17+s3] =	stream.linear.scatter [tilespmem:s22], [sflag:$0x2], $0x1880, $0x38;
	[tilespmem:$0xE700] =	vst v63  }
0xe3: {  	_ =	swait.ge [sflag:s23], $0x1880  }
0xe4: {  	[sflag:s23] =	ssyncset.done $0x0  }
0xe5: {  	[sflag:s23] =	ssyncadd.s32 $0xFFFFE780  }
0xe6: {  	[tilespmem:s22], [sflag:$0x2] =	stream.linear.gather [spmem:s7], $0x1880, $0x38;
	[tilespmem:$0xE700] =	vst v63  }
0xe7: {  	_ =	swait.ge [sflag:s23], $0x1880  }
0xe8: {  	[sflag:s23] =	ssyncset.done $0x0  }
0xe9: {  	s18 =	rddreg [dreg:$0x7];
	[sflag:s23] =	ssyncadd.s32 $0xFFFFE780  }
0xea: {  	[hbm4b:s18+s3] =	stream.linear.scatter [tilespmem:s22], [sflag:$0x2], $0x1880, $0x38;
	[tilespmem:$0xE700] =	vst v63  }
0xeb: {  	_ =	swait.ge [sflag:s23], $0x1880  }
0xec: {  	[sflag:s23] =	ssyncset.done $0x0  }
0xed: {  	[sflag:s23] =	ssyncadd.s32 $0xFFFFE780  }
0xee: {  	[tilespmem:s22], [sflag:$0x2] =	stream.linear.gather [spmem:s8], $0x1880, $0x38;
	[tilespmem:$0xE700] =	vst v63  }
0xef: {  	_ =	swait.ge [sflag:s23], $0x1880  }
0xf0: {  	[sflag:s23] =	ssyncset.done $0x0  }
0xf1: {  	s16 =	rddreg [dreg:$0x8];
	[sflag:s23] =	ssyncadd.s32 $0xFFFFE780  }
0xf2: {  	[hbm4b:s16+s3] =	stream.linear.scatter [tilespmem:s22], [sflag:$0x2], $0x1880, $0x38;
	[tilespmem:$0xE700] =	vst v63  }
0xf3: {  	_ =	swait.ge [sflag:s23], $0x1880  }
0xf4: {  	[sflag:s23] =	ssyncset.done $0x0  }
0xf5: {  	[sflag:s23] =	ssyncadd.s32 $0xFFFFE780  }
0xf6: {  	[tilespmem:s22], [sflag:$0x2] =	stream.linear.gather [spmem:s9], $0x1880, $0x38;
	[tilespmem:$0xE700] =	vst v63  }
0xf7: {  	_ =	swait.ge [sflag:s23], $0x1880  }
0xf8: {  	[sflag:s23] =	ssyncset.done $0x0  }
0xf9: {  	s17 =	rddreg [dreg:$0x9];
	[sflag:s23] =	ssyncadd.s32 $0xFFFFE780  }
0xfa: {  	[hbm4b:s17+s3] =	stream.linear.scatter [tilespmem:s22], [sflag:$0x2], $0x1880, $0x38;
	[tilespmem:$0xE700] =	vst v63  }
0xfb: {  	_ =	swait.ge [sflag:s23], $0x1880  }
0xfc: {  	[sflag:s23] =	ssyncset.done $0x0  }
0xfd: {  	[sflag:s23] =	ssyncadd.s32 $0xFFFFE780  }
0xfe: {  	[tilespmem:s22], [sflag:$0x2] =	stream.linear.gather [spmem:s10], $0x1880, $0x38;
	[tilespmem:$0xE700] =	vst v63  }
0xff: {  	_ =	swait.ge [sflag:s23], $0x1880  }
0x100: {  	[sflag:s23] =	ssyncset.done $0x0  }
0x101: {  	s18 =	rddreg [dreg:$0xa];
	[sflag:s23] =	ssyncadd.s32 $0xFFFFE780  }
0x102: {  	[hbm4b:s18+s3] =	stream.linear.scatter [tilespmem:s22], [sflag:$0x2], $0x1880, $0x38;
	[tilespmem:$0xE700] =	vst v63  }
0x103: {  	_ =	swait.ge [sflag:s23], $0x1880  }
0x104: {  	[sflag:s23] =	ssyncset.done $0x0  }
0x105: {  	[sflag:s23] =	ssyncadd.s32 $0xFFFFE780  }
0x106: {  	[tilespmem:s22], [sflag:$0x2] =	stream.linear.gather [spmem:s11], $0x1880, $0x38;
	[tilespmem:$0xE700] =	vst v63  }
0x107: {  	s14 =	sadd.s32 $0x1, s14;
	_ =	swait.ge [sflag:s23], $0x1880  }
0x108: {  	p0 =	sne.s32 s14, s20;
	[sflag:s23] =	ssyncset.done $0x0  }
.Ltmp3:
0x109: {  	[sflag:s23] =	ssyncadd.s32 $0xFFFFE780;
	(pc) =	sbr.rel @p0 .LBB2_1-.Ltmp3, $4  }
0x10a: {  	[hbm4b:s19+s3] =	stream.linear.scatter [tilespmem:s22], [sflag:$0x2], $0x1880, $0x38;
	[tilespmem:$0xE700] =	vst v63  }
0x10b: {  	_ =	swait.ge [sflag:s23], $0x1880  }
0x10c: {  	[sflag:s23] =	ssyncset.done $0x0  }
0x10d: {  	[sflag:s23] =	ssyncadd.s32 $0xFFFFE780  }
0x10e: {  	_ =	sfence.sel $0x180000  }
0x10f: {  	[bflag:$0x0] =	sbarrier.arrive $0xFFFF  }
0x110: {  	_ =	strace $0x90000047  }
0x111: {  	s0 =	stileid.u32;
	[bflag:$0x2] =	sbarrier.arrive $0xFFFF  }
0x112: {  	p0 =	sne.s32 s0, $0x0;
	s0 =	rddreg [dreg:$0x3]  }
0x113: {  	s0 =	sadd.s32 @!p0 $0x100000, s0  }
0x114: {  	[sflag:s0] =	ssyncadd.tile.s32 @!p0 $0x1;
	_ =	shalt  }
.Lfunc_end2:
_tile_overlayer_lowered:
.L_overlay_start_2:
0x115: {  	(tag) =	ssettag $0x2  }
0x116: {  	s0 =	rddreg [dreg:$0x0];
	s2 =	stileid.u32  }
0x117: {  	s1 =	rddreg [dreg:$0x1];
	p0 =	sne.s32 s2, $0x0  }
0x118: {  	s3 =	rddreg [dreg:$0x2];
	[bflag:$0x3] =	sbarrier.arrive $0xFFFF;
	s2 =	simm.s32 @!p0 $0x1C02  }
0x119: {  	[timem:s3], [sflag:s2] =	dma.local @!p0 [hbm:s0], s1  }
0x11a: {  	s0 =	simm.s32 @!p0 $0x2  }
0x11b: {  	_ =	swait.ge @!p0 [sflag:s0], s1  }
0x11c: {  	s1 =	ssub.s32 @!p0 $0x0, s1;
	[sflag:s0] =	ssyncset.done @!p0 $0x0  }
0x11d: {  	[sflag:s0] =	ssyncadd.s32 @!p0 s1  }
0x11e: {  	[bflag:$0x3] =	sbarrier.arrive $0xFFFF  }
0x11f: {  	_ =	shalt  }

// kernel: kernel.8.cloned.1.call-start
scs
__scs_entry_jumppad:
0x0: {  	(pc) =	sbr.rel $0x88, $3  }
0x1: {  	(tag) =	ssettag $0x0;
	lr =	simm.s32 $0x1  }
0x2: {  	[smem:$0x3F9B] =	sst lr;
	_ =	strace $0xD0000000  }
0x3: {  	_ = 	snop  }
0x4: {  	_ = 	snop  }
0x5: {  	_ = 	snop  }
0x6: {  	_ = 	snop  }
0x7: {  	_ = 	snop  }
__scs_overlays_trampoline_lowered:
0x8: {  	[smem:$0x3FAA] =	sst s0  }
0x9: {  	[smem:$0x3FAB] =	sst s1  }
0xa: {  	[smem:$0x3FAC] =	sst s2  }
0xb: {  	[smem:$0x3FAD] =	sst s3  }
0xc: {  	[smem:$0x3FAE] =	sst s4  }
0xd: {  	[smem:$0x3FAF] =	sst s5  }
0xe: {  	[smem:$0x3FB0] =	sst s6  }
0xf: {  	[smem:$0x3FB1] =	sst s7  }
0x10: {  	[smem:$0x3FB2] =	sst s8  }
0x11: {  	[smem:$0x3FB3] =	sst s9;
	s0 =	simm.s32 @!p0 $0x0  }
0x12: {  	s1 =	sld [smem:$0x3F99];
	s0 =	simm.s32 @p0 $0x1  }
0x13: {  	[smem:$0x3FB4] =	sst s0;
	s0 =	simm.s32 @!p1 $0x0  }
0x14: {  	s2 =	sld [smem:$0x3F98];
	s0 =	simm.s32 @p1 $0x1  }
0x15: {  	[smem:$0x3FB5] =	sst s0;
	s0 =	simm.s32 @!p2 $0x0  }
0x16: {  	s3 =	sld [smem:$0x3FDB];
	s0 =	simm.s32 @p2 $0x1  }
0x17: {  	s4 =	simm.s32 $0x1BF5;
	[smem:$0x3FB7] =	sst s0  }
0x18: {  	s0 =	sld [smem:$0x3F9A];
	_ =	swait.ge [sflag:s4], $0x0  }
0x19: {  	s7 =	sld [smem:$0x3F9B]  }
0x1a: {  	s8 =	sadd.s32 $0xFFFFE003, lr  }
0x1b: {  	s9 =	sadd.s32 $0xFFFFFEF7, lr;
	s5 =	simm.s32 $0xFFFFFFFF;
	p2 =	slt.u32 s8, $0xFFFFF086  }
0x1c: {  	p1 =	slt.u32 s9, $0xF7A;
	s5 =	simm.s32 @!p2 $0x0  }
0x1d: {  	s5 =	simm.s32 @p1 $0x1;
	p0 =	seq.s32 s7, s2  }
0x1e: {  	s7 =	smul.u32 @!p0 $0xF7A, s2;
	p2 =	seq.s32 @!p0 s5, $0x0  }
0x1f: {  	s9 =	smul.u32 $0xF7A, s1;
	s8 =	simm.s32 @!p0 $0x1BF5;
	p2 =	por !p2, p0  }
0x20: {  	[sflag:s8] =	ssyncset.s32 @!p0 $0xFFFFF086;
	s6 =	sadd.s32 @!p0 s3, s7;
	s7 =	simm.s32 @!p0 $0x108  }
0x21: {  	s3 =	sadd.s32 s3, s9;
	s6 =	sadd.s32 @!p0 $0x88, s6;
	s7 =	simm.s32 @p2 $0x1082  }
0x22: {  	[simem:s7], [sflag:s8] =	dma.local @!p0 [hbm:s6], $0xF7A  }
0x23: {  	s9 =	sor.u32 $0xD0000000, s2;
	s6 =	simm.s32 $0x108;
	_ =	swait.ge @!p0 [sflag:s8], $0x0  }
0x24: {  	s3 =	sadd.s32 $0x88, s3;
	s6 =	simm.s32 @!p1 $0x1082;
	[sflag:s4] =	ssyncset.s32 $0xFFFFF086  }
0x25: {  	[simem:s6], [sflag:s4] =	dma.local [hbm:s3], $0xF7A  }
0x26: {  	[smem:$0x3F9B] =	sst s1;
	(tag) =	ssettag s2;
	_ =	strace s9  }
0x27: {  	s1 =	sld [smem:$0x3FAB]  }
0x28: {  	s2 =	sld [smem:$0x3FAC]  }
0x29: {  	s4 =	sld [smem:$0x3FAE]  }
0x2a: {  	p0 =	seq.s32 s5, $0x0;
	s5 =	sld [smem:$0x3FAF]  }
0x2b: {  	s6 =	sld [smem:$0x3FB0]  }
0x2c: {  	s7 =	sld [smem:$0x3FB1]  }
0x2d: {  	s3 =	simm.s32 $0x108;
	s8 =	sld [smem:$0x3FB2]  }
0x2e: {  	s3 =	simm.s32 @!p0 $0x1082;
	s9 =	sld [smem:$0x3FB3]  }
0x2f: {  	lr =	sadd.s32 s0, s3;
	s0 =	sld [smem:$0x3FAA]  }
0x30: {  	s3 =	sld [smem:$0x3FAD]  }
0x31: {  	[smem:$0x3FB6] =	sst s10  }
0x32: {  	s10 =	sld [smem:$0x3FB4];
	_ =	sdelay $0x3  }
0x33: {  	p0 =	seq.s32 s10, $0x1;
	s10 =	sld [smem:$0x3FB6];
	_ =	sdelay $0x3  }
0x34: {  	[smem:$0x3FB6] =	sst s10  }
0x35: {  	s10 =	sld [smem:$0x3FB5];
	_ =	sdelay $0x3  }
0x36: {  	p1 =	seq.s32 s10, $0x1;
	s10 =	sld [smem:$0x3FB6];
	_ =	sdelay $0x3  }
0x37: {  	[smem:$0x3FB6] =	sst s10  }
0x38: {  	s10 =	sld [smem:$0x3FB7]  }
0x39: {  	_ = 	snop;
	(pc) =	sbr.ind lr, $3  }
0x3a: {  	_ = 	snop  }
0x3b: {  	_ = 	snop  }
0x3c: {  	p2 =	seq.s32 s10, $0x1;
	s10 =	sld [smem:$0x3FB6]  }
0x3d: {  	_ =	shalt  }
0x3e: {  	_ =	shalt  }
0x3f: {  	_ =	shalt  }
0x40: {  	_ =	shalt  }
0x41: {  	_ =	shalt  }
0x42: {  	_ =	shalt  }
0x43: {  	_ =	shalt  }
0x44: {  	_ =	shalt  }
0x45: {  	_ =	shalt  }
0x46: {  	_ =	shalt  }
0x47: {  	_ =	shalt  }
0x48: {  	_ =	shalt  }
0x49: {  	_ =	shalt  }
0x4a: {  	_ =	shalt  }
0x4b: {  	_ =	shalt  }
0x4c: {  	_ =	shalt  }
0x4d: {  	_ =	shalt  }
0x4e: {  	_ =	shalt  }
0x4f: {  	_ =	shalt  }
0x50: {  	_ =	shalt  }
0x51: {  	_ =	shalt  }
0x52: {  	_ =	shalt  }
0x53: {  	_ =	shalt  }
0x54: {  	_ =	shalt  }
0x55: {  	_ =	shalt  }
0x56: {  	_ =	shalt  }
0x57: {  	_ =	shalt  }
0x58: {  	_ =	shalt  }
0x59: {  	_ =	shalt  }
0x5a: {  	_ =	shalt  }
0x5b: {  	_ =	shalt  }
0x5c: {  	_ =	shalt  }
0x5d: {  	_ =	shalt  }
0x5e: {  	_ =	shalt  }
0x5f: {  	_ =	shalt  }
0x60: {  	_ =	shalt  }
0x61: {  	_ =	shalt  }
0x62: {  	_ =	shalt  }
0x63: {  	_ =	shalt  }
0x64: {  	_ =	shalt  }
0x65: {  	_ =	shalt  }
0x66: {  	_ =	shalt  }
0x67: {  	_ =	shalt  }
0x68: {  	_ =	shalt  }
0x69: {  	_ =	shalt  }
0x6a: {  	_ =	shalt  }
0x6b: {  	_ =	shalt  }
0x6c: {  	_ =	shalt  }
0x6d: {  	_ =	shalt  }
0x6e: {  	_ =	shalt  }
0x6f: {  	_ =	shalt  }
0x70: {  	_ =	shalt  }
0x71: {  	_ =	shalt  }
0x72: {  	_ =	shalt  }
0x73: {  	_ =	shalt  }
0x74: {  	_ =	shalt  }
0x75: {  	_ =	shalt  }
0x76: {  	_ =	shalt  }
0x77: {  	_ =	shalt  }
0x78: {  	_ =	shalt  }
0x79: {  	_ =	shalt  }
0x7a: {  	_ =	shalt  }
0x7b: {  	_ =	shalt  }
0x7c: {  	_ =	shalt  }
0x7d: {  	_ =	shalt  }
0x7e: {  	_ =	shalt  }
0x7f: {  	_ =	shalt  }
0x80: {  	_ =	shalt  }
0x81: {  	_ =	shalt  }
0x82: {  	_ =	shalt  }
0x83: {  	_ =	shalt  }
0x84: {  	_ =	shalt  }
0x85: {  	_ =	shalt  }
0x86: {  	_ =	shalt  }
0x87: {  	_ =	shalt  }
.Lfunc_end0:
.L_simem_size_0:
called_computation.1_lowered:
.L_overlay_start_0:
0x88: {  	s2 =	sld [smem:$0x3FD9]  }
0x89: {  	s3 =	sld [smem:$0x3FFE];
	_ =	sdelay $0x1  }
0x8a: {  	s1 =	srdreg.scid  }
0x8b: {  	s0 =	sand.u32 $0x1, s1  }
0x8c: {  	s17 =	sshll.u32 s0, $0xA;
	s2 =	sadd.s32 s3, s2  }
0x8d: {  	s2 =	sadd.s32 s2, s17  }
0x8e: {  	[smem:$0x3FC2] =	sst s2  }
0x8f: {  	_ = 	snop  }
0x90: {  	s2 =	sld [smem:$0x3FD0];
	(tm) =	ssettm $0x1  }
0x91: {  	s18 =	sld [smem:$0x3FFB];
	_ =	sdelay $0x3  }
0x92: {  	_ =	strace s18  }
0x93: {  	s3 =	sld [smem:$0x3FFC];
	_ =	sdelay $0x3  }
0x94: {  	_ =	strace s3  }
0x95: {  	s3 =	sld [smem:$0x3FFD];
	_ =	sdelay $0x3  }
0x96: {  	_ =	strace s3  }
0x97: {  	_ =	strace $0x8FFFFFFF  }
0x98: {  	s19 =	sld [smem:$0x3FDB];
	_ =	sdelay $0x1  }
0x99: {  	s4 =	simm.s32 $_scs_section_size  }
0x9a: {  	s5 =	simm.s32 $_size__tile_overlayer_lowered;
	s6 =	simm.s32 $_tile_overlayer_lowered  }
0x9b: {  	s22 =	simm.s32 $0x1BFF;
	s21 =	sshll.u32 s6, $0x1;
	s3 =	sadd.s32 s4, s19  }
0x9c: {  	s7 =	simm.s32 $0x0;
	s20 =	sshll.u32 s5, $0x1;
	s5 =	sadd.s32 s21, s3  }
0x9d: {  	[timem:s7], [sflag:s22] =	dma.local [hbm:s5], s20  }
0x9e: {  	_ =	swait.ge [sflag:s22], s20  }
0x9f: {  	s4 =	ssub.s32 $0x0, s20;
	[sflag:s22] =	ssyncset.done $0x0  }
0xa0: {  	[sflag:s22] =	ssyncadd.s32 s4;
	_ =	sdelay $0x1  }
0xa1: {  	s23 =	simm.s32 $0x1B8B  }
0xa2: {  	_ =	swait.ge [sflag:s23], $0x1  }
0xa3: {  	[sflag:s23] =	ssyncset.done $0x0  }
0xa4: {  	s25 =	simm.s32 $0x1B8E;
	s24 =	sld [smem:$0x3FFE];
	[sflag:s23] =	ssyncadd.s32 $0xFFFFFFFF  }
0xa5: {  	s26 =	simm.s32 $execute0_lowered;
	[smem:$0x3FD2] =	sst s25  }
0xa6: {  	s5 =	sshll.u32 s26, $0x1;
	_ =	strace $0x80000049;
	[dreg:$0x1] =	wrdreg $0xFFFFFFFF  }
0xa7: {  	s28 =	simm.s32 $_size_execute0_lowered;
	s3 =	sadd.s32 s3, s5;
	[dreg:$0x0] =	wrdreg $0x0  }
0xa8: {  	s5 =	sshll.u32 s28, $0x1;
	[dreg:$0x2] =	wrdreg s3  }
0xa9: {  	[dreg:$0x3] =	wrdreg s5  }
0xaa: {  	[dreg:$0x4] =	wrdreg $0xC0  }
0xab: {  	_ =	task [dreg:s7], $0x5FFFF  }
0xac: {  	[dreg:$0x1] =	wrdreg $0xFFFFFFFF  }
0xad: {  	[dreg:$0x0] =	wrdreg $0x60  }
0xae: {  	[dreg:$0x2] =	wrdreg s24  }
0xaf: {  	[dreg:$0x3] =	wrdreg s2  }
0xb0: {  	[dreg:$0x4] =	wrdreg $0x0  }
0xb1: {  	[dreg:$0x5] =	wrdreg $0x9  }
0xb2: {  	_ =	task.clear_ibuf [dreg:s7], $0x6FFFF;
	_ =	strace $0x90000049  }
0xb3: {  	s29 =	simm.s32 $0x9;
	_ =	strace $0x8000004F  }
0xb4: {  	_ =	swait.ge [sflag:s29], $0x1  }
0xb5: {  	[sflag:s29] =	ssyncadd.s32 $0xFFFFFFFF  }
0xb6: {  	_ =	strace $0x9000004F  }
0xb7: {  	_ =	sfence  }
0xb8: {  	s30 =	sld [smem:$0x0];
	_ =	sdelay $0x2  }
0xb9: {  	s31 =	sshll.u32 s1, $0xD;
	s1 =	sshrl.u32 s1, $0x2  }
0xba: {  	s3 =	sand.u32 $0x4000, s31;
	s1 =	sadd.s32 s1, s30  }
0xbb: {  	s0 =	sor.u32 s3, s0;
	s1 =	sshll.u32 s1, $0x11  }
0xbc: {  	s0 =	sor.u32 s1, s0  }
0xbd: {  	s0 =	sadd.s32 $0x8F2B, s0  }
0xbe: {  	[sflag:s0] =	ssyncadd.remote.s32 $0x1  }
0xbf: {  	_ =	sfence.sel $0xFFFF  }
0xc0: {  	[dreg:$0x0] =	wrdreg $0xFFFFFFFF;
	(pc) =	sbr.abs _section_cstart, $3  }
0xc1: {  	[dreg:$0x1] =	wrdreg $0xFFFFFFFF  }
0xc2: {  	_ =	task.clear_ibuf [dreg:s7], $0x2FFFF;
	_ =	strace $0x9FFFFFFF  }
0xc3: {  	(tm) =	ssettm $0x7FFFFFFF  }
tec
execute0_lowered:
.L_overlay_start_1:
0x0: {  	(tag) =	ssettag $0x1  }
0x1: {  	s0 =	rddreg [dreg:$0x0]  }
0x2: {  	s3 =	rddreg [dreg:$0x2]  }
0x3: {  	s4 =	simm.s32 $0x0;
	s19 =	stileid.u32;
	s1 =	srdreg.scid  }
0x4: {  	[smem:$0x7FF] =	sst s4;
	s2 =	smul.u32 $0x3100, s19  }
0x5: {  	s1 =	sand.u32 $0x1, s1;
	s5 =	sadd.s32 $0x4C800, s0;
	s6 =	sadd.s32 $0xAE800, s0  }
0x6: {  	s9 =	sadd.s32 $0x1A3800, s0;
	_ =	strace $0x8000004A;
	[dreg:$0x6] =	wrdreg s6  }
0x7: {  	s8 =	smul.u32 $0x18800, s19;
	s21 =	sadd.s32 $0x141800, s0;
	[dreg:$0x7] =	wrdreg s9  }
0x8: {  	s20 =	sadd.s32 $0xDF800, s0;
	s18 =	smul.u32 $0x188000, s1;
	[dreg:$0x8] =	wrdreg s21  }
0x9: {  	s16 =	ssub.s32 $0x2, s1;
	s1 =	smul.u32 $0x31000, s1;
	[dreg:$0x4] =	wrdreg s20  }
0xa: {  	s2 =	sadd.s32 s2, s0;
	s7 =	sshrl.u32 s16, $0x1;
	s6 =	sadd.s32 $0x7000, s8  }
0xb: {  	s11 =	sadd.s32 $0xA800, s8;
	s13 =	sadd.s32 $0xE000, s8;
	s14 =	sadd.s32 $0x11800, s8  }
0xc: {  	s17 =	ssub.s32 s16, s7;
	s10 =	sadd.s32 s21, s1;
	s22 =	sadd.s32 s18, s8  }
0xd: {  	s1 =	sadd.s32 $0x3800, s8;
	s24 =	sadd.s32 s18, s6;
	s12 =	sadd.s32 s18, s11  }
0xe: {  	s15 =	sadd.s32 s18, s13;
	[dreg:$0x5] =	wrdreg s18;
	s0 =	smax.u32 s17, $0x1  }
0xf: {  	s23 =	sadd.s32 s18, s1;
	s9 =	sshrl.u32 s24, $0x3;
	s12 =	sshrl.u32 s12, $0x3  }
0x10: {  	s17 =	sadd.s32 $0x15000, s8;
	s8 =	sadd.s32 s8, s3;
	[dreg:$0x9] =	wrdreg s0  }
0x11: {  	s15 =	sshrl.u32 s15, $0x3;
	s26 =	sadd.s32 s5, s9;
	[dreg:$0x13] =	wrdreg s8  }
0x12: {  	s7 =	sshrl.u32 s23, $0x3;
	s23 =	sadd.s32 s5, s12;
	[dreg:$0xc] =	wrdreg s26  }
0x13: {  	s24 =	sadd.s32 s5, s15;
	[dreg:$0xd] =	wrdreg s23  }
0x14: {  	s0 =	sshrl.u32 s22, $0x3;
	s8 =	sadd.s32 s21, s15;
	[dreg:$0xe] =	wrdreg s24  }
0x15: {  	s22 =	sadd.s32 s5, s0;
	[dreg:$0x1d] =	wrdreg s8  }
0x16: {  	s25 =	sadd.s32 s5, s7;
	[dreg:$0xa] =	wrdreg s22  }
0x17: {  	s26 =	sadd.s32 s21, s0;
	[dreg:$0xb] =	wrdreg s25  }
0x18: {  	s29 =	simm.s32 $0x1AB00;
	s0 =	sadd.s32 s20, s0;
	[dreg:$0x11] =	wrdreg s26  }
0x19: {  	s31 =	simm.s32 $0x1B900;
	s23 =	sadd.s32 s20, s7;
	[dreg:$0x12] =	wrdreg s0  }
0x1a: {  	s16 =	sadd.s32 s18, s14;
	s24 =	sadd.s32 s1, s3;
	[dreg:$0x15] =	wrdreg s23  }
0x1b: {  	s16 =	sshrl.u32 s16, $0x3;
	s1 =	sadd.s32 s6, s3;
	[dreg:$0x16] =	wrdreg s24  }
0x1c: {  	s18 =	sadd.s32 s18, s17;
	s6 =	sadd.s32 s20, s12;
	[dreg:$0x19] =	wrdreg s1  }
0x1d: {  	s18 =	sshrl.u32 s18, $0x3;
	s25 =	sadd.s32 s5, s16;
	[dreg:$0x1b] =	wrdreg s6  }
0x1e: {  	s30 =	simm.s32 $0x18CD0;
	s5 =	sadd.s32 s5, s18;
	[dreg:$0xf] =	wrdreg s25  }
0x1f: {  	s28 =	sadd.s32 $0x1B800, s2;
	s22 =	sadd.s32 s21, s7;
	[dreg:$0x10] =	wrdreg s5  }
0x20: {  	s2 =	simm.s32 $0x189C0;
	s26 =	sadd.s32 s20, s9;
	[dreg:$0x14] =	wrdreg s22  }
0x21: {  	s8 =	simm.s32 $0x18E20;
	s7 =	sadd.s32 s11, s3;
	[dreg:$0x18] =	wrdreg s26  }
0x22: {  	s11 =	sadd.s32 s13, s3;
	s13 =	sadd.s32 s20, s16;
	[dreg:$0x1c] =	wrdreg s7  }
0x23: {  	s24 =	simm.s32 $0x70;
	s1 =	simm.s32 $0x18870;
	[dreg:$0x1f] =	wrdreg s11  }
0x24: {  	s6 =	simm.s32 $0x18B10;
	s23 =	simm.s32 $0x0;
	[smem:$0x7F7] =	sst s13  }
0x25: {  	s25 =	sadd.s32 s21, s9;
	s5 =	sadd.s32 s21, s12;
	[smem:$0x7FD] =	sst s23  }
0x26: {  	s9 =	sadd.s32 s20, s15;
	s12 =	sadd.s32 s21, s16;
	[dreg:$0x17] =	wrdreg s25  }
0x27: {  	s15 =	sadd.s32 s14, s3;
	s16 =	sadd.s32 s21, s18;
	[dreg:$0x1a] =	wrdreg s5  }
0x28: {  	s20 =	sadd.s32 s20, s18;
	s21 =	sadd.s32 s17, s3;
	[dreg:$0x1e] =	wrdreg s9  }
0x29: {  	s22 =	smul.u32 $0xC40, s19;
	s18 =	simm.s32 $0x18800;
	[smem:$0x7F6] =	sst s12  }
0x2a: {  	s26 =	simm.s32 $0x19D00;
	s14 =	simm.s32 $0x18B80;
	[smem:$0x7F8] =	sst s15  }
0x2b: {  	s17 =	simm.s32 $0x18C60;
	s11 =	simm.s32 $0x1D500;
	[smem:$0x7F9] =	sst s16  }
0x2c: {  	s7 =	simm.s32 $0x18D40;
	s13 =	simm.s32 $0x1E300;
	[smem:$0x7FA] =	sst s20  }
0x2d: {  	s19 =	simm.s32 $0x18BF0;
	[smem:$0x7FB] =	sst s21;
	s20 =	simm.s32 $0x18F00  }
0x2e: {  	s21 =	simm.s32 $0x3;
	s12 =	simm.s32 $0x18AA0;
	s15 =	simm.s32 $0x1F100  }
0x2f: {  	s16 =	simm.s32 $0x1;
	s5 =	simm.s32 $0x18950;
	s9 =	simm.s32 $0x18A30  }
0x30: {  	s25 =	simm.s32 $0x2;
	[smem:$0x7FC] =	sst s22;
	s22 =	simm.s32 $0x1C700  }
.LBB2_1:
0x31: {  	s0 =	rddreg [dreg:$0xa]  }
0x32: {  	[tilespmem:s20], [sflag:$0x3] =	stream.linear.gather [hbm4b:s0+s4], $0x3800, $0x38;
	[tilespmem:$0x1FF00] =	vst v63  }
0x33: {  	_ =	swait.ge [sflag:s21], $0x3800  }
0x34: {  	[sflag:s21] =	ssyncset.done $0x0  }
0x35: {  	s23 =	rddreg [dreg:$0x11];
	[sflag:s21] =	ssyncadd.s32 $0xFFFFC800  }
0x36: {  	[hbm4b:s23+s4] =	stream.linear.scatter [tilespmem:s20], [sflag:$0x3], $0x3800, $0x38;
	[tilespmem:$0x1FF00] =	vst v63  }
0x37: {  	_ =	swait.ge [sflag:s21], $0x3800  }
0x38: {  	[sflag:s21] =	ssyncset.done $0x0  }
0x39: {  	s23 =	rddreg [dreg:$0xb];
	[sflag:s21] =	ssyncadd.s32 $0xFFFFC800  }
0x3a: {  	[tilespmem:s20], [sflag:$0x3] =	stream.linear.gather [hbm4b:s23+s4], $0x3800, $0x38;
	[tilespmem:$0x1FF00] =	vst v63  }
0x3b: {  	_ =	swait.ge [sflag:s21], $0x3800  }
0x3c: {  	[sflag:s21] =	ssyncset.done $0x0  }
0x3d: {  	s23 =	rddreg [dreg:$0x14];
	[sflag:s21] =	ssyncadd.s32 $0xFFFFC800  }
0x3e: {  	[hbm4b:s23+s4] =	stream.linear.scatter [tilespmem:s20], [sflag:$0x3], $0x3800, $0x38;
	[tilespmem:$0x1FF00] =	vst v63  }
0x3f: {  	_ =	swait.ge [sflag:s21], $0x3800  }
0x40: {  	[sflag:s21] =	ssyncset.done $0x0  }
0x41: {  	s23 =	rddreg [dreg:$0xc];
	[sflag:s21] =	ssyncadd.s32 $0xFFFFC800  }
0x42: {  	[tilespmem:s20], [sflag:$0x3] =	stream.linear.gather [hbm4b:s23+s4], $0x3800, $0x38;
	[tilespmem:$0x1FF00] =	vst v63  }
0x43: {  	_ =	swait.ge [sflag:s21], $0x3800  }
0x44: {  	[sflag:s21] =	ssyncset.done $0x0  }
0x45: {  	s23 =	rddreg [dreg:$0x17];
	[sflag:s21] =	ssyncadd.s32 $0xFFFFC800  }
0x46: {  	[hbm4b:s23+s4] =	stream.linear.scatter [tilespmem:s20], [sflag:$0x3], $0x3800, $0x38;
	[tilespmem:$0x1FF00] =	vst v63  }
0x47: {  	_ =	swait.ge [sflag:s21], $0x3800  }
0x48: {  	[sflag:s21] =	ssyncset.done $0x0  }
0x49: {  	s23 =	rddreg [dreg:$0xd];
	[sflag:s21] =	ssyncadd.s32 $0xFFFFC800  }
0x4a: {  	[tilespmem:s20], [sflag:$0x3] =	stream.linear.gather [hbm4b:s23+s4], $0x3800, $0x38;
	[tilespmem:$0x1FF00] =	vst v63  }
0x4b: {  	_ =	swait.ge [sflag:s21], $0x3800  }
0x4c: {  	[sflag:s21] =	ssyncset.done $0x0  }
0x4d: {  	s23 =	rddreg [dreg:$0x1a];
	[sflag:s21] =	ssyncadd.s32 $0xFFFFC800  }
0x4e: {  	[hbm4b:s23+s4] =	stream.linear.scatter [tilespmem:s20], [sflag:$0x3], $0x3800, $0x38;
	[tilespmem:$0x1FF00] =	vst v63  }
0x4f: {  	_ =	swait.ge [sflag:s21], $0x3800  }
0x50: {  	[sflag:s21] =	ssyncset.done $0x0  }
0x51: {  	s23 =	rddreg [dreg:$0xe];
	[sflag:s21] =	ssyncadd.s32 $0xFFFFC800  }
0x52: {  	[tilespmem:s20], [sflag:$0x3] =	stream.linear.gather [hbm4b:s23+s4], $0x3800, $0x38;
	[tilespmem:$0x1FF00] =	vst v63  }
0x53: {  	_ =	swait.ge [sflag:s21], $0x3800  }
0x54: {  	[sflag:s21] =	ssyncset.done $0x0  }
0x55: {  	s23 =	rddreg [dreg:$0x1d];
	[sflag:s21] =	ssyncadd.s32 $0xFFFFC800  }
0x56: {  	[hbm4b:s23+s4] =	stream.linear.scatter [tilespmem:s20], [sflag:$0x3], $0x3800, $0x38;
	[tilespmem:$0x1FF00] =	vst v63  }
0x57: {  	_ =	swait.ge [sflag:s21], $0x3800  }
0x58: {  	[sflag:s21] =	ssyncset.done $0x0  }
0x59: {  	s23 =	rddreg [dreg:$0xf];
	[sflag:s21] =	ssyncadd.s32 $0xFFFFC800  }
0x5a: {  	[tilespmem:s20], [sflag:$0x3] =	stream.linear.gather [hbm4b:s23+s4], $0x3800, $0x38;
	[tilespmem:$0x1FF00] =	vst v63  }
0x5b: {  	_ =	swait.ge [sflag:s21], $0x3800  }
0x5c: {  	s23 =	sld [smem:$0x7F6]  }
0x5d: {  	[sflag:s21] =	ssyncset.done $0x0  }
0x5e: {  	[sflag:s21] =	ssyncadd.s32 $0xFFFFC800  }
0x5f: {  	[hbm4b:s23+s4] =	stream.linear.scatter [tilespmem:s20], [sflag:$0x3], $0x3800, $0x38;
	[tilespmem:$0x1FF00] =	vst v63  }
0x60: {  	_ =	swait.ge [sflag:s21], $0x3800  }
0x61: {  	[sflag:s21] =	ssyncset.done $0x0  }
0x62: {  	s23 =	rddreg [dreg:$0x10];
	[sflag:s21] =	ssyncadd.s32 $0xFFFFC800  }
0x63: {  	[tilespmem:s20], [sflag:$0x3] =	stream.linear.gather [hbm4b:s23+s4], $0x3800, $0x38;
	[tilespmem:$0x1FF00] =	vst v63  }
0x64: {  	_ =	swait.ge [sflag:s21], $0x3800  }
0x65: {  	s23 =	sld [smem:$0x7F9]  }
0x66: {  	[sflag:s21] =	ssyncset.done $0x0  }
0x67: {  	[sflag:s21] =	ssyncadd.s32 $0xFFFFC800  }
0x68: {  	[hbm4b:s23+s4] =	stream.linear.scatter [tilespmem:s20], [sflag:$0x3], $0x3800, $0x38;
	[tilespmem:$0x1FF00] =	vst v63  }
0x69: {  	_ =	swait.ge [sflag:s21], $0x3800  }
0x6a: {  	[sflag:s21] =	ssyncset.done $0x0  }
0x6b: {  	s23 =	rddreg [dreg:$0x12];
	[sflag:s21] =	ssyncadd.s32 $0xFFFFC800  }
0x6c: {  	[tilespmem:s22], [sflag:$0x3] =	stream.linear.gather [hbm4b:s23+s4], $0x3800, $0x38;
	[tilespmem:$0x1FF00] =	vst v63  }
0x6d: {  	_ =	swait.ge [sflag:s21], $0x3800  }
0x6e: {  	[sflag:s21] =	ssyncset.done $0x0  }
0x6f: {  	s23 =	rddreg [dreg:$0x13];
	[sflag:s21] =	ssyncadd.s32 $0xFFFFC800  }
0x70: {  	[spmem:s23] =	stream.linear.scatter [tilespmem:s22], [sflag:$0x3], $0x3800, $0x38;
	[tilespmem:$0x1FF00] =	vst v63  }
0x71: {  	_ =	swait.ge [sflag:s21], $0x3800  }
0x72: {  	[sflag:s21] =	ssyncset.done $0x0  }
0x73: {  	s23 =	rddreg [dreg:$0x15];
	[sflag:s21] =	ssyncadd.s32 $0xFFFFC800  }
0x74: {  	[tilespmem:s22], [sflag:$0x3] =	stream.linear.gather [hbm4b:s23+s4], $0x3800, $0x38;
	[tilespmem:$0x1FF00] =	vst v63  }
0x75: {  	_ =	swait.ge [sflag:s21], $0x3800  }
0x76: {  	[sflag:s21] =	ssyncset.done $0x0  }
0x77: {  	s23 =	rddreg [dreg:$0x16];
	[sflag:s21] =	ssyncadd.s32 $0xFFFFC800  }
0x78: {  	[spmem:s23] =	stream.linear.scatter [tilespmem:s22], [sflag:$0x3], $0x3800, $0x38;
	[tilespmem:$0x1FF00] =	vst v63  }
0x79: {  	_ =	swait.ge [sflag:s21], $0x3800  }
0x7a: {  	[sflag:s21] =	ssyncset.done $0x0  }
0x7b: {  	s23 =	rddreg [dreg:$0x18];
	[sflag:s21] =	ssyncadd.s32 $0xFFFFC800  }
0x7c: {  	[tilespmem:s22], [sflag:$0x3] =	stream.linear.gather [hbm4b:s23+s4], $0x3800, $0x38;
	[tilespmem:$0x1FF00] =	vst v63  }
0x7d: {  	_ =	swait.ge [sflag:s21], $0x3800  }
0x7e: {  	[sflag:s21] =	ssyncset.done $0x0  }
0x7f: {  	s23 =	rddreg [dreg:$0x19];
	[sflag:s21] =	ssyncadd.s32 $0xFFFFC800  }
0x80: {  	[spmem:s23] =	stream.linear.scatter [tilespmem:s22], [sflag:$0x3], $0x3800, $0x38;
	[tilespmem:$0x1FF00] =	vst v63  }
0x81: {  	_ =	swait.ge [sflag:s21], $0x3800  }
0x82: {  	[sflag:s21] =	ssyncset.done $0x0  }
0x83: {  	s23 =	rddreg [dreg:$0x1b];
	[sflag:s21] =	ssyncadd.s32 $0xFFFFC800  }
0x84: {  	[tilespmem:s22], [sflag:$0x3] =	stream.linear.gather [hbm4b:s23+s4], $0x3800, $0x38;
	[tilespmem:$0x1FF00] =	vst v63  }
0x85: {  	_ =	swait.ge [sflag:s21], $0x3800  }
0x86: {  	[sflag:s21] =	ssyncset.done $0x0  }
0x87: {  	s23 =	rddreg [dreg:$0x1c];
	[sflag:s21] =	ssyncadd.s32 $0xFFFFC800  }
0x88: {  	[spmem:s23] =	stream.linear.scatter [tilespmem:s22], [sflag:$0x3], $0x3800, $0x38;
	[tilespmem:$0x1FF00] =	vst v63  }
0x89: {  	_ =	swait.ge [sflag:s21], $0x3800  }
0x8a: {  	[sflag:s21] =	ssyncset.done $0x0  }
0x8b: {  	s23 =	rddreg [dreg:$0x1e];
	[sflag:s21] =	ssyncadd.s32 $0xFFFFC800  }
0x8c: {  	[tilespmem:s22], [sflag:$0x3] =	stream.linear.gather [hbm4b:s23+s4], $0x3800, $0x38;
	[tilespmem:$0x1FF00] =	vst v63  }
0x8d: {  	_ =	swait.ge [sflag:s21], $0x3800  }
0x8e: {  	[sflag:s21] =	ssyncset.done $0x0  }
0x8f: {  	s23 =	rddreg [dreg:$0x1f];
	[sflag:s21] =	ssyncadd.s32 $0xFFFFC800  }
0x90: {  	[spmem:s23] =	stream.linear.scatter [tilespmem:s22], [sflag:$0x3], $0x3800, $0x38;
	[tilespmem:$0x1FF00] =	vst v63  }
0x91: {  	_ =	swait.ge [sflag:s21], $0x3800  }
0x92: {  	s23 =	sld [smem:$0x7F7]  }
0x93: {  	[sflag:s21] =	ssyncset.done $0x0  }
0x94: {  	[sflag:s21] =	ssyncadd.s32 $0xFFFFC800  }
0x95: {  	[tilespmem:s22], [sflag:$0x3] =	stream.linear.gather [hbm4b:s23+s4], $0x3800, $0x38;
	[tilespmem:$0x1FF00] =	vst v63  }
0x96: {  	_ =	swait.ge [sflag:s21], $0x3800  }
0x97: {  	s23 =	sld [smem:$0x7F8]  }
0x98: {  	[sflag:s21] =	ssyncset.done $0x0  }
0x99: {  	[sflag:s21] =	ssyncadd.s32 $0xFFFFC800  }
0x9a: {  	[spmem:s23] =	stream.linear.scatter [tilespmem:s22], [sflag:$0x3], $0x3800, $0x38;
	[tilespmem:$0x1FF00] =	vst v63  }
0x9b: {  	_ =	swait.ge [sflag:s21], $0x3800  }
0x9c: {  	s23 =	sld [smem:$0x7FA]  }
0x9d: {  	[sflag:s21] =	ssyncset.done $0x0  }
0x9e: {  	[sflag:s21] =	ssyncadd.s32 $0xFFFFC800  }
0x9f: {  	[tilespmem:s22], [sflag:$0x3] =	stream.linear.gather [hbm4b:s23+s4], $0x3800, $0x38;
	[tilespmem:$0x1FF00] =	vst v63  }
0xa0: {  	_ =	swait.ge [sflag:s21], $0x3800  }
0xa1: {  	s23 =	sld [smem:$0x7FB]  }
0xa2: {  	[sflag:s21] =	ssyncset.done $0x0  }
0xa3: {  	[sflag:s21] =	ssyncadd.s32 $0xFFFFC800  }
0xa4: {  	[spmem:s23] =	stream.linear.scatter [tilespmem:s22], [sflag:$0x3], $0x3800, $0x38;
	[tilespmem:$0x1FF00] =	vst v63  }
0xa5: {  	_ =	swait.ge [sflag:s21], $0x3800  }
0xa6: {  	[sflag:s21] =	ssyncset.done $0x0  }
0xa7: {  	[sflag:s21] =	ssyncadd.s32 $0xFFFFC800  }
0xa8: {  	s0 =	simm.s32 $0x0;
	[bflag:$0x0] =	sbarrier.arrive $0xFFFF  }
.LBB2_2:
0xa9: {  	[smem:$0x7F5] =	sst s0  }
0xaa: {  	s23 =	sadd.s32 $0x0, s28;
	_ =	strace $0x8000004B  }
0xab: {  	[tilespmem:s18], [sflag:$0x3] =	stream.linear.gather [hbm4b:s23+s4], $0x700, $0x200038;
	[tilespmem:$0x1FF00] =	vst v63  }
0xac: {  	_ =	swait.ge [sflag:s21], $0x700  }
0xad: {  	[sflag:s21] =	ssyncset.done $0x0  }
0xae: {  	[sflag:s21] =	ssyncadd.s32 $0xFFFFF900  }
0xaf: {  	[tilespmem:s20], [sflag:$0x1] =	stream.indirect.gather [hbm4b:s10+s24], $0x20, s18, s24, $0x2000b8;
	[tilespmem:$0x1FF00] =	vst v63  }
0xb0: {  	s21 =	simm.s32 $0x188E0  }
0xb1: {  	[tilespmem:s26], [sflag:$0x1] =	stream.indirect.gather [hbm4b:s10+s24], $0x20, s21, s24, $0x2000b8;
	[tilespmem:$0x1FF00] =	vst v63  }
0xb2: {  	_ = 	snop  }
0xb3: {  	[tilespmem:s29], [sflag:$0x1] =	stream.indirect.gather [hbm4b:s10+s24], $0x20, s2, s24, $0x2000b8;
	[tilespmem:$0x1FF00] =	vst v63  }
0xb4: {  	_ = 	snop  }
0xb5: {  	[tilespmem:s31], [sflag:$0x1] =	stream.indirect.gather [hbm4b:s10+s24], $0x20, s12, s24, $0x2000b8;
	[tilespmem:$0x1FF00] =	vst v63  }
0xb6: {  	_ = 	snop  }
0xb7: {  	[tilespmem:s22], [sflag:$0x1] =	stream.indirect.gather [hbm4b:s10+s24], $0x20, s14, s24, $0x2000b8;
	[tilespmem:$0x1FF00] =	vst v63  }
0xb8: {  	_ = 	snop  }
0xb9: {  	[tilespmem:s11], [sflag:$0x1] =	stream.indirect.gather [hbm4b:s10+s24], $0x20, s17, s24, $0x2000b8;
	[tilespmem:$0x1FF00] =	vst v63  }
0xba: {  	_ = 	snop  }
0xbb: {  	[tilespmem:s13], [sflag:$0x1] =	stream.indirect.gather [hbm4b:s10+s24], $0x20, s7, s24, $0x2000b8;
	[tilespmem:$0x1FF00] =	vst v63  }
0xbc: {  	_ = 	snop  }
0xbd: {  	[tilespmem:s15], [sflag:$0x1] =	stream.indirect.gather [hbm4b:s10+s24], $0x20, s8, s24, $0x2000b8;
	[tilespmem:$0x1FF00] =	vst v63  }
0xbe: {  	_ =	swait.ge [sflag:s16], $0xE00  }
0xbf: {  	[sflag:s16] =	ssyncset.done $0x0  }
0xc0: {  	[sflag:s16] =	ssyncadd.s32 $0xFFFFF200  }
0xc1: {  	[spmem:s3] =	stream.indirect.scatter.add.f32 [tilespmem:s20], [sflag:$0x2], $0x20, s1, s24, $0x2000b8;
	[tilespmem:$0x1FF00] =	vst v63  }
0xc2: {  	_ =	swait.ge [sflag:s16], $0xE00  }
0xc3: {  	[sflag:s16] =	ssyncset.done $0x0  }
0xc4: {  	[sflag:s16] =	ssyncadd.s32 $0xFFFFF200  }
0xc5: {  	[spmem:s3] =	stream.indirect.scatter.add.f32 [tilespmem:s26], [sflag:$0x2], $0x20, s5, s24, $0x2000b8;
	[tilespmem:$0x1FF00] =	vst v63  }
0xc6: {  	_ =	swait.ge [sflag:s16], $0xE00  }
0xc7: {  	[sflag:s16] =	ssyncset.done $0x0  }
0xc8: {  	[sflag:s16] =	ssyncadd.s32 $0xFFFFF200  }
0xc9: {  	[spmem:s3] =	stream.indirect.scatter.add.f32 [tilespmem:s29], [sflag:$0x2], $0x20, s9, s24, $0x2000b8;
	[tilespmem:$0x1FF00] =	vst v63  }
0xca: {  	_ =	swait.ge [sflag:s16], $0xE00  }
0xcb: {  	[sflag:s16] =	ssyncset.done $0x0  }
0xcc: {  	[sflag:s16] =	ssyncadd.s32 $0xFFFFF200  }
0xcd: {  	[spmem:s3] =	stream.indirect.scatter.add.f32 [tilespmem:s31], [sflag:$0x2], $0x20, s6, s24, $0x2000b8;
	[tilespmem:$0x1FF00] =	vst v63  }
0xce: {  	_ =	swait.ge [sflag:s16], $0xE00  }
0xcf: {  	[sflag:s16] =	ssyncset.done $0x0  }
0xd0: {  	[sflag:s16] =	ssyncadd.s32 $0xFFFFF200  }
0xd1: {  	[spmem:s3] =	stream.indirect.scatter.add.f32 [tilespmem:s22], [sflag:$0x2], $0x20, s19, s24, $0x2000b8;
	[tilespmem:$0x1FF00] =	vst v63  }
0xd2: {  	_ =	swait.ge [sflag:s16], $0xE00  }
0xd3: {  	[sflag:s16] =	ssyncset.done $0x0  }
0xd4: {  	[sflag:s16] =	ssyncadd.s32 $0xFFFFF200  }
0xd5: {  	[spmem:s3] =	stream.indirect.scatter.add.f32 [tilespmem:s11], [sflag:$0x2], $0x20, s30, s24, $0x2000b8;
	[tilespmem:$0x1FF00] =	vst v63  }
0xd6: {  	_ =	swait.ge [sflag:s16], $0xE00  }
0xd7: {  	[sflag:s16] =	ssyncset.done $0x0  }
0xd8: {  	s23 =	simm.s32 $0x18DB0;
	[sflag:s16] =	ssyncadd.s32 $0xFFFFF200  }
0xd9: {  	[spmem:s3] =	stream.indirect.scatter.add.f32 [tilespmem:s13], [sflag:$0x2], $0x20, s23, s24, $0x2000b8;
	[tilespmem:$0x1FF00] =	vst v63  }
0xda: {  	_ =	swait.ge [sflag:s16], $0xE00  }
0xdb: {  	[sflag:s16] =	ssyncset.done $0x0  }
0xdc: {  	s26 =	simm.s32 $0x18E90;
	[sflag:s16] =	ssyncadd.s32 $0xFFFFF200  }
0xdd: {  	[spmem:s3] =	stream.indirect.scatter.add.f32 [tilespmem:s15], [sflag:$0x2], $0x20, s26, s24, $0x2000b8;
	[tilespmem:$0x1FF00] =	vst v63  }
0xde: {  	_ =	swait.ge [sflag:s25], $0xE00  }
0xdf: {  	[sflag:s25] =	ssyncset.done $0x0  }
0xe0: {  	[sflag:s25] =	ssyncadd.s32 $0xFFFFF200  }
0xe1: {  	_ =	swait.ge [sflag:s25], $0xE00  }
0xe2: {  	[sflag:s25] =	ssyncset.done $0x0  }
0xe3: {  	[sflag:s25] =	ssyncadd.s32 $0xFFFFF200  }
0xe4: {  	_ =	swait.ge [sflag:s25], $0xE00  }
0xe5: {  	[sflag:s25] =	ssyncset.done $0x0  }
0xe6: {  	[sflag:s25] =	ssyncadd.s32 $0xFFFFF200  }
0xe7: {  	_ =	swait.ge [sflag:s25], $0xE00  }
0xe8: {  	[sflag:s25] =	ssyncset.done $0x0  }
0xe9: {  	s0 =	simm.s32 $0xE0;
	[sflag:s25] =	ssyncadd.s32 $0xFFFFF200  }
0xea: {  	s4 =	simm.s32 $0x18BF0;
	s18 =	simm.s32 $0x0;
	_ =	swait.ge [sflag:s25], $0xE00  }
0xeb: {  	s21 =	simm.s32 $0x1C700;
	s2 =	simm.s32 $0x1C0;
	[sflag:s25] =	ssyncset.done $0x0  }
0xec: {  	s14 =	simm.s32 $0x18AA0;
	s17 =	simm.s32 $0x18B80;
	[sflag:s25] =	ssyncadd.s32 $0xFFFFF200  }
0xed: {  	s7 =	simm.s32 $0x18C60;
	s8 =	simm.s32 $0x18D40;
	_ =	swait.ge [sflag:s25], $0xE00  }
0xee: {  	s20 =	simm.s32 $0x1F100;
	s1 =	simm.s32 $0x18E20;
	[sflag:s25] =	ssyncset.done $0x0  }
0xef: {  	s5 =	simm.s32 $0x18870;
	s29 =	simm.s32 $0x19D00;
	[sflag:s25] =	ssyncadd.s32 $0xFFFFF200  }
0xf0: {  	s9 =	simm.s32 $0x18950;
	s31 =	simm.s32 $0x1AB00;
	_ =	swait.ge [sflag:s25], $0xE00  }
0xf1: {  	s6 =	simm.s32 $0x18A30;
	s22 =	simm.s32 $0x18F00;
	[sflag:s25] =	ssyncset.done $0x0  }
0xf2: {  	s19 =	simm.s32 $0x18B10;
	s30 =	simm.s32 $0x3;
	[sflag:s25] =	ssyncadd.s32 $0xFFFFF200  }
0xf3: {  	s11 =	simm.s32 $0x1B900;
	s13 =	simm.s32 $0x1D500;
	_ =	swait.ge [sflag:s25], $0xE00  }
0xf4: {  	s15 =	simm.s32 $0x1E300;
	s26 =	simm.s32 $0x18800;
	[sflag:s25] =	ssyncset.done $0x0  }
.LBB2_3:
0xf5: {  	s12 =	sadd.s32 s0, s28;
	[sflag:s25] =	ssyncadd.s32 $0xFFFFF200  }
0xf6: {  	s0 =	smov.u32 s2;
	s23 =	smov.u32 s28;
	s28 =	sadd.s32 $0xE0, s2  }
0xf7: {  	[tilespmem:s26], [sflag:$0x3] =	stream.linear.gather [hbm4b:s12+s18], $0x700, $0x200038;
	[tilespmem:$0x1FF00] =	vst v63  }
0xf8: {  	s12 =	simm.s32 $0x189C0  }
0xf9: {  	p0 =	sne.s32 s2, $0x3020;
	_ =	swait.ge [sflag:s30], $0x700  }
0xfa: {  	[sflag:s30] =	ssyncset.done $0x0  }
0xfb: {  	[sflag:s30] =	ssyncadd.s32 $0xFFFFF900  }
0xfc: {  	[tilespmem:s22], [sflag:$0x1] =	stream.indirect.gather [hbm4b:s10+s24], $0x20, s26, s24, $0x2000b8;
	[tilespmem:$0x1FF00] =	vst v63  }
0xfd: {  	s2 =	simm.s32 $0x188E0  }
0xfe: {  	[tilespmem:s29], [sflag:$0x1] =	stream.indirect.gather [hbm4b:s10+s24], $0x20, s2, s24, $0x2000b8;
	[tilespmem:$0x1FF00] =	vst v63  }
0xff: {  	_ = 	snop  }
0x100: {  	[tilespmem:s31], [sflag:$0x1] =	stream.indirect.gather [hbm4b:s10+s24], $0x20, s12, s24, $0x2000b8;
	[tilespmem:$0x1FF00] =	vst v63  }
0x101: {  	_ = 	snop  }
0x102: {  	[tilespmem:s11], [sflag:$0x1] =	stream.indirect.gather [hbm4b:s10+s24], $0x20, s14, s24, $0x2000b8;
	[tilespmem:$0x1FF00] =	vst v63  }
0x103: {  	_ = 	snop  }
0x104: {  	[tilespmem:s21], [sflag:$0x1] =	stream.indirect.gather [hbm4b:s10+s24], $0x20, s17, s24, $0x2000b8;
	[tilespmem:$0x1FF00] =	vst v63  }
0x105: {  	_ = 	snop  }
0x106: {  	[tilespmem:s13], [sflag:$0x1] =	stream.indirect.gather [hbm4b:s10+s24], $0x20, s7, s24, $0x2000b8;
	[tilespmem:$0x1FF00] =	vst v63  }
0x107: {  	_ = 	snop  }
0x108: {  	[tilespmem:s15], [sflag:$0x1] =	stream.indirect.gather [hbm4b:s10+s24], $0x20, s8, s24, $0x2000b8;
	[tilespmem:$0x1FF00] =	vst v63  }
0x109: {  	_ = 	snop  }
0x10a: {  	[tilespmem:s20], [sflag:$0x1] =	stream.indirect.gather [hbm4b:s10+s24], $0x20, s1, s24, $0x2000b8;
	[tilespmem:$0x1FF00] =	vst v63  }
0x10b: {  	_ =	swait.ge [sflag:s16], $0xE00  }
0x10c: {  	[sflag:s16] =	ssyncset.done $0x0  }
0x10d: {  	[sflag:s16] =	ssyncadd.s32 $0xFFFFF200  }
0x10e: {  	[spmem:s3] =	stream.indirect.scatter.add.f32 [tilespmem:s22], [sflag:$0x2], $0x20, s5, s24, $0x2000b8;
	[tilespmem:$0x1FF00] =	vst v63  }
0x10f: {  	_ =	swait.ge [sflag:s16], $0xE00  }
0x110: {  	[sflag:s16] =	ssyncset.done $0x0  }
0x111: {  	[sflag:s16] =	ssyncadd.s32 $0xFFFFF200  }
0x112: {  	[spmem:s3] =	stream.indirect.scatter.add.f32 [tilespmem:s29], [sflag:$0x2], $0x20, s9, s24, $0x2000b8;
	[tilespmem:$0x1FF00] =	vst v63  }
0x113: {  	_ =	swait.ge [sflag:s16], $0xE00  }
0x114: {  	[sflag:s16] =	ssyncset.done $0x0  }
0x115: {  	[sflag:s16] =	ssyncadd.s32 $0xFFFFF200  }
0x116: {  	[spmem:s3] =	stream.indirect.scatter.add.f32 [tilespmem:s31], [sflag:$0x2], $0x20, s6, s24, $0x2000b8;
	[tilespmem:$0x1FF00] =	vst v63  }
0x117: {  	_ =	swait.ge [sflag:s16], $0xE00  }
0x118: {  	[sflag:s16] =	ssyncset.done $0x0  }
0x119: {  	[sflag:s16] =	ssyncadd.s32 $0xFFFFF200  }
0x11a: {  	[spmem:s3] =	stream.indirect.scatter.add.f32 [tilespmem:s11], [sflag:$0x2], $0x20, s19, s24, $0x2000b8;
	[tilespmem:$0x1FF00] =	vst v63  }
0x11b: {  	_ =	swait.ge [sflag:s16], $0xE00  }
0x11c: {  	[sflag:s16] =	ssyncset.done $0x0  }
0x11d: {  	[sflag:s16] =	ssyncadd.s32 $0xFFFFF200  }
0x11e: {  	[spmem:s3] =	stream.indirect.scatter.add.f32 [tilespmem:s21], [sflag:$0x2], $0x20, s4, s24, $0x2000b8;
	[tilespmem:$0x1FF00] =	vst v63  }
0x11f: {  	_ =	swait.ge [sflag:s16], $0xE00  }
0x120: {  	[sflag:s16] =	ssyncset.done $0x0  }
0x121: {  	s2 =	simm.s32 $0x18CD0;
	[sflag:s16] =	ssyncadd.s32 $0xFFFFF200  }
0x122: {  	[spmem:s3] =	stream.indirect.scatter.add.f32 [tilespmem:s13], [sflag:$0x2], $0x20, s2, s24, $0x2000b8;
	[tilespmem:$0x1FF00] =	vst v63  }
0x123: {  	_ =	swait.ge [sflag:s16], $0xE00  }
0x124: {  	[sflag:s16] =	ssyncset.done $0x0  }
0x125: {  	s2 =	simm.s32 $0x18DB0;
	[sflag:s16] =	ssyncadd.s32 $0xFFFFF200  }
0x126: {  	[spmem:s3] =	stream.indirect.scatter.add.f32 [tilespmem:s15], [sflag:$0x2], $0x20, s2, s24, $0x2000b8;
	[tilespmem:$0x1FF00] =	vst v63  }
0x127: {  	_ =	swait.ge [sflag:s16], $0xE00  }
0x128: {  	[sflag:s16] =	ssyncset.done $0x0  }
0x129: {  	s2 =	simm.s32 $0x18E90;
	[sflag:s16] =	ssyncadd.s32 $0xFFFFF200  }
0x12a: {  	[spmem:s3] =	stream.indirect.scatter.add.f32 [tilespmem:s20], [sflag:$0x2], $0x20, s2, s24, $0x2000b8;
	[tilespmem:$0x1FF00] =	vst v63  }
0x12b: {  	_ =	swait.ge [sflag:s25], $0xE00  }
0x12c: {  	[sflag:s25] =	ssyncset.done $0x0  }
0x12d: {  	[sflag:s25] =	ssyncadd.s32 $0xFFFFF200  }
0x12e: {  	_ =	swait.ge [sflag:s25], $0xE00  }
0x12f: {  	[sflag:s25] =	ssyncset.done $0x0  }
0x130: {  	[sflag:s25] =	ssyncadd.s32 $0xFFFFF200  }
0x131: {  	_ =	swait.ge [sflag:s25], $0xE00  }
0x132: {  	[sflag:s25] =	ssyncset.done $0x0  }
0x133: {  	[sflag:s25] =	ssyncadd.s32 $0xFFFFF200  }
0x134: {  	_ =	swait.ge [sflag:s25], $0xE00  }
0x135: {  	[sflag:s25] =	ssyncset.done $0x0  }
0x136: {  	[sflag:s25] =	ssyncadd.s32 $0xFFFFF200  }
0x137: {  	_ =	swait.ge [sflag:s25], $0xE00  }
0x138: {  	[sflag:s25] =	ssyncset.done $0x0  }
0x139: {  	[sflag:s25] =	ssyncadd.s32 $0xFFFFF200  }
0x13a: {  	_ =	swait.ge [sflag:s25], $0xE00  }
0x13b: {  	[sflag:s25] =	ssyncset.done $0x0  }
0x13c: {  	[sflag:s25] =	ssyncadd.s32 $0xFFFFF200  }
.Ltmp0:
0x13d: {  	_ =	swait.ge [sflag:s25], $0xE00;
	(pc) =	sbr.rel @p0 .LBB2_3-.Ltmp0, $4  }
0x13e: {  	[sflag:s25] =	ssyncset.done $0x0  }
0x13f: {  	[sflag:s25] =	ssyncadd.s32 $0xFFFFF200  }
0x140: {  	_ =	swait.ge [sflag:s25], $0xE00  }
0x141: {  	s2 =	smov.u32 s28;
	s28 =	smov.u32 s23;
	[sflag:s25] =	ssyncset.done $0x0  }
0x142: {  	s0 =	sadd.s32 s0, s28;
	[sflag:s25] =	ssyncadd.s32 $0xFFFFF200  }
0x143: {  	[tilespmem:s26], [sflag:$0x3] =	stream.linear.gather [hbm4b:s0+s18], $0x700, $0x200038;
	[tilespmem:$0x1FF00] =	vst v63  }
0x144: {  	_ =	swait.ge [sflag:s30], $0x700  }
0x145: {  	[sflag:s30] =	ssyncset.done $0x0  }
0x146: {  	[sflag:s30] =	ssyncadd.s32 $0xFFFFF900  }
0x147: {  	[tilespmem:s22], [sflag:$0x1] =	stream.indirect.gather [hbm4b:s10+s24], $0x20, s26, s24, $0x2000b8;
	[tilespmem:$0x1FF00] =	vst v63  }
0x148: {  	s18 =	simm.s32 $0x188E0  }
0x149: {  	[tilespmem:s29], [sflag:$0x1] =	stream.indirect.gather [hbm4b:s10+s24], $0x20, s18, s24, $0x2000b8;
	[tilespmem:$0x1FF00] =	vst v63  }
0x14a: {  	_ = 	snop  }
0x14b: {  	[tilespmem:s31], [sflag:$0x1] =	stream.indirect.gather [hbm4b:s10+s24], $0x20, s12, s24, $0x2000b8;
	[tilespmem:$0x1FF00] =	vst v63  }
0x14c: {  	_ = 	snop  }
0x14d: {  	[tilespmem:s11], [sflag:$0x1] =	stream.indirect.gather [hbm4b:s10+s24], $0x20, s14, s24, $0x2000b8;
	[tilespmem:$0x1FF00] =	vst v63  }
0x14e: {  	_ = 	snop  }
0x14f: {  	[tilespmem:s21], [sflag:$0x1] =	stream.indirect.gather [hbm4b:s10+s24], $0x20, s17, s24, $0x2000b8;
	[tilespmem:$0x1FF00] =	vst v63  }
0x150: {  	_ = 	snop  }
0x151: {  	[tilespmem:s13], [sflag:$0x1] =	stream.indirect.gather [hbm4b:s10+s24], $0x20, s7, s24, $0x2000b8;
	[tilespmem:$0x1FF00] =	vst v63  }
0x152: {  	_ = 	snop  }
0x153: {  	[tilespmem:s15], [sflag:$0x1] =	stream.indirect.gather [hbm4b:s10+s24], $0x20, s8, s24, $0x2000b8;
	[tilespmem:$0x1FF00] =	vst v63  }
0x154: {  	_ = 	snop  }
0x155: {  	[tilespmem:s20], [sflag:$0x1] =	stream.indirect.gather [hbm4b:s10+s24], $0x20, s1, s24, $0x2000b8;
	[tilespmem:$0x1FF00] =	vst v63  }
0x156: {  	_ =	swait.ge [sflag:s16], $0xE00  }
0x157: {  	[sflag:s16] =	ssyncset.done $0x0  }
0x158: {  	[sflag:s16] =	ssyncadd.s32 $0xFFFFF200  }
0x159: {  	[spmem:s3] =	stream.indirect.scatter.add.f32 [tilespmem:s22], [sflag:$0x2], $0x20, s5, s24, $0x2000b8;
	[tilespmem:$0x1FF00] =	vst v63  }
0x15a: {  	_ =	swait.ge [sflag:s16], $0xE00  }
0x15b: {  	[sflag:s16] =	ssyncset.done $0x0  }
0x15c: {  	[sflag:s16] =	ssyncadd.s32 $0xFFFFF200  }
0x15d: {  	[spmem:s3] =	stream.indirect.scatter.add.f32 [tilespmem:s29], [sflag:$0x2], $0x20, s9, s24, $0x2000b8;
	[tilespmem:$0x1FF00] =	vst v63  }
0x15e: {  	_ =	swait.ge [sflag:s16], $0xE00  }
0x15f: {  	[sflag:s16] =	ssyncset.done $0x0  }
0x160: {  	[sflag:s16] =	ssyncadd.s32 $0xFFFFF200  }
0x161: {  	[spmem:s3] =	stream.indirect.scatter.add.f32 [tilespmem:s31], [sflag:$0x2], $0x20, s6, s24, $0x2000b8;
	[tilespmem:$0x1FF00] =	vst v63  }
0x162: {  	_ =	swait.ge [sflag:s16], $0xE00  }
0x163: {  	[sflag:s16] =	ssyncset.done $0x0  }
0x164: {  	[sflag:s16] =	ssyncadd.s32 $0xFFFFF200  }
0x165: {  	[spmem:s3] =	stream.indirect.scatter.add.f32 [tilespmem:s11], [sflag:$0x2], $0x20, s19, s24, $0x2000b8;
	[tilespmem:$0x1FF00] =	vst v63  }
0x166: {  	_ =	swait.ge [sflag:s16], $0xE00  }
0x167: {  	[sflag:s16] =	ssyncset.done $0x0  }
0x168: {  	[sflag:s16] =	ssyncadd.s32 $0xFFFFF200  }
0x169: {  	[spmem:s3] =	stream.indirect.scatter.add.f32 [tilespmem:s21], [sflag:$0x2], $0x20, s4, s24, $0x2000b8;
	[tilespmem:$0x1FF00] =	vst v63  }
0x16a: {  	_ =	swait.ge [sflag:s16], $0xE00  }
0x16b: {  	[sflag:s16] =	ssyncset.done $0x0  }
0x16c: {  	s22 =	simm.s32 $0x18CD0;
	[sflag:s16] =	ssyncadd.s32 $0xFFFFF200  }
0x16d: {  	[spmem:s3] =	stream.indirect.scatter.add.f32 [tilespmem:s13], [sflag:$0x2], $0x20, s22, s24, $0x2000b8;
	[tilespmem:$0x1FF00] =	vst v63  }
0x16e: {  	_ =	swait.ge [sflag:s16], $0xE00  }
0x16f: {  	[sflag:s16] =	ssyncset.done $0x0  }
0x170: {  	s26 =	simm.s32 $0x18DB0;
	[sflag:s16] =	ssyncadd.s32 $0xFFFFF200  }
0x171: {  	[spmem:s3] =	stream.indirect.scatter.add.f32 [tilespmem:s15], [sflag:$0x2], $0x20, s26, s24, $0x2000b8;
	[tilespmem:$0x1FF00] =	vst v63  }
0x172: {  	_ =	swait.ge [sflag:s16], $0xE00  }
0x173: {  	[sflag:s16] =	ssyncset.done $0x0  }
0x174: {  	s30 =	simm.s32 $0x18E90;
	[sflag:s16] =	ssyncadd.s32 $0xFFFFF200  }
0x175: {  	[spmem:s3] =	stream.indirect.scatter.add.f32 [tilespmem:s20], [sflag:$0x2], $0x20, s30, s24, $0x2000b8;
	[tilespmem:$0x1FF00] =	vst v63  }
0x176: {  	_ =	swait.ge [sflag:s25], $0xE00  }
0x177: {  	[sflag:s25] =	ssyncset.done $0x0  }
0x178: {  	[sflag:s25] =	ssyncadd.s32 $0xFFFFF200  }
0x179: {  	_ =	swait.ge [sflag:s25], $0xE00  }
0x17a: {  	[sflag:s25] =	ssyncset.done $0x0  }
0x17b: {  	[sflag:s25] =	ssyncadd.s32 $0xFFFFF200  }
0x17c: {  	_ =	swait.ge [sflag:s25], $0xE00  }
0x17d: {  	[sflag:s25] =	ssyncset.done $0x0  }
0x17e: {  	[sflag:s25] =	ssyncadd.s32 $0xFFFFF200  }
0x17f: {  	_ =	swait.ge [sflag:s25], $0xE00  }
0x180: {  	[sflag:s25] =	ssyncset.done $0x0  }
0x181: {  	[sflag:s25] =	ssyncadd.s32 $0xFFFFF200  }
0x182: {  	_ =	swait.ge [sflag:s25], $0xE00  }
0x183: {  	[sflag:s25] =	ssyncset.done $0x0  }
0x184: {  	[sflag:s25] =	ssyncadd.s32 $0xFFFFF200  }
0x185: {  	_ =	swait.ge [sflag:s25], $0xE00  }
0x186: {  	[sflag:s25] =	ssyncset.done $0x0  }
0x187: {  	s28 =	simm.s32 $0x0;
	s18 =	simm.s32 $0x18800;
	[sflag:s25] =	ssyncadd.s32 $0xFFFFF200  }
0x188: {  	s14 =	simm.s32 $0x18B80;
	s17 =	simm.s32 $0x18C60;
	_ =	swait.ge [sflag:s25], $0xE00  }
0x189: {  	s7 =	simm.s32 $0x18D40;
	s8 =	simm.s32 $0x18E20;
	[sflag:s25] =	ssyncset.done $0x0  }
0x18a: {  	s1 =	simm.s32 $0x18870;
	s5 =	simm.s32 $0x18950;
	[sflag:s25] =	ssyncadd.s32 $0xFFFFF200  }
0x18b: {  	s9 =	simm.s32 $0x18A30;
	s29 =	simm.s32 $0x1AB00;
	_ =	swait.ge [sflag:s25], $0xE00  }
0x18c: {  	s6 =	simm.s32 $0x18B10;
	s31 =	simm.s32 $0x1B900;
	[sflag:s25] =	ssyncset.done $0x0  }
0x18d: {  	s11 =	simm.s32 $0x1D500;
	s4 =	simm.s32 $0x0;
	[sflag:s25] =	ssyncadd.s32 $0xFFFFF200  }
0x18e: {  	s21 =	simm.s32 $0x3;
	s13 =	simm.s32 $0x1E300;
	_ =	strace $0x9000004B  }
0x18f: {  	s22 =	simm.s32 $0x1C700;
	s26 =	simm.s32 $0x19D00;
	[bflag:$0x0] =	sbarrier.arrive $0xFFFF  }
0x190: {  	s15 =	simm.s32 $0x1F100;
	s20 =	simm.s32 $0x18F00;
	_ =	strace $0x8000004C  }
.LBB2_5:
0x191: {  	s2 =	sld [smem:$0x7FC]  }
0x192: {  	s0 =	smul.u32 $0x1C0, s28;
	_ =	sdelay $0x1  }
0x193: {  	s2 =	sadd.s32 s2, s0  }
0x194: {  	s0 =	sshll.u32 s2, $0x5  }
0x195: {  	s30 =	simm.s32 $0x18F00;
	s12 =	sadd.s32 s0, s3  }
0x196: {  	[tilespmem:s30], [sflag:$0x3] =	stream.linear.gather [spmem:s12], $0x3800, $0x200038;
	[tilespmem:$0x1FF00] =	vst v63  }
0x197: {  	_ =	swait.ge [sflag:s21], $0x3800  }
0x198: {  	[sflag:s21] =	ssyncset.done $0x0  }
0x199: {  	[sflag:s21] =	ssyncadd.s32 $0xFFFFC800  }
0x19a: {  	s2 =	sshll.u32 s2, $0x2;
	s19 =	smov.u32 s12;
	s12 =	rddreg [dreg:$0x1]  }
0x19b: {  	s2 =	sadd.s32 s12, s2  }
0x19c: {  	[tilespmem:s22], [sflag:$0x3] =	stream.linear.gather [hbm4b:s2+s4], $0x3800, $0x200038;
	[tilespmem:$0x1FF00] =	vst v63  }
0x19d: {  	_ =	swait.ge [sflag:s21], $0x3800  }
0x19e: {  	[sflag:s21] =	ssyncset.done $0x0  }
0x19f: {  	[sflag:s21] =	ssyncadd.s32 $0xFFFFC800  }
0x1a0: {  	v1 =	vld [tilespmem:s30+$0xF0]  }
0x1a1: {  	v2 =	vld [tilespmem:s30+$0x38F0]  }
0x1a2: {  	v0 =	vld [tilespmem:s30+$0x3800]  }
0x1a3: {  	v3 =	vld [tilespmem:s30+$0x10]  }
0x1a4: {  	v4 =	vld [tilespmem:s30+$0x3810]  }
0x1a5: {  	v5 =	vld [tilespmem:s30+$0x20]  }
0x1a6: {  	v6 =	vld [tilespmem:s30+$0x3820]  }
0x1a7: {  	v7 =	vld [tilespmem:s30+$0x30]  }
0x1a8: {  	v8 =	vld [tilespmem:s30+$0x3830]  }
0x1a9: {  	v9 =	vld [tilespmem:s30+$0x40]  }
0x1aa: {  	v10 =	vld [tilespmem:s30+$0x3840]  }
0x1ab: {  	v11 =	vld [tilespmem:s30+$0x50]  }
0x1ac: {  	v12 =	vld [tilespmem:s30+$0x3850]  }
0x1ad: {  	v13 =	vld [tilespmem:s30+$0x60]  }
0x1ae: {  	v14 =	vld [tilespmem:s30+$0x3860]  }
0x1af: {  	v15 =	vld [tilespmem:s30+$0x70]  }
0x1b0: {  	v16 =	vld [tilespmem:s30+$0x3870]  }
0x1b1: {  	v17 =	vld [tilespmem:s30+$0x80]  }
0x1b2: {  	v61 =	vld [tilespmem:s30+$0x38B0];
	v1 =	vmul.f32 v2, v1  }
0x1b3: {  	v2 =	vld [tilespmem:s30+$0x3880];
	v3 =	vmul.f32 v4, v3  }
0x1b4: {  	v4 =	vld [tilespmem:s30+$0x90];
	[tilespmem:s30+$0xF0] =	vst v1;
	v1 =	vmul.f32 v6, v5  }
0x1b5: {  	v5 =	vld [tilespmem:s30+$0x3890];
	[tilespmem:s30+$0x10] =	vst v3;
	v3 =	vmul.f32 v8, v7  }
0x1b6: {  	v6 =	vld [tilespmem:s30+$0xA0];
	[tilespmem:s30+$0x20] =	vst v1;
	v1 =	vmul.f32 v10, v9  }
0x1b7: {  	v7 =	vld [tilespmem:s30+$0x38A0];
	[tilespmem:s30+$0x30] =	vst v3;
	v3 =	vmul.f32 v12, v11  }
0x1b8: {  	v8 =	vld [tilespmem:s30+$0xB0];
	v2 =	vmul.f32 v2, v17;
	[tilespmem:s30+$0x40] =	vst v1  }
0x1b9: {  	v62 =	vld [tilespmem:s30+$0xC0];
	v1 =	vmul.f32 v14, v13;
	[tilespmem:s30+$0x50] =	vst v3  }
0x1ba: {  	v63 =	vld [tilespmem:s30+$0x38C0];
	v3 =	vmul.f32 v16, v15;
	[tilespmem:s30+$0x80] =	vst v2  }
0x1bb: {  	v4 =	vmul.f32 v5, v4;
	[tilespmem:s30+$0x60] =	vst v1;
	v1 =	vld [tilespmem:s30+$0xD0]  }
0x1bc: {  	v5 =	vmul.f32 v7, v6;
	[tilespmem:s30+$0x70] =	vst v3;
	v3 =	vld [tilespmem:s30+$0x38D0]  }
0x1bd: {  	v6 =	vmul.f32 v61, v8;
	v2 =	vld [tilespmem:s30+$0xE0];
	[tilespmem:s30+$0x90] =	vst v4  }
0x1be: {  	[tilespmem:s30+$0xA0] =	vst v5;
	v5 =	vld [tilespmem:s30+$0x38E0]  }
0x1bf: {  	s12 =	simm.s32 $0x19000;
	s2 =	simm.s32 $0x0;
	v4 =	vld [tilespmem:s30+$0x0];
	[tilespmem:s30+$0xB0] =	vst v6;
	v6 =	vmul.f32 v63, v62  }
.LBB2_6:
0x1c0: {  	v7 =	vld [tilespmem:s12+$0xF0]  }
0x1c1: {  	s2 =	sadd.s32 $0x8, s2;
	v8 =	vld [tilespmem:s12+$0x38F0];
	[tilespmem:s30+$0xC0] =	vst v6;
	v1 =	vmul.f32 v3, v1  }
0x1c2: {  	p0 =	slt.u32 s2, $0x1B8;
	v3 =	vld [tilespmem:s12+$0x3800]  }
0x1c3: {  	v6 =	vld [tilespmem:s12+$0x10];
	[tilespmem:s30+$0xD0] =	vst v1;
	v1 =	vmul.f32 v5, v2  }
0x1c4: {  	v2 =	vld [tilespmem:s12+$0x3810];
	v9 =	vmul.f32 v0, v4  }
0x1c5: {  	v4 =	vld [tilespmem:s12+$0x20];
	[tilespmem:s30+$0xE0] =	vst v1  }
0x1c6: {  	v1 =	vld [tilespmem:s12+$0x3820];
	v5 =	vmul.f32 v8, v7;
	[tilespmem:s30+$0x0] =	vst v9;
	s30 =	smov.u32 s12  }
0x1c7: {  	v7 =	vld [tilespmem:s12+$0x30];
	v0 =	vmov v3  }
0x1c8: {  	v3 =	vld [tilespmem:s12+$0x3830];
	[tilespmem:s12+$0xF0] =	vst v5  }
0x1c9: {  	v2 =	vmul.f32 v2, v6;
	v5 =	vld [tilespmem:s12+$0x40]  }
0x1ca: {  	v6 =	vld [tilespmem:s12+$0x3840]  }
0x1cb: {  	[tilespmem:s12+$0x10] =	vst v2;
	v1 =	vmul.f32 v1, v4;
	v2 =	vld [tilespmem:s12+$0x50]  }
0x1cc: {  	v4 =	vld [tilespmem:s12+$0x3850]  }
0x1cd: {  	[tilespmem:s12+$0x20] =	vst v1;
	v1 =	vmul.f32 v3, v7;
	v3 =	vld [tilespmem:s12+$0x60]  }
0x1ce: {  	v7 =	vld [tilespmem:s12+$0x3860]  }
0x1cf: {  	[tilespmem:s12+$0x30] =	vst v1;
	v1 =	vmul.f32 v6, v5;
	v5 =	vld [tilespmem:s12+$0x70]  }
0x1d0: {  	v6 =	vld [tilespmem:s12+$0x3870]  }
0x1d1: {  	[tilespmem:s12+$0x40] =	vst v1;
	v1 =	vmul.f32 v4, v2;
	v2 =	vld [tilespmem:s12+$0x80]  }
0x1d2: {  	v4 =	vld [tilespmem:s12+$0x3880]  }
0x1d3: {  	[tilespmem:s12+$0x50] =	vst v1;
	v1 =	vmul.f32 v7, v3;
	v3 =	vld [tilespmem:s12+$0x90]  }
0x1d4: {  	v7 =	vld [tilespmem:s12+$0x3890]  }
0x1d5: {  	[tilespmem:s12+$0x60] =	vst v1;
	v1 =	vmul.f32 v6, v5;
	v5 =	vld [tilespmem:s12+$0xA0]  }
0x1d6: {  	v6 =	vld [tilespmem:s12+$0x38A0]  }
0x1d7: {  	[tilespmem:s12+$0x70] =	vst v1;
	v1 =	vmul.f32 v4, v2;
	v2 =	vld [tilespmem:s12+$0xB0]  }
0x1d8: {  	v4 =	vld [tilespmem:s12+$0x38B0]  }
0x1d9: {  	[tilespmem:s12+$0x80] =	vst v1;
	v1 =	vmul.f32 v7, v3;
	v7 =	vld [tilespmem:s12+$0xC0]  }
0x1da: {  	v8 =	vld [tilespmem:s12+$0x38C0]  }
.Ltmp1:
0x1db: {  	[tilespmem:s12+$0x90] =	vst v1;
	v5 =	vmul.f32 v6, v5;
	v1 =	vld [tilespmem:s12+$0xD0];
	(pc) =	sbr.rel @p0 .LBB2_6-.Ltmp1, $4  }
0x1dc: {  	v3 =	vld [tilespmem:s12+$0x38D0]  }
0x1dd: {  	[tilespmem:s12+$0xA0] =	vst v5;
	v6 =	vmul.f32 v4, v2;
	v2 =	vld [tilespmem:s12+$0xE0]  }
0x1de: {  	v5 =	vld [tilespmem:s12+$0x38E0]  }
0x1df: {  	s12 =	sadd.s32 $0x100, s12;
	v4 =	vld [tilespmem:s30+$0x0];
	[tilespmem:s30+$0xB0] =	vst v6;
	v6 =	vmul.f32 v8, v7  }
0x1e0: {  	_ =	sdelay $0x1  }
0x1e1: {  	v1 =	vmul.f32 v3, v1  }
0x1e2: {  	[tilespmem:s30+$0xC0] =	vst v6;
	v2 =	vmul.f32 v5, v2  }
0x1e3: {  	[tilespmem:s30+$0xD0] =	vst v1;
	v0 =	vmul.f32 v0, v4  }
0x1e4: {  	s2 =	rddreg [dreg:$0x5];
	[tilespmem:s30+$0xE0] =	vst v2  }
0x1e5: {  	s0 =	sadd.s32 s2, s0;
	[tilespmem:s30+$0x0] =	vst v0  }
0x1e6: {  	s0 =	sshrl.u32 s0, $0x3;
	s12 =	rddreg [dreg:$0x8]  }
0x1e7: {  	s2 =	sadd.s32 s12, s0  }
0x1e8: {  	[hbm4b:s2+s4] =	stream.linear.scatter [tilespmem:s20], [sflag:$0x3], $0x3800, $0x200038;
	[tilespmem:$0x1FF00] =	vst v63  }
0x1e9: {  	_ =	swait.ge [sflag:s21], $0x3800  }
0x1ea: {  	[sflag:s21] =	ssyncset.done $0x0;
	s30 =	rddreg [dreg:$0x4]  }
0x1eb: {  	[sflag:s21] =	ssyncadd.s32 $0xFFFFC800;
	s0 =	sadd.s32 s30, s0  }
0x1ec: {  	[tilespmem:s22], [sflag:$0x3] =	stream.linear.gather [hbm4b:s0+s4], $0x3800, $0x200038;
	[tilespmem:$0x1FF00] =	vst v63  }
0x1ed: {  	s28 =	sadd.s32 $0x1, s28;
	_ =	swait.ge [sflag:s21], $0x3800  }
0x1ee: {  	p0 =	sne.s32 s28, $0x7;
	[sflag:s21] =	ssyncset.done $0x0  }
.Ltmp2:
0x1ef: {  	[sflag:s21] =	ssyncadd.s32 $0xFFFFC800;
	(pc) =	sbr.rel @p0 .LBB2_5-.Ltmp2, $4  }
0x1f0: {  	[spmem:s19] =	stream.linear.scatter [tilespmem:s22], [sflag:$0x3], $0x3800, $0x200038;
	[tilespmem:$0x1FF00] =	vst v63  }
0x1f1: {  	_ =	swait.ge [sflag:s21], $0x3800  }
0x1f2: {  	[sflag:s21] =	ssyncset.done $0x0  }
0x1f3: {  	[sflag:s21] =	ssyncadd.s32 $0xFFFFC800  }
0x1f4: {  	s0 =	sld [smem:$0x7F5];
	_ =	sdelay $0x2  }
0x1f5: {  	s0 =	sadd.s32 $0x1, s0  }
0x1f6: {  	p0 =	sne.s32 s0, $0x9  }
.Ltmp3:
0x1f7: {  	_ = 	snop;
	(pc) =	sbr.rel @p0 .LBB2_2-.Ltmp3, $4  }
0x1f8: {  	_ = 	snop  }
0x1f9: {  	_ =	strace $0x9000004C  }
0x1fa: {  	s2 =	simm.s32 $0x189C0;
	s12 =	simm.s32 $0x18AA0;
	[bflag:$0x0] =	sbarrier.arrive $0xFFFF  }
0x1fb: {  	s28 =	smov.u32 s23;
	s30 =	simm.s32 $0x18CD0;
	s19 =	simm.s32 $0x18BF0  }
0x1fc: {  	_ =	strace $0x8000004D;
	s0 =	sadd.s32 $0x0, s28  }
0x1fd: {  	[tilespmem:s18], [sflag:$0x3] =	stream.linear.gather [hbm4b:s0+s4], $0x700, $0x200038;
	[tilespmem:$0x1FF00] =	vst v63  }
0x1fe: {  	_ =	swait.ge [sflag:s21], $0x700  }
0x1ff: {  	[sflag:s21] =	ssyncset.done $0x0  }
0x200: {  	[sflag:s21] =	ssyncadd.s32 $0xFFFFF900  }
0x201: {  	[tilespmem:s20], [sflag:$0x1] =	stream.indirect.gather [hbm4b:s10+s24], $0x20, s18, s24, $0x2000b8;
	[tilespmem:$0x1FF00] =	vst v63  }
0x202: {  	s21 =	simm.s32 $0x188E0  }
0x203: {  	[tilespmem:s26], [sflag:$0x1] =	stream.indirect.gather [hbm4b:s10+s24], $0x20, s21, s24, $0x2000b8;
	[tilespmem:$0x1FF00] =	vst v63  }
0x204: {  	_ = 	snop  }
0x205: {  	[tilespmem:s29], [sflag:$0x1] =	stream.indirect.gather [hbm4b:s10+s24], $0x20, s2, s24, $0x2000b8;
	[tilespmem:$0x1FF00] =	vst v63  }
0x206: {  	_ = 	snop  }
0x207: {  	[tilespmem:s31], [sflag:$0x1] =	stream.indirect.gather [hbm4b:s10+s24], $0x20, s12, s24, $0x2000b8;
	[tilespmem:$0x1FF00] =	vst v63  }
0x208: {  	_ = 	snop  }
0x209: {  	[tilespmem:s22], [sflag:$0x1] =	stream.indirect.gather [hbm4b:s10+s24], $0x20, s14, s24, $0x2000b8;
	[tilespmem:$0x1FF00] =	vst v63  }
0x20a: {  	_ = 	snop  }
0x20b: {  	[tilespmem:s11], [sflag:$0x1] =	stream.indirect.gather [hbm4b:s10+s24], $0x20, s17, s24, $0x2000b8;
	[tilespmem:$0x1FF00] =	vst v63  }
0x20c: {  	_ = 	snop  }
0x20d: {  	[tilespmem:s13], [sflag:$0x1] =	stream.indirect.gather [hbm4b:s10+s24], $0x20, s7, s24, $0x2000b8;
	[tilespmem:$0x1FF00] =	vst v63  }
0x20e: {  	_ = 	snop  }
0x20f: {  	[tilespmem:s15], [sflag:$0x1] =	stream.indirect.gather [hbm4b:s10+s24], $0x20, s8, s24, $0x2000b8;
	[tilespmem:$0x1FF00] =	vst v63  }
0x210: {  	_ =	swait.ge [sflag:s16], $0xE00  }
0x211: {  	[sflag:s16] =	ssyncset.done $0x0  }
0x212: {  	[sflag:s16] =	ssyncadd.s32 $0xFFFFF200  }
0x213: {  	[spmem:s3] =	stream.indirect.scatter.add.f32 [tilespmem:s20], [sflag:$0x2], $0x20, s1, s24, $0x2000b8;
	[tilespmem:$0x1FF00] =	vst v63  }
0x214: {  	_ =	swait.ge [sflag:s16], $0xE00  }
0x215: {  	[sflag:s16] =	ssyncset.done $0x0  }
0x216: {  	[sflag:s16] =	ssyncadd.s32 $0xFFFFF200  }
0x217: {  	[spmem:s3] =	stream.indirect.scatter.add.f32 [tilespmem:s26], [sflag:$0x2], $0x20, s5, s24, $0x2000b8;
	[tilespmem:$0x1FF00] =	vst v63  }
0x218: {  	_ =	swait.ge [sflag:s16], $0xE00  }
0x219: {  	[sflag:s16] =	ssyncset.done $0x0  }
0x21a: {  	[sflag:s16] =	ssyncadd.s32 $0xFFFFF200  }
0x21b: {  	[spmem:s3] =	stream.indirect.scatter.add.f32 [tilespmem:s29], [sflag:$0x2], $0x20, s9, s24, $0x2000b8;
	[tilespmem:$0x1FF00] =	vst v63  }
0x21c: {  	_ =	swait.ge [sflag:s16], $0xE00  }
0x21d: {  	[sflag:s16] =	ssyncset.done $0x0  }
0x21e: {  	[sflag:s16] =	ssyncadd.s32 $0xFFFFF200  }
0x21f: {  	[spmem:s3] =	stream.indirect.scatter.add.f32 [tilespmem:s31], [sflag:$0x2], $0x20, s6, s24, $0x2000b8;
	[tilespmem:$0x1FF00] =	vst v63  }
0x220: {  	_ =	swait.ge [sflag:s16], $0xE00  }
0x221: {  	[sflag:s16] =	ssyncset.done $0x0  }
0x222: {  	[sflag:s16] =	ssyncadd.s32 $0xFFFFF200  }
0x223: {  	[spmem:s3] =	stream.indirect.scatter.add.f32 [tilespmem:s22], [sflag:$0x2], $0x20, s19, s24, $0x2000b8;
	[tilespmem:$0x1FF00] =	vst v63  }
0x224: {  	_ =	swait.ge [sflag:s16], $0xE00  }
0x225: {  	[sflag:s16] =	ssyncset.done $0x0  }
0x226: {  	[sflag:s16] =	ssyncadd.s32 $0xFFFFF200  }
0x227: {  	[spmem:s3] =	stream.indirect.scatter.add.f32 [tilespmem:s11], [sflag:$0x2], $0x20, s30, s24, $0x2000b8;
	[tilespmem:$0x1FF00] =	vst v63  }
0x228: {  	_ =	swait.ge [sflag:s16], $0xE00  }
0x229: {  	[sflag:s16] =	ssyncset.done $0x0  }
0x22a: {  	s22 =	simm.s32 $0x18DB0;
	[sflag:s16] =	ssyncadd.s32 $0xFFFFF200  }
0x22b: {  	[spmem:s3] =	stream.indirect.scatter.add.f32 [tilespmem:s13], [sflag:$0x2], $0x20, s22, s24, $0x2000b8;
	[tilespmem:$0x1FF00] =	vst v63  }
0x22c: {  	_ =	swait.ge [sflag:s16], $0xE00  }
0x22d: {  	[sflag:s16] =	ssyncset.done $0x0  }
0x22e: {  	s26 =	simm.s32 $0x18E90;
	[sflag:s16] =	ssyncadd.s32 $0xFFFFF200  }
0x22f: {  	[spmem:s3] =	stream.indirect.scatter.add.f32 [tilespmem:s15], [sflag:$0x2], $0x20, s26, s24, $0x2000b8;
	[tilespmem:$0x1FF00] =	vst v63  }
0x230: {  	_ =	swait.ge [sflag:s25], $0xE00  }
0x231: {  	[sflag:s25] =	ssyncset.done $0x0  }
0x232: {  	[sflag:s25] =	ssyncadd.s32 $0xFFFFF200  }
0x233: {  	_ =	swait.ge [sflag:s25], $0xE00  }
0x234: {  	[sflag:s25] =	ssyncset.done $0x0  }
0x235: {  	[sflag:s25] =	ssyncadd.s32 $0xFFFFF200  }
0x236: {  	_ =	swait.ge [sflag:s25], $0xE00  }
0x237: {  	[sflag:s25] =	ssyncset.done $0x0  }
0x238: {  	[sflag:s25] =	ssyncadd.s32 $0xFFFFF200  }
0x239: {  	_ =	swait.ge [sflag:s25], $0xE00  }
0x23a: {  	[sflag:s25] =	ssyncset.done $0x0  }
0x23b: {  	s0 =	simm.s32 $0xE0;
	[sflag:s25] =	ssyncadd.s32 $0xFFFFF200  }
0x23c: {  	s4 =	simm.s32 $0x18BF0;
	s18 =	simm.s32 $0x0;
	_ =	swait.ge [sflag:s25], $0xE00  }
0x23d: {  	s21 =	simm.s32 $0x1C700;
	s2 =	simm.s32 $0x1C0;
	[sflag:s25] =	ssyncset.done $0x0  }
0x23e: {  	s14 =	simm.s32 $0x18AA0;
	s17 =	simm.s32 $0x18B80;
	[sflag:s25] =	ssyncadd.s32 $0xFFFFF200  }
0x23f: {  	s7 =	simm.s32 $0x18C60;
	s8 =	simm.s32 $0x18D40;
	_ =	swait.ge [sflag:s25], $0xE00  }
0x240: {  	s20 =	simm.s32 $0x1F100;
	s1 =	simm.s32 $0x18E20;
	[sflag:s25] =	ssyncset.done $0x0  }
0x241: {  	s5 =	simm.s32 $0x18870;
	s29 =	simm.s32 $0x19D00;
	[sflag:s25] =	ssyncadd.s32 $0xFFFFF200  }
0x242: {  	s9 =	simm.s32 $0x18950;
	s31 =	simm.s32 $0x1AB00;
	_ =	swait.ge [sflag:s25], $0xE00  }
0x243: {  	s6 =	simm.s32 $0x18A30;
	s19 =	simm.s32 $0x18B10;
	[sflag:s25] =	ssyncset.done $0x0  }
0x244: {  	s30 =	simm.s32 $0x3;
	s11 =	simm.s32 $0x1B900;
	[sflag:s25] =	ssyncadd.s32 $0xFFFFF200  }
0x245: {  	s22 =	simm.s32 $0x18F00;
	s13 =	simm.s32 $0x1D500;
	_ =	swait.ge [sflag:s25], $0xE00  }
0x246: {  	s15 =	simm.s32 $0x1E300;
	s26 =	simm.s32 $0x18800;
	[sflag:s25] =	ssyncset.done $0x0  }
.LBB2_10:
0x247: {  	s12 =	sadd.s32 s0, s28  }
0x248: {  	[sflag:s25] =	ssyncadd.s32 $0xFFFFF200;
	s0 =	smov.u32 s2;
	s28 =	sadd.s32 $0xE0, s2  }
0x249: {  	[tilespmem:s26], [sflag:$0x3] =	stream.linear.gather [hbm4b:s12+s18], $0x700, $0x200038;
	[tilespmem:$0x1FF00] =	vst v63  }
0x24a: {  	s12 =	simm.s32 $0x189C0  }
0x24b: {  	p0 =	sne.s32 s2, $0x3020;
	_ =	swait.ge [sflag:s30], $0x700  }
0x24c: {  	[sflag:s30] =	ssyncset.done $0x0  }
0x24d: {  	[sflag:s30] =	ssyncadd.s32 $0xFFFFF900  }
0x24e: {  	[tilespmem:s22], [sflag:$0x1] =	stream.indirect.gather [hbm4b:s10+s24], $0x20, s26, s24, $0x2000b8;
	[tilespmem:$0x1FF00] =	vst v63  }
0x24f: {  	s2 =	simm.s32 $0x188E0  }
0x250: {  	[tilespmem:s29], [sflag:$0x1] =	stream.indirect.gather [hbm4b:s10+s24], $0x20, s2, s24, $0x2000b8;
	[tilespmem:$0x1FF00] =	vst v63  }
0x251: {  	_ = 	snop  }
0x252: {  	[tilespmem:s31], [sflag:$0x1] =	stream.indirect.gather [hbm4b:s10+s24], $0x20, s12, s24, $0x2000b8;
	[tilespmem:$0x1FF00] =	vst v63  }
0x253: {  	_ = 	snop  }
0x254: {  	[tilespmem:s11], [sflag:$0x1] =	stream.indirect.gather [hbm4b:s10+s24], $0x20, s14, s24, $0x2000b8;
	[tilespmem:$0x1FF00] =	vst v63  }
0x255: {  	_ = 	snop  }
0x256: {  	[tilespmem:s21], [sflag:$0x1] =	stream.indirect.gather [hbm4b:s10+s24], $0x20, s17, s24, $0x2000b8;
	[tilespmem:$0x1FF00] =	vst v63  }
0x257: {  	_ = 	snop  }
0x258: {  	[tilespmem:s13], [sflag:$0x1] =	stream.indirect.gather [hbm4b:s10+s24], $0x20, s7, s24, $0x2000b8;
	[tilespmem:$0x1FF00] =	vst v63  }
0x259: {  	_ = 	snop  }
0x25a: {  	[tilespmem:s15], [sflag:$0x1] =	stream.indirect.gather [hbm4b:s10+s24], $0x20, s8, s24, $0x2000b8;
	[tilespmem:$0x1FF00] =	vst v63  }
0x25b: {  	_ = 	snop  }
0x25c: {  	[tilespmem:s20], [sflag:$0x1] =	stream.indirect.gather [hbm4b:s10+s24], $0x20, s1, s24, $0x2000b8;
	[tilespmem:$0x1FF00] =	vst v63  }
0x25d: {  	_ =	swait.ge [sflag:s16], $0xE00  }
0x25e: {  	[sflag:s16] =	ssyncset.done $0x0  }
0x25f: {  	[sflag:s16] =	ssyncadd.s32 $0xFFFFF200  }
0x260: {  	[spmem:s3] =	stream.indirect.scatter.add.f32 [tilespmem:s22], [sflag:$0x2], $0x20, s5, s24, $0x2000b8;
	[tilespmem:$0x1FF00] =	vst v63  }
0x261: {  	_ =	swait.ge [sflag:s16], $0xE00  }
0x262: {  	[sflag:s16] =	ssyncset.done $0x0  }
0x263: {  	[sflag:s16] =	ssyncadd.s32 $0xFFFFF200  }
0x264: {  	[spmem:s3] =	stream.indirect.scatter.add.f32 [tilespmem:s29], [sflag:$0x2], $0x20, s9, s24, $0x2000b8;
	[tilespmem:$0x1FF00] =	vst v63  }
0x265: {  	_ =	swait.ge [sflag:s16], $0xE00  }
0x266: {  	[sflag:s16] =	ssyncset.done $0x0  }
0x267: {  	[sflag:s16] =	ssyncadd.s32 $0xFFFFF200  }
0x268: {  	[spmem:s3] =	stream.indirect.scatter.add.f32 [tilespmem:s31], [sflag:$0x2], $0x20, s6, s24, $0x2000b8;
	[tilespmem:$0x1FF00] =	vst v63  }
0x269: {  	_ =	swait.ge [sflag:s16], $0xE00  }
0x26a: {  	[sflag:s16] =	ssyncset.done $0x0  }
0x26b: {  	[sflag:s16] =	ssyncadd.s32 $0xFFFFF200  }
0x26c: {  	[spmem:s3] =	stream.indirect.scatter.add.f32 [tilespmem:s11], [sflag:$0x2], $0x20, s19, s24, $0x2000b8;
	[tilespmem:$0x1FF00] =	vst v63  }
0x26d: {  	_ =	swait.ge [sflag:s16], $0xE00  }
0x26e: {  	[sflag:s16] =	ssyncset.done $0x0  }
0x26f: {  	[sflag:s16] =	ssyncadd.s32 $0xFFFFF200  }
0x270: {  	[spmem:s3] =	stream.indirect.scatter.add.f32 [tilespmem:s21], [sflag:$0x2], $0x20, s4, s24, $0x2000b8;
	[tilespmem:$0x1FF00] =	vst v63  }
0x271: {  	_ =	swait.ge [sflag:s16], $0xE00  }
0x272: {  	[sflag:s16] =	ssyncset.done $0x0  }
0x273: {  	s2 =	simm.s32 $0x18CD0;
	[sflag:s16] =	ssyncadd.s32 $0xFFFFF200  }
0x274: {  	[spmem:s3] =	stream.indirect.scatter.add.f32 [tilespmem:s13], [sflag:$0x2], $0x20, s2, s24, $0x2000b8;
	[tilespmem:$0x1FF00] =	vst v63  }
0x275: {  	_ =	swait.ge [sflag:s16], $0xE00  }
0x276: {  	[sflag:s16] =	ssyncset.done $0x0  }
0x277: {  	s2 =	simm.s32 $0x18DB0;
	[sflag:s16] =	ssyncadd.s32 $0xFFFFF200  }
0x278: {  	[spmem:s3] =	stream.indirect.scatter.add.f32 [tilespmem:s15], [sflag:$0x2], $0x20, s2, s24, $0x2000b8;
	[tilespmem:$0x1FF00] =	vst v63  }
0x279: {  	_ =	swait.ge [sflag:s16], $0xE00  }
0x27a: {  	[sflag:s16] =	ssyncset.done $0x0  }
0x27b: {  	s2 =	simm.s32 $0x18E90;
	[sflag:s16] =	ssyncadd.s32 $0xFFFFF200  }
0x27c: {  	[spmem:s3] =	stream.indirect.scatter.add.f32 [tilespmem:s20], [sflag:$0x2], $0x20, s2, s24, $0x2000b8;
	[tilespmem:$0x1FF00] =	vst v63  }
0x27d: {  	_ =	swait.ge [sflag:s25], $0xE00  }
0x27e: {  	[sflag:s25] =	ssyncset.done $0x0  }
0x27f: {  	[sflag:s25] =	ssyncadd.s32 $0xFFFFF200  }
0x280: {  	_ =	swait.ge [sflag:s25], $0xE00  }
0x281: {  	[sflag:s25] =	ssyncset.done $0x0  }
0x282: {  	[sflag:s25] =	ssyncadd.s32 $0xFFFFF200  }
0x283: {  	_ =	swait.ge [sflag:s25], $0xE00  }
0x284: {  	[sflag:s25] =	ssyncset.done $0x0  }
0x285: {  	[sflag:s25] =	ssyncadd.s32 $0xFFFFF200  }
0x286: {  	_ =	swait.ge [sflag:s25], $0xE00  }
0x287: {  	[sflag:s25] =	ssyncset.done $0x0  }
0x288: {  	[sflag:s25] =	ssyncadd.s32 $0xFFFFF200  }
0x289: {  	_ =	swait.ge [sflag:s25], $0xE00  }
0x28a: {  	[sflag:s25] =	ssyncset.done $0x0  }
0x28b: {  	[sflag:s25] =	ssyncadd.s32 $0xFFFFF200  }
0x28c: {  	_ =	swait.ge [sflag:s25], $0xE00  }
0x28d: {  	[sflag:s25] =	ssyncset.done $0x0  }
0x28e: {  	[sflag:s25] =	ssyncadd.s32 $0xFFFFF200  }
.Ltmp4:
0x28f: {  	_ =	swait.ge [sflag:s25], $0xE00;
	(pc) =	sbr.rel @p0 .LBB2_10-.Ltmp4, $4  }
0x290: {  	[sflag:s25] =	ssyncset.done $0x0  }
0x291: {  	[sflag:s25] =	ssyncadd.s32 $0xFFFFF200  }
0x292: {  	_ =	swait.ge [sflag:s25], $0xE00  }
0x293: {  	s2 =	smov.u32 s28;
	s28 =	smov.u32 s23;
	[sflag:s25] =	ssyncset.done $0x0  }
0x294: {  	s0 =	sadd.s32 s0, s28;
	[sflag:s25] =	ssyncadd.s32 $0xFFFFF200  }
0x295: {  	[tilespmem:s26], [sflag:$0x3] =	stream.linear.gather [hbm4b:s0+s18], $0x700, $0x200038;
	[tilespmem:$0x1FF00] =	vst v63  }
0x296: {  	_ =	swait.ge [sflag:s30], $0x700  }
0x297: {  	[sflag:s30] =	ssyncset.done $0x0  }
0x298: {  	[sflag:s30] =	ssyncadd.s32 $0xFFFFF900  }
0x299: {  	[tilespmem:s22], [sflag:$0x1] =	stream.indirect.gather [hbm4b:s10+s24], $0x20, s26, s24, $0x2000b8;
	[tilespmem:$0x1FF00] =	vst v63  }
0x29a: {  	s18 =	simm.s32 $0x188E0  }
0x29b: {  	[tilespmem:s29], [sflag:$0x1] =	stream.indirect.gather [hbm4b:s10+s24], $0x20, s18, s24, $0x2000b8;
	[tilespmem:$0x1FF00] =	vst v63  }
0x29c: {  	_ = 	snop  }
0x29d: {  	[tilespmem:s31], [sflag:$0x1] =	stream.indirect.gather [hbm4b:s10+s24], $0x20, s12, s24, $0x2000b8;
	[tilespmem:$0x1FF00] =	vst v63  }
0x29e: {  	_ = 	snop  }
0x29f: {  	[tilespmem:s11], [sflag:$0x1] =	stream.indirect.gather [hbm4b:s10+s24], $0x20, s14, s24, $0x2000b8;
	[tilespmem:$0x1FF00] =	vst v63  }
0x2a0: {  	_ = 	snop  }
0x2a1: {  	[tilespmem:s21], [sflag:$0x1] =	stream.indirect.gather [hbm4b:s10+s24], $0x20, s17, s24, $0x2000b8;
	[tilespmem:$0x1FF00] =	vst v63  }
0x2a2: {  	_ = 	snop  }
0x2a3: {  	[tilespmem:s13], [sflag:$0x1] =	stream.indirect.gather [hbm4b:s10+s24], $0x20, s7, s24, $0x2000b8;
	[tilespmem:$0x1FF00] =	vst v63  }
0x2a4: {  	_ = 	snop  }
0x2a5: {  	[tilespmem:s15], [sflag:$0x1] =	stream.indirect.gather [hbm4b:s10+s24], $0x20, s8, s24, $0x2000b8;
	[tilespmem:$0x1FF00] =	vst v63  }
0x2a6: {  	_ = 	snop  }
0x2a7: {  	[tilespmem:s20], [sflag:$0x1] =	stream.indirect.gather [hbm4b:s10+s24], $0x20, s1, s24, $0x2000b8;
	[tilespmem:$0x1FF00] =	vst v63  }
0x2a8: {  	_ =	swait.ge [sflag:s16], $0xE00  }
0x2a9: {  	[sflag:s16] =	ssyncset.done $0x0  }
0x2aa: {  	[sflag:s16] =	ssyncadd.s32 $0xFFFFF200  }
0x2ab: {  	[spmem:s3] =	stream.indirect.scatter.add.f32 [tilespmem:s22], [sflag:$0x2], $0x20, s5, s24, $0x2000b8;
	[tilespmem:$0x1FF00] =	vst v63  }
0x2ac: {  	_ =	swait.ge [sflag:s16], $0xE00  }
0x2ad: {  	[sflag:s16] =	ssyncset.done $0x0  }
0x2ae: {  	[sflag:s16] =	ssyncadd.s32 $0xFFFFF200  }
0x2af: {  	[spmem:s3] =	stream.indirect.scatter.add.f32 [tilespmem:s29], [sflag:$0x2], $0x20, s9, s24, $0x2000b8;
	[tilespmem:$0x1FF00] =	vst v63  }
0x2b0: {  	_ =	swait.ge [sflag:s16], $0xE00  }
0x2b1: {  	[sflag:s16] =	ssyncset.done $0x0  }
0x2b2: {  	[sflag:s16] =	ssyncadd.s32 $0xFFFFF200  }
0x2b3: {  	[spmem:s3] =	stream.indirect.scatter.add.f32 [tilespmem:s31], [sflag:$0x2], $0x20, s6, s24, $0x2000b8;
	[tilespmem:$0x1FF00] =	vst v63  }
0x2b4: {  	_ =	swait.ge [sflag:s16], $0xE00  }
0x2b5: {  	[sflag:s16] =	ssyncset.done $0x0  }
0x2b6: {  	[sflag:s16] =	ssyncadd.s32 $0xFFFFF200  }
0x2b7: {  	[spmem:s3] =	stream.indirect.scatter.add.f32 [tilespmem:s11], [sflag:$0x2], $0x20, s19, s24, $0x2000b8;
	[tilespmem:$0x1FF00] =	vst v63  }
0x2b8: {  	_ =	swait.ge [sflag:s16], $0xE00  }
0x2b9: {  	[sflag:s16] =	ssyncset.done $0x0  }
0x2ba: {  	[sflag:s16] =	ssyncadd.s32 $0xFFFFF200  }
0x2bb: {  	[spmem:s3] =	stream.indirect.scatter.add.f32 [tilespmem:s21], [sflag:$0x2], $0x20, s4, s24, $0x2000b8;
	[tilespmem:$0x1FF00] =	vst v63  }
0x2bc: {  	_ =	swait.ge [sflag:s16], $0xE00  }
0x2bd: {  	[sflag:s16] =	ssyncset.done $0x0  }
0x2be: {  	s22 =	simm.s32 $0x18CD0;
	[sflag:s16] =	ssyncadd.s32 $0xFFFFF200  }
0x2bf: {  	[spmem:s3] =	stream.indirect.scatter.add.f32 [tilespmem:s13], [sflag:$0x2], $0x20, s22, s24, $0x2000b8;
	[tilespmem:$0x1FF00] =	vst v63  }
0x2c0: {  	_ =	swait.ge [sflag:s16], $0xE00  }
0x2c1: {  	[sflag:s16] =	ssyncset.done $0x0  }
0x2c2: {  	s26 =	simm.s32 $0x18DB0;
	[sflag:s16] =	ssyncadd.s32 $0xFFFFF200  }
0x2c3: {  	[spmem:s3] =	stream.indirect.scatter.add.f32 [tilespmem:s15], [sflag:$0x2], $0x20, s26, s24, $0x2000b8;
	[tilespmem:$0x1FF00] =	vst v63  }
0x2c4: {  	_ =	swait.ge [sflag:s16], $0xE00  }
0x2c5: {  	[sflag:s16] =	ssyncset.done $0x0  }
0x2c6: {  	s30 =	simm.s32 $0x18E90;
	[sflag:s16] =	ssyncadd.s32 $0xFFFFF200  }
0x2c7: {  	[spmem:s3] =	stream.indirect.scatter.add.f32 [tilespmem:s20], [sflag:$0x2], $0x20, s30, s24, $0x2000b8;
	[tilespmem:$0x1FF00] =	vst v63  }
0x2c8: {  	_ =	swait.ge [sflag:s25], $0xE00  }
0x2c9: {  	[sflag:s25] =	ssyncset.done $0x0  }
0x2ca: {  	[sflag:s25] =	ssyncadd.s32 $0xFFFFF200  }
0x2cb: {  	_ =	swait.ge [sflag:s25], $0xE00  }
0x2cc: {  	[sflag:s25] =	ssyncset.done $0x0  }
0x2cd: {  	[sflag:s25] =	ssyncadd.s32 $0xFFFFF200  }
0x2ce: {  	_ =	swait.ge [sflag:s25], $0xE00  }
0x2cf: {  	[sflag:s25] =	ssyncset.done $0x0  }
0x2d0: {  	[sflag:s25] =	ssyncadd.s32 $0xFFFFF200  }
0x2d1: {  	_ =	swait.ge [sflag:s25], $0xE00  }
0x2d2: {  	[sflag:s25] =	ssyncset.done $0x0  }
0x2d3: {  	[sflag:s25] =	ssyncadd.s32 $0xFFFFF200  }
0x2d4: {  	_ =	swait.ge [sflag:s25], $0xE00  }
0x2d5: {  	[sflag:s25] =	ssyncset.done $0x0  }
0x2d6: {  	[sflag:s25] =	ssyncadd.s32 $0xFFFFF200  }
0x2d7: {  	_ =	swait.ge [sflag:s25], $0xE00  }
0x2d8: {  	s28 =	simm.s32 $0x0;
	[sflag:s25] =	ssyncset.done $0x0  }
0x2d9: {  	s18 =	simm.s32 $0x18800;
	s14 =	simm.s32 $0x18B80;
	[sflag:s25] =	ssyncadd.s32 $0xFFFFF200  }
0x2da: {  	s17 =	simm.s32 $0x18C60;
	s7 =	simm.s32 $0x18D40;
	_ =	swait.ge [sflag:s25], $0xE00  }
0x2db: {  	s8 =	simm.s32 $0x18E20;
	s1 =	simm.s32 $0x18870;
	[sflag:s25] =	ssyncset.done $0x0  }
0x2dc: {  	s5 =	simm.s32 $0x18950;
	s9 =	simm.s32 $0x18A30;
	[sflag:s25] =	ssyncadd.s32 $0xFFFFF200  }
0x2dd: {  	s29 =	simm.s32 $0x1AB00;
	s6 =	simm.s32 $0x18B10;
	_ =	swait.ge [sflag:s25], $0xE00  }
0x2de: {  	s31 =	simm.s32 $0x1B900;
	s19 =	simm.s32 $0x18BF0;
	[sflag:s25] =	ssyncset.done $0x0  }
0x2df: {  	s11 =	simm.s32 $0x1D500;
	s4 =	simm.s32 $0x0;
	[sflag:s25] =	ssyncadd.s32 $0xFFFFF200  }
0x2e0: {  	s21 =	simm.s32 $0x3;
	s13 =	simm.s32 $0x1E300;
	_ =	strace $0x9000004D  }
0x2e1: {  	s22 =	simm.s32 $0x1C700;
	s26 =	simm.s32 $0x19D00;
	[bflag:$0x0] =	sbarrier.arrive $0xFFFF  }
0x2e2: {  	s15 =	simm.s32 $0x1F100;
	s20 =	simm.s32 $0x18F00;
	_ =	strace $0x8000004E  }
.LBB2_12:
0x2e3: {  	s2 =	sld [smem:$0x7FC]  }
0x2e4: {  	s0 =	smul.u32 $0x1C0, s28;
	_ =	sdelay $0x1  }
0x2e5: {  	s2 =	sadd.s32 s2, s0  }
0x2e6: {  	s0 =	sshll.u32 s2, $0x5  }
0x2e7: {  	s30 =	simm.s32 $0x18F00;
	s12 =	sadd.s32 s0, s3  }
0x2e8: {  	[tilespmem:s30], [sflag:$0x3] =	stream.linear.gather [spmem:s12], $0x3800, $0x200038;
	[tilespmem:$0x1FF00] =	vst v63  }
0x2e9: {  	_ =	swait.ge [sflag:s21], $0x3800  }
0x2ea: {  	s2 =	sshll.u32 s2, $0x2;
	[sflag:s21] =	ssyncset.done $0x0;
	s12 =	rddreg [dreg:$0x6]  }
0x2eb: {  	[sflag:s21] =	ssyncadd.s32 $0xFFFFC800;
	s2 =	sadd.s32 s12, s2  }
0x2ec: {  	[tilespmem:s22], [sflag:$0x3] =	stream.linear.gather [hbm4b:s2+s4], $0x3800, $0x200038;
	[tilespmem:$0x1FF00] =	vst v63  }
0x2ed: {  	_ =	swait.ge [sflag:s21], $0x3800  }
0x2ee: {  	[sflag:s21] =	ssyncset.done $0x0  }
0x2ef: {  	[sflag:s21] =	ssyncadd.s32 $0xFFFFC800  }
0x2f0: {  	v1 =	vld [tilespmem:s30+$0xF0]  }
0x2f1: {  	v2 =	vld [tilespmem:s30+$0x38F0]  }
0x2f2: {  	v0 =	vld [tilespmem:s30+$0x3800]  }
0x2f3: {  	v3 =	vld [tilespmem:s30+$0x10]  }
0x2f4: {  	v4 =	vld [tilespmem:s30+$0x3810]  }
0x2f5: {  	v5 =	vld [tilespmem:s30+$0x20]  }
0x2f6: {  	v6 =	vld [tilespmem:s30+$0x3820]  }
0x2f7: {  	v7 =	vld [tilespmem:s30+$0x30]  }
0x2f8: {  	v8 =	vld [tilespmem:s30+$0x3830]  }
0x2f9: {  	v9 =	vld [tilespmem:s30+$0x40]  }
0x2fa: {  	v10 =	vld [tilespmem:s30+$0x3840]  }
0x2fb: {  	v11 =	vld [tilespmem:s30+$0x50]  }
0x2fc: {  	v12 =	vld [tilespmem:s30+$0x3850]  }
0x2fd: {  	v13 =	vld [tilespmem:s30+$0x60]  }
0x2fe: {  	v14 =	vld [tilespmem:s30+$0x3860]  }
0x2ff: {  	v15 =	vld [tilespmem:s30+$0x70]  }
0x300: {  	v16 =	vld [tilespmem:s30+$0x3870]  }
0x301: {  	v17 =	vld [tilespmem:s30+$0x80]  }
0x302: {  	v61 =	vld [tilespmem:s30+$0x38B0];
	v1 =	vmul.f32 v2, v1  }
0x303: {  	v2 =	vld [tilespmem:s30+$0x3880];
	v3 =	vmul.f32 v4, v3  }
0x304: {  	v4 =	vld [tilespmem:s30+$0x90];
	[tilespmem:s30+$0xF0] =	vst v1;
	v1 =	vmul.f32 v6, v5  }
0x305: {  	v5 =	vld [tilespmem:s30+$0x3890];
	[tilespmem:s30+$0x10] =	vst v3;
	v3 =	vmul.f32 v8, v7  }
0x306: {  	v6 =	vld [tilespmem:s30+$0xA0];
	[tilespmem:s30+$0x20] =	vst v1;
	v1 =	vmul.f32 v10, v9  }
0x307: {  	v7 =	vld [tilespmem:s30+$0x38A0];
	[tilespmem:s30+$0x30] =	vst v3;
	v3 =	vmul.f32 v12, v11  }
0x308: {  	v8 =	vld [tilespmem:s30+$0xB0];
	v2 =	vmul.f32 v2, v17;
	[tilespmem:s30+$0x40] =	vst v1  }
0x309: {  	v62 =	vld [tilespmem:s30+$0xC0];
	v1 =	vmul.f32 v14, v13;
	[tilespmem:s30+$0x50] =	vst v3  }
0x30a: {  	v63 =	vld [tilespmem:s30+$0x38C0];
	v3 =	vmul.f32 v16, v15;
	[tilespmem:s30+$0x80] =	vst v2  }
0x30b: {  	v4 =	vmul.f32 v5, v4;
	[tilespmem:s30+$0x60] =	vst v1;
	v1 =	vld [tilespmem:s30+$0xD0]  }
0x30c: {  	v5 =	vmul.f32 v7, v6;
	[tilespmem:s30+$0x70] =	vst v3;
	v3 =	vld [tilespmem:s30+$0x38D0]  }
0x30d: {  	v6 =	vmul.f32 v61, v8;
	v2 =	vld [tilespmem:s30+$0xE0];
	[tilespmem:s30+$0x90] =	vst v4  }
0x30e: {  	[tilespmem:s30+$0xA0] =	vst v5;
	v5 =	vld [tilespmem:s30+$0x38E0]  }
0x30f: {  	s12 =	simm.s32 $0x19000;
	s2 =	simm.s32 $0x0;
	v4 =	vld [tilespmem:s30+$0x0];
	[tilespmem:s30+$0xB0] =	vst v6;
	v6 =	vmul.f32 v63, v62  }
.LBB2_13:
0x310: {  	v7 =	vld [tilespmem:s12+$0xF0]  }
0x311: {  	s2 =	sadd.s32 $0x8, s2;
	v8 =	vld [tilespmem:s12+$0x38F0];
	[tilespmem:s30+$0xC0] =	vst v6;
	v1 =	vmul.f32 v3, v1  }
0x312: {  	p0 =	slt.u32 s2, $0x1B8;
	v3 =	vld [tilespmem:s12+$0x3800]  }
0x313: {  	v6 =	vld [tilespmem:s12+$0x10];
	[tilespmem:s30+$0xD0] =	vst v1;
	v1 =	vmul.f32 v5, v2  }
0x314: {  	v2 =	vld [tilespmem:s12+$0x3810];
	v9 =	vmul.f32 v0, v4  }
0x315: {  	v4 =	vld [tilespmem:s12+$0x20];
	[tilespmem:s30+$0xE0] =	vst v1  }
0x316: {  	v1 =	vld [tilespmem:s12+$0x3820];
	v5 =	vmul.f32 v8, v7;
	[tilespmem:s30+$0x0] =	vst v9;
	s30 =	smov.u32 s12  }
0x317: {  	v7 =	vld [tilespmem:s12+$0x30];
	v0 =	vmov v3  }
0x318: {  	v3 =	vld [tilespmem:s12+$0x3830];
	[tilespmem:s12+$0xF0] =	vst v5  }
0x319: {  	v2 =	vmul.f32 v2, v6;
	v5 =	vld [tilespmem:s12+$0x40]  }
0x31a: {  	v6 =	vld [tilespmem:s12+$0x3840]  }
0x31b: {  	[tilespmem:s12+$0x10] =	vst v2;
	v1 =	vmul.f32 v1, v4;
	v2 =	vld [tilespmem:s12+$0x50]  }
0x31c: {  	v4 =	vld [tilespmem:s12+$0x3850]  }
0x31d: {  	[tilespmem:s12+$0x20] =	vst v1;
	v1 =	vmul.f32 v3, v7;
	v3 =	vld [tilespmem:s12+$0x60]  }
0x31e: {  	v7 =	vld [tilespmem:s12+$0x3860]  }
0x31f: {  	[tilespmem:s12+$0x30] =	vst v1;
	v1 =	vmul.f32 v6, v5;
	v5 =	vld [tilespmem:s12+$0x70]  }
0x320: {  	v6 =	vld [tilespmem:s12+$0x3870]  }
0x321: {  	[tilespmem:s12+$0x40] =	vst v1;
	v1 =	vmul.f32 v4, v2;
	v2 =	vld [tilespmem:s12+$0x80]  }
0x322: {  	v4 =	vld [tilespmem:s12+$0x3880]  }
0x323: {  	[tilespmem:s12+$0x50] =	vst v1;
	v1 =	vmul.f32 v7, v3;
	v3 =	vld [tilespmem:s12+$0x90]  }
0x324: {  	v7 =	vld [tilespmem:s12+$0x3890]  }
0x325: {  	[tilespmem:s12+$0x60] =	vst v1;
	v1 =	vmul.f32 v6, v5;
	v5 =	vld [tilespmem:s12+$0xA0]  }
0x326: {  	v6 =	vld [tilespmem:s12+$0x38A0]  }
0x327: {  	[tilespmem:s12+$0x70] =	vst v1;
	v1 =	vmul.f32 v4, v2;
	v2 =	vld [tilespmem:s12+$0xB0]  }
0x328: {  	v4 =	vld [tilespmem:s12+$0x38B0]  }
0x329: {  	[tilespmem:s12+$0x80] =	vst v1;
	v1 =	vmul.f32 v7, v3;
	v7 =	vld [tilespmem:s12+$0xC0]  }
0x32a: {  	v8 =	vld [tilespmem:s12+$0x38C0]  }
.Ltmp5:
0x32b: {  	[tilespmem:s12+$0x90] =	vst v1;
	v5 =	vmul.f32 v6, v5;
	v1 =	vld [tilespmem:s12+$0xD0];
	(pc) =	sbr.rel @p0 .LBB2_13-.Ltmp5, $4  }
0x32c: {  	v3 =	vld [tilespmem:s12+$0x38D0]  }
0x32d: {  	[tilespmem:s12+$0xA0] =	vst v5;
	v6 =	vmul.f32 v4, v2;
	v2 =	vld [tilespmem:s12+$0xE0]  }
0x32e: {  	v5 =	vld [tilespmem:s12+$0x38E0]  }
0x32f: {  	s12 =	sadd.s32 $0x100, s12;
	v4 =	vld [tilespmem:s30+$0x0];
	[tilespmem:s30+$0xB0] =	vst v6;
	v6 =	vmul.f32 v8, v7  }
0x330: {  	_ =	sdelay $0x1  }
0x331: {  	v1 =	vmul.f32 v3, v1  }
0x332: {  	[tilespmem:s30+$0xC0] =	vst v6;
	v2 =	vmul.f32 v5, v2  }
0x333: {  	[tilespmem:s30+$0xD0] =	vst v1;
	v0 =	vmul.f32 v0, v4  }
0x334: {  	s2 =	rddreg [dreg:$0x5];
	[tilespmem:s30+$0xE0] =	vst v2  }
0x335: {  	s28 =	sadd.s32 $0x1, s28;
	s0 =	sadd.s32 s2, s0;
	[tilespmem:s30+$0x0] =	vst v0  }
0x336: {  	p0 =	sne.s32 s28, $0x7;
	s0 =	sshrl.u32 s0, $0x3;
	s30 =	rddreg [dreg:$0x7]  }
.Ltmp6:
0x337: {  	s0 =	sadd.s32 s30, s0;
	(pc) =	sbr.rel @p0 .LBB2_12-.Ltmp6, $4  }
0x338: {  	[hbm4b:s0+s4] =	stream.linear.scatter [tilespmem:s20], [sflag:$0x3], $0x3800, $0x200038;
	[tilespmem:$0x1FF00] =	vst v63  }
0x339: {  	_ =	swait.ge [sflag:s21], $0x3800  }
0x33a: {  	[sflag:s21] =	ssyncset.done $0x0  }
0x33b: {  	[sflag:s21] =	ssyncadd.s32 $0xFFFFC800  }
0x33c: {  	s2 =	sld [smem:$0x7FD];
	_ =	sdelay $0x2  }
0x33d: {  	s0 =	rddreg [dreg:$0x9];
	s2 =	sadd.s32 $0x1, s2  }
0x33e: {  	p0 =	sne.s32 s2, s0  }
.Ltmp7:
0x33f: {  	_ = 	snop;
	(pc) =	sbr.rel @p0 .LBB2_1-.Ltmp7, $3  }
0x340: {  	_ =	sdelay $0x1  }
0x341: {  	s12 =	simm.s32 $0x18AA0;
	s28 =	smov.u32 s23;
	[smem:$0x7FD] =	sst s2  }
0x342: {  	s30 =	simm.s32 $0x18CD0;
	s2 =	simm.s32 $0x189C0;
	_ =	strace $0x9000004E  }
0x343: {  	_ =	sfence.sel $0x180000  }
0x344: {  	[bflag:$0x0] =	sbarrier.arrive $0xFFFF  }
0x345: {  	_ =	strace $0x9000004A  }
0x346: {  	s0 =	stileid.u32;
	[bflag:$0x2] =	sbarrier.arrive $0xFFFF  }
0x347: {  	p0 =	sne.s32 s0, $0x0;
	s0 =	rddreg [dreg:$0x3]  }
0x348: {  	s0 =	sadd.s32 @!p0 $0x100000, s0  }
0x349: {  	[sflag:s0] =	ssyncadd.tile.s32 @!p0 $0x1;
	_ =	shalt  }
.Lfunc_end2:
_tile_overlayer_lowered:
.L_overlay_start_2:
0x34a: {  	(tag) =	ssettag $0x2  }
0x34b: {  	s0 =	rddreg [dreg:$0x0];
	s2 =	stileid.u32  }
0x34c: {  	s1 =	rddreg [dreg:$0x1];
	p0 =	sne.s32 s2, $0x0  }
0x34d: {  	s3 =	rddreg [dreg:$0x2];
	[bflag:$0x3] =	sbarrier.arrive $0xFFFF;
	s2 =	simm.s32 @!p0 $0x1C03  }
0x34e: {  	[timem:s3], [sflag:s2] =	dma.local @!p0 [hbm:s0], s1  }
0x34f: {  	s0 =	simm.s32 @!p0 $0x3  }
0x350: {  	_ =	swait.ge @!p0 [sflag:s0], s1  }
0x351: {  	s1 =	ssub.s32 @!p0 $0x0, s1;
	[sflag:s0] =	ssyncset.done @!p0 $0x0  }
0x352: {  	[sflag:s0] =	ssyncadd.s32 @!p0 s1  }
0x353: {  	[bflag:$0x3] =	sbarrier.arrive $0xFFFF  }
0x354: {  	_ =	shalt  }

</sc_bundles>
